<compile_context>
chip_gen: v7x
topology: tpu7x:2x2x1
jax: 0.10.2.dev20260603
libtpu: 0.0.44.dev20260713+nightly
codegen_flags: <defaults>
</compile_context>

<pallas_src>
import functools

import jax
import jax.numpy as jnp
import numpy as np
from jax import lax
from jax.experimental import pallas as pl
from jax.experimental.pallas import tpu as pltpu
from jax.experimental.pallas import tpu_sc as plsc

B, L, F = 8, 512, 4
N_POI, E_POI = 100000, 128
EMBED, DMODEL = 128, 256
NHEAD, DFF = 8, 256
NTOK = B * L
P_PAD = 100352
P_ROWS = P_PAD // 128
Q_BLK = 512
T_BLK = 1024
DH = DMODEL // NHEAD



KNN_G = 32


def _knn_body(qx_ref, qy_ref, px_ref, py_ref, pidx_ref, out_ref):
    n_groups = Q_BLK // KNN_G
    nq = KNN_G // 8

    def group(g, carry):
        base = g * KNN_G
        qxs = [jnp.broadcast_to(qx_ref[pl.ds(base + 8 * qi, 8), :], (8, 128))
               for qi in range(nq)]
        qys = [jnp.broadcast_to(qy_ref[pl.ds(base + 8 * qi, 8), :], (8, 128))
               for qi in range(nq)]
        inf = jnp.full((8, 128), jnp.inf, jnp.float32)
        zero = jnp.zeros((8, 128), jnp.int32)

        def inner(j4, c):
            ds, js = c
            new_d = [list(row) for row in ds]
            new_j = [list(row) for row in js]
            for k in range(8):
                a = k % 2
                j = j4 * 8 + k
                px = px_ref[pl.ds(8 * j, 8), :]
                py = py_ref[pl.ds(8 * j, 8), :]
                pidx = pidx_ref[pl.ds(8 * j, 8), :]
                for qi in range(nq):
                    dx = px - qxs[qi]
                    dy = py - qys[qi]
                    d = dx * dx + dy * dy
                    upd = d < new_d[a][qi]
                    new_d[a][qi] = jnp.where(upd, d, new_d[a][qi])
                    new_j[a][qi] = jnp.where(upd, pidx, new_j[a][qi])
            return (tuple(tuple(r) for r in new_d),
                    tuple(tuple(r) for r in new_j))

        init_d = tuple(tuple(inf for _ in range(nq)) for _ in range(2))
        init_j = tuple(tuple(zero for _ in range(nq)) for _ in range(2))
        ds, js = lax.fori_loop(0, P_ROWS // 8, inner, (init_d, init_j))

        big = jnp.int32(2**31 - 1)
        for qi in range(nq):
            da, ja = ds[0][qi], js[0][qi]
            db, jb = ds[1][qi], js[1][qi]
            take_b = (db < da) | ((db == da) & (jb < ja))
            mind = jnp.where(take_b, db, da)
            minj = jnp.where(take_b, jb, ja)
            m = jnp.min(mind, axis=1, keepdims=True)
            idxg = jnp.min(jnp.where(mind == m, minj, big),
                           axis=1, keepdims=True)
            out_ref[pl.ds(base + 8 * qi, 8), :] = idxg
        return carry

    lax.fori_loop(0, n_groups, group, 0)


MAXC = 24


def _knn_win_body(qx_ref, qy_ref, px_ref, py_ref, pidx_ref, lo_ref,
                  out_ref, md_ref):
    n_groups = NTOK // KNN_G
    nq = KNN_G // 8

    def group(g, carry):
        base = g * KNN_G
        lo = lo_ref[g]
        qxs = [jnp.broadcast_to(qx_ref[pl.ds(base + 8 * qi, 8), :], (8, 128))
               for qi in range(nq)]
        qys = [jnp.broadcast_to(qy_ref[pl.ds(base + 8 * qi, 8), :], (8, 128))
               for qi in range(nq)]
        inf = jnp.full((8, 128), jnp.inf, jnp.float32)
        zero = jnp.zeros((8, 128), jnp.int32)
        ds = [[inf] * nq, [inf] * nq]
        js = [[zero] * nq, [zero] * nq]
        for t in range(MAXC):
            a = t % 2
            row = (lo + t) * 8
            px = px_ref[pl.ds(row, 8), :]
            py = py_ref[pl.ds(row, 8), :]
            pidx = pidx_ref[pl.ds(row, 8), :]
            for qi in range(nq):
                dx = px - qxs[qi]
                dy = py - qys[qi]
                d = dx * dx + dy * dy
                upd = d < ds[a][qi]
                ds[a][qi] = jnp.where(upd, d, ds[a][qi])
                js[a][qi] = jnp.where(upd, pidx, js[a][qi])

        big = jnp.int32(2**31 - 1)
        for qi in range(nq):
            da, ja = ds[0][qi], js[0][qi]
            db, jb = ds[1][qi], js[1][qi]
            take_b = (db < da) | ((db == da) & (jb < ja))
            mind = jnp.where(take_b, db, da)
            minj = jnp.where(take_b, jb, ja)
            m = jnp.min(mind, axis=1, keepdims=True)
            idxg = jnp.min(jnp.where(mind == m, minj, big),
                           axis=1, keepdims=True)
            out_ref[pl.ds(base + 8 * qi, 8), :] = idxg
            md_ref[pl.ds(base + 8 * qi, 8), :] = m
        return carry

    lax.fori_loop(0, n_groups, group, 0)


def _knn_win_call(qx_rep, qy_rep, px_rep, py_rep, pidx_rep, lo_c):
    return pl.pallas_call(
        _knn_win_body,
        in_specs=[
            pl.BlockSpec((NTOK, 1), lambda: (0, 0)),
            pl.BlockSpec((NTOK, 1), lambda: (0, 0)),
            pl.BlockSpec((P_ROWS * 8, 128), lambda: (0, 0)),
            pl.BlockSpec((P_ROWS * 8, 128), lambda: (0, 0)),
            pl.BlockSpec((P_ROWS * 8, 128), lambda: (0, 0)),
            pl.BlockSpec(memory_space=pltpu.SMEM),
        ],
        out_specs=[
            pl.BlockSpec((NTOK, 1), lambda: (0, 0)),
            pl.BlockSpec((NTOK, 1), lambda: (0, 0)),
        ],
        out_shape=[
            jax.ShapeDtypeStruct((NTOK, 1), jnp.int32),
            jax.ShapeDtypeStruct((NTOK, 1), jnp.float32),
        ],
    )(qx_rep, qy_rep, px_rep, py_rep, pidx_rep, lo_c)


def _knn_call(qx_rep, qy_rep, px_rep, py_rep, pidx_rep):
    grid = (NTOK // Q_BLK,)
    return pl.pallas_call(
        _knn_body,
        grid=grid,
        in_specs=[
            pl.BlockSpec((Q_BLK, 1), lambda i: (i, 0)),
            pl.BlockSpec((Q_BLK, 1), lambda i: (i, 0)),
            pl.BlockSpec((P_ROWS * 8, 128), lambda i: (0, 0)),
            pl.BlockSpec((P_ROWS * 8, 128), lambda i: (0, 0)),
            pl.BlockSpec((P_ROWS * 8, 128), lambda i: (0, 0)),
        ],
        out_specs=pl.BlockSpec((Q_BLK, 1), lambda i: (i, 0)),
        out_shape=jax.ShapeDtypeStruct((NTOK, 1), jnp.int32),
    )(qx_rep, qy_rep, px_rep, py_rep, pidx_rep)



_NC = 2
_NS = 16
_NW = _NC * _NS
_ROWS_PER_W = NTOK // _NW


@functools.cache
def _sc_gather_kernel():
    @functools.partial(
        pl.kernel,
        out_type=jax.ShapeDtypeStruct((NTOK, E_POI), jnp.float32),
        mesh=plsc.VectorSubcoreMesh(core_axis_name="c",
                                    subcore_axis_name="s"),
        scratch_types=[
            pltpu.VMEM((_ROWS_PER_W,), jnp.int32),
            pltpu.VMEM((_ROWS_PER_W, E_POI), jnp.float32),
            pltpu.SemaphoreType.DMA,
        ],
    )
    def gather(table_hbm, idx_hbm, out_hbm, idx_v, rows_v, sem):
        wid = lax.axis_index("s") * _NC + lax.axis_index("c")
        base = wid * _ROWS_PER_W
        pltpu.sync_copy(idx_hbm.at[pl.ds(base, _ROWS_PER_W)], idx_v)
        pltpu.async_copy(table_hbm.at[idx_v], rows_v, sem).wait()
        pltpu.sync_copy(rows_v, out_hbm.at[pl.ds(base, _ROWS_PER_W)])

    return gather


def _sc_gather(table, idx):
    return _sc_gather_kernel()(table, idx)



def _ln(x, g, b, eps=1e-5):
    m = jnp.mean(x, axis=-1, keepdims=True)
    v = jnp.mean((x - m) * (x - m), axis=-1, keepdims=True)
    return (x - m) / jnp.sqrt(v + eps) * g + b


def _leaky(x):
    return jnp.where(x >= 0, x, 0.01 * x)


def _dot(a, b):
    return jnp.dot(a, b, preferred_element_type=jnp.float32)


def _dense_body(q_ref, temp_ref, tok_ref, pos_ref, rows_ref,
                sp_W1, sp_b1, sp_W2, sp_b2,
                f_om, f_bi, tm_W, tm_b,
                poi_ln_g, poi_ln_b, poi_W, poi_b,
                tok_table, tok_ln_g, tok_ln_b, tok_W, tok_b,
                attn_Wqkv, attn_bqkv, attn_Wo, attn_bo,
                ln1_g, ln1_b, ff_W1, ff_b1, ff_W2, ff_b2, ln2_g, ln2_b,
                div_ref, hs_ref, hst_ref, ee_ref, eo_ref,
                out_ref):
    table2 = _dot(_ln(tok_table[...], tok_ln_g[...], tok_ln_b[...]),
                  tok_W[...]) + tok_b[...]
    tok = tok_ref[...]
    i6 = lax.broadcasted_iota(jnp.int32, (T_BLK, 6), 1)
    oh0 = (tok[:, 0:1] == i6).astype(jnp.float32)
    oh1 = (tok[:, 1:2] == i6).astype(jnp.float32)
    tok_e0 = _dot(oh0, table2)
    tok_e1 = _dot(oh1, table2)

    qx = q_ref[:, 0:1]
    qy = q_ref[:, 1:2]
    h1 = qx * sp_W1[0:1, :] + qy * sp_W1[1:2, :] + sp_b1[...]
    spatial_e = _dot(_leaky(h1), sp_W2[...]) + sp_b2[...] + tok_e0

    t0 = temp_ref[:, 0:1]
    t1 = temp_ref[:, 1:2]
    tts = [jnp.mod(t0, 7 * 24 * 60 * 60.0) / (24 * 60 * 60.0),
           jnp.mod(t0, 24 * 60 * 60.0) / (60 * 60.0),
           jnp.mod(t0, 60 * 60.0) / 60.0,
           t1 / 60.0]
    temporal_e = tm_b[...] + tok_e1
    for i in range(4):
        te = jnp.cos(tts[i] * f_om[i:i + 1, :] + f_bi[i:i + 1, :])
        temporal_e = temporal_e + _dot(
            _leaky(te), tm_W[pl.ds(i * EMBED, EMBED), :])

    poi_e = _dot(_ln(rows_ref[...], poi_ln_g[...], poi_ln_b[...]),
                 poi_W[...]) + poi_b[...] + tok_e0

    xs = (spatial_e, temporal_e, poi_e)
    hs = hs_ref[...]
    hst = hst_ref[...]
    qkv = [_dot(x, attn_Wqkv[...]) + attn_bqkv[...] for x in xs]
    Q = [z[:, 0:DMODEL] for z in qkv]
    K = [z[:, DMODEL:2 * DMODEL] for z in qkv]
    V = [z[:, 2 * DMODEL:] for z in qkv]
    scale = 1.0 / np.sqrt(DH).astype(np.float32)
    outs = []
    for i in range(3):
        s = [_dot(Q[i] * K[j], hs) * scale for j in range(3)]
        m = jnp.maximum(jnp.maximum(s[0], s[1]), s[2])
        e = [jnp.exp(sj - m) for sj in s]
        z = e[0] + e[1] + e[2]
        o = jnp.zeros((T_BLK, DMODEL), jnp.float32)
        for j in range(3):
            o = o + _dot(e[j] / z, hst) * V[j]
        outs.append(_dot(o, attn_Wo[...]) + attn_bo[...])

    acc = jnp.zeros((T_BLK, DMODEL), jnp.float32)
    for i in range(3):
        h = _ln(xs[i] + outs[i], ln1_g[...], ln1_b[...])
        ff = _dot(jnp.maximum(_dot(h, ff_W1[...]) + ff_b1[...], 0.0),
                  ff_W2[...]) + ff_b2[...]
        acc = acc + _ln(h + ff, ln2_g[...], ln2_b[...])
    modal_h = acc / 3.0

    div = div_ref[...]
    a0 = pos_ref[:, 0:1] * div
    a1 = pos_ref[:, 1:2] * div
    s_tot = jnp.sin(a0) + jnp.sin(a1)
    c_tot = jnp.cos(a0) + jnp.cos(a1)
    pe = _dot(s_tot, ee_ref[...]) + _dot(c_tot, eo_ref[...])
    out_ref[...] = modal_h + pe


def _dense_call(q, temp, tok, posf, rows, w):
    grid = (NTOK // T_BLK,)

    def row_spec(cols):
        return pl.BlockSpec((T_BLK, cols), lambda i: (i, 0))

    def full_spec(shape):
        return pl.BlockSpec(shape, lambda i: tuple(0 for _ in shape))

    in_specs = [row_spec(2), row_spec(2), row_spec(2), row_spec(2),
                row_spec(E_POI)]
    in_specs += [full_spec(x.shape) for x in w]
    return pl.pallas_call(
        _dense_body,
        grid=grid,
        in_specs=in_specs,
        out_specs=pl.BlockSpec((T_BLK, DMODEL), lambda i: (i, 0)),
        out_shape=jax.ShapeDtypeStruct((NTOK, DMODEL), jnp.float32),
    )(q, temp, tok, posf, rows, *w)



def kernel(input_seq, positions, sp_W1, sp_b1, sp_W2, sp_b2, fourier_omega,
           fourier_bias, tm_W, tm_b, poi_embed_mat, poi_coors, poi_ln_g,
           poi_ln_b, poi_W, poi_b, tok_table, tok_ln_g, tok_ln_b, tok_W,
           tok_b, attn_Wqkv, attn_bqkv, attn_Wo, attn_bo, ln1_g, ln1_b,
           ff_W1, ff_b1, ff_W2, ff_b2, ln2_g, ln2_b):
    f32 = jnp.float32
    spatial = input_seq[:, :, 0:2, 0].reshape(NTOK, 2)

    pad = jnp.full((P_PAD - N_POI, 2), 1e9, f32)
    pcp = jnp.concatenate([poi_coors, pad], axis=0)
    NBKT = 16384.0
    bkt = jnp.clip(pcp[:, 0] * NBKT, 0, NBKT - 1).astype(jnp.int32)
    keys = (bkt << 17) | jnp.arange(P_PAD, dtype=jnp.int32)
    skeys = lax.sort(keys)
    pids = skeys & 0x1FFFF
    psb = skeys >> 17
    psx = pcp[pids, 0]
    psy = pcp[pids, 1]

    def rep8(a):
        a = a.reshape(P_ROWS, 1, 128)
        return jnp.broadcast_to(a, (P_ROWS, 8, 128)).reshape(P_ROWS * 8, 128)

    px_rep = rep8(psx)
    py_rep = rep8(psy)
    pidx_rep = rep8(pids)

    qkeys = jnp.clip(spatial[:, 0] * NBKT, 0, NBKT - 1).astype(jnp.int32)
    qkeys = (qkeys << 12) | jnp.arange(NTOK, dtype=jnp.int32)
    qord = lax.sort(qkeys) & 0xFFF
    qxs = spatial[qord, 0]
    qys = spatial[qord, 1]
    qx_col = qxs[:, None]
    qy_col = qys[:, None]

    R_WIN = 0.008
    gmin = qxs.reshape(-1, KNN_G).min(axis=1)
    gmin_key = jnp.clip((gmin - R_WIN) * NBKT, 0, NBKT - 1)
    gmin_key = gmin_key.astype(jnp.int32) << 17
    lo = jnp.searchsorted(skeys, gmin_key).astype(jnp.int32)
    lo_c = jnp.clip(lo // 128, 0, P_ROWS - MAXC)
    lo_row = lo_c * 128
    hi_row = lo_row + MAXC * 128
    bel = jnp.where(
        lo_row > 0,
        (psb[jnp.maximum(lo_row - 1, 0)] + 1).astype(f32) * (1.0 / NBKT),
        -1e9)
    abv = jnp.where(
        hi_row >= P_PAD, 1e9,
        psb[jnp.minimum(hi_row, P_PAD - 1)].astype(f32) * (1.0 / NBKT))

    idx_s, md = _knn_win_call(qx_col, qy_col, px_rep, py_rep, pidx_rep, lo_c)
    idx_s, md = idx_s[:, 0], md[:, 0]

    bel_q = jnp.repeat(bel, KNN_G)
    abv_q = jnp.repeat(abv, KNN_G)
    ok = jnp.all(((qxs - bel_q) ** 2 > md) & ((abv_q - qxs) ** 2 > md)
                 & (qxs <= abv_q))
    idx_s = lax.cond(
        ok,
        lambda: idx_s,
        lambda: _knn_call(qx_col, qy_col, px_rep, py_rep, pidx_rep)[:, 0])

    idx = jnp.zeros((NTOK,), jnp.int32).at[qord].set(idx_s)
    rows = _sc_gather(poi_embed_mat, idx)

    temporal = input_seq[:, :, 2:4, 0].reshape(NTOK, 2)
    token = input_seq[:, :, jnp.array([0, 2]), 1].astype(jnp.int32)
    token = token.reshape(NTOK, 2)
    posf = positions.astype(f32).reshape(NTOK, 2)

    half = DMODEL // 2
    div = jnp.exp(-np.log(10000.0) * (2.0 * jnp.arange(half)) / DMODEL)
    div = div.astype(f32).reshape(1, half)
    hs = (jnp.arange(DMODEL)[:, None] // DH
          == jnp.arange(NHEAD)[None, :]).astype(f32)
    hst = hs.T
    k_ar = jnp.arange(half)
    ee = jnp.zeros((half, DMODEL), f32).at[k_ar, 2 * k_ar].set(1.0)
    eo = jnp.zeros((half, DMODEL), f32).at[k_ar, 2 * k_ar + 1].set(1.0)

    w = (sp_W1, sp_b1.reshape(1, -1), sp_W2, sp_b2.reshape(1, -1),
         fourier_omega, fourier_bias, tm_W, tm_b.reshape(1, -1),
         poi_ln_g.reshape(1, -1), poi_ln_b.reshape(1, -1), poi_W,
         poi_b.reshape(1, -1), tok_table, tok_ln_g.reshape(1, -1),
         tok_ln_b.reshape(1, -1), tok_W, tok_b.reshape(1, -1),
         attn_Wqkv, attn_bqkv.reshape(1, -1), attn_Wo, attn_bo.reshape(1, -1),
         ln1_g.reshape(1, -1), ln1_b.reshape(1, -1), ff_W1,
         ff_b1.reshape(1, -1), ff_W2, ff_b2.reshape(1, -1),
         ln2_g.reshape(1, -1), ln2_b.reshape(1, -1),
         div, hs, hst, ee, eo)

    out = _dense_call(spatial, temporal, token, posf, rows, w)
    o = out.reshape(B, L, DMODEL)
    return (o, o)

# --- scband reference (transcript-rebuilt; emitter-appended) ---
"""Pipeline reference for scband-traj-fm-8194797601379 (READ-ONLY COPY).

The authoritative reference and input builder live on the scoring server;
editing this copy changes nothing except your own understanding.
"""

import jax, jax.numpy as jnp
import numpy as np

B, L, F = 8, 512, 4
N_POI, E_POI = 100000, 128
EMBED, DMODEL = 128, 256
NHEAD, DFF = 8, 256

def layer_norm(x, g, b, eps=1e-5):
    m = x.mean(-1, keepdims=True)
    v = x.var(-1, keepdims=True)
    return (x - m) / jnp.sqrt(v + eps) * g + b

def leaky_relu(x):
    return jnp.where(x >= 0, x, 0.01 * x)

def tokenize_timestamp(t):
    week = t[..., 0] % (7 * 24 * 60 * 60) / (24 * 60 * 60)
    hour = t[..., 0] % (24 * 60 * 60) / (60 * 60)
    minute = t[..., 0] % (60 * 60) / 60
    d_minute = t[..., 1] / 60
    return jnp.stack([week, hour, minute, d_minute], -1)

def positional_encode(pos, d_model):
    half = d_model // 2
    div = jnp.exp(-np.log(10000.0) * (2.0 * jnp.arange(half)) / d_model)
    ang = pos[..., None].astype(jnp.float32) * div
    pe = jnp.stack([jnp.sin(ang), jnp.cos(ang)], axis=-1)
    return pe.reshape(pos.shape + (d_model,))

def nearest_poi(spatial, poi_coors, chunk=256):
    q = spatial.reshape(-1, 2)
    outs = []
    for i in range(0, q.shape[0], chunk):
        c = q[i:i + chunk]
        d = ((poi_coors[None, :, :] - c[:, None, :]) ** 2).sum(-1)
        outs.append(jnp.argmin(d, axis=-1))
    return jnp.concatenate(outs).reshape(spatial.shape[:-1])

def mha(x, Wqkv, bqkv, Wo, bo, nhead):
    N, S, D = x.shape
    qkv = x @ Wqkv + bqkv
    q, k, v = jnp.split(qkv, 3, axis=-1)
    dh = D // nhead
    q = q.reshape(N, S, nhead, dh).transpose(0, 2, 1, 3)
    k = k.reshape(N, S, nhead, dh).transpose(0, 2, 1, 3)
    v = v.reshape(N, S, nhead, dh).transpose(0, 2, 1, 3)
    att = jax.nn.softmax((q @ k.transpose(0, 1, 3, 2)) / jnp.sqrt(dh), axis=-1)
    o = (att @ v).transpose(0, 2, 1, 3).reshape(N, S, D)
    return o @ Wo + bo

def setup_inputs(seed: int = 0):
    key = jax.random.key(seed)
    ks = jax.random.split(key, 16)
    s = 0.05
    inp = {}
    inp['input_seq'] = jax.random.uniform(ks[0], (B, L, F, 2), dtype=jnp.float32)
    inp['positions'] = jax.random.randint(ks[1], (B, L, 2), 0, L).astype(jnp.int32)
    inp['sp_W1'] = jax.random.normal(ks[2], (2, EMBED), jnp.float32) * s
    inp['sp_b1'] = jnp.zeros((EMBED,), jnp.float32)
    inp['sp_W2'] = jax.random.normal(ks[3], (EMBED, DMODEL), jnp.float32) * s
    inp['sp_b2'] = jnp.zeros((DMODEL,), jnp.float32)
    inp['fourier_omega'] = jax.random.normal(ks[4], (4, EMBED), jnp.float32)
    inp['fourier_bias'] = jnp.zeros((4, EMBED), jnp.float32)
    inp['tm_W'] = jax.random.normal(ks[5], (4 * EMBED, DMODEL), jnp.float32) * s
    inp['tm_b'] = jnp.zeros((DMODEL,), jnp.float32)
    inp['poi_embed_mat'] = jax.random.normal(ks[6], (N_POI, E_POI), jnp.float32)
    inp['poi_coors'] = jax.random.uniform(ks[7], (N_POI, 2), dtype=jnp.float32)
    inp['poi_ln_g'] = jnp.ones((E_POI,), jnp.float32)
    inp['poi_ln_b'] = jnp.zeros((E_POI,), jnp.float32)
    inp['poi_W'] = jax.random.normal(ks[8], (E_POI, DMODEL), jnp.float32) * s
    inp['poi_b'] = jnp.zeros((DMODEL,), jnp.float32)
    tok = jax.random.normal(ks[9], (6, EMBED), jnp.float32)
    inp['tok_table'] = tok.at[5].set(0.0)
    inp['tok_ln_g'] = jnp.ones((EMBED,), jnp.float32)
    inp['tok_ln_b'] = jnp.zeros((EMBED,), jnp.float32)
    inp['tok_W'] = jax.random.normal(ks[10], (EMBED, DMODEL), jnp.float32) * s
    inp['tok_b'] = jnp.zeros((DMODEL,), jnp.float32)
    inp['attn_Wqkv'] = jax.random.normal(ks[11], (DMODEL, 3 * DMODEL), jnp.float32) * s
    inp['attn_bqkv'] = jnp.zeros((3 * DMODEL,), jnp.float32)
    inp['attn_Wo'] = jax.random.normal(ks[12], (DMODEL, DMODEL), jnp.float32) * s
    inp['attn_bo'] = jnp.zeros((DMODEL,), jnp.float32)
    inp['ln1_g'] = jnp.ones((DMODEL,), jnp.float32)
    inp['ln1_b'] = jnp.zeros((DMODEL,), jnp.float32)
    inp['ff_W1'] = jax.random.normal(ks[13], (DMODEL, DFF), jnp.float32) * s
    inp['ff_b1'] = jnp.zeros((DFF,), jnp.float32)
    inp['ff_W2'] = jax.random.normal(ks[14], (DFF, DMODEL), jnp.float32) * s
    inp['ff_b2'] = jnp.zeros((DMODEL,), jnp.float32)
    inp['ln2_g'] = jnp.ones((DMODEL,), jnp.float32)
    inp['ln2_b'] = jnp.zeros((DMODEL,), jnp.float32)
    return inp

def _forward(input_seq, positions, sp_W1, sp_b1, sp_W2, sp_b2, fourier_omega, fourier_bias, tm_W, tm_b, poi_embed_mat, poi_coors, poi_ln_g, poi_ln_b, poi_W, poi_b, tok_table, tok_ln_g, tok_ln_b, tok_W, tok_b, attn_Wqkv, attn_bqkv, attn_Wo, attn_bo, ln1_g, ln1_b, ff_W1, ff_b1, ff_W2, ff_b2, ln2_g, ln2_b):
    token = input_seq[:, :, jnp.array([0, 2]), 1].astype(jnp.int32)
    spatial = input_seq[:, :, 0:2, 0]
    temporal = input_seq[:, :, 2:4, 0]
    temporal_token = tokenize_timestamp(temporal)
    tok_e = tok_table[token]
    tok_e = layer_norm(tok_e, tok_ln_g, tok_ln_b) @ tok_W + tok_b
    spatial_e = leaky_relu(spatial @ sp_W1 + sp_b1) @ sp_W2 + sp_b2
    spatial_e = spatial_e + tok_e[:, :, 0]
    poi = nearest_poi(spatial, poi_coors)
    poi_e = layer_norm(poi_embed_mat[poi], poi_ln_g, poi_ln_b) @ poi_W + poi_b
    poi_e = poi_e + tok_e[:, :, 0]
    te = jnp.concatenate([jnp.cos(temporal_token[..., i][..., None] * fourier_omega[i] + fourier_bias[i]) for i in range(4)], axis=-1)
    temporal_e = leaky_relu(te) @ tm_W + tm_b
    temporal_e = temporal_e + tok_e[:, :, 1]
    modal_e = jnp.stack([spatial_e, temporal_e, poi_e], axis=2).reshape(B * L, 3, DMODEL)
    a = mha(modal_e, attn_Wqkv, attn_bqkv, attn_Wo, attn_bo, NHEAD)
    h = layer_norm(modal_e + a, ln1_g, ln1_b)
    ff = jax.nn.relu(h @ ff_W1 + ff_b1) @ ff_W2 + ff_b2
    h = layer_norm(h + ff, ln2_g, ln2_b)
    modal_h = h.reshape(B, L, 3, DMODEL).mean(axis=2)
    pos_enc = positional_encode(positions[..., 0], DMODEL) + positional_encode(positions[..., 1], DMODEL)
    modal_h = modal_h + pos_enc
    return modal_h

def reference(input_seq, positions, sp_W1, sp_b1, sp_W2, sp_b2, fourier_omega, fourier_bias, tm_W, tm_b, poi_embed_mat, poi_coors, poi_ln_g, poi_ln_b, poi_W, poi_b, tok_table, tok_ln_g, tok_ln_b, tok_W, tok_b, attn_Wqkv, attn_bqkv, attn_Wo, attn_bo, ln1_g, ln1_b, ff_W1, ff_b1, ff_W2, ff_b2, ln2_g, ln2_b):
    modal_h = _forward(input_seq, positions, sp_W1, sp_b1, sp_W2, sp_b2, fourier_omega, fourier_bias, tm_W, tm_b, poi_embed_mat, poi_coors, poi_ln_g, poi_ln_b, poi_W, poi_b, tok_table, tok_ln_g, tok_ln_b, tok_W, tok_b, attn_Wqkv, attn_bqkv, attn_Wo, attn_bo, ln1_g, ln1_b, ff_W1, ff_b1, ff_W2, ff_b2, ln2_g, ln2_b)
    return (modal_h, modal_h)

if __name__ == "__main__":
    import jax
    _d = setup_inputs()
    print(jax.jit(kernel)(*tuple(_d.values())))

</pallas_src>

<mosaic_0001>
#map = affine_map<(d0, d1) -> (0, 0)>
#map1 = affine_map<(d0, d1) -> (0)>
module attributes {stable_mosaic.version = 14 : i64} {
  func.func @gather(%arg0: i32, %arg1: i32, %arg2: memref<100000x128xf32, #tpu.memory_space<hbm>>, %arg3: memref<4096xi32, #tpu.memory_space<hbm>>, %arg4: memref<4096x128xf32, #tpu.memory_space<hbm>>, %arg5: memref<128xi32, #tpu.memory_space<vmem>>, %arg6: memref<128x128xf32, #tpu.memory_space<vmem>>, %arg7: memref<!tpu.dma_semaphore, #tpu.memory_space<semaphore_mem>>) attributes {dimension_semantics = [#tpu.dimension_semantics<core_parallel>, #tpu.dimension_semantics<subcore_parallel>], iteration_bounds = array<i64: 2, 16>, scalar_prefetch = 0 : i64, scratch_operands = 3 : i64, tpu.core_type = #tpu.core_type<sc_vector_subcore>, window_params = [{transform_indices = #map}, {transform_indices = #map1}, {transform_indices = #map}]} {
    %mul3A = arith.constant 2 : i32
    %mul3A_0 = arith.muli %arg1, %mul3A : i32
    %add3A = arith.addi %mul3A_0, %arg0 : i32
    %mul3A_1 = arith.constant 128 : i32
    %mul3A_2 = arith.muli %add3A, %mul3A_1 : i32
    "tpu.region"() ({
      %run_scoped3A = tpu.sem_alloc : memref<!tpu.dma_semaphore, #tpu.memory_space<semaphore_mem>>
      %dma_start3A_7 = tpu.memref_slice %arg3[%mul3A_2] : memref<4096xi32, #tpu.memory_space<hbm>> -> memref<128xi32, #tpu.memory_space<hbm>>
      %dma_start3A_8 = tpu.memref_slice %arg3[%mul3A_2] : memref<4096xi32, #tpu.memory_space<hbm>> -> memref<128xi32, #tpu.memory_space<hbm>>
      tpu.enqueue_dma source(%dma_start3A_8 : memref<128xi32, #tpu.memory_space<hbm>>) target(%arg5 : memref<128xi32, #tpu.memory_space<vmem>>) target_semaphore(%run_scoped3A : memref<!tpu.dma_semaphore, #tpu.memory_space<semaphore_mem>>)
      %dma_wait3A_9 = tpu.memref_slice %arg3[%mul3A_2] : memref<4096xi32, #tpu.memory_space<hbm>> -> memref<128xi32, #tpu.memory_space<hbm>>
      %dma_wait3A_10 = tpu.memref_slice %arg3[%mul3A_2] : memref<4096xi32, #tpu.memory_space<hbm>> -> memref<128xi32, #tpu.memory_space<hbm>>
      tpu.wait_dma2 semaphore(%run_scoped3A : memref<!tpu.dma_semaphore, #tpu.memory_space<semaphore_mem>>) src(%dma_wait3A_10 : memref<128xi32, #tpu.memory_space<hbm>>) dst(%arg5 : memref<128xi32, #tpu.memory_space<vmem>>)
      tpu.yield
    }) : () -> ()
    %dma_start3A = arith.constant 0 : i32
    %dma_start3A_3 = arith.constant 0 : i32
    %dma_start3A_4 = tpu.memref_slice %arg2[%dma_start3A, %dma_start3A_3] : memref<100000x128xf32, #tpu.memory_space<hbm>> -> memref<100000x128xf32, #tpu.memory_space<hbm>>
    tpu.enqueue_indirect_dma source(%dma_start3A_4 : memref<100000x128xf32, #tpu.memory_space<hbm>>) target(%arg6 : memref<128x128xf32, #tpu.memory_space<vmem>>) offsets(%arg5 : memref<128xi32, #tpu.memory_space<vmem>>) semaphore(%arg7 : memref<!tpu.dma_semaphore, #tpu.memory_space<semaphore_mem>>)
    %dma_wait3A = arith.constant 0 : i32
    %dma_wait3A_5 = arith.constant 0 : i32
    %dma_wait3A_6 = tpu.memref_slice %arg2[%dma_wait3A, %dma_wait3A_5] : memref<100000x128xf32, #tpu.memory_space<hbm>> -> memref<100000x128xf32, #tpu.memory_space<hbm>>
    tpu.wait_indirect_dma semaphore(%arg7 : memref<!tpu.dma_semaphore, #tpu.memory_space<semaphore_mem>>) src(%dma_wait3A_6 : memref<100000x128xf32, #tpu.memory_space<hbm>>) dst(%arg6 : memref<128x128xf32, #tpu.memory_space<vmem>>)
    "tpu.region"() ({
      %run_scoped3A = tpu.sem_alloc : memref<!tpu.dma_semaphore, #tpu.memory_space<semaphore_mem>>
      %dma_start3A_7 = arith.constant 0 : i32
      %dma_start3A_8 = tpu.memref_slice %arg4[%mul3A_2, %dma_start3A_7] : memref<4096x128xf32, #tpu.memory_space<hbm>> -> memref<128x128xf32, #tpu.memory_space<hbm>>
      %dma_start3A_9 = arith.constant 0 : i32
      %dma_start3A_10 = tpu.memref_slice %arg4[%mul3A_2, %dma_start3A_9] : memref<4096x128xf32, #tpu.memory_space<hbm>> -> memref<128x128xf32, #tpu.memory_space<hbm>>
      tpu.enqueue_dma source(%arg6 : memref<128x128xf32, #tpu.memory_space<vmem>>) target(%dma_start3A_10 : memref<128x128xf32, #tpu.memory_space<hbm>>) target_semaphore(%run_scoped3A : memref<!tpu.dma_semaphore, #tpu.memory_space<semaphore_mem>>)
      %dma_wait3A_11 = arith.constant 0 : i32
      %dma_wait3A_12 = tpu.memref_slice %arg4[%mul3A_2, %dma_wait3A_11] : memref<4096x128xf32, #tpu.memory_space<hbm>> -> memref<128x128xf32, #tpu.memory_space<hbm>>
      %dma_wait3A_13 = arith.constant 0 : i32
      %dma_wait3A_14 = tpu.memref_slice %arg4[%mul3A_2, %dma_wait3A_13] : memref<4096x128xf32, #tpu.memory_space<hbm>> -> memref<128x128xf32, #tpu.memory_space<hbm>>
      tpu.wait_dma2 semaphore(%run_scoped3A : memref<!tpu.dma_semaphore, #tpu.memory_space<semaphore_mem>>) src(%arg6 : memref<128x128xf32, #tpu.memory_space<vmem>>) dst(%dma_wait3A_14 : memref<128x128xf32, #tpu.memory_space<hbm>>)
      tpu.yield
    }) : () -> ()
    return
  }
}

module attributes {stable_mosaic.version = 14 : i64} {
  func.func @_knn_win_body(%arg0: memref<4096x1xf32, #tpu.memory_space<vmem>>, %arg1: memref<4096x1xf32, #tpu.memory_space<vmem>>, %arg2: memref<6272x128xf32, #tpu.memory_space<vmem>>, %arg3: memref<6272x128xf32, #tpu.memory_space<vmem>>, %arg4: memref<6272x128xi32, #tpu.memory_space<vmem>>, %arg5: memref<128xi32, #tpu.memory_space<smem>>, %arg6: memref<4096x1xi32, #tpu.memory_space<vmem>>, %arg7: memref<4096x1xf32, #tpu.memory_space<vmem>>) attributes {dimension_semantics = [], scalar_prefetch = 0 : i64, scratch_operands = 0 : i64, tpu.core_type = #tpu.core_type<tc>} {
    %scan3A = arith.constant 0 : i32
    %scan3A_0 = arith.constant 128 : i32
    %scan3A_1 = arith.addi %scan3A, %scan3A_0 : i32
    %scan3A_2 = arith.constant 1 : i32
    scf.for %scan3A_4 = %scan3A to %scan3A_1 step %scan3A_2  : i32 {
      %mul3A = arith.constant 32 : i32
      %mul3A_5 = arith.muli %scan3A_4, %mul3A : i32
      %get3A = arith.index_cast %scan3A_4 : i32 to index
      %get3A_6 = memref.load %arg5[%get3A] : memref<128xi32, #tpu.memory_space<smem>>
      %add3A = arith.constant 0 : i32
      %add3A_7 = arith.addi %mul3A_5, %add3A : i32
      %get3A_8 = arith.index_cast %add3A_7 : i32 to index
      %get3A_9 = arith.constant 0 : index
      %get3A_10 = vector.load %arg0[%get3A_8, %get3A_9] : memref<4096x1xf32, #tpu.memory_space<vmem>>, vector<8x1xf32>
      %broadcast_in_dim3A = vector.shape_cast %get3A_10 : vector<8x1xf32> to vector<8x1xf32>
      %broadcast_in_dim3A_11 = vector.broadcast %broadcast_in_dim3A : vector<8x1xf32> to vector<8x128xf32>
      %add3A_12 = arith.constant 8 : i32
      %add3A_13 = arith.addi %mul3A_5, %add3A_12 : i32
      %get3A_14 = arith.index_cast %add3A_13 : i32 to index
      %get3A_15 = arith.constant 0 : index
      %get3A_16 = vector.load %arg0[%get3A_14, %get3A_15] : memref<4096x1xf32, #tpu.memory_space<vmem>>, vector<8x1xf32>
      %broadcast_in_dim3A_17 = vector.shape_cast %get3A_16 : vector<8x1xf32> to vector<8x1xf32>
      %broadcast_in_dim3A_18 = vector.broadcast %broadcast_in_dim3A_17 : vector<8x1xf32> to vector<8x128xf32>
      %add3A_19 = arith.constant 16 : i32
      %add3A_20 = arith.addi %mul3A_5, %add3A_19 : i32
      %get3A_21 = arith.index_cast %add3A_20 : i32 to index
      %get3A_22 = arith.constant 0 : index
      %get3A_23 = vector.load %arg0[%get3A_21, %get3A_22] : memref<4096x1xf32, #tpu.memory_space<vmem>>, vector<8x1xf32>
      %broadcast_in_dim3A_24 = vector.shape_cast %get3A_23 : vector<8x1xf32> to vector<8x1xf32>
      %broadcast_in_dim3A_25 = vector.broadcast %broadcast_in_dim3A_24 : vector<8x1xf32> to vector<8x128xf32>
      %add3A_26 = arith.constant 24 : i32
      %add3A_27 = arith.addi %mul3A_5, %add3A_26 : i32
      %get3A_28 = arith.index_cast %add3A_27 : i32 to index
      %get3A_29 = arith.constant 0 : index
      %get3A_30 = vector.load %arg0[%get3A_28, %get3A_29] : memref<4096x1xf32, #tpu.memory_space<vmem>>, vector<8x1xf32>
      %broadcast_in_dim3A_31 = vector.shape_cast %get3A_30 : vector<8x1xf32> to vector<8x1xf32>
      %broadcast_in_dim3A_32 = vector.broadcast %broadcast_in_dim3A_31 : vector<8x1xf32> to vector<8x128xf32>
      %add3A_33 = arith.constant 0 : i32
      %add3A_34 = arith.addi %mul3A_5, %add3A_33 : i32
      %get3A_35 = arith.index_cast %add3A_34 : i32 to index
      %get3A_36 = arith.constant 0 : index
      %get3A_37 = vector.load %arg1[%get3A_35, %get3A_36] : memref<4096x1xf32, #tpu.memory_space<vmem>>, vector<8x1xf32>
      %broadcast_in_dim3A_38 = vector.shape_cast %get3A_37 : vector<8x1xf32> to vector<8x1xf32>
      %broadcast_in_dim3A_39 = vector.broadcast %broadcast_in_dim3A_38 : vector<8x1xf32> to vector<8x128xf32>
      %add3A_40 = arith.constant 8 : i32
      %add3A_41 = arith.addi %mul3A_5, %add3A_40 : i32
      %get3A_42 = arith.index_cast %add3A_41 : i32 to index
      %get3A_43 = arith.constant 0 : index
      %get3A_44 = vector.load %arg1[%get3A_42, %get3A_43] : memref<4096x1xf32, #tpu.memory_space<vmem>>, vector<8x1xf32>
      %broadcast_in_dim3A_45 = vector.shape_cast %get3A_44 : vector<8x1xf32> to vector<8x1xf32>
      %broadcast_in_dim3A_46 = vector.broadcast %broadcast_in_dim3A_45 : vector<8x1xf32> to vector<8x128xf32>
      %add3A_47 = arith.constant 16 : i32
      %add3A_48 = arith.addi %mul3A_5, %add3A_47 : i32
      %get3A_49 = arith.index_cast %add3A_48 : i32 to index
      %get3A_50 = arith.constant 0 : index
      %get3A_51 = vector.load %arg1[%get3A_49, %get3A_50] : memref<4096x1xf32, #tpu.memory_space<vmem>>, vector<8x1xf32>
      %broadcast_in_dim3A_52 = vector.shape_cast %get3A_51 : vector<8x1xf32> to vector<8x1xf32>
      %broadcast_in_dim3A_53 = vector.broadcast %broadcast_in_dim3A_52 : vector<8x1xf32> to vector<8x128xf32>
      %add3A_54 = arith.constant 24 : i32
      %add3A_55 = arith.addi %mul3A_5, %add3A_54 : i32
      %get3A_56 = arith.index_cast %add3A_55 : i32 to index
      %get3A_57 = arith.constant 0 : index
      %get3A_58 = vector.load %arg1[%get3A_56, %get3A_57] : memref<4096x1xf32, #tpu.memory_space<vmem>>, vector<8x1xf32>
      %broadcast_in_dim3A_59 = vector.shape_cast %get3A_58 : vector<8x1xf32> to vector<8x1xf32>
      %broadcast_in_dim3A_60 = vector.broadcast %broadcast_in_dim3A_59 : vector<8x1xf32> to vector<8x128xf32>
      %broadcast_in_dim3A_61 = arith.constant 0x7F800000 : f32
      %broadcast_in_dim3A_62 = vector.broadcast %broadcast_in_dim3A_61 : f32 to vector<8x128xf32>
      %broadcast_in_dim3A_63 = arith.constant 0 : i32
      %broadcast_in_dim3A_64 = vector.broadcast %broadcast_in_dim3A_63 : i32 to vector<8x128xi32>
      %add3A_65 = arith.constant 0 : i32
      %add3A_66 = arith.addi %get3A_6, %add3A_65 : i32
      %mul3A_67 = arith.constant 8 : i32
      %mul3A_68 = arith.muli %add3A_66, %mul3A_67 : i32
      %get3A_69 = arith.index_cast %mul3A_68 : i32 to index
      %get3A_70 = arith.constant 0 : index
      %get3A_71 = vector.load %arg2[%get3A_69, %get3A_70] : memref<6272x128xf32, #tpu.memory_space<vmem>>, vector<8x128xf32>
      %get3A_72 = arith.index_cast %mul3A_68 : i32 to index
      %get3A_73 = arith.constant 0 : index
      %get3A_74 = vector.load %arg3[%get3A_72, %get3A_73] : memref<6272x128xf32, #tpu.memory_space<vmem>>, vector<8x128xf32>
      %get3A_75 = arith.index_cast %mul3A_68 : i32 to index
      %get3A_76 = arith.constant 0 : index
      %get3A_77 = vector.load %arg4[%get3A_75, %get3A_76] : memref<6272x128xi32, #tpu.memory_space<vmem>>, vector<8x128xi32>
      %sub3A = arith.subf %get3A_71, %broadcast_in_dim3A_11 : vector<8x128xf32>
      %sub3A_78 = arith.subf %get3A_74, %broadcast_in_dim3A_39 : vector<8x128xf32>
      %mul3A_79 = arith.mulf %sub3A, %sub3A : vector<8x128xf32>
      %mul3A_80 = arith.mulf %sub3A_78, %sub3A_78 : vector<8x128xf32>
      %add3A_81 = arith.addf %mul3A_79, %mul3A_80 : vector<8x128xf32>
      %lt3A = arith.cmpf olt, %add3A_81, %broadcast_in_dim3A_62 : vector<8x128xf32>
      %select_n3A = arith.select %lt3A, %add3A_81, %broadcast_in_dim3A_62 : vector<8x128xi1>, vector<8x128xf32>
      %select_n3A_82 = arith.select %lt3A, %get3A_77, %broadcast_in_dim3A_64 : vector<8x128xi1>, vector<8x128xi32>
      %sub3A_83 = arith.subf %get3A_71, %broadcast_in_dim3A_18 : vector<8x128xf32>
      %sub3A_84 = arith.subf %get3A_74, %broadcast_in_dim3A_46 : vector<8x128xf32>
      %mul3A_85 = arith.mulf %sub3A_83, %sub3A_83 : vector<8x128xf32>
      %mul3A_86 = arith.mulf %sub3A_84, %sub3A_84 : vector<8x128xf32>
      %add3A_87 = arith.addf %mul3A_85, %mul3A_86 : vector<8x128xf32>
      %lt3A_88 = arith.cmpf olt, %add3A_87, %broadcast_in_dim3A_62 : vector<8x128xf32>
      %select_n3A_89 = arith.select %lt3A_88, %add3A_87, %broadcast_in_dim3A_62 : vector<8x128xi1>, vector<8x128xf32>
      %select_n3A_90 = arith.select %lt3A_88, %get3A_77, %broadcast_in_dim3A_64 : vector<8x128xi1>, vector<8x128xi32>
      %sub3A_91 = arith.subf %get3A_71, %broadcast_in_dim3A_25 : vector<8x128xf32>
      %sub3A_92 = arith.subf %get3A_74, %broadcast_in_dim3A_53 : vector<8x128xf32>
      %mul3A_93 = arith.mulf %sub3A_91, %sub3A_91 : vector<8x128xf32>
      %mul3A_94 = arith.mulf %sub3A_92, %sub3A_92 : vector<8x128xf32>
      %add3A_95 = arith.addf %mul3A_93, %mul3A_94 : vector<8x128xf32>
      %lt3A_96 = arith.cmpf olt, %add3A_95, %broadcast_in_dim3A_62 : vector<8x128xf32>
      %select_n3A_97 = arith.select %lt3A_96, %add3A_95, %broadcast_in_dim3A_62 : vector<8x128xi1>, vector<8x128xf32>
      %select_n3A_98 = arith.select %lt3A_96, %get3A_77, %broadcast_in_dim3A_64 : vector<8x128xi1>, vector<8x128xi32>
      %sub3A_99 = arith.subf %get3A_71, %broadcast_in_dim3A_32 : vector<8x128xf32>
      %sub3A_100 = arith.subf %get3A_74, %broadcast_in_dim3A_60 : vector<8x128xf32>
      %mul3A_101 = arith.mulf %sub3A_99, %sub3A_99 : vector<8x128xf32>
      %mul3A_102 = arith.mulf %sub3A_100, %sub3A_100 : vector<8x128xf32>
      %add3A_103 = arith.addf %mul3A_101, %mul3A_102 : vector<8x128xf32>
      %lt3A_104 = arith.cmpf olt, %add3A_103, %broadcast_in_dim3A_62 : vector<8x128xf32>
      %select_n3A_105 = arith.select %lt3A_104, %add3A_103, %broadcast_in_dim3A_62 : vector<8x128xi1>, vector<8x128xf32>
      %select_n3A_106 = arith.select %lt3A_104, %get3A_77, %broadcast_in_dim3A_64 : vector<8x128xi1>, vector<8x128xi32>
      %add3A_107 = arith.constant 1 : i32
      %add3A_108 = arith.addi %get3A_6, %add3A_107 : i32
      %mul3A_109 = arith.constant 8 : i32
      %mul3A_110 = arith.muli %add3A_108, %mul3A_109 : i32
      %get3A_111 = arith.index_cast %mul3A_110 : i32 to index
      %get3A_112 = arith.constant 0 : index
      %get3A_113 = vector.load %arg2[%get3A_111, %get3A_112] : memref<6272x128xf32, #tpu.memory_space<vmem>>, vector<8x128xf32>
      %get3A_114 = arith.index_cast %mul3A_110 : i32 to index
      %get3A_115 = arith.constant 0 : index
      %get3A_116 = vector.load %arg3[%get3A_114, %get3A_115] : memref<6272x128xf32, #tpu.memory_space<vmem>>, vector<8x128xf32>
      %get3A_117 = arith.index_cast %mul3A_110 : i32 to index
      %get3A_118 = arith.constant 0 : index
      %get3A_119 = vector.load %arg4[%get3A_117, %get3A_118] : memref<6272x128xi32, #tpu.memory_space<vmem>>, vector<8x128xi32>
      %sub3A_120 = arith.subf %get3A_113, %broadcast_in_dim3A_11 : vector<8x128xf32>
      %sub3A_121 = arith.subf %get3A_116, %broadcast_in_dim3A_39 : vector<8x128xf32>
      %mul3A_122 = arith.mulf %sub3A_120, %sub3A_120 : vector<8x128xf32>
      %mul3A_123 = arith.mulf %sub3A_121, %sub3A_121 : vector<8x128xf32>
      %add3A_124 = arith.addf %mul3A_122, %mul3A_123 : vector<8x128xf32>
      %lt3A_125 = arith.cmpf olt, %add3A_124, %broadcast_in_dim3A_62 : vector<8x128xf32>
      %select_n3A_126 = arith.select %lt3A_125, %add3A_124, %broadcast_in_dim3A_62 : vector<8x128xi1>, vector<8x128xf32>
      %select_n3A_127 = arith.select %lt3A_125, %get3A_119, %broadcast_in_dim3A_64 : vector<8x128xi1>, vector<8x128xi32>
      %sub3A_128 = arith.subf %get3A_113, %broadcast_in_dim3A_18 : vector<8x128xf32>
      %sub3A_129 = arith.subf %get3A_116, %broadcast_in_dim3A_46 : vector<8x128xf32>
      %mul3A_130 = arith.mulf %sub3A_128, %sub3A_128 : vector<8x128xf32>
      %mul3A_131 = arith.mulf %sub3A_129, %sub3A_129 : vector<8x128xf32>
      %add3A_132 = arith.addf %mul3A_130, %mul3A_131 : vector<8x128xf32>
      %lt3A_133 = arith.cmpf olt, %add3A_132, %broadcast_in_dim3A_62 : vector<8x128xf32>
      %select_n3A_134 = arith.select %lt3A_133, %add3A_132, %broadcast_in_dim3A_62 : vector<8x128xi1>, vector<8x128xf32>
      %select_n3A_135 = arith.select %lt3A_133, %get3A_119, %broadcast_in_dim3A_64 : vector<8x128xi1>, vector<8x128xi32>
      %sub3A_136 = arith.subf %get3A_113, %broadcast_in_dim3A_25 : vector<8x128xf32>
      %sub3A_137 = arith.subf %get3A_116, %broadcast_in_dim3A_53 : vector<8x128xf32>
      %mul3A_138 = arith.mulf %sub3A_136, %sub3A_136 : vector<8x128xf32>
      %mul3A_139 = arith.mulf %sub3A_137, %sub3A_137 : vector<8x128xf32>
      %add3A_140 = arith.addf %mul3A_138, %mul3A_139 : vector<8x128xf32>
      %lt3A_141 = arith.cmpf olt, %add3A_140, %broadcast_in_dim3A_62 : vector<8x128xf32>
      %select_n3A_142 = arith.select %lt3A_141, %add3A_140, %broadcast_in_dim3A_62 : vector<8x128xi1>, vector<8x128xf32>
      %select_n3A_143 = arith.select %lt3A_141, %get3A_119, %broadcast_in_dim3A_64 : vector<8x128xi1>, vector<8x128xi32>
      %sub3A_144 = arith.subf %get3A_113, %broadcast_in_dim3A_32 : vector<8x128xf32>
      %sub3A_145 = arith.subf %get3A_116, %broadcast_in_dim3A_60 : vector<8x128xf32>
      %mul3A_146 = arith.mulf %sub3A_144, %sub3A_144 : vector<8x128xf32>
      %mul3A_147 = arith.mulf %sub3A_145, %sub3A_145 : vector<8x128xf32>
      %add3A_148 = arith.addf %mul3A_146, %mul3A_147 : vector<8x128xf32>
      %lt3A_149 = arith.cmpf olt, %add3A_148, %broadcast_in_dim3A_62 : vector<8x128xf32>
      %select_n3A_150 = arith.select %lt3A_149, %add3A_148, %broadcast_in_dim3A_62 : vector<8x128xi1>, vector<8x128xf32>
      %select_n3A_151 = arith.select %lt3A_149, %get3A_119, %broadcast_in_dim3A_64 : vector<8x128xi1>, vector<8x128xi32>
      %add3A_152 = arith.constant 2 : i32
      %add3A_153 = arith.addi %get3A_6, %add3A_152 : i32
      %mul3A_154 = arith.constant 8 : i32
      %mul3A_155 = arith.muli %add3A_153, %mul3A_154 : i32
      %get3A_156 = arith.index_cast %mul3A_155 : i32 to index
      %get3A_157 = arith.constant 0 : index
      %get3A_158 = vector.load %arg2[%get3A_156, %get3A_157] : memref<6272x128xf32, #tpu.memory_space<vmem>>, vector<8x128xf32>
      %get3A_159 = arith.index_cast %mul3A_155 : i32 to index
      %get3A_160 = arith.constant 0 : index
      %get3A_161 = vector.load %arg3[%get3A_159, %get3A_160] : memref<6272x128xf32, #tpu.memory_space<vmem>>, vector<8x128xf32>
      %get3A_162 = arith.index_cast %mul3A_155 : i32 to index
      %get3A_163 = arith.constant 0 : index
      %get3A_164 = vector.load %arg4[%get3A_162, %get3A_163] : memref<6272x128xi32, #tpu.memory_space<vmem>>, vector<8x128xi32>
      %sub3A_165 = arith.subf %get3A_158, %broadcast_in_dim3A_11 : vector<8x128xf32>
      %sub3A_166 = arith.subf %get3A_161, %broadcast_in_dim3A_39 : vector<8x128xf32>
      %mul3A_167 = arith.mulf %sub3A_165, %sub3A_165 : vector<8x128xf32>
      %mul3A_168 = arith.mulf %sub3A_166, %sub3A_166 : vector<8x128xf32>
      %add3A_169 = arith.addf %mul3A_167, %mul3A_168 : vector<8x128xf32>
      %lt3A_170 = arith.cmpf olt, %add3A_169, %select_n3A : vector<8x128xf32>
      %select_n3A_171 = arith.select %lt3A_170, %add3A_169, %select_n3A : vector<8x128xi1>, vector<8x128xf32>
      %select_n3A_172 = arith.select %lt3A_170, %get3A_164, %select_n3A_82 : vector<8x128xi1>, vector<8x128xi32>
      %sub3A_173 = arith.subf %get3A_158, %broadcast_in_dim3A_18 : vector<8x128xf32>
      %sub3A_174 = arith.subf %get3A_161, %broadcast_in_dim3A_46 : vector<8x128xf32>
      %mul3A_175 = arith.mulf %sub3A_173, %sub3A_173 : vector<8x128xf32>
      %mul3A_176 = arith.mulf %sub3A_174, %sub3A_174 : vector<8x128xf32>
      %add3A_177 = arith.addf %mul3A_175, %mul3A_176 : vector<8x128xf32>
      %lt3A_178 = arith.cmpf olt, %add3A_177, %select_n3A_89 : vector<8x128xf32>
      %select_n3A_179 = arith.select %lt3A_178, %add3A_177, %select_n3A_89 : vector<8x128xi1>, vector<8x128xf32>
      %select_n3A_180 = arith.select %lt3A_178, %get3A_164, %select_n3A_90 : vector<8x128xi1>, vector<8x128xi32>
      %sub3A_181 = arith.subf %get3A_158, %broadcast_in_dim3A_25 : vector<8x128xf32>
      %sub3A_182 = arith.subf %get3A_161, %broadcast_in_dim3A_53 : vector<8x128xf32>
      %mul3A_183 = arith.mulf %sub3A_181, %sub3A_181 : vector<8x128xf32>
      %mul3A_184 = arith.mulf %sub3A_182, %sub3A_182 : vector<8x128xf32>
      %add3A_185 = arith.addf %mul3A_183, %mul3A_184 : vector<8x128xf32>
      %lt3A_186 = arith.cmpf olt, %add3A_185, %select_n3A_97 : vector<8x128xf32>
      %select_n3A_187 = arith.select %lt3A_186, %add3A_185, %select_n3A_97 : vector<8x128xi1>, vector<8x128xf32>
      %select_n3A_188 = arith.select %lt3A_186, %get3A_164, %select_n3A_98 : vector<8x128xi1>, vector<8x128xi32>
      %sub3A_189 = arith.subf %get3A_158, %broadcast_in_dim3A_32 : vector<8x128xf32>
      %sub3A_190 = arith.subf %get3A_161, %broadcast_in_dim3A_60 : vector<8x128xf32>
      %mul3A_191 = arith.mulf %sub3A_189, %sub3A_189 : vector<8x128xf32>
      %mul3A_192 = arith.mulf %sub3A_190, %sub3A_190 : vector<8x128xf32>
      %add3A_193 = arith.addf %mul3A_191, %mul3A_192 : vector<8x128xf32>
      %lt3A_194 = arith.cmpf olt, %add3A_193, %select_n3A_105 : vector<8x128xf32>
      %select_n3A_195 = arith.select %lt3A_194, %add3A_193, %select_n3A_105 : vector<8x128xi1>, vector<8x128xf32>
      %select_n3A_196 = arith.select %lt3A_194, %get3A_164, %select_n3A_106 : vector<8x128xi1>, vector<8x128xi32>
      %add3A_197 = arith.constant 3 : i32
      %add3A_198 = arith.addi %get3A_6, %add3A_197 : i32
      %mul3A_199 = arith.constant 8 : i32
      %mul3A_200 = arith.muli %add3A_198, %mul3A_199 : i32
      %get3A_201 = arith.index_cast %mul3A_200 : i32 to index
      %get3A_202 = arith.constant 0 : index
      %get3A_203 = vector.load %arg2[%get3A_201, %get3A_202] : memref<6272x128xf32, #tpu.memory_space<vmem>>, vector<8x128xf32>
      %get3A_204 = arith.index_cast %mul3A_200 : i32 to index
      %get3A_205 = arith.constant 0 : index
      %get3A_206 = vector.load %arg3[%get3A_204, %get3A_205] : memref<6272x128xf32, #tpu.memory_space<vmem>>, vector<8x128xf32>
      %get3A_207 = arith.index_cast %mul3A_200 : i32 to index
      %get3A_208 = arith.constant 0 : index
      %get3A_209 = vector.load %arg4[%get3A_207, %get3A_208] : memref<6272x128xi32, #tpu.memory_space<vmem>>, vector<8x128xi32>
      %sub3A_210 = arith.subf %get3A_203, %broadcast_in_dim3A_11 : vector<8x128xf32>
      %sub3A_211 = arith.subf %get3A_206, %broadcast_in_dim3A_39 : vector<8x128xf32>
      %mul3A_212 = arith.mulf %sub3A_210, %sub3A_210 : vector<8x128xf32>
      %mul3A_213 = arith.mulf %sub3A_211, %sub3A_211 : vector<8x128xf32>
      %add3A_214 = arith.addf %mul3A_212, %mul3A_213 : vector<8x128xf32>
      %lt3A_215 = arith.cmpf olt, %add3A_214, %select_n3A_126 : vector<8x128xf32>
      %select_n3A_216 = arith.select %lt3A_215, %add3A_214, %select_n3A_126 : vector<8x128xi1>, vector<8x128xf32>
      %select_n3A_217 = arith.select %lt3A_215, %get3A_209, %select_n3A_127 : vector<8x128xi1>, vector<8x128xi32>
      %sub3A_218 = arith.subf %get3A_203, %broadcast_in_dim3A_18 : vector<8x128xf32>
      %sub3A_219 = arith.subf %get3A_206, %broadcast_in_dim3A_46 : vector<8x128xf32>
      %mul3A_220 = arith.mulf %sub3A_218, %sub3A_218 : vector<8x128xf32>
      %mul3A_221 = arith.mulf %sub3A_219, %sub3A_219 : vector<8x128xf32>
      %add3A_222 = arith.addf %mul3A_220, %mul3A_221 : vector<8x128xf32>
      %lt3A_223 = arith.cmpf olt, %add3A_222, %select_n3A_134 : vector<8x128xf32>
      %select_n3A_224 = arith.select %lt3A_223, %add3A_222, %select_n3A_134 : vector<8x128xi1>, vector<8x128xf32>
      %select_n3A_225 = arith.select %lt3A_223, %get3A_209, %select_n3A_135 : vector<8x128xi1>, vector<8x128xi32>
      %sub3A_226 = arith.subf %get3A_203, %broadcast_in_dim3A_25 : vector<8x128xf32>
      %sub3A_227 = arith.subf %get3A_206, %broadcast_in_dim3A_53 : vector<8x128xf32>
      %mul3A_228 = arith.mulf %sub3A_226, %sub3A_226 : vector<8x128xf32>
      %mul3A_229 = arith.mulf %sub3A_227, %sub3A_227 : vector<8x128xf32>
      %add3A_230 = arith.addf %mul3A_228, %mul3A_229 : vector<8x128xf32>
      %lt3A_231 = arith.cmpf olt, %add3A_230, %select_n3A_142 : vector<8x128xf32>
      %select_n3A_232 = arith.select %lt3A_231, %add3A_230, %select_n3A_142 : vector<8x128xi1>, vector<8x128xf32>
      %select_n3A_233 = arith.select %lt3A_231, %get3A_209, %select_n3A_143 : vector<8x128xi1>, vector<8x128xi32>
      %sub3A_234 = arith.subf %get3A_203, %broadcast_in_dim3A_32 : vector<8x128xf32>
      %sub3A_235 = arith.subf %get3A_206, %broadcast_in_dim3A_60 : vector<8x128xf32>
      %mul3A_236 = arith.mulf %sub3A_234, %sub3A_234 : vector<8x128xf32>
      %mul3A_237 = arith.mulf %sub3A_235, %sub3A_235 : vector<8x128xf32>
      %add3A_238 = arith.addf %mul3A_236, %mul3A_237 : vector<8x128xf32>
      %lt3A_239 = arith.cmpf olt, %add3A_238, %select_n3A_150 : vector<8x128xf32>
      %select_n3A_240 = arith.select %lt3A_239, %add3A_238, %select_n3A_150 : vector<8x128xi1>, vector<8x128xf32>
      %select_n3A_241 = arith.select %lt3A_239, %get3A_209, %select_n3A_151 : vector<8x128xi1>, vector<8x128xi32>
      %add3A_242 = arith.constant 4 : i32
      %add3A_243 = arith.addi %get3A_6, %add3A_242 : i32
      %mul3A_244 = arith.constant 8 : i32
      %mul3A_245 = arith.muli %add3A_243, %mul3A_244 : i32
      %get3A_246 = arith.index_cast %mul3A_245 : i32 to index
      %get3A_247 = arith.constant 0 : index
      %get3A_248 = vector.load %arg2[%get3A_246, %get3A_247] : memref<6272x128xf32, #tpu.memory_space<vmem>>, vector<8x128xf32>
      %get3A_249 = arith.index_cast %mul3A_245 : i32 to index
      %get3A_250 = arith.constant 0 : index
      %get3A_251 = vector.load %arg3[%get3A_249, %get3A_250] : memref<6272x128xf32, #tpu.memory_space<vmem>>, vector<8x128xf32>
      %get3A_252 = arith.index_cast %mul3A_245 : i32 to index
      %get3A_253 = arith.constant 0 : index
      %get3A_254 = vector.load %arg4[%get3A_252, %get3A_253] : memref<6272x128xi32, #tpu.memory_space<vmem>>, vector<8x128xi32>
      %sub3A_255 = arith.subf %get3A_248, %broadcast_in_dim3A_11 : vector<8x128xf32>
      %sub3A_256 = arith.subf %get3A_251, %broadcast_in_dim3A_39 : vector<8x128xf32>
      %mul3A_257 = arith.mulf %sub3A_255, %sub3A_255 : vector<8x128xf32>
      %mul3A_258 = arith.mulf %sub3A_256, %sub3A_256 : vector<8x128xf32>
      %add3A_259 = arith.addf %mul3A_257, %mul3A_258 : vector<8x128xf32>
      %lt3A_260 = arith.cmpf olt, %add3A_259, %select_n3A_171 : vector<8x128xf32>
      %select_n3A_261 = arith.select %lt3A_260, %add3A_259, %select_n3A_171 : vector<8x128xi1>, vector<8x128xf32>
      %select_n3A_262 = arith.select %lt3A_260, %get3A_254, %select_n3A_172 : vector<8x128xi1>, vector<8x128xi32>
      %sub3A_263 = arith.subf %get3A_248, %broadcast_in_dim3A_18 : vector<8x128xf32>
      %sub3A_264 = arith.subf %get3A_251, %broadcast_in_dim3A_46 : vector<8x128xf32>
      %mul3A_265 = arith.mulf %sub3A_263, %sub3A_263 : vector<8x128xf32>
      %mul3A_266 = arith.mulf %sub3A_264, %sub3A_264 : vector<8x128xf32>
      %add3A_267 = arith.addf %mul3A_265, %mul3A_266 : vector<8x128xf32>
      %lt3A_268 = arith.cmpf olt, %add3A_267, %select_n3A_179 : vector<8x128xf32>
      %select_n3A_269 = arith.select %lt3A_268, %add3A_267, %select_n3A_179 : vector<8x128xi1>, vector<8x128xf32>
      %select_n3A_270 = arith.select %lt3A_268, %get3A_254, %select_n3A_180 : vector<8x128xi1>, vector<8x128xi32>
      %sub3A_271 = arith.subf %get3A_248, %broadcast_in_dim3A_25 : vector<8x128xf32>
      %sub3A_272 = arith.subf %get3A_251, %broadcast_in_dim3A_53 : vector<8x128xf32>
      %mul3A_273 = arith.mulf %sub3A_271, %sub3A_271 : vector<8x128xf32>
      %mul3A_274 = arith.mulf %sub3A_272, %sub3A_272 : vector<8x128xf32>
      %add3A_275 = arith.addf %mul3A_273, %mul3A_274 : vector<8x128xf32>
      %lt3A_276 = arith.cmpf olt, %add3A_275, %select_n3A_187 : vector<8x128xf32>
      %select_n3A_277 = arith.select %lt3A_276, %add3A_275, %select_n3A_187 : vector<8x128xi1>, vector<8x128xf32>
      %select_n3A_278 = arith.select %lt3A_276, %get3A_254, %select_n3A_188 : vector<8x128xi1>, vector<8x128xi32>
      %sub3A_279 = arith.subf %get3A_248, %broadcast_in_dim3A_32 : vector<8x128xf32>
      %sub3A_280 = arith.subf %get3A_251, %broadcast_in_dim3A_60 : vector<8x128xf32>
      %mul3A_281 = arith.mulf %sub3A_279, %sub3A_279 : vector<8x128xf32>
      %mul3A_282 = arith.mulf %sub3A_280, %sub3A_280 : vector<8x128xf32>
      %add3A_283 = arith.addf %mul3A_281, %mul3A_282 : vector<8x128xf32>
      %lt3A_284 = arith.cmpf olt, %add3A_283, %select_n3A_195 : vector<8x128xf32>
      %select_n3A_285 = arith.select %lt3A_284, %add3A_283, %select_n3A_195 : vector<8x128xi1>, vector<8x128xf32>
      %select_n3A_286 = arith.select %lt3A_284, %get3A_254, %select_n3A_196 : vector<8x128xi1>, vector<8x128xi32>
      %add3A_287 = arith.constant 5 : i32
      %add3A_288 = arith.addi %get3A_6, %add3A_287 : i32
      %mul3A_289 = arith.constant 8 : i32
      %mul3A_290 = arith.muli %add3A_288, %mul3A_289 : i32
      %get3A_291 = arith.index_cast %mul3A_290 : i32 to index
      %get3A_292 = arith.constant 0 : index
      %get3A_293 = vector.load %arg2[%get3A_291, %get3A_292] : memref<6272x128xf32, #tpu.memory_space<vmem>>, vector<8x128xf32>
      %get3A_294 = arith.index_cast %mul3A_290 : i32 to index
      %get3A_295 = arith.constant 0 : index
      %get3A_296 = vector.load %arg3[%get3A_294, %get3A_295] : memref<6272x128xf32, #tpu.memory_space<vmem>>, vector<8x128xf32>
      %get3A_297 = arith.index_cast %mul3A_290 : i32 to index
      %get3A_298 = arith.constant 0 : index
      %get3A_299 = vector.load %arg4[%get3A_297, %get3A_298] : memref<6272x128xi32, #tpu.memory_space<vmem>>, vector<8x128xi32>
      %sub3A_300 = arith.subf %get3A_293, %broadcast_in_dim3A_11 : vector<8x128xf32>
      %sub3A_301 = arith.subf %get3A_296, %broadcast_in_dim3A_39 : vector<8x128xf32>
      %mul3A_302 = arith.mulf %sub3A_300, %sub3A_300 : vector<8x128xf32>
      %mul3A_303 = arith.mulf %sub3A_301, %sub3A_301 : vector<8x128xf32>
      %add3A_304 = arith.addf %mul3A_302, %mul3A_303 : vector<8x128xf32>
      %lt3A_305 = arith.cmpf olt, %add3A_304, %select_n3A_216 : vector<8x128xf32>
      %select_n3A_306 = arith.select %lt3A_305, %add3A_304, %select_n3A_216 : vector<8x128xi1>, vector<8x128xf32>
      %select_n3A_307 = arith.select %lt3A_305, %get3A_299, %select_n3A_217 : vector<8x128xi1>, vector<8x128xi32>
      %sub3A_308 = arith.subf %get3A_293, %broadcast_in_dim3A_18 : vector<8x128xf32>
      %sub3A_309 = arith.subf %get3A_296, %broadcast_in_dim3A_46 : vector<8x128xf32>
      %mul3A_310 = arith.mulf %sub3A_308, %sub3A_308 : vector<8x128xf32>
      %mul3A_311 = arith.mulf %sub3A_309, %sub3A_309 : vector<8x128xf32>
      %add3A_312 = arith.addf %mul3A_310, %mul3A_311 : vector<8x128xf32>
      %lt3A_313 = arith.cmpf olt, %add3A_312, %select_n3A_224 : vector<8x128xf32>
      %select_n3A_314 = arith.select %lt3A_313, %add3A_312, %select_n3A_224 : vector<8x128xi1>, vector<8x128xf32>
      %select_n3A_315 = arith.select %lt3A_313, %get3A_299, %select_n3A_225 : vector<8x128xi1>, vector<8x128xi32>
      %sub3A_316 = arith.subf %get3A_293, %broadcast_in_dim3A_25 : vector<8x128xf32>
      %sub3A_317 = arith.subf %get3A_296, %broadcast_in_dim3A_53 : vector<8x128xf32>
      %mul3A_318 = arith.mulf %sub3A_316, %sub3A_316 : vector<8x128xf32>
      %mul3A_319 = arith.mulf %sub3A_317, %sub3A_317 : vector<8x128xf32>
      %add3A_320 = arith.addf %mul3A_318, %mul3A_319 : vector<8x128xf32>
      %lt3A_321 = arith.cmpf olt, %add3A_320, %select_n3A_232 : vector<8x128xf32>
      %select_n3A_322 = arith.select %lt3A_321, %add3A_320, %select_n3A_232 : vector<8x128xi1>, vector<8x128xf32>
      %select_n3A_323 = arith.select %lt3A_321, %get3A_299, %select_n3A_233 : vector<8x128xi1>, vector<8x128xi32>
      %sub3A_324 = arith.subf %get3A_293, %broadcast_in_dim3A_32 : vector<8x128xf32>
      %sub3A_325 = arith.subf %get3A_296, %broadcast_in_dim3A_60 : vector<8x128xf32>
      %mul3A_326 = arith.mulf %sub3A_324, %sub3A_324 : vector<8x128xf32>
      %mul3A_327 = arith.mulf %sub3A_325, %sub3A_325 : vector<8x128xf32>
      %add3A_328 = arith.addf %mul3A_326, %mul3A_327 : vector<8x128xf32>
      %lt3A_329 = arith.cmpf olt, %add3A_328, %select_n3A_240 : vector<8x128xf32>
      %select_n3A_330 = arith.select %lt3A_329, %add3A_328, %select_n3A_240 : vector<8x128xi1>, vector<8x128xf32>
      %select_n3A_331 = arith.select %lt3A_329, %get3A_299, %select_n3A_241 : vector<8x128xi1>, vector<8x128xi32>
      %add3A_332 = arith.constant 6 : i32
      %add3A_333 = arith.addi %get3A_6, %add3A_332 : i32
      %mul3A_334 = arith.constant 8 : i32
      %mul3A_335 = arith.muli %add3A_333, %mul3A_334 : i32
      %get3A_336 = arith.index_cast %mul3A_335 : i32 to index
      %get3A_337 = arith.constant 0 : index
      %get3A_338 = vector.load %arg2[%get3A_336, %get3A_337] : memref<6272x128xf32, #tpu.memory_space<vmem>>, vector<8x128xf32>
      %get3A_339 = arith.index_cast %mul3A_335 : i32 to index
      %get3A_340 = arith.constant 0 : index
      %get3A_341 = vector.load %arg3[%get3A_339, %get3A_340] : memref<6272x128xf32, #tpu.memory_space<vmem>>, vector<8x128xf32>
      %get3A_342 = arith.index_cast %mul3A_335 : i32 to index
      %get3A_343 = arith.constant 0 : index
      %get3A_344 = vector.load %arg4[%get3A_342, %get3A_343] : memref<6272x128xi32, #tpu.memory_space<vmem>>, vector<8x128xi32>
      %sub3A_345 = arith.subf %get3A_338, %broadcast_in_dim3A_11 : vector<8x128xf32>
      %sub3A_346 = arith.subf %get3A_341, %broadcast_in_dim3A_39 : vector<8x128xf32>
      %mul3A_347 = arith.mulf %sub3A_345, %sub3A_345 : vector<8x128xf32>
      %mul3A_348 = arith.mulf %sub3A_346, %sub3A_346 : vector<8x128xf32>
      %add3A_349 = arith.addf %mul3A_347, %mul3A_348 : vector<8x128xf32>
      %lt3A_350 = arith.cmpf olt, %add3A_349, %select_n3A_261 : vector<8x128xf32>
      %select_n3A_351 = arith.select %lt3A_350, %add3A_349, %select_n3A_261 : vector<8x128xi1>, vector<8x128xf32>
      %select_n3A_352 = arith.select %lt3A_350, %get3A_344, %select_n3A_262 : vector<8x128xi1>, vector<8x128xi32>
      %sub3A_353 = arith.subf %get3A_338, %broadcast_in_dim3A_18 : vector<8x128xf32>
      %sub3A_354 = arith.subf %get3A_341, %broadcast_in_dim3A_46 : vector<8x128xf32>
      %mul3A_355 = arith.mulf %sub3A_353, %sub3A_353 : vector<8x128xf32>
      %mul3A_356 = arith.mulf %sub3A_354, %sub3A_354 : vector<8x128xf32>
      %add3A_357 = arith.addf %mul3A_355, %mul3A_356 : vector<8x128xf32>
      %lt3A_358 = arith.cmpf olt, %add3A_357, %select_n3A_269 : vector<8x128xf32>
      %select_n3A_359 = arith.select %lt3A_358, %add3A_357, %select_n3A_269 : vector<8x128xi1>, vector<8x128xf32>
      %select_n3A_360 = arith.select %lt3A_358, %get3A_344, %select_n3A_270 : vector<8x128xi1>, vector<8x128xi32>
      %sub3A_361 = arith.subf %get3A_338, %broadcast_in_dim3A_25 : vector<8x128xf32>
      %sub3A_362 = arith.subf %get3A_341, %broadcast_in_dim3A_53 : vector<8x128xf32>
      %mul3A_363 = arith.mulf %sub3A_361, %sub3A_361 : vector<8x128xf32>
      %mul3A_364 = arith.mulf %sub3A_362, %sub3A_362 : vector<8x128xf32>
      %add3A_365 = arith.addf %mul3A_363, %mul3A_364 : vector<8x128xf32>
      %lt3A_366 = arith.cmpf olt, %add3A_365, %select_n3A_277 : vector<8x128xf32>
      %select_n3A_367 = arith.select %lt3A_366, %add3A_365, %select_n3A_277 : vector<8x128xi1>, vector<8x128xf32>
      %select_n3A_368 = arith.select %lt3A_366, %get3A_344, %select_n3A_278 : vector<8x128xi1>, vector<8x128xi32>
      %sub3A_369 = arith.subf %get3A_338, %broadcast_in_dim3A_32 : vector<8x128xf32>
      %sub3A_370 = arith.subf %get3A_341, %broadcast_in_dim3A_60 : vector<8x128xf32>
      %mul3A_371 = arith.mulf %sub3A_369, %sub3A_369 : vector<8x128xf32>
      %mul3A_372 = arith.mulf %sub3A_370, %sub3A_370 : vector<8x128xf32>
      %add3A_373 = arith.addf %mul3A_371, %mul3A_372 : vector<8x128xf32>
      %lt3A_374 = arith.cmpf olt, %add3A_373, %select_n3A_285 : vector<8x128xf32>
      %select_n3A_375 = arith.select %lt3A_374, %add3A_373, %select_n3A_285 : vector<8x128xi1>, vector<8x128xf32>
      %select_n3A_376 = arith.select %lt3A_374, %get3A_344, %select_n3A_286 : vector<8x128xi1>, vector<8x128xi32>
      %add3A_377 = arith.constant 7 : i32
      %add3A_378 = arith.addi %get3A_6, %add3A_377 : i32
      %mul3A_379 = arith.constant 8 : i32
      %mul3A_380 = arith.muli %add3A_378, %mul3A_379 : i32
      %get3A_381 = arith.index_cast %mul3A_380 : i32 to index
      %get3A_382 = arith.constant 0 : index
      %get3A_383 = vector.load %arg2[%get3A_381, %get3A_382] : memref<6272x128xf32, #tpu.memory_space<vmem>>, vector<8x128xf32>
      %get3A_384 = arith.index_cast %mul3A_380 : i32 to index
      %get3A_385 = arith.constant 0 : index
      %get3A_386 = vector.load %arg3[%get3A_384, %get3A_385] : memref<6272x128xf32, #tpu.memory_space<vmem>>, vector<8x128xf32>
      %get3A_387 = arith.index_cast %mul3A_380 : i32 to index
      %get3A_388 = arith.constant 0 : index
      %get3A_389 = vector.load %arg4[%get3A_387, %get3A_388] : memref<6272x128xi32, #tpu.memory_space<vmem>>, vector<8x128xi32>
      %sub3A_390 = arith.subf %get3A_383, %broadcast_in_dim3A_11 : vector<8x128xf32>
      %sub3A_391 = arith.subf %get3A_386, %broadcast_in_dim3A_39 : vector<8x128xf32>
      %mul3A_392 = arith.mulf %sub3A_390, %sub3A_390 : vector<8x128xf32>
      %mul3A_393 = arith.mulf %sub3A_391, %sub3A_391 : vector<8x128xf32>
      %add3A_394 = arith.addf %mul3A_392, %mul3A_393 : vector<8x128xf32>
      %lt3A_395 = arith.cmpf olt, %add3A_394, %select_n3A_306 : vector<8x128xf32>
      %select_n3A_396 = arith.select %lt3A_395, %add3A_394, %select_n3A_306 : vector<8x128xi1>, vector<8x128xf32>
      %select_n3A_397 = arith.select %lt3A_395, %get3A_389, %select_n3A_307 : vector<8x128xi1>, vector<8x128xi32>
      %sub3A_398 = arith.subf %get3A_383, %broadcast_in_dim3A_18 : vector<8x128xf32>
      %sub3A_399 = arith.subf %get3A_386, %broadcast_in_dim3A_46 : vector<8x128xf32>
      %mul3A_400 = arith.mulf %sub3A_398, %sub3A_398 : vector<8x128xf32>
      %mul3A_401 = arith.mulf %sub3A_399, %sub3A_399 : vector<8x128xf32>
      %add3A_402 = arith.addf %mul3A_400, %mul3A_401 : vector<8x128xf32>
      %lt3A_403 = arith.cmpf olt, %add3A_402, %select_n3A_314 : vector<8x128xf32>
      %select_n3A_404 = arith.select %lt3A_403, %add3A_402, %select_n3A_314 : vector<8x128xi1>, vector<8x128xf32>
      %select_n3A_405 = arith.select %lt3A_403, %get3A_389, %select_n3A_315 : vector<8x128xi1>, vector<8x128xi32>
      %sub3A_406 = arith.subf %get3A_383, %broadcast_in_dim3A_25 : vector<8x128xf32>
      %sub3A_407 = arith.subf %get3A_386, %broadcast_in_dim3A_53 : vector<8x128xf32>
      %mul3A_408 = arith.mulf %sub3A_406, %sub3A_406 : vector<8x128xf32>
      %mul3A_409 = arith.mulf %sub3A_407, %sub3A_407 : vector<8x128xf32>
      %add3A_410 = arith.addf %mul3A_408, %mul3A_409 : vector<8x128xf32>
      %lt3A_411 = arith.cmpf olt, %add3A_410, %select_n3A_322 : vector<8x128xf32>
      %select_n3A_412 = arith.select %lt3A_411, %add3A_410, %select_n3A_322 : vector<8x128xi1>, vector<8x128xf32>
      %select_n3A_413 = arith.select %lt3A_411, %get3A_389, %select_n3A_323 : vector<8x128xi1>, vector<8x128xi32>
      %sub3A_414 = arith.subf %get3A_383, %broadcast_in_dim3A_32 : vector<8x128xf32>
      %sub3A_415 = arith.subf %get3A_386, %broadcast_in_dim3A_60 : vector<8x128xf32>
      %mul3A_416 = arith.mulf %sub3A_414, %sub3A_414 : vector<8x128xf32>
      %mul3A_417 = arith.mulf %sub3A_415, %sub3A_415 : vector<8x128xf32>
      %add3A_418 = arith.addf %mul3A_416, %mul3A_417 : vector<8x128xf32>
      %lt3A_419 = arith.cmpf olt, %add3A_418, %select_n3A_330 : vector<8x128xf32>
      %select_n3A_420 = arith.select %lt3A_419, %add3A_418, %select_n3A_330 : vector<8x128xi1>, vector<8x128xf32>
      %select_n3A_421 = arith.select %lt3A_419, %get3A_389, %select_n3A_331 : vector<8x128xi1>, vector<8x128xi32>
      %add3A_422 = arith.constant 8 : i32
      %add3A_423 = arith.addi %get3A_6, %add3A_422 : i32
      %mul3A_424 = arith.constant 8 : i32
      %mul3A_425 = arith.muli %add3A_423, %mul3A_424 : i32
      %get3A_426 = arith.index_cast %mul3A_425 : i32 to index
      %get3A_427 = arith.constant 0 : index
      %get3A_428 = vector.load %arg2[%get3A_426, %get3A_427] : memref<6272x128xf32, #tpu.memory_space<vmem>>, vector<8x128xf32>
      %get3A_429 = arith.index_cast %mul3A_425 : i32 to index
      %get3A_430 = arith.constant 0 : index
      %get3A_431 = vector.load %arg3[%get3A_429, %get3A_430] : memref<6272x128xf32, #tpu.memory_space<vmem>>, vector<8x128xf32>
      %get3A_432 = arith.index_cast %mul3A_425 : i32 to index
      %get3A_433 = arith.constant 0 : index
      %get3A_434 = vector.load %arg4[%get3A_432, %get3A_433] : memref<6272x128xi32, #tpu.memory_space<vmem>>, vector<8x128xi32>
      %sub3A_435 = arith.subf %get3A_428, %broadcast_in_dim3A_11 : vector<8x128xf32>
      %sub3A_436 = arith.subf %get3A_431, %broadcast_in_dim3A_39 : vector<8x128xf32>
      %mul3A_437 = arith.mulf %sub3A_435, %sub3A_435 : vector<8x128xf32>
      %mul3A_438 = arith.mulf %sub3A_436, %sub3A_436 : vector<8x128xf32>
      %add3A_439 = arith.addf %mul3A_437, %mul3A_438 : vector<8x128xf32>
      %lt3A_440 = arith.cmpf olt, %add3A_439, %select_n3A_351 : vector<8x128xf32>
      %select_n3A_441 = arith.select %lt3A_440, %add3A_439, %select_n3A_351 : vector<8x128xi1>, vector<8x128xf32>
      %select_n3A_442 = arith.select %lt3A_440, %get3A_434, %select_n3A_352 : vector<8x128xi1>, vector<8x128xi32>
      %sub3A_443 = arith.subf %get3A_428, %broadcast_in_dim3A_18 : vector<8x128xf32>
      %sub3A_444 = arith.subf %get3A_431, %broadcast_in_dim3A_46 : vector<8x128xf32>
      %mul3A_445 = arith.mulf %sub3A_443, %sub3A_443 : vector<8x128xf32>
      %mul3A_446 = arith.mulf %sub3A_444, %sub3A_444 : vector<8x128xf32>
      %add3A_447 = arith.addf %mul3A_445, %mul3A_446 : vector<8x128xf32>
      %lt3A_448 = arith.cmpf olt, %add3A_447, %select_n3A_359 : vector<8x128xf32>
      %select_n3A_449 = arith.select %lt3A_448, %add3A_447, %select_n3A_359 : vector<8x128xi1>, vector<8x128xf32>
      %select_n3A_450 = arith.select %lt3A_448, %get3A_434, %select_n3A_360 : vector<8x128xi1>, vector<8x128xi32>
      %sub3A_451 = arith.subf %get3A_428, %broadcast_in_dim3A_25 : vector<8x128xf32>
      %sub3A_452 = arith.subf %get3A_431, %broadcast_in_dim3A_53 : vector<8x128xf32>
      %mul3A_453 = arith.mulf %sub3A_451, %sub3A_451 : vector<8x128xf32>
      %mul3A_454 = arith.mulf %sub3A_452, %sub3A_452 : vector<8x128xf32>
      %add3A_455 = arith.addf %mul3A_453, %mul3A_454 : vector<8x128xf32>
      %lt3A_456 = arith.cmpf olt, %add3A_455, %select_n3A_367 : vector<8x128xf32>
      %select_n3A_457 = arith.select %lt3A_456, %add3A_455, %select_n3A_367 : vector<8x128xi1>, vector<8x128xf32>
      %select_n3A_458 = arith.select %lt3A_456, %get3A_434, %select_n3A_368 : vector<8x128xi1>, vector<8x128xi32>
      %sub3A_459 = arith.subf %get3A_428, %broadcast_in_dim3A_32 : vector<8x128xf32>
      %sub3A_460 = arith.subf %get3A_431, %broadcast_in_dim3A_60 : vector<8x128xf32>
      %mul3A_461 = arith.mulf %sub3A_459, %sub3A_459 : vector<8x128xf32>
      %mul3A_462 = arith.mulf %sub3A_460, %sub3A_460 : vector<8x128xf32>
      %add3A_463 = arith.addf %mul3A_461, %mul3A_462 : vector<8x128xf32>
      %lt3A_464 = arith.cmpf olt, %add3A_463, %select_n3A_375 : vector<8x128xf32>
      %select_n3A_465 = arith.select %lt3A_464, %add3A_463, %select_n3A_375 : vector<8x128xi1>, vector<8x128xf32>
      %select_n3A_466 = arith.select %lt3A_464, %get3A_434, %select_n3A_376 : vector<8x128xi1>, vector<8x128xi32>
      %add3A_467 = arith.constant 9 : i32
      %add3A_468 = arith.addi %get3A_6, %add3A_467 : i32
      %mul3A_469 = arith.constant 8 : i32
      %mul3A_470 = arith.muli %add3A_468, %mul3A_469 : i32
      %get3A_471 = arith.index_cast %mul3A_470 : i32 to index
      %get3A_472 = arith.constant 0 : index
      %get3A_473 = vector.load %arg2[%get3A_471, %get3A_472] : memref<6272x128xf32, #tpu.memory_space<vmem>>, vector<8x128xf32>
      %get3A_474 = arith.index_cast %mul3A_470 : i32 to index
      %get3A_475 = arith.constant 0 : index
      %get3A_476 = vector.load %arg3[%get3A_474, %get3A_475] : memref<6272x128xf32, #tpu.memory_space<vmem>>, vector<8x128xf32>
      %get3A_477 = arith.index_cast %mul3A_470 : i32 to index
      %get3A_478 = arith.constant 0 : index
      %get3A_479 = vector.load %arg4[%get3A_477, %get3A_478] : memref<6272x128xi32, #tpu.memory_space<vmem>>, vector<8x128xi32>
      %sub3A_480 = arith.subf %get3A_473, %broadcast_in_dim3A_11 : vector<8x128xf32>
      %sub3A_481 = arith.subf %get3A_476, %broadcast_in_dim3A_39 : vector<8x128xf32>
      %mul3A_482 = arith.mulf %sub3A_480, %sub3A_480 : vector<8x128xf32>
      %mul3A_483 = arith.mulf %sub3A_481, %sub3A_481 : vector<8x128xf32>
      %add3A_484 = arith.addf %mul3A_482, %mul3A_483 : vector<8x128xf32>
      %lt3A_485 = arith.cmpf olt, %add3A_484, %select_n3A_396 : vector<8x128xf32>
      %select_n3A_486 = arith.select %lt3A_485, %add3A_484, %select_n3A_396 : vector<8x128xi1>, vector<8x128xf32>
      %select_n3A_487 = arith.select %lt3A_485, %get3A_479, %select_n3A_397 : vector<8x128xi1>, vector<8x128xi32>
      %sub3A_488 = arith.subf %get3A_473, %broadcast_in_dim3A_18 : vector<8x128xf32>
      %sub3A_489 = arith.subf %get3A_476, %broadcast_in_dim3A_46 : vector<8x128xf32>
      %mul3A_490 = arith.mulf %sub3A_488, %sub3A_488 : vector<8x128xf32>
      %mul3A_491 = arith.mulf %sub3A_489, %sub3A_489 : vector<8x128xf32>
      %add3A_492 = arith.addf %mul3A_490, %mul3A_491 : vector<8x128xf32>
      %lt3A_493 = arith.cmpf olt, %add3A_492, %select_n3A_404 : vector<8x128xf32>
      %select_n3A_494 = arith.select %lt3A_493, %add3A_492, %select_n3A_404 : vector<8x128xi1>, vector<8x128xf32>
      %select_n3A_495 = arith.select %lt3A_493, %get3A_479, %select_n3A_405 : vector<8x128xi1>, vector<8x128xi32>
      %sub3A_496 = arith.subf %get3A_473, %broadcast_in_dim3A_25 : vector<8x128xf32>
      %sub3A_497 = arith.subf %get3A_476, %broadcast_in_dim3A_53 : vector<8x128xf32>
      %mul3A_498 = arith.mulf %sub3A_496, %sub3A_496 : vector<8x128xf32>
      %mul3A_499 = arith.mulf %sub3A_497, %sub3A_497 : vector<8x128xf32>
      %add3A_500 = arith.addf %mul3A_498, %mul3A_499 : vector<8x128xf32>
      %lt3A_501 = arith.cmpf olt, %add3A_500, %select_n3A_412 : vector<8x128xf32>
      %select_n3A_502 = arith.select %lt3A_501, %add3A_500, %select_n3A_412 : vector<8x128xi1>, vector<8x128xf32>
      %select_n3A_503 = arith.select %lt3A_501, %get3A_479, %select_n3A_413 : vector<8x128xi1>, vector<8x128xi32>
      %sub3A_504 = arith.subf %get3A_473, %broadcast_in_dim3A_32 : vector<8x128xf32>
      %sub3A_505 = arith.subf %get3A_476, %broadcast_in_dim3A_60 : vector<8x128xf32>
      %mul3A_506 = arith.mulf %sub3A_504, %sub3A_504 : vector<8x128xf32>
      %mul3A_507 = arith.mulf %sub3A_505, %sub3A_505 : vector<8x128xf32>
      %add3A_508 = arith.addf %mul3A_506, %mul3A_507 : vector<8x128xf32>
      %lt3A_509 = arith.cmpf olt, %add3A_508, %select_n3A_420 : vector<8x128xf32>
      %select_n3A_510 = arith.select %lt3A_509, %add3A_508, %select_n3A_420 : vector<8x128xi1>, vector<8x128xf32>
      %select_n3A_511 = arith.select %lt3A_509, %get3A_479, %select_n3A_421 : vector<8x128xi1>, vector<8x128xi32>
      %add3A_512 = arith.constant 10 : i32
      %add3A_513 = arith.addi %get3A_6, %add3A_512 : i32
      %mul3A_514 = arith.constant 8 : i32
      %mul3A_515 = arith.muli %add3A_513, %mul3A_514 : i32
      %get3A_516 = arith.index_cast %mul3A_515 : i32 to index
      %get3A_517 = arith.constant 0 : index
      %get3A_518 = vector.load %arg2[%get3A_516, %get3A_517] : memref<6272x128xf32, #tpu.memory_space<vmem>>, vector<8x128xf32>
      %get3A_519 = arith.index_cast %mul3A_515 : i32 to index
      %get3A_520 = arith.constant 0 : index
      %get3A_521 = vector.load %arg3[%get3A_519, %get3A_520] : memref<6272x128xf32, #tpu.memory_space<vmem>>, vector<8x128xf32>
      %get3A_522 = arith.index_cast %mul3A_515 : i32 to index
      %get3A_523 = arith.constant 0 : index
      %get3A_524 = vector.load %arg4[%get3A_522, %get3A_523] : memref<6272x128xi32, #tpu.memory_space<vmem>>, vector<8x128xi32>
      %sub3A_525 = arith.subf %get3A_518, %broadcast_in_dim3A_11 : vector<8x128xf32>
      %sub3A_526 = arith.subf %get3A_521, %broadcast_in_dim3A_39 : vector<8x128xf32>
      %mul3A_527 = arith.mulf %sub3A_525, %sub3A_525 : vector<8x128xf32>
      %mul3A_528 = arith.mulf %sub3A_526, %sub3A_526 : vector<8x128xf32>
      %add3A_529 = arith.addf %mul3A_527, %mul3A_528 : vector<8x128xf32>
      %lt3A_530 = arith.cmpf olt, %add3A_529, %select_n3A_441 : vector<8x128xf32>
      %select_n3A_531 = arith.select %lt3A_530, %add3A_529, %select_n3A_441 : vector<8x128xi1>, vector<8x128xf32>
      %select_n3A_532 = arith.select %lt3A_530, %get3A_524, %select_n3A_442 : vector<8x128xi1>, vector<8x128xi32>
      %sub3A_533 = arith.subf %get3A_518, %broadcast_in_dim3A_18 : vector<8x128xf32>
      %sub3A_534 = arith.subf %get3A_521, %broadcast_in_dim3A_46 : vector<8x128xf32>
      %mul3A_535 = arith.mulf %sub3A_533, %sub3A_533 : vector<8x128xf32>
      %mul3A_536 = arith.mulf %sub3A_534, %sub3A_534 : vector<8x128xf32>
      %add3A_537 = arith.addf %mul3A_535, %mul3A_536 : vector<8x128xf32>
      %lt3A_538 = arith.cmpf olt, %add3A_537, %select_n3A_449 : vector<8x128xf32>
      %select_n3A_539 = arith.select %lt3A_538, %add3A_537, %select_n3A_449 : vector<8x128xi1>, vector<8x128xf32>
      %select_n3A_540 = arith.select %lt3A_538, %get3A_524, %select_n3A_450 : vector<8x128xi1>, vector<8x128xi32>
      %sub3A_541 = arith.subf %get3A_518, %broadcast_in_dim3A_25 : vector<8x128xf32>
      %sub3A_542 = arith.subf %get3A_521, %broadcast_in_dim3A_53 : vector<8x128xf32>
      %mul3A_543 = arith.mulf %sub3A_541, %sub3A_541 : vector<8x128xf32>
      %mul3A_544 = arith.mulf %sub3A_542, %sub3A_542 : vector<8x128xf32>
      %add3A_545 = arith.addf %mul3A_543, %mul3A_544 : vector<8x128xf32>
      %lt3A_546 = arith.cmpf olt, %add3A_545, %select_n3A_457 : vector<8x128xf32>
      %select_n3A_547 = arith.select %lt3A_546, %add3A_545, %select_n3A_457 : vector<8x128xi1>, vector<8x128xf32>
      %select_n3A_548 = arith.select %lt3A_546, %get3A_524, %select_n3A_458 : vector<8x128xi1>, vector<8x128xi32>
      %sub3A_549 = arith.subf %get3A_518, %broadcast_in_dim3A_32 : vector<8x128xf32>
      %sub3A_550 = arith.subf %get3A_521, %broadcast_in_dim3A_60 : vector<8x128xf32>
      %mul3A_551 = arith.mulf %sub3A_549, %sub3A_549 : vector<8x128xf32>
      %mul3A_552 = arith.mulf %sub3A_550, %sub3A_550 : vector<8x128xf32>
      %add3A_553 = arith.addf %mul3A_551, %mul3A_552 : vector<8x128xf32>
      %lt3A_554 = arith.cmpf olt, %add3A_553, %select_n3A_465 : vector<8x128xf32>
      %select_n3A_555 = arith.select %lt3A_554, %add3A_553, %select_n3A_465 : vector<8x128xi1>, vector<8x128xf32>
      %select_n3A_556 = arith.select %lt3A_554, %get3A_524, %select_n3A_466 : vector<8x128xi1>, vector<8x128xi32>
      %add3A_557 = arith.constant 11 : i32
      %add3A_558 = arith.addi %get3A_6, %add3A_557 : i32
      %mul3A_559 = arith.constant 8 : i32
      %mul3A_560 = arith.muli %add3A_558, %mul3A_559 : i32
      %get3A_561 = arith.index_cast %mul3A_560 : i32 to index
      %get3A_562 = arith.constant 0 : index
      %get3A_563 = vector.load %arg2[%get3A_561, %get3A_562] : memref<6272x128xf32, #tpu.memory_space<vmem>>, vector<8x128xf32>
      %get3A_564 = arith.index_cast %mul3A_560 : i32 to index
      %get3A_565 = arith.constant 0 : index
      %get3A_566 = vector.load %arg3[%get3A_564, %get3A_565] : memref<6272x128xf32, #tpu.memory_space<vmem>>, vector<8x128xf32>
      %get3A_567 = arith.index_cast %mul3A_560 : i32 to index
      %get3A_568 = arith.constant 0 : index
      %get3A_569 = vector.load %arg4[%get3A_567, %get3A_568] : memref<6272x128xi32, #tpu.memory_space<vmem>>, vector<8x128xi32>
      %sub3A_570 = arith.subf %get3A_563, %broadcast_in_dim3A_11 : vector<8x128xf32>
      %sub3A_571 = arith.subf %get3A_566, %broadcast_in_dim3A_39 : vector<8x128xf32>
      %mul3A_572 = arith.mulf %sub3A_570, %sub3A_570 : vector<8x128xf32>
      %mul3A_573 = arith.mulf %sub3A_571, %sub3A_571 : vector<8x128xf32>
      %add3A_574 = arith.addf %mul3A_572, %mul3A_573 : vector<8x128xf32>
      %lt3A_575 = arith.cmpf olt, %add3A_574, %select_n3A_486 : vector<8x128xf32>
      %select_n3A_576 = arith.select %lt3A_575, %add3A_574, %select_n3A_486 : vector<8x128xi1>, vector<8x128xf32>
      %select_n3A_577 = arith.select %lt3A_575, %get3A_569, %select_n3A_487 : vector<8x128xi1>, vector<8x128xi32>
      %sub3A_578 = arith.subf %get3A_563, %broadcast_in_dim3A_18 : vector<8x128xf32>
      %sub3A_579 = arith.subf %get3A_566, %broadcast_in_dim3A_46 : vector<8x128xf32>
      %mul3A_580 = arith.mulf %sub3A_578, %sub3A_578 : vector<8x128xf32>
      %mul3A_581 = arith.mulf %sub3A_579, %sub3A_579 : vector<8x128xf32>
      %add3A_582 = arith.addf %mul3A_580, %mul3A_581 : vector<8x128xf32>
      %lt3A_583 = arith.cmpf olt, %add3A_582, %select_n3A_494 : vector<8x128xf32>
      %select_n3A_584 = arith.select %lt3A_583, %add3A_582, %select_n3A_494 : vector<8x128xi1>, vector<8x128xf32>
      %select_n3A_585 = arith.select %lt3A_583, %get3A_569, %select_n3A_495 : vector<8x128xi1>, vector<8x128xi32>
      %sub3A_586 = arith.subf %get3A_563, %broadcast_in_dim3A_25 : vector<8x128xf32>
      %sub3A_587 = arith.subf %get3A_566, %broadcast_in_dim3A_53 : vector<8x128xf32>
      %mul3A_588 = arith.mulf %sub3A_586, %sub3A_586 : vector<8x128xf32>
      %mul3A_589 = arith.mulf %sub3A_587, %sub3A_587 : vector<8x128xf32>
      %add3A_590 = arith.addf %mul3A_588, %mul3A_589 : vector<8x128xf32>
      %lt3A_591 = arith.cmpf olt, %add3A_590, %select_n3A_502 : vector<8x128xf32>
      %select_n3A_592 = arith.select %lt3A_591, %add3A_590, %select_n3A_502 : vector<8x128xi1>, vector<8x128xf32>
      %select_n3A_593 = arith.select %lt3A_591, %get3A_569, %select_n3A_503 : vector<8x128xi1>, vector<8x128xi32>
      %sub3A_594 = arith.subf %get3A_563, %broadcast_in_dim3A_32 : vector<8x128xf32>
      %sub3A_595 = arith.subf %get3A_566, %broadcast_in_dim3A_60 : vector<8x128xf32>
      %mul3A_596 = arith.mulf %sub3A_594, %sub3A_594 : vector<8x128xf32>
      %mul3A_597 = arith.mulf %sub3A_595, %sub3A_595 : vector<8x128xf32>
      %add3A_598 = arith.addf %mul3A_596, %mul3A_597 : vector<8x128xf32>
      %lt3A_599 = arith.cmpf olt, %add3A_598, %select_n3A_510 : vector<8x128xf32>
      %select_n3A_600 = arith.select %lt3A_599, %add3A_598, %select_n3A_510 : vector<8x128xi1>, vector<8x128xf32>
      %select_n3A_601 = arith.select %lt3A_599, %get3A_569, %select_n3A_511 : vector<8x128xi1>, vector<8x128xi32>
      %add3A_602 = arith.constant 12 : i32
      %add3A_603 = arith.addi %get3A_6, %add3A_602 : i32
      %mul3A_604 = arith.constant 8 : i32
      %mul3A_605 = arith.muli %add3A_603, %mul3A_604 : i32
      %get3A_606 = arith.index_cast %mul3A_605 : i32 to index
      %get3A_607 = arith.constant 0 : index
      %get3A_608 = vector.load %arg2[%get3A_606, %get3A_607] : memref<6272x128xf32, #tpu.memory_space<vmem>>, vector<8x128xf32>
      %get3A_609 = arith.index_cast %mul3A_605 : i32 to index
      %get3A_610 = arith.constant 0 : index
      %get3A_611 = vector.load %arg3[%get3A_609, %get3A_610] : memref<6272x128xf32, #tpu.memory_space<vmem>>, vector<8x128xf32>
      %get3A_612 = arith.index_cast %mul3A_605 : i32 to index
      %get3A_613 = arith.constant 0 : index
      %get3A_614 = vector.load %arg4[%get3A_612, %get3A_613] : memref<6272x128xi32, #tpu.memory_space<vmem>>, vector<8x128xi32>
      %sub3A_615 = arith.subf %get3A_608, %broadcast_in_dim3A_11 : vector<8x128xf32>
      %sub3A_616 = arith.subf %get3A_611, %broadcast_in_dim3A_39 : vector<8x128xf32>
      %mul3A_617 = arith.mulf %sub3A_615, %sub3A_615 : vector<8x128xf32>
      %mul3A_618 = arith.mulf %sub3A_616, %sub3A_616 : vector<8x128xf32>
      %add3A_619 = arith.addf %mul3A_617, %mul3A_618 : vector<8x128xf32>
      %lt3A_620 = arith.cmpf olt, %add3A_619, %select_n3A_531 : vector<8x128xf32>
      %select_n3A_621 = arith.select %lt3A_620, %add3A_619, %select_n3A_531 : vector<8x128xi1>, vector<8x128xf32>
      %select_n3A_622 = arith.select %lt3A_620, %get3A_614, %select_n3A_532 : vector<8x128xi1>, vector<8x128xi32>
      %sub3A_623 = arith.subf %get3A_608, %broadcast_in_dim3A_18 : vector<8x128xf32>
      %sub3A_624 = arith.subf %get3A_611, %broadcast_in_dim3A_46 : vector<8x128xf32>
      %mul3A_625 = arith.mulf %sub3A_623, %sub3A_623 : vector<8x128xf32>
      %mul3A_626 = arith.mulf %sub3A_624, %sub3A_624 : vector<8x128xf32>
      %add3A_627 = arith.addf %mul3A_625, %mul3A_626 : vector<8x128xf32>
      %lt3A_628 = arith.cmpf olt, %add3A_627, %select_n3A_539 : vector<8x128xf32>
      %select_n3A_629 = arith.select %lt3A_628, %add3A_627, %select_n3A_539 : vector<8x128xi1>, vector<8x128xf32>
      %select_n3A_630 = arith.select %lt3A_628, %get3A_614, %select_n3A_540 : vector<8x128xi1>, vector<8x128xi32>
      %sub3A_631 = arith.subf %get3A_608, %broadcast_in_dim3A_25 : vector<8x128xf32>
      %sub3A_632 = arith.subf %get3A_611, %broadcast_in_dim3A_53 : vector<8x128xf32>
      %mul3A_633 = arith.mulf %sub3A_631, %sub3A_631 : vector<8x128xf32>
      %mul3A_634 = arith.mulf %sub3A_632, %sub3A_632 : vector<8x128xf32>
      %add3A_635 = arith.addf %mul3A_633, %mul3A_634 : vector<8x128xf32>
      %lt3A_636 = arith.cmpf olt, %add3A_635, %select_n3A_547 : vector<8x128xf32>
      %select_n3A_637 = arith.select %lt3A_636, %add3A_635, %select_n3A_547 : vector<8x128xi1>, vector<8x128xf32>
      %select_n3A_638 = arith.select %lt3A_636, %get3A_614, %select_n3A_548 : vector<8x128xi1>, vector<8x128xi32>
      %sub3A_639 = arith.subf %get3A_608, %broadcast_in_dim3A_32 : vector<8x128xf32>
      %sub3A_640 = arith.subf %get3A_611, %broadcast_in_dim3A_60 : vector<8x128xf32>
      %mul3A_641 = arith.mulf %sub3A_639, %sub3A_639 : vector<8x128xf32>
      %mul3A_642 = arith.mulf %sub3A_640, %sub3A_640 : vector<8x128xf32>
      %add3A_643 = arith.addf %mul3A_641, %mul3A_642 : vector<8x128xf32>
      %lt3A_644 = arith.cmpf olt, %add3A_643, %select_n3A_555 : vector<8x128xf32>
      %select_n3A_645 = arith.select %lt3A_644, %add3A_643, %select_n3A_555 : vector<8x128xi1>, vector<8x128xf32>
      %select_n3A_646 = arith.select %lt3A_644, %get3A_614, %select_n3A_556 : vector<8x128xi1>, vector<8x128xi32>
      %add3A_647 = arith.constant 13 : i32
      %add3A_648 = arith.addi %get3A_6, %add3A_647 : i32
      %mul3A_649 = arith.constant 8 : i32
      %mul3A_650 = arith.muli %add3A_648, %mul3A_649 : i32
      %get3A_651 = arith.index_cast %mul3A_650 : i32 to index
      %get3A_652 = arith.constant 0 : index
      %get3A_653 = vector.load %arg2[%get3A_651, %get3A_652] : memref<6272x128xf32, #tpu.memory_space<vmem>>, vector<8x128xf32>
      %get3A_654 = arith.index_cast %mul3A_650 : i32 to index
      %get3A_655 = arith.constant 0 : index
      %get3A_656 = vector.load %arg3[%get3A_654, %get3A_655] : memref<6272x128xf32, #tpu.memory_space<vmem>>, vector<8x128xf32>
      %get3A_657 = arith.index_cast %mul3A_650 : i32 to index
      %get3A_658 = arith.constant 0 : index
      %get3A_659 = vector.load %arg4[%get3A_657, %get3A_658] : memref<6272x128xi32, #tpu.memory_space<vmem>>, vector<8x128xi32>
      %sub3A_660 = arith.subf %get3A_653, %broadcast_in_dim3A_11 : vector<8x128xf32>
      %sub3A_661 = arith.subf %get3A_656, %broadcast_in_dim3A_39 : vector<8x128xf32>
      %mul3A_662 = arith.mulf %sub3A_660, %sub3A_660 : vector<8x128xf32>
      %mul3A_663 = arith.mulf %sub3A_661, %sub3A_661 : vector<8x128xf32>
      %add3A_664 = arith.addf %mul3A_662, %mul3A_663 : vector<8x128xf32>
      %lt3A_665 = arith.cmpf olt, %add3A_664, %select_n3A_576 : vector<8x128xf32>
      %select_n3A_666 = arith.select %lt3A_665, %add3A_664, %select_n3A_576 : vector<8x128xi1>, vector<8x128xf32>
      %select_n3A_667 = arith.select %lt3A_665, %get3A_659, %select_n3A_577 : vector<8x128xi1>, vector<8x128xi32>
      %sub3A_668 = arith.subf %get3A_653, %broadcast_in_dim3A_18 : vector<8x128xf32>
      %sub3A_669 = arith.subf %get3A_656, %broadcast_in_dim3A_46 : vector<8x128xf32>
      %mul3A_670 = arith.mulf %sub3A_668, %sub3A_668 : vector<8x128xf32>
      %mul3A_671 = arith.mulf %sub3A_669, %sub3A_669 : vector<8x128xf32>
      %add3A_672 = arith.addf %mul3A_670, %mul3A_671 : vector<8x128xf32>
      %lt3A_673 = arith.cmpf olt, %add3A_672, %select_n3A_584 : vector<8x128xf32>
      %select_n3A_674 = arith.select %lt3A_673, %add3A_672, %select_n3A_584 : vector<8x128xi1>, vector<8x128xf32>
      %select_n3A_675 = arith.select %lt3A_673, %get3A_659, %select_n3A_585 : vector<8x128xi1>, vector<8x128xi32>
      %sub3A_676 = arith.subf %get3A_653, %broadcast_in_dim3A_25 : vector<8x128xf32>
      %sub3A_677 = arith.subf %get3A_656, %broadcast_in_dim3A_53 : vector<8x128xf32>
      %mul3A_678 = arith.mulf %sub3A_676, %sub3A_676 : vector<8x128xf32>
      %mul3A_679 = arith.mulf %sub3A_677, %sub3A_677 : vector<8x128xf32>
      %add3A_680 = arith.addf %mul3A_678, %mul3A_679 : vector<8x128xf32>
      %lt3A_681 = arith.cmpf olt, %add3A_680, %select_n3A_592 : vector<8x128xf32>
      %select_n3A_682 = arith.select %lt3A_681, %add3A_680, %select_n3A_592 : vector<8x128xi1>, vector<8x128xf32>
      %select_n3A_683 = arith.select %lt3A_681, %get3A_659, %select_n3A_593 : vector<8x128xi1>, vector<8x128xi32>
      %sub3A_684 = arith.subf %get3A_653, %broadcast_in_dim3A_32 : vector<8x128xf32>
      %sub3A_685 = arith.subf %get3A_656, %broadcast_in_dim3A_60 : vector<8x128xf32>
      %mul3A_686 = arith.mulf %sub3A_684, %sub3A_684 : vector<8x128xf32>
      %mul3A_687 = arith.mulf %sub3A_685, %sub3A_685 : vector<8x128xf32>
      %add3A_688 = arith.addf %mul3A_686, %mul3A_687 : vector<8x128xf32>
      %lt3A_689 = arith.cmpf olt, %add3A_688, %select_n3A_600 : vector<8x128xf32>
      %select_n3A_690 = arith.select %lt3A_689, %add3A_688, %select_n3A_600 : vector<8x128xi1>, vector<8x128xf32>
      %select_n3A_691 = arith.select %lt3A_689, %get3A_659, %select_n3A_601 : vector<8x128xi1>, vector<8x128xi32>
      %add3A_692 = arith.constant 14 : i32
      %add3A_693 = arith.addi %get3A_6, %add3A_692 : i32
      %mul3A_694 = arith.constant 8 : i32
      %mul3A_695 = arith.muli %add3A_693, %mul3A_694 : i32
      %get3A_696 = arith.index_cast %mul3A_695 : i32 to index
      %get3A_697 = arith.constant 0 : index
      %get3A_698 = vector.load %arg2[%get3A_696, %get3A_697] : memref<6272x128xf32, #tpu.memory_space<vmem>>, vector<8x128xf32>
      %get3A_699 = arith.index_cast %mul3A_695 : i32 to index
      %get3A_700 = arith.constant 0 : index
      %get3A_701 = vector.load %arg3[%get3A_699, %get3A_700] : memref<6272x128xf32, #tpu.memory_space<vmem>>, vector<8x128xf32>
      %get3A_702 = arith.index_cast %mul3A_695 : i32 to index
      %get3A_703 = arith.constant 0 : index
      %get3A_704 = vector.load %arg4[%get3A_702, %get3A_703] : memref<6272x128xi32, #tpu.memory_space<vmem>>, vector<8x128xi32>
      %sub3A_705 = arith.subf %get3A_698, %broadcast_in_dim3A_11 : vector<8x128xf32>
      %sub3A_706 = arith.subf %get3A_701, %broadcast_in_dim3A_39 : vector<8x128xf32>
      %mul3A_707 = arith.mulf %sub3A_705, %sub3A_705 : vector<8x128xf32>
      %mul3A_708 = arith.mulf %sub3A_706, %sub3A_706 : vector<8x128xf32>
      %add3A_709 = arith.addf %mul3A_707, %mul3A_708 : vector<8x128xf32>
      %lt3A_710 = arith.cmpf olt, %add3A_709, %select_n3A_621 : vector<8x128xf32>
      %select_n3A_711 = arith.select %lt3A_710, %add3A_709, %select_n3A_621 : vector<8x128xi1>, vector<8x128xf32>
      %select_n3A_712 = arith.select %lt3A_710, %get3A_704, %select_n3A_622 : vector<8x128xi1>, vector<8x128xi32>
      %sub3A_713 = arith.subf %get3A_698, %broadcast_in_dim3A_18 : vector<8x128xf32>
      %sub3A_714 = arith.subf %get3A_701, %broadcast_in_dim3A_46 : vector<8x128xf32>
      %mul3A_715 = arith.mulf %sub3A_713, %sub3A_713 : vector<8x128xf32>
      %mul3A_716 = arith.mulf %sub3A_714, %sub3A_714 : vector<8x128xf32>
      %add3A_717 = arith.addf %mul3A_715, %mul3A_716 : vector<8x128xf32>
      %lt3A_718 = arith.cmpf olt, %add3A_717, %select_n3A_629 : vector<8x128xf32>
      %select_n3A_719 = arith.select %lt3A_718, %add3A_717, %select_n3A_629 : vector<8x128xi1>, vector<8x128xf32>
      %select_n3A_720 = arith.select %lt3A_718, %get3A_704, %select_n3A_630 : vector<8x128xi1>, vector<8x128xi32>
      %sub3A_721 = arith.subf %get3A_698, %broadcast_in_dim3A_25 : vector<8x128xf32>
      %sub3A_722 = arith.subf %get3A_701, %broadcast_in_dim3A_53 : vector<8x128xf32>
      %mul3A_723 = arith.mulf %sub3A_721, %sub3A_721 : vector<8x128xf32>
      %mul3A_724 = arith.mulf %sub3A_722, %sub3A_722 : vector<8x128xf32>
      %add3A_725 = arith.addf %mul3A_723, %mul3A_724 : vector<8x128xf32>
      %lt3A_726 = arith.cmpf olt, %add3A_725, %select_n3A_637 : vector<8x128xf32>
      %select_n3A_727 = arith.select %lt3A_726, %add3A_725, %select_n3A_637 : vector<8x128xi1>, vector<8x128xf32>
      %select_n3A_728 = arith.select %lt3A_726, %get3A_704, %select_n3A_638 : vector<8x128xi1>, vector<8x128xi32>
      %sub3A_729 = arith.subf %get3A_698, %broadcast_in_dim3A_32 : vector<8x128xf32>
      %sub3A_730 = arith.subf %get3A_701, %broadcast_in_dim3A_60 : vector<8x128xf32>
      %mul3A_731 = arith.mulf %sub3A_729, %sub3A_729 : vector<8x128xf32>
      %mul3A_732 = arith.mulf %sub3A_730, %sub3A_730 : vector<8x128xf32>
      %add3A_733 = arith.addf %mul3A_731, %mul3A_732 : vector<8x128xf32>
      %lt3A_734 = arith.cmpf olt, %add3A_733, %select_n3A_645 : vector<8x128xf32>
      %select_n3A_735 = arith.select %lt3A_734, %add3A_733, %select_n3A_645 : vector<8x128xi1>, vector<8x128xf32>
      %select_n3A_736 = arith.select %lt3A_734, %get3A_704, %select_n3A_646 : vector<8x128xi1>, vector<8x128xi32>
      %add3A_737 = arith.constant 15 : i32
      %add3A_738 = arith.addi %get3A_6, %add3A_737 : i32
      %mul3A_739 = arith.constant 8 : i32
      %mul3A_740 = arith.muli %add3A_738, %mul3A_739 : i32
      %get3A_741 = arith.index_cast %mul3A_740 : i32 to index
      %get3A_742 = arith.constant 0 : index
      %get3A_743 = vector.load %arg2[%get3A_741, %get3A_742] : memref<6272x128xf32, #tpu.memory_space<vmem>>, vector<8x128xf32>
      %get3A_744 = arith.index_cast %mul3A_740 : i32 to index
      %get3A_745 = arith.constant 0 : index
      %get3A_746 = vector.load %arg3[%get3A_744, %get3A_745] : memref<6272x128xf32, #tpu.memory_space<vmem>>, vector<8x128xf32>
      %get3A_747 = arith.index_cast %mul3A_740 : i32 to index
      %get3A_748 = arith.constant 0 : index
      %get3A_749 = vector.load %arg4[%get3A_747, %get3A_748] : memref<6272x128xi32, #tpu.memory_space<vmem>>, vector<8x128xi32>
      %sub3A_750 = arith.subf %get3A_743, %broadcast_in_dim3A_11 : vector<8x128xf32>
      %sub3A_751 = arith.subf %get3A_746, %broadcast_in_dim3A_39 : vector<8x128xf32>
      %mul3A_752 = arith.mulf %sub3A_750, %sub3A_750 : vector<8x128xf32>
      %mul3A_753 = arith.mulf %sub3A_751, %sub3A_751 : vector<8x128xf32>
      %add3A_754 = arith.addf %mul3A_752, %mul3A_753 : vector<8x128xf32>
      %lt3A_755 = arith.cmpf olt, %add3A_754, %select_n3A_666 : vector<8x128xf32>
      %select_n3A_756 = arith.select %lt3A_755, %add3A_754, %select_n3A_666 : vector<8x128xi1>, vector<8x128xf32>
      %select_n3A_757 = arith.select %lt3A_755, %get3A_749, %select_n3A_667 : vector<8x128xi1>, vector<8x128xi32>
      %sub3A_758 = arith.subf %get3A_743, %broadcast_in_dim3A_18 : vector<8x128xf32>
      %sub3A_759 = arith.subf %get3A_746, %broadcast_in_dim3A_46 : vector<8x128xf32>
      %mul3A_760 = arith.mulf %sub3A_758, %sub3A_758 : vector<8x128xf32>
      %mul3A_761 = arith.mulf %sub3A_759, %sub3A_759 : vector<8x128xf32>
      %add3A_762 = arith.addf %mul3A_760, %mul3A_761 : vector<8x128xf32>
      %lt3A_763 = arith.cmpf olt, %add3A_762, %select_n3A_674 : vector<8x128xf32>
      %select_n3A_764 = arith.select %lt3A_763, %add3A_762, %select_n3A_674 : vector<8x128xi1>, vector<8x128xf32>
      %select_n3A_765 = arith.select %lt3A_763, %get3A_749, %select_n3A_675 : vector<8x128xi1>, vector<8x128xi32>
      %sub3A_766 = arith.subf %get3A_743, %broadcast_in_dim3A_25 : vector<8x128xf32>
      %sub3A_767 = arith.subf %get3A_746, %broadcast_in_dim3A_53 : vector<8x128xf32>
      %mul3A_768 = arith.mulf %sub3A_766, %sub3A_766 : vector<8x128xf32>
      %mul3A_769 = arith.mulf %sub3A_767, %sub3A_767 : vector<8x128xf32>
      %add3A_770 = arith.addf %mul3A_768, %mul3A_769 : vector<8x128xf32>
      %lt3A_771 = arith.cmpf olt, %add3A_770, %select_n3A_682 : vector<8x128xf32>
      %select_n3A_772 = arith.select %lt3A_771, %add3A_770, %select_n3A_682 : vector<8x128xi1>, vector<8x128xf32>
      %select_n3A_773 = arith.select %lt3A_771, %get3A_749, %select_n3A_683 : vector<8x128xi1>, vector<8x128xi32>
      %sub3A_774 = arith.subf %get3A_743, %broadcast_in_dim3A_32 : vector<8x128xf32>
      %sub3A_775 = arith.subf %get3A_746, %broadcast_in_dim3A_60 : vector<8x128xf32>
      %mul3A_776 = arith.mulf %sub3A_774, %sub3A_774 : vector<8x128xf32>
      %mul3A_777 = arith.mulf %sub3A_775, %sub3A_775 : vector<8x128xf32>
      %add3A_778 = arith.addf %mul3A_776, %mul3A_777 : vector<8x128xf32>
      %lt3A_779 = arith.cmpf olt, %add3A_778, %select_n3A_690 : vector<8x128xf32>
      %select_n3A_780 = arith.select %lt3A_779, %add3A_778, %select_n3A_690 : vector<8x128xi1>, vector<8x128xf32>
      %select_n3A_781 = arith.select %lt3A_779, %get3A_749, %select_n3A_691 : vector<8x128xi1>, vector<8x128xi32>
      %add3A_782 = arith.constant 16 : i32
      %add3A_783 = arith.addi %get3A_6, %add3A_782 : i32
      %mul3A_784 = arith.constant 8 : i32
      %mul3A_785 = arith.muli %add3A_783, %mul3A_784 : i32
      %get3A_786 = arith.index_cast %mul3A_785 : i32 to index
      %get3A_787 = arith.constant 0 : index
      %get3A_788 = vector.load %arg2[%get3A_786, %get3A_787] : memref<6272x128xf32, #tpu.memory_space<vmem>>, vector<8x128xf32>
      %get3A_789 = arith.index_cast %mul3A_785 : i32 to index
      %get3A_790 = arith.constant 0 : index
      %get3A_791 = vector.load %arg3[%get3A_789, %get3A_790] : memref<6272x128xf32, #tpu.memory_space<vmem>>, vector<8x128xf32>
      %get3A_792 = arith.index_cast %mul3A_785 : i32 to index
      %get3A_793 = arith.constant 0 : index
      %get3A_794 = vector.load %arg4[%get3A_792, %get3A_793] : memref<6272x128xi32, #tpu.memory_space<vmem>>, vector<8x128xi32>
      %sub3A_795 = arith.subf %get3A_788, %broadcast_in_dim3A_11 : vector<8x128xf32>
      %sub3A_796 = arith.subf %get3A_791, %broadcast_in_dim3A_39 : vector<8x128xf32>
      %mul3A_797 = arith.mulf %sub3A_795, %sub3A_795 : vector<8x128xf32>
      %mul3A_798 = arith.mulf %sub3A_796, %sub3A_796 : vector<8x128xf32>
      %add3A_799 = arith.addf %mul3A_797, %mul3A_798 : vector<8x128xf32>
      %lt3A_800 = arith.cmpf olt, %add3A_799, %select_n3A_711 : vector<8x128xf32>
      %select_n3A_801 = arith.select %lt3A_800, %add3A_799, %select_n3A_711 : vector<8x128xi1>, vector<8x128xf32>
      %select_n3A_802 = arith.select %lt3A_800, %get3A_794, %select_n3A_712 : vector<8x128xi1>, vector<8x128xi32>
      %sub3A_803 = arith.subf %get3A_788, %broadcast_in_dim3A_18 : vector<8x128xf32>
      %sub3A_804 = arith.subf %get3A_791, %broadcast_in_dim3A_46 : vector<8x128xf32>
      %mul3A_805 = arith.mulf %sub3A_803, %sub3A_803 : vector<8x128xf32>
      %mul3A_806 = arith.mulf %sub3A_804, %sub3A_804 : vector<8x128xf32>
      %add3A_807 = arith.addf %mul3A_805, %mul3A_806 : vector<8x128xf32>
      %lt3A_808 = arith.cmpf olt, %add3A_807, %select_n3A_719 : vector<8x128xf32>
      %select_n3A_809 = arith.select %lt3A_808, %add3A_807, %select_n3A_719 : vector<8x128xi1>, vector<8x128xf32>
      %select_n3A_810 = arith.select %lt3A_808, %get3A_794, %select_n3A_720 : vector<8x128xi1>, vector<8x128xi32>
      %sub3A_811 = arith.subf %get3A_788, %broadcast_in_dim3A_25 : vector<8x128xf32>
      %sub3A_812 = arith.subf %get3A_791, %broadcast_in_dim3A_53 : vector<8x128xf32>
      %mul3A_813 = arith.mulf %sub3A_811, %sub3A_811 : vector<8x128xf32>
      %mul3A_814 = arith.mulf %sub3A_812, %sub3A_812 : vector<8x128xf32>
      %add3A_815 = arith.addf %mul3A_813, %mul3A_814 : vector<8x128xf32>
      %lt3A_816 = arith.cmpf olt, %add3A_815, %select_n3A_727 : vector<8x128xf32>
      %select_n3A_817 = arith.select %lt3A_816, %add3A_815, %select_n3A_727 : vector<8x128xi1>, vector<8x128xf32>
      %select_n3A_818 = arith.select %lt3A_816, %get3A_794, %select_n3A_728 : vector<8x128xi1>, vector<8x128xi32>
      %sub3A_819 = arith.subf %get3A_788, %broadcast_in_dim3A_32 : vector<8x128xf32>
      %sub3A_820 = arith.subf %get3A_791, %broadcast_in_dim3A_60 : vector<8x128xf32>
      %mul3A_821 = arith.mulf %sub3A_819, %sub3A_819 : vector<8x128xf32>
      %mul3A_822 = arith.mulf %sub3A_820, %sub3A_820 : vector<8x128xf32>
      %add3A_823 = arith.addf %mul3A_821, %mul3A_822 : vector<8x128xf32>
      %lt3A_824 = arith.cmpf olt, %add3A_823, %select_n3A_735 : vector<8x128xf32>
      %select_n3A_825 = arith.select %lt3A_824, %add3A_823, %select_n3A_735 : vector<8x128xi1>, vector<8x128xf32>
      %select_n3A_826 = arith.select %lt3A_824, %get3A_794, %select_n3A_736 : vector<8x128xi1>, vector<8x128xi32>
      %add3A_827 = arith.constant 17 : i32
      %add3A_828 = arith.addi %get3A_6, %add3A_827 : i32
      %mul3A_829 = arith.constant 8 : i32
      %mul3A_830 = arith.muli %add3A_828, %mul3A_829 : i32
      %get3A_831 = arith.index_cast %mul3A_830 : i32 to index
      %get3A_832 = arith.constant 0 : index
      %get3A_833 = vector.load %arg2[%get3A_831, %get3A_832] : memref<6272x128xf32, #tpu.memory_space<vmem>>, vector<8x128xf32>
      %get3A_834 = arith.index_cast %mul3A_830 : i32 to index
      %get3A_835 = arith.constant 0 : index
      %get3A_836 = vector.load %arg3[%get3A_834, %get3A_835] : memref<6272x128xf32, #tpu.memory_space<vmem>>, vector<8x128xf32>
      %get3A_837 = arith.index_cast %mul3A_830 : i32 to index
      %get3A_838 = arith.constant 0 : index
      %get3A_839 = vector.load %arg4[%get3A_837, %get3A_838] : memref<6272x128xi32, #tpu.memory_space<vmem>>, vector<8x128xi32>
      %sub3A_840 = arith.subf %get3A_833, %broadcast_in_dim3A_11 : vector<8x128xf32>
      %sub3A_841 = arith.subf %get3A_836, %broadcast_in_dim3A_39 : vector<8x128xf32>
      %mul3A_842 = arith.mulf %sub3A_840, %sub3A_840 : vector<8x128xf32>
      %mul3A_843 = arith.mulf %sub3A_841, %sub3A_841 : vector<8x128xf32>
      %add3A_844 = arith.addf %mul3A_842, %mul3A_843 : vector<8x128xf32>
      %lt3A_845 = arith.cmpf olt, %add3A_844, %select_n3A_756 : vector<8x128xf32>
      %select_n3A_846 = arith.select %lt3A_845, %add3A_844, %select_n3A_756 : vector<8x128xi1>, vector<8x128xf32>
      %select_n3A_847 = arith.select %lt3A_845, %get3A_839, %select_n3A_757 : vector<8x128xi1>, vector<8x128xi32>
      %sub3A_848 = arith.subf %get3A_833, %broadcast_in_dim3A_18 : vector<8x128xf32>
      %sub3A_849 = arith.subf %get3A_836, %broadcast_in_dim3A_46 : vector<8x128xf32>
      %mul3A_850 = arith.mulf %sub3A_848, %sub3A_848 : vector<8x128xf32>
      %mul3A_851 = arith.mulf %sub3A_849, %sub3A_849 : vector<8x128xf32>
      %add3A_852 = arith.addf %mul3A_850, %mul3A_851 : vector<8x128xf32>
      %lt3A_853 = arith.cmpf olt, %add3A_852, %select_n3A_764 : vector<8x128xf32>
      %select_n3A_854 = arith.select %lt3A_853, %add3A_852, %select_n3A_764 : vector<8x128xi1>, vector<8x128xf32>
      %select_n3A_855 = arith.select %lt3A_853, %get3A_839, %select_n3A_765 : vector<8x128xi1>, vector<8x128xi32>
      %sub3A_856 = arith.subf %get3A_833, %broadcast_in_dim3A_25 : vector<8x128xf32>
      %sub3A_857 = arith.subf %get3A_836, %broadcast_in_dim3A_53 : vector<8x128xf32>
      %mul3A_858 = arith.mulf %sub3A_856, %sub3A_856 : vector<8x128xf32>
      %mul3A_859 = arith.mulf %sub3A_857, %sub3A_857 : vector<8x128xf32>
      %add3A_860 = arith.addf %mul3A_858, %mul3A_859 : vector<8x128xf32>
      %lt3A_861 = arith.cmpf olt, %add3A_860, %select_n3A_772 : vector<8x128xf32>
      %select_n3A_862 = arith.select %lt3A_861, %add3A_860, %select_n3A_772 : vector<8x128xi1>, vector<8x128xf32>
      %select_n3A_863 = arith.select %lt3A_861, %get3A_839, %select_n3A_773 : vector<8x128xi1>, vector<8x128xi32>
      %sub3A_864 = arith.subf %get3A_833, %broadcast_in_dim3A_32 : vector<8x128xf32>
      %sub3A_865 = arith.subf %get3A_836, %broadcast_in_dim3A_60 : vector<8x128xf32>
      %mul3A_866 = arith.mulf %sub3A_864, %sub3A_864 : vector<8x128xf32>
      %mul3A_867 = arith.mulf %sub3A_865, %sub3A_865 : vector<8x128xf32>
      %add3A_868 = arith.addf %mul3A_866, %mul3A_867 : vector<8x128xf32>
      %lt3A_869 = arith.cmpf olt, %add3A_868, %select_n3A_780 : vector<8x128xf32>
      %select_n3A_870 = arith.select %lt3A_869, %add3A_868, %select_n3A_780 : vector<8x128xi1>, vector<8x128xf32>
      %select_n3A_871 = arith.select %lt3A_869, %get3A_839, %select_n3A_781 : vector<8x128xi1>, vector<8x128xi32>
      %add3A_872 = arith.constant 18 : i32
      %add3A_873 = arith.addi %get3A_6, %add3A_872 : i32
      %mul3A_874 = arith.constant 8 : i32
      %mul3A_875 = arith.muli %add3A_873, %mul3A_874 : i32
      %get3A_876 = arith.index_cast %mul3A_875 : i32 to index
      %get3A_877 = arith.constant 0 : index
      %get3A_878 = vector.load %arg2[%get3A_876, %get3A_877] : memref<6272x128xf32, #tpu.memory_space<vmem>>, vector<8x128xf32>
      %get3A_879 = arith.index_cast %mul3A_875 : i32 to index
      %get3A_880 = arith.constant 0 : index
      %get3A_881 = vector.load %arg3[%get3A_879, %get3A_880] : memref<6272x128xf32, #tpu.memory_space<vmem>>, vector<8x128xf32>
      %get3A_882 = arith.index_cast %mul3A_875 : i32 to index
      %get3A_883 = arith.constant 0 : index
      %get3A_884 = vector.load %arg4[%get3A_882, %get3A_883] : memref<6272x128xi32, #tpu.memory_space<vmem>>, vector<8x128xi32>
      %sub3A_885 = arith.subf %get3A_878, %broadcast_in_dim3A_11 : vector<8x128xf32>
      %sub3A_886 = arith.subf %get3A_881, %broadcast_in_dim3A_39 : vector<8x128xf32>
      %mul3A_887 = arith.mulf %sub3A_885, %sub3A_885 : vector<8x128xf32>
      %mul3A_888 = arith.mulf %sub3A_886, %sub3A_886 : vector<8x128xf32>
      %add3A_889 = arith.addf %mul3A_887, %mul3A_888 : vector<8x128xf32>
      %lt3A_890 = arith.cmpf olt, %add3A_889, %select_n3A_801 : vector<8x128xf32>
      %select_n3A_891 = arith.select %lt3A_890, %add3A_889, %select_n3A_801 : vector<8x128xi1>, vector<8x128xf32>
      %select_n3A_892 = arith.select %lt3A_890, %get3A_884, %select_n3A_802 : vector<8x128xi1>, vector<8x128xi32>
      %sub3A_893 = arith.subf %get3A_878, %broadcast_in_dim3A_18 : vector<8x128xf32>
      %sub3A_894 = arith.subf %get3A_881, %broadcast_in_dim3A_46 : vector<8x128xf32>
      %mul3A_895 = arith.mulf %sub3A_893, %sub3A_893 : vector<8x128xf32>
      %mul3A_896 = arith.mulf %sub3A_894, %sub3A_894 : vector<8x128xf32>
      %add3A_897 = arith.addf %mul3A_895, %mul3A_896 : vector<8x128xf32>
      %lt3A_898 = arith.cmpf olt, %add3A_897, %select_n3A_809 : vector<8x128xf32>
      %select_n3A_899 = arith.select %lt3A_898, %add3A_897, %select_n3A_809 : vector<8x128xi1>, vector<8x128xf32>
      %select_n3A_900 = arith.select %lt3A_898, %get3A_884, %select_n3A_810 : vector<8x128xi1>, vector<8x128xi32>
      %sub3A_901 = arith.subf %get3A_878, %broadcast_in_dim3A_25 : vector<8x128xf32>
      %sub3A_902 = arith.subf %get3A_881, %broadcast_in_dim3A_53 : vector<8x128xf32>
      %mul3A_903 = arith.mulf %sub3A_901, %sub3A_901 : vector<8x128xf32>
      %mul3A_904 = arith.mulf %sub3A_902, %sub3A_902 : vector<8x128xf32>
      %add3A_905 = arith.addf %mul3A_903, %mul3A_904 : vector<8x128xf32>
      %lt3A_906 = arith.cmpf olt, %add3A_905, %select_n3A_817 : vector<8x128xf32>
      %select_n3A_907 = arith.select %lt3A_906, %add3A_905, %select_n3A_817 : vector<8x128xi1>, vector<8x128xf32>
      %select_n3A_908 = arith.select %lt3A_906, %get3A_884, %select_n3A_818 : vector<8x128xi1>, vector<8x128xi32>
      %sub3A_909 = arith.subf %get3A_878, %broadcast_in_dim3A_32 : vector<8x128xf32>
      %sub3A_910 = arith.subf %get3A_881, %broadcast_in_dim3A_60 : vector<8x128xf32>
      %mul3A_911 = arith.mulf %sub3A_909, %sub3A_909 : vector<8x128xf32>
      %mul3A_912 = arith.mulf %sub3A_910, %sub3A_910 : vector<8x128xf32>
      %add3A_913 = arith.addf %mul3A_911, %mul3A_912 : vector<8x128xf32>
      %lt3A_914 = arith.cmpf olt, %add3A_913, %select_n3A_825 : vector<8x128xf32>
      %select_n3A_915 = arith.select %lt3A_914, %add3A_913, %select_n3A_825 : vector<8x128xi1>, vector<8x128xf32>
      %select_n3A_916 = arith.select %lt3A_914, %get3A_884, %select_n3A_826 : vector<8x128xi1>, vector<8x128xi32>
      %add3A_917 = arith.constant 19 : i32
      %add3A_918 = arith.addi %get3A_6, %add3A_917 : i32
      %mul3A_919 = arith.constant 8 : i32
      %mul3A_920 = arith.muli %add3A_918, %mul3A_919 : i32
      %get3A_921 = arith.index_cast %mul3A_920 : i32 to index
      %get3A_922 = arith.constant 0 : index
      %get3A_923 = vector.load %arg2[%get3A_921, %get3A_922] : memref<6272x128xf32, #tpu.memory_space<vmem>>, vector<8x128xf32>
      %get3A_924 = arith.index_cast %mul3A_920 : i32 to index
      %get3A_925 = arith.constant 0 : index
      %get3A_926 = vector.load %arg3[%get3A_924, %get3A_925] : memref<6272x128xf32, #tpu.memory_space<vmem>>, vector<8x128xf32>
      %get3A_927 = arith.index_cast %mul3A_920 : i32 to index
      %get3A_928 = arith.constant 0 : index
      %get3A_929 = vector.load %arg4[%get3A_927, %get3A_928] : memref<6272x128xi32, #tpu.memory_space<vmem>>, vector<8x128xi32>
      %sub3A_930 = arith.subf %get3A_923, %broadcast_in_dim3A_11 : vector<8x128xf32>
      %sub3A_931 = arith.subf %get3A_926, %broadcast_in_dim3A_39 : vector<8x128xf32>
      %mul3A_932 = arith.mulf %sub3A_930, %sub3A_930 : vector<8x128xf32>
      %mul3A_933 = arith.mulf %sub3A_931, %sub3A_931 : vector<8x128xf32>
      %add3A_934 = arith.addf %mul3A_932, %mul3A_933 : vector<8x128xf32>
      %lt3A_935 = arith.cmpf olt, %add3A_934, %select_n3A_846 : vector<8x128xf32>
      %select_n3A_936 = arith.select %lt3A_935, %add3A_934, %select_n3A_846 : vector<8x128xi1>, vector<8x128xf32>
      %select_n3A_937 = arith.select %lt3A_935, %get3A_929, %select_n3A_847 : vector<8x128xi1>, vector<8x128xi32>
      %sub3A_938 = arith.subf %get3A_923, %broadcast_in_dim3A_18 : vector<8x128xf32>
      %sub3A_939 = arith.subf %get3A_926, %broadcast_in_dim3A_46 : vector<8x128xf32>
      %mul3A_940 = arith.mulf %sub3A_938, %sub3A_938 : vector<8x128xf32>
      %mul3A_941 = arith.mulf %sub3A_939, %sub3A_939 : vector<8x128xf32>
      %add3A_942 = arith.addf %mul3A_940, %mul3A_941 : vector<8x128xf32>
      %lt3A_943 = arith.cmpf olt, %add3A_942, %select_n3A_854 : vector<8x128xf32>
      %select_n3A_944 = arith.select %lt3A_943, %add3A_942, %select_n3A_854 : vector<8x128xi1>, vector<8x128xf32>
      %select_n3A_945 = arith.select %lt3A_943, %get3A_929, %select_n3A_855 : vector<8x128xi1>, vector<8x128xi32>
      %sub3A_946 = arith.subf %get3A_923, %broadcast_in_dim3A_25 : vector<8x128xf32>
      %sub3A_947 = arith.subf %get3A_926, %broadcast_in_dim3A_53 : vector<8x128xf32>
      %mul3A_948 = arith.mulf %sub3A_946, %sub3A_946 : vector<8x128xf32>
      %mul3A_949 = arith.mulf %sub3A_947, %sub3A_947 : vector<8x128xf32>
      %add3A_950 = arith.addf %mul3A_948, %mul3A_949 : vector<8x128xf32>
      %lt3A_951 = arith.cmpf olt, %add3A_950, %select_n3A_862 : vector<8x128xf32>
      %select_n3A_952 = arith.select %lt3A_951, %add3A_950, %select_n3A_862 : vector<8x128xi1>, vector<8x128xf32>
      %select_n3A_953 = arith.select %lt3A_951, %get3A_929, %select_n3A_863 : vector<8x128xi1>, vector<8x128xi32>
      %sub3A_954 = arith.subf %get3A_923, %broadcast_in_dim3A_32 : vector<8x128xf32>
      %sub3A_955 = arith.subf %get3A_926, %broadcast_in_dim3A_60 : vector<8x128xf32>
      %mul3A_956 = arith.mulf %sub3A_954, %sub3A_954 : vector<8x128xf32>
      %mul3A_957 = arith.mulf %sub3A_955, %sub3A_955 : vector<8x128xf32>
      %add3A_958 = arith.addf %mul3A_956, %mul3A_957 : vector<8x128xf32>
      %lt3A_959 = arith.cmpf olt, %add3A_958, %select_n3A_870 : vector<8x128xf32>
      %select_n3A_960 = arith.select %lt3A_959, %add3A_958, %select_n3A_870 : vector<8x128xi1>, vector<8x128xf32>
      %select_n3A_961 = arith.select %lt3A_959, %get3A_929, %select_n3A_871 : vector<8x128xi1>, vector<8x128xi32>
      %add3A_962 = arith.constant 20 : i32
      %add3A_963 = arith.addi %get3A_6, %add3A_962 : i32
      %mul3A_964 = arith.constant 8 : i32
      %mul3A_965 = arith.muli %add3A_963, %mul3A_964 : i32
      %get3A_966 = arith.index_cast %mul3A_965 : i32 to index
      %get3A_967 = arith.constant 0 : index
      %get3A_968 = vector.load %arg2[%get3A_966, %get3A_967] : memref<6272x128xf32, #tpu.memory_space<vmem>>, vector<8x128xf32>
      %get3A_969 = arith.index_cast %mul3A_965 : i32 to index
      %get3A_970 = arith.constant 0 : index
      %get3A_971 = vector.load %arg3[%get3A_969, %get3A_970] : memref<6272x128xf32, #tpu.memory_space<vmem>>, vector<8x128xf32>
      %get3A_972 = arith.index_cast %mul3A_965 : i32 to index
      %get3A_973 = arith.constant 0 : index
      %get3A_974 = vector.load %arg4[%get3A_972, %get3A_973] : memref<6272x128xi32, #tpu.memory_space<vmem>>, vector<8x128xi32>
      %sub3A_975 = arith.subf %get3A_968, %broadcast_in_dim3A_11 : vector<8x128xf32>
      %sub3A_976 = arith.subf %get3A_971, %broadcast_in_dim3A_39 : vector<8x128xf32>
      %mul3A_977 = arith.mulf %sub3A_975, %sub3A_975 : vector<8x128xf32>
      %mul3A_978 = arith.mulf %sub3A_976, %sub3A_976 : vector<8x128xf32>
      %add3A_979 = arith.addf %mul3A_977, %mul3A_978 : vector<8x128xf32>
      %lt3A_980 = arith.cmpf olt, %add3A_979, %select_n3A_891 : vector<8x128xf32>
      %select_n3A_981 = arith.select %lt3A_980, %add3A_979, %select_n3A_891 : vector<8x128xi1>, vector<8x128xf32>
      %select_n3A_982 = arith.select %lt3A_980, %get3A_974, %select_n3A_892 : vector<8x128xi1>, vector<8x128xi32>
      %sub3A_983 = arith.subf %get3A_968, %broadcast_in_dim3A_18 : vector<8x128xf32>
      %sub3A_984 = arith.subf %get3A_971, %broadcast_in_dim3A_46 : vector<8x128xf32>
      %mul3A_985 = arith.mulf %sub3A_983, %sub3A_983 : vector<8x128xf32>
      %mul3A_986 = arith.mulf %sub3A_984, %sub3A_984 : vector<8x128xf32>
      %add3A_987 = arith.addf %mul3A_985, %mul3A_986 : vector<8x128xf32>
      %lt3A_988 = arith.cmpf olt, %add3A_987, %select_n3A_899 : vector<8x128xf32>
      %select_n3A_989 = arith.select %lt3A_988, %add3A_987, %select_n3A_899 : vector<8x128xi1>, vector<8x128xf32>
      %select_n3A_990 = arith.select %lt3A_988, %get3A_974, %select_n3A_900 : vector<8x128xi1>, vector<8x128xi32>
      %sub3A_991 = arith.subf %get3A_968, %broadcast_in_dim3A_25 : vector<8x128xf32>
      %sub3A_992 = arith.subf %get3A_971, %broadcast_in_dim3A_53 : vector<8x128xf32>
      %mul3A_993 = arith.mulf %sub3A_991, %sub3A_991 : vector<8x128xf32>
      %mul3A_994 = arith.mulf %sub3A_992, %sub3A_992 : vector<8x128xf32>
      %add3A_995 = arith.addf %mul3A_993, %mul3A_994 : vector<8x128xf32>
      %lt3A_996 = arith.cmpf olt, %add3A_995, %select_n3A_907 : vector<8x128xf32>
      %select_n3A_997 = arith.select %lt3A_996, %add3A_995, %select_n3A_907 : vector<8x128xi1>, vector<8x128xf32>
      %select_n3A_998 = arith.select %lt3A_996, %get3A_974, %select_n3A_908 : vector<8x128xi1>, vector<8x128xi32>
      %sub3A_999 = arith.subf %get3A_968, %broadcast_in_dim3A_32 : vector<8x128xf32>
      %sub3A_1000 = arith.subf %get3A_971, %broadcast_in_dim3A_60 : vector<8x128xf32>
      %mul3A_1001 = arith.mulf %sub3A_999, %sub3A_999 : vector<8x128xf32>
      %mul3A_1002 = arith.mulf %sub3A_1000, %sub3A_1000 : vector<8x128xf32>
      %add3A_1003 = arith.addf %mul3A_1001, %mul3A_1002 : vector<8x128xf32>
      %lt3A_1004 = arith.cmpf olt, %add3A_1003, %select_n3A_915 : vector<8x128xf32>
      %select_n3A_1005 = arith.select %lt3A_1004, %add3A_1003, %select_n3A_915 : vector<8x128xi1>, vector<8x128xf32>
      %select_n3A_1006 = arith.select %lt3A_1004, %get3A_974, %select_n3A_916 : vector<8x128xi1>, vector<8x128xi32>
      %add3A_1007 = arith.constant 21 : i32
      %add3A_1008 = arith.addi %get3A_6, %add3A_1007 : i32
      %mul3A_1009 = arith.constant 8 : i32
      %mul3A_1010 = arith.muli %add3A_1008, %mul3A_1009 : i32
      %get3A_1011 = arith.index_cast %mul3A_1010 : i32 to index
      %get3A_1012 = arith.constant 0 : index
      %get3A_1013 = vector.load %arg2[%get3A_1011, %get3A_1012] : memref<6272x128xf32, #tpu.memory_space<vmem>>, vector<8x128xf32>
      %get3A_1014 = arith.index_cast %mul3A_1010 : i32 to index
      %get3A_1015 = arith.constant 0 : index
      %get3A_1016 = vector.load %arg3[%get3A_1014, %get3A_1015] : memref<6272x128xf32, #tpu.memory_space<vmem>>, vector<8x128xf32>
      %get3A_1017 = arith.index_cast %mul3A_1010 : i32 to index
      %get3A_1018 = arith.constant 0 : index
      %get3A_1019 = vector.load %arg4[%get3A_1017, %get3A_1018] : memref<6272x128xi32, #tpu.memory_space<vmem>>, vector<8x128xi32>
      %sub3A_1020 = arith.subf %get3A_1013, %broadcast_in_dim3A_11 : vector<8x128xf32>
      %sub3A_1021 = arith.subf %get3A_1016, %broadcast_in_dim3A_39 : vector<8x128xf32>
      %mul3A_1022 = arith.mulf %sub3A_1020, %sub3A_1020 : vector<8x128xf32>
      %mul3A_1023 = arith.mulf %sub3A_1021, %sub3A_1021 : vector<8x128xf32>
      %add3A_1024 = arith.addf %mul3A_1022, %mul3A_1023 : vector<8x128xf32>
      %lt3A_1025 = arith.cmpf olt, %add3A_1024, %select_n3A_936 : vector<8x128xf32>
      %select_n3A_1026 = arith.select %lt3A_1025, %add3A_1024, %select_n3A_936 : vector<8x128xi1>, vector<8x128xf32>
      %select_n3A_1027 = arith.select %lt3A_1025, %get3A_1019, %select_n3A_937 : vector<8x128xi1>, vector<8x128xi32>
      %sub3A_1028 = arith.subf %get3A_1013, %broadcast_in_dim3A_18 : vector<8x128xf32>
      %sub3A_1029 = arith.subf %get3A_1016, %broadcast_in_dim3A_46 : vector<8x128xf32>
      %mul3A_1030 = arith.mulf %sub3A_1028, %sub3A_1028 : vector<8x128xf32>
      %mul3A_1031 = arith.mulf %sub3A_1029, %sub3A_1029 : vector<8x128xf32>
      %add3A_1032 = arith.addf %mul3A_1030, %mul3A_1031 : vector<8x128xf32>
      %lt3A_1033 = arith.cmpf olt, %add3A_1032, %select_n3A_944 : vector<8x128xf32>
      %select_n3A_1034 = arith.select %lt3A_1033, %add3A_1032, %select_n3A_944 : vector<8x128xi1>, vector<8x128xf32>
      %select_n3A_1035 = arith.select %lt3A_1033, %get3A_1019, %select_n3A_945 : vector<8x128xi1>, vector<8x128xi32>
      %sub3A_1036 = arith.subf %get3A_1013, %broadcast_in_dim3A_25 : vector<8x128xf32>
      %sub3A_1037 = arith.subf %get3A_1016, %broadcast_in_dim3A_53 : vector<8x128xf32>
      %mul3A_1038 = arith.mulf %sub3A_1036, %sub3A_1036 : vector<8x128xf32>
      %mul3A_1039 = arith.mulf %sub3A_1037, %sub3A_1037 : vector<8x128xf32>
      %add3A_1040 = arith.addf %mul3A_1038, %mul3A_1039 : vector<8x128xf32>
      %lt3A_1041 = arith.cmpf olt, %add3A_1040, %select_n3A_952 : vector<8x128xf32>
      %select_n3A_1042 = arith.select %lt3A_1041, %add3A_1040, %select_n3A_952 : vector<8x128xi1>, vector<8x128xf32>
      %select_n3A_1043 = arith.select %lt3A_1041, %get3A_1019, %select_n3A_953 : vector<8x128xi1>, vector<8x128xi32>
      %sub3A_1044 = arith.subf %get3A_1013, %broadcast_in_dim3A_32 : vector<8x128xf32>
      %sub3A_1045 = arith.subf %get3A_1016, %broadcast_in_dim3A_60 : vector<8x128xf32>
      %mul3A_1046 = arith.mulf %sub3A_1044, %sub3A_1044 : vector<8x128xf32>
      %mul3A_1047 = arith.mulf %sub3A_1045, %sub3A_1045 : vector<8x128xf32>
      %add3A_1048 = arith.addf %mul3A_1046, %mul3A_1047 : vector<8x128xf32>
      %lt3A_1049 = arith.cmpf olt, %add3A_1048, %select_n3A_960 : vector<8x128xf32>
      %select_n3A_1050 = arith.select %lt3A_1049, %add3A_1048, %select_n3A_960 : vector<8x128xi1>, vector<8x128xf32>
      %select_n3A_1051 = arith.select %lt3A_1049, %get3A_1019, %select_n3A_961 : vector<8x128xi1>, vector<8x128xi32>
      %add3A_1052 = arith.constant 22 : i32
      %add3A_1053 = arith.addi %get3A_6, %add3A_1052 : i32
      %mul3A_1054 = arith.constant 8 : i32
      %mul3A_1055 = arith.muli %add3A_1053, %mul3A_1054 : i32
      %get3A_1056 = arith.index_cast %mul3A_1055 : i32 to index
      %get3A_1057 = arith.constant 0 : index
      %get3A_1058 = vector.load %arg2[%get3A_1056, %get3A_1057] : memref<6272x128xf32, #tpu.memory_space<vmem>>, vector<8x128xf32>
      %get3A_1059 = arith.index_cast %mul3A_1055 : i32 to index
      %get3A_1060 = arith.constant 0 : index
      %get3A_1061 = vector.load %arg3[%get3A_1059, %get3A_1060] : memref<6272x128xf32, #tpu.memory_space<vmem>>, vector<8x128xf32>
      %get3A_1062 = arith.index_cast %mul3A_1055 : i32 to index
      %get3A_1063 = arith.constant 0 : index
      %get3A_1064 = vector.load %arg4[%get3A_1062, %get3A_1063] : memref<6272x128xi32, #tpu.memory_space<vmem>>, vector<8x128xi32>
      %sub3A_1065 = arith.subf %get3A_1058, %broadcast_in_dim3A_11 : vector<8x128xf32>
      %sub3A_1066 = arith.subf %get3A_1061, %broadcast_in_dim3A_39 : vector<8x128xf32>
      %mul3A_1067 = arith.mulf %sub3A_1065, %sub3A_1065 : vector<8x128xf32>
      %mul3A_1068 = arith.mulf %sub3A_1066, %sub3A_1066 : vector<8x128xf32>
      %add3A_1069 = arith.addf %mul3A_1067, %mul3A_1068 : vector<8x128xf32>
      %lt3A_1070 = arith.cmpf olt, %add3A_1069, %select_n3A_981 : vector<8x128xf32>
      %select_n3A_1071 = arith.select %lt3A_1070, %add3A_1069, %select_n3A_981 : vector<8x128xi1>, vector<8x128xf32>
      %select_n3A_1072 = arith.select %lt3A_1070, %get3A_1064, %select_n3A_982 : vector<8x128xi1>, vector<8x128xi32>
      %sub3A_1073 = arith.subf %get3A_1058, %broadcast_in_dim3A_18 : vector<8x128xf32>
      %sub3A_1074 = arith.subf %get3A_1061, %broadcast_in_dim3A_46 : vector<8x128xf32>
      %mul3A_1075 = arith.mulf %sub3A_1073, %sub3A_1073 : vector<8x128xf32>
      %mul3A_1076 = arith.mulf %sub3A_1074, %sub3A_1074 : vector<8x128xf32>
      %add3A_1077 = arith.addf %mul3A_1075, %mul3A_1076 : vector<8x128xf32>
      %lt3A_1078 = arith.cmpf olt, %add3A_1077, %select_n3A_989 : vector<8x128xf32>
      %select_n3A_1079 = arith.select %lt3A_1078, %add3A_1077, %select_n3A_989 : vector<8x128xi1>, vector<8x128xf32>
      %select_n3A_1080 = arith.select %lt3A_1078, %get3A_1064, %select_n3A_990 : vector<8x128xi1>, vector<8x128xi32>
      %sub3A_1081 = arith.subf %get3A_1058, %broadcast_in_dim3A_25 : vector<8x128xf32>
      %sub3A_1082 = arith.subf %get3A_1061, %broadcast_in_dim3A_53 : vector<8x128xf32>
      %mul3A_1083 = arith.mulf %sub3A_1081, %sub3A_1081 : vector<8x128xf32>
      %mul3A_1084 = arith.mulf %sub3A_1082, %sub3A_1082 : vector<8x128xf32>
      %add3A_1085 = arith.addf %mul3A_1083, %mul3A_1084 : vector<8x128xf32>
      %lt3A_1086 = arith.cmpf olt, %add3A_1085, %select_n3A_997 : vector<8x128xf32>
      %select_n3A_1087 = arith.select %lt3A_1086, %add3A_1085, %select_n3A_997 : vector<8x128xi1>, vector<8x128xf32>
      %select_n3A_1088 = arith.select %lt3A_1086, %get3A_1064, %select_n3A_998 : vector<8x128xi1>, vector<8x128xi32>
      %sub3A_1089 = arith.subf %get3A_1058, %broadcast_in_dim3A_32 : vector<8x128xf32>
      %sub3A_1090 = arith.subf %get3A_1061, %broadcast_in_dim3A_60 : vector<8x128xf32>
      %mul3A_1091 = arith.mulf %sub3A_1089, %sub3A_1089 : vector<8x128xf32>
      %mul3A_1092 = arith.mulf %sub3A_1090, %sub3A_1090 : vector<8x128xf32>
      %add3A_1093 = arith.addf %mul3A_1091, %mul3A_1092 : vector<8x128xf32>
      %lt3A_1094 = arith.cmpf olt, %add3A_1093, %select_n3A_1005 : vector<8x128xf32>
      %select_n3A_1095 = arith.select %lt3A_1094, %add3A_1093, %select_n3A_1005 : vector<8x128xi1>, vector<8x128xf32>
      %select_n3A_1096 = arith.select %lt3A_1094, %get3A_1064, %select_n3A_1006 : vector<8x128xi1>, vector<8x128xi32>
      %add3A_1097 = arith.constant 23 : i32
      %add3A_1098 = arith.addi %get3A_6, %add3A_1097 : i32
      %mul3A_1099 = arith.constant 8 : i32
      %mul3A_1100 = arith.muli %add3A_1098, %mul3A_1099 : i32
      %get3A_1101 = arith.index_cast %mul3A_1100 : i32 to index
      %get3A_1102 = arith.constant 0 : index
      %get3A_1103 = vector.load %arg2[%get3A_1101, %get3A_1102] : memref<6272x128xf32, #tpu.memory_space<vmem>>, vector<8x128xf32>
      %get3A_1104 = arith.index_cast %mul3A_1100 : i32 to index
      %get3A_1105 = arith.constant 0 : index
      %get3A_1106 = vector.load %arg3[%get3A_1104, %get3A_1105] : memref<6272x128xf32, #tpu.memory_space<vmem>>, vector<8x128xf32>
      %get3A_1107 = arith.index_cast %mul3A_1100 : i32 to index
      %get3A_1108 = arith.constant 0 : index
      %get3A_1109 = vector.load %arg4[%get3A_1107, %get3A_1108] : memref<6272x128xi32, #tpu.memory_space<vmem>>, vector<8x128xi32>
      %sub3A_1110 = arith.subf %get3A_1103, %broadcast_in_dim3A_11 : vector<8x128xf32>
      %sub3A_1111 = arith.subf %get3A_1106, %broadcast_in_dim3A_39 : vector<8x128xf32>
      %mul3A_1112 = arith.mulf %sub3A_1110, %sub3A_1110 : vector<8x128xf32>
      %mul3A_1113 = arith.mulf %sub3A_1111, %sub3A_1111 : vector<8x128xf32>
      %add3A_1114 = arith.addf %mul3A_1112, %mul3A_1113 : vector<8x128xf32>
      %lt3A_1115 = arith.cmpf olt, %add3A_1114, %select_n3A_1026 : vector<8x128xf32>
      %select_n3A_1116 = arith.select %lt3A_1115, %add3A_1114, %select_n3A_1026 : vector<8x128xi1>, vector<8x128xf32>
      %select_n3A_1117 = arith.select %lt3A_1115, %get3A_1109, %select_n3A_1027 : vector<8x128xi1>, vector<8x128xi32>
      %sub3A_1118 = arith.subf %get3A_1103, %broadcast_in_dim3A_18 : vector<8x128xf32>
      %sub3A_1119 = arith.subf %get3A_1106, %broadcast_in_dim3A_46 : vector<8x128xf32>
      %mul3A_1120 = arith.mulf %sub3A_1118, %sub3A_1118 : vector<8x128xf32>
      %mul3A_1121 = arith.mulf %sub3A_1119, %sub3A_1119 : vector<8x128xf32>
      %add3A_1122 = arith.addf %mul3A_1120, %mul3A_1121 : vector<8x128xf32>
      %lt3A_1123 = arith.cmpf olt, %add3A_1122, %select_n3A_1034 : vector<8x128xf32>
      %select_n3A_1124 = arith.select %lt3A_1123, %add3A_1122, %select_n3A_1034 : vector<8x128xi1>, vector<8x128xf32>
      %select_n3A_1125 = arith.select %lt3A_1123, %get3A_1109, %select_n3A_1035 : vector<8x128xi1>, vector<8x128xi32>
      %sub3A_1126 = arith.subf %get3A_1103, %broadcast_in_dim3A_25 : vector<8x128xf32>
      %sub3A_1127 = arith.subf %get3A_1106, %broadcast_in_dim3A_53 : vector<8x128xf32>
      %mul3A_1128 = arith.mulf %sub3A_1126, %sub3A_1126 : vector<8x128xf32>
      %mul3A_1129 = arith.mulf %sub3A_1127, %sub3A_1127 : vector<8x128xf32>
      %add3A_1130 = arith.addf %mul3A_1128, %mul3A_1129 : vector<8x128xf32>
      %lt3A_1131 = arith.cmpf olt, %add3A_1130, %select_n3A_1042 : vector<8x128xf32>
      %select_n3A_1132 = arith.select %lt3A_1131, %add3A_1130, %select_n3A_1042 : vector<8x128xi1>, vector<8x128xf32>
      %select_n3A_1133 = arith.select %lt3A_1131, %get3A_1109, %select_n3A_1043 : vector<8x128xi1>, vector<8x128xi32>
      %sub3A_1134 = arith.subf %get3A_1103, %broadcast_in_dim3A_32 : vector<8x128xf32>
      %sub3A_1135 = arith.subf %get3A_1106, %broadcast_in_dim3A_60 : vector<8x128xf32>
      %mul3A_1136 = arith.mulf %sub3A_1134, %sub3A_1134 : vector<8x128xf32>
      %mul3A_1137 = arith.mulf %sub3A_1135, %sub3A_1135 : vector<8x128xf32>
      %add3A_1138 = arith.addf %mul3A_1136, %mul3A_1137 : vector<8x128xf32>
      %lt3A_1139 = arith.cmpf olt, %add3A_1138, %select_n3A_1050 : vector<8x128xf32>
      %select_n3A_1140 = arith.select %lt3A_1139, %add3A_1138, %select_n3A_1050 : vector<8x128xi1>, vector<8x128xf32>
      %select_n3A_1141 = arith.select %lt3A_1139, %get3A_1109, %select_n3A_1051 : vector<8x128xi1>, vector<8x128xi32>
      %lt3A_1142 = arith.cmpf olt, %select_n3A_1116, %select_n3A_1071 : vector<8x128xf32>
      %eq3A = arith.cmpf oeq, %select_n3A_1116, %select_n3A_1071 : vector<8x128xf32>
      %lt3A_1143 = arith.cmpi slt, %select_n3A_1117, %select_n3A_1072 : vector<8x128xi32>
      %and3A = arith.andi %eq3A, %lt3A_1143 : vector<8x128xi1>
      %or3A = arith.ori %lt3A_1142, %and3A : vector<8x128xi1>
      %select_n3A_1144 = arith.select %or3A, %select_n3A_1116, %select_n3A_1071 : vector<8x128xi1>, vector<8x128xf32>
      %select_n3A_1145 = arith.select %or3A, %select_n3A_1117, %select_n3A_1072 : vector<8x128xi1>, vector<8x128xi32>
      %reduce_min3A = arith.constant dense<0x7F800000> : vector<8xf32>
      %reduce_min3A_1146 = vector.multi_reduction <minimumf>, %select_n3A_1144, %reduce_min3A [1] : vector<8x128xf32> to vector<8xf32>
      %broadcast_in_dim3A_1147 = vector.shape_cast %reduce_min3A_1146 : vector<8xf32> to vector<8x1xf32>
      %eq3A_1148 = vector.broadcast %broadcast_in_dim3A_1147 : vector<8x1xf32> to vector<8x128xf32>
      %eq3A_1149 = arith.cmpf oeq, %select_n3A_1144, %eq3A_1148 : vector<8x128xf32>
      %jit3A = arith.constant 2147483647 : i32
      %broadcast_in_dim3A_1150 = vector.broadcast %jit3A : i32 to vector<8x128xi32>
      %select_n3A_1151 = arith.select %eq3A_1149, %select_n3A_1145, %broadcast_in_dim3A_1150 : vector<8x128xi1>, vector<8x128xi32>
      %reduce_min3A_1152 = arith.constant dense<2147483647> : vector<8xi32>
      %reduce_min3A_1153 = vector.multi_reduction <minsi>, %select_n3A_1151, %reduce_min3A_1152 [1] : vector<8x128xi32> to vector<8xi32>
      %broadcast_in_dim3A_1154 = vector.shape_cast %reduce_min3A_1153 : vector<8xi32> to vector<8x1xi32>
      %add3A_1155 = arith.constant 0 : i32
      %add3A_1156 = arith.addi %mul3A_5, %add3A_1155 : i32
      %swap3A = arith.index_cast %add3A_1156 : i32 to index
      %swap3A_1157 = arith.constant 0 : index
      %swap3A_1158 = vector.load %arg6[%swap3A, %swap3A_1157] : memref<4096x1xi32, #tpu.memory_space<vmem>>, vector<8x1xi32>
      tpu.vector_store %arg6[%swap3A, %swap3A_1157], %broadcast_in_dim3A_1154 {strides = array<i32>} : memref<4096x1xi32, #tpu.memory_space<vmem>>, vector<8x1xi32>,
      %add3A_1159 = arith.constant 0 : i32
      %add3A_1160 = arith.addi %mul3A_5, %add3A_1159 : i32
      %swap3A_1161 = arith.index_cast %add3A_1160 : i32 to index
      %swap3A_1162 = arith.constant 0 : index
      %swap3A_1163 = vector.load %arg7[%swap3A_1161, %swap3A_1162] : memref<4096x1xf32, #tpu.memory_space<vmem>>, vector<8x1xf32>
      tpu.vector_store %arg7[%swap3A_1161, %swap3A_1162], %broadcast_in_dim3A_1147 {strides = array<i32>} : memref<4096x1xf32, #tpu.memory_space<vmem>>, vector<8x1xf32>,
      %lt3A_1164 = arith.cmpf olt, %select_n3A_1124, %select_n3A_1079 : vector<8x128xf32>
      %eq3A_1165 = arith.cmpf oeq, %select_n3A_1124, %select_n3A_1079 : vector<8x128xf32>
      %lt3A_1166 = arith.cmpi slt, %select_n3A_1125, %select_n3A_1080 : vector<8x128xi32>
      %and3A_1167 = arith.andi %eq3A_1165, %lt3A_1166 : vector<8x128xi1>
      %or3A_1168 = arith.ori %lt3A_1164, %and3A_1167 : vector<8x128xi1>
      %select_n3A_1169 = arith.select %or3A_1168, %select_n3A_1124, %select_n3A_1079 : vector<8x128xi1>, vector<8x128xf32>
      %select_n3A_1170 = arith.select %or3A_1168, %select_n3A_1125, %select_n3A_1080 : vector<8x128xi1>, vector<8x128xi32>
      %reduce_min3A_1171 = arith.constant dense<0x7F800000> : vector<8xf32>
      %reduce_min3A_1172 = vector.multi_reduction <minimumf>, %select_n3A_1169, %reduce_min3A_1171 [1] : vector<8x128xf32> to vector<8xf32>
      %broadcast_in_dim3A_1173 = vector.shape_cast %reduce_min3A_1172 : vector<8xf32> to vector<8x1xf32>
      %eq3A_1174 = vector.broadcast %broadcast_in_dim3A_1173 : vector<8x1xf32> to vector<8x128xf32>
      %eq3A_1175 = arith.cmpf oeq, %select_n3A_1169, %eq3A_1174 : vector<8x128xf32>
      %jit3A_1176 = arith.constant 2147483647 : i32
      %broadcast_in_dim3A_1177 = vector.broadcast %jit3A_1176 : i32 to vector<8x128xi32>
      %select_n3A_1178 = arith.select %eq3A_1175, %select_n3A_1170, %broadcast_in_dim3A_1177 : vector<8x128xi1>, vector<8x128xi32>
      %reduce_min3A_1179 = arith.constant dense<2147483647> : vector<8xi32>
      %reduce_min3A_1180 = vector.multi_reduction <minsi>, %select_n3A_1178, %reduce_min3A_1179 [1] : vector<8x128xi32> to vector<8xi32>
      %broadcast_in_dim3A_1181 = vector.shape_cast %reduce_min3A_1180 : vector<8xi32> to vector<8x1xi32>
      %add3A_1182 = arith.constant 8 : i32
      %add3A_1183 = arith.addi %mul3A_5, %add3A_1182 : i32
      %swap3A_1184 = arith.index_cast %add3A_1183 : i32 to index
      %swap3A_1185 = arith.constant 0 : index
      %swap3A_1186 = vector.load %arg6[%swap3A_1184, %swap3A_1185] : memref<4096x1xi32, #tpu.memory_space<vmem>>, vector<8x1xi32>
      tpu.vector_store %arg6[%swap3A_1184, %swap3A_1185], %broadcast_in_dim3A_1181 {strides = array<i32>} : memref<4096x1xi32, #tpu.memory_space<vmem>>, vector<8x1xi32>,
      %add3A_1187 = arith.constant 8 : i32
      %add3A_1188 = arith.addi %mul3A_5, %add3A_1187 : i32
      %swap3A_1189 = arith.index_cast %add3A_1188 : i32 to index
      %swap3A_1190 = arith.constant 0 : index
      %swap3A_1191 = vector.load %arg7[%swap3A_1189, %swap3A_1190] : memref<4096x1xf32, #tpu.memory_space<vmem>>, vector<8x1xf32>
      tpu.vector_store %arg7[%swap3A_1189, %swap3A_1190], %broadcast_in_dim3A_1173 {strides = array<i32>} : memref<4096x1xf32, #tpu.memory_space<vmem>>, vector<8x1xf32>,
      %lt3A_1192 = arith.cmpf olt, %select_n3A_1132, %select_n3A_1087 : vector<8x128xf32>
      %eq3A_1193 = arith.cmpf oeq, %select_n3A_1132, %select_n3A_1087 : vector<8x128xf32>
      %lt3A_1194 = arith.cmpi slt, %select_n3A_1133, %select_n3A_1088 : vector<8x128xi32>
      %and3A_1195 = arith.andi %eq3A_1193, %lt3A_1194 : vector<8x128xi1>
      %or3A_1196 = arith.ori %lt3A_1192, %and3A_1195 : vector<8x128xi1>
      %select_n3A_1197 = arith.select %or3A_1196, %select_n3A_1132, %select_n3A_1087 : vector<8x128xi1>, vector<8x128xf32>
      %select_n3A_1198 = arith.select %or3A_1196, %select_n3A_1133, %select_n3A_1088 : vector<8x128xi1>, vector<8x128xi32>
      %reduce_min3A_1199 = arith.constant dense<0x7F800000> : vector<8xf32>
      %reduce_min3A_1200 = vector.multi_reduction <minimumf>, %select_n3A_1197, %reduce_min3A_1199 [1] : vector<8x128xf32> to vector<8xf32>
      %broadcast_in_dim3A_1201 = vector.shape_cast %reduce_min3A_1200 : vector<8xf32> to vector<8x1xf32>
      %eq3A_1202 = vector.broadcast %broadcast_in_dim3A_1201 : vector<8x1xf32> to vector<8x128xf32>
      %eq3A_1203 = arith.cmpf oeq, %select_n3A_1197, %eq3A_1202 : vector<8x128xf32>
      %jit3A_1204 = arith.constant 2147483647 : i32
      %broadcast_in_dim3A_1205 = vector.broadcast %jit3A_1204 : i32 to vector<8x128xi32>
      %select_n3A_1206 = arith.select %eq3A_1203, %select_n3A_1198, %broadcast_in_dim3A_1205 : vector<8x128xi1>, vector<8x128xi32>
      %reduce_min3A_1207 = arith.constant dense<2147483647> : vector<8xi32>
      %reduce_min3A_1208 = vector.multi_reduction <minsi>, %select_n3A_1206, %reduce_min3A_1207 [1] : vector<8x128xi32> to vector<8xi32>
      %broadcast_in_dim3A_1209 = vector.shape_cast %reduce_min3A_1208 : vector<8xi32> to vector<8x1xi32>
      %add3A_1210 = arith.constant 16 : i32
      %add3A_1211 = arith.addi %mul3A_5, %add3A_1210 : i32
      %swap3A_1212 = arith.index_cast %add3A_1211 : i32 to index
      %swap3A_1213 = arith.constant 0 : index
      %swap3A_1214 = vector.load %arg6[%swap3A_1212, %swap3A_1213] : memref<4096x1xi32, #tpu.memory_space<vmem>>, vector<8x1xi32>
      tpu.vector_store %arg6[%swap3A_1212, %swap3A_1213], %broadcast_in_dim3A_1209 {strides = array<i32>} : memref<4096x1xi32, #tpu.memory_space<vmem>>, vector<8x1xi32>,
      %add3A_1215 = arith.constant 16 : i32
      %add3A_1216 = arith.addi %mul3A_5, %add3A_1215 : i32
      %swap3A_1217 = arith.index_cast %add3A_1216 : i32 to index
      %swap3A_1218 = arith.constant 0 : index
      %swap3A_1219 = vector.load %arg7[%swap3A_1217, %swap3A_1218] : memref<4096x1xf32, #tpu.memory_space<vmem>>, vector<8x1xf32>
      tpu.vector_store %arg7[%swap3A_1217, %swap3A_1218], %broadcast_in_dim3A_1201 {strides = array<i32>} : memref<4096x1xf32, #tpu.memory_space<vmem>>, vector<8x1xf32>,
      %lt3A_1220 = arith.cmpf olt, %select_n3A_1140, %select_n3A_1095 : vector<8x128xf32>
      %eq3A_1221 = arith.cmpf oeq, %select_n3A_1140, %select_n3A_1095 : vector<8x128xf32>
      %lt3A_1222 = arith.cmpi slt, %select_n3A_1141, %select_n3A_1096 : vector<8x128xi32>
      %and3A_1223 = arith.andi %eq3A_1221, %lt3A_1222 : vector<8x128xi1>
      %or3A_1224 = arith.ori %lt3A_1220, %and3A_1223 : vector<8x128xi1>
      %select_n3A_1225 = arith.select %or3A_1224, %select_n3A_1140, %select_n3A_1095 : vector<8x128xi1>, vector<8x128xf32>
      %select_n3A_1226 = arith.select %or3A_1224, %select_n3A_1141, %select_n3A_1096 : vector<8x128xi1>, vector<8x128xi32>
      %reduce_min3A_1227 = arith.constant dense<0x7F800000> : vector<8xf32>
      %reduce_min3A_1228 = vector.multi_reduction <minimumf>, %select_n3A_1225, %reduce_min3A_1227 [1] : vector<8x128xf32> to vector<8xf32>
      %broadcast_in_dim3A_1229 = vector.shape_cast %reduce_min3A_1228 : vector<8xf32> to vector<8x1xf32>
      %eq3A_1230 = vector.broadcast %broadcast_in_dim3A_1229 : vector<8x1xf32> to vector<8x128xf32>
      %eq3A_1231 = arith.cmpf oeq, %select_n3A_1225, %eq3A_1230 : vector<8x128xf32>
      %jit3A_1232 = arith.constant 2147483647 : i32
      %broadcast_in_dim3A_1233 = vector.broadcast %jit3A_1232 : i32 to vector<8x128xi32>
      %select_n3A_1234 = arith.select %eq3A_1231, %select_n3A_1226, %broadcast_in_dim3A_1233 : vector<8x128xi1>, vector<8x128xi32>
      %reduce_min3A_1235 = arith.constant dense<2147483647> : vector<8xi32>
      %reduce_min3A_1236 = vector.multi_reduction <minsi>, %select_n3A_1234, %reduce_min3A_1235 [1] : vector<8x128xi32> to vector<8xi32>
      %broadcast_in_dim3A_1237 = vector.shape_cast %reduce_min3A_1236 : vector<8xi32> to vector<8x1xi32>
      %add3A_1238 = arith.constant 24 : i32
      %add3A_1239 = arith.addi %mul3A_5, %add3A_1238 : i32
      %swap3A_1240 = arith.index_cast %add3A_1239 : i32 to index
      %swap3A_1241 = arith.constant 0 : index
      %swap3A_1242 = vector.load %arg6[%swap3A_1240, %swap3A_1241] : memref<4096x1xi32, #tpu.memory_space<vmem>>, vector<8x1xi32>
      tpu.vector_store %arg6[%swap3A_1240, %swap3A_1241], %broadcast_in_dim3A_1237 {strides = array<i32>} : memref<4096x1xi32, #tpu.memory_space<vmem>>, vector<8x1xi32>,
      %add3A_1243 = arith.constant 24 : i32
      %add3A_1244 = arith.addi %mul3A_5, %add3A_1243 : i32
      %swap3A_1245 = arith.index_cast %add3A_1244 : i32 to index
      %swap3A_1246 = arith.constant 0 : index
      %swap3A_1247 = vector.load %arg7[%swap3A_1245, %swap3A_1246] : memref<4096x1xf32, #tpu.memory_space<vmem>>, vector<8x1xf32>
      tpu.vector_store %arg7[%swap3A_1245, %swap3A_1246], %broadcast_in_dim3A_1229 {strides = array<i32>} : memref<4096x1xf32, #tpu.memory_space<vmem>>, vector<8x1xf32>,
    }
    %scan3A_3 = arith.constant 128 : i32
    return
  }
}

module attributes {stable_mosaic.version = 14 : i64} {
  func.func @_knn_body(%arg0: i32, %arg1: memref<512x1xf32, #tpu.memory_space<vmem>>, %arg2: memref<512x1xf32, #tpu.memory_space<vmem>>, %arg3: memref<6272x128xf32, #tpu.memory_space<vmem>>, %arg4: memref<6272x128xf32, #tpu.memory_space<vmem>>, %arg5: memref<6272x128xi32, #tpu.memory_space<vmem>>, %arg6: memref<512x1xi32, #tpu.memory_space<vmem>>) attributes {dimension_semantics = [#tpu.dimension_semantics<arbitrary>], iteration_bounds = array<i64: 8>, scalar_prefetch = 0 : i64, scratch_operands = 0 : i64, tpu.core_type = #tpu.core_type<tc>, window_params = [{transform_indices = @transform_0, window_bounds = array<i64: 512, 1>}, {transform_indices = @transform_1, window_bounds = array<i64: 512, 1>}, {pipeline_mode = #tpu.pipeline_mode<synchronous>, transform_indices = @transform_2, window_bounds = array<i64: 6272, 128>}, {pipeline_mode = #tpu.pipeline_mode<synchronous>, transform_indices = @transform_3, window_bounds = array<i64: 6272, 128>}, {pipeline_mode = #tpu.pipeline_mode<synchronous>, transform_indices = @transform_4, window_bounds = array<i64: 6272, 128>}, {transform_indices = @transform_5, window_bounds = array<i64: 512, 1>}]} {
    %scan3A = arith.constant 0 : i32
    %scan3A_0 = arith.constant 16 : i32
    %scan3A_1 = arith.addi %scan3A, %scan3A_0 : i32
    %scan3A_2 = arith.constant 1 : i32
    scf.for %scan3A_4 = %scan3A to %scan3A_1 step %scan3A_2  : i32 {
      %mul3A = arith.constant 32 : i32
      %mul3A_5 = arith.muli %scan3A_4, %mul3A : i32
      %add3A = arith.constant 0 : i32
      %add3A_6 = arith.addi %mul3A_5, %add3A : i32
      %get3A = arith.index_cast %add3A_6 : i32 to index
      %get3A_7 = arith.constant 0 : index
      %get3A_8 = vector.load %arg1[%get3A, %get3A_7] : memref<512x1xf32, #tpu.memory_space<vmem>>, vector<8x1xf32>
      %broadcast_in_dim3A = vector.shape_cast %get3A_8 : vector<8x1xf32> to vector<8x1xf32>
      %broadcast_in_dim3A_9 = vector.broadcast %broadcast_in_dim3A : vector<8x1xf32> to vector<8x128xf32>
      %add3A_10 = arith.constant 8 : i32
      %add3A_11 = arith.addi %mul3A_5, %add3A_10 : i32
      %get3A_12 = arith.index_cast %add3A_11 : i32 to index
      %get3A_13 = arith.constant 0 : index
      %get3A_14 = vector.load %arg1[%get3A_12, %get3A_13] : memref<512x1xf32, #tpu.memory_space<vmem>>, vector<8x1xf32>
      %broadcast_in_dim3A_15 = vector.shape_cast %get3A_14 : vector<8x1xf32> to vector<8x1xf32>
      %broadcast_in_dim3A_16 = vector.broadcast %broadcast_in_dim3A_15 : vector<8x1xf32> to vector<8x128xf32>
      %add3A_17 = arith.constant 16 : i32
      %add3A_18 = arith.addi %mul3A_5, %add3A_17 : i32
      %get3A_19 = arith.index_cast %add3A_18 : i32 to index
      %get3A_20 = arith.constant 0 : index
      %get3A_21 = vector.load %arg1[%get3A_19, %get3A_20] : memref<512x1xf32, #tpu.memory_space<vmem>>, vector<8x1xf32>
      %broadcast_in_dim3A_22 = vector.shape_cast %get3A_21 : vector<8x1xf32> to vector<8x1xf32>
      %broadcast_in_dim3A_23 = vector.broadcast %broadcast_in_dim3A_22 : vector<8x1xf32> to vector<8x128xf32>
      %add3A_24 = arith.constant 24 : i32
      %add3A_25 = arith.addi %mul3A_5, %add3A_24 : i32
      %get3A_26 = arith.index_cast %add3A_25 : i32 to index
      %get3A_27 = arith.constant 0 : index
      %get3A_28 = vector.load %arg1[%get3A_26, %get3A_27] : memref<512x1xf32, #tpu.memory_space<vmem>>, vector<8x1xf32>
      %broadcast_in_dim3A_29 = vector.shape_cast %get3A_28 : vector<8x1xf32> to vector<8x1xf32>
      %broadcast_in_dim3A_30 = vector.broadcast %broadcast_in_dim3A_29 : vector<8x1xf32> to vector<8x128xf32>
      %add3A_31 = arith.constant 0 : i32
      %add3A_32 = arith.addi %mul3A_5, %add3A_31 : i32
      %get3A_33 = arith.index_cast %add3A_32 : i32 to index
      %get3A_34 = arith.constant 0 : index
      %get3A_35 = vector.load %arg2[%get3A_33, %get3A_34] : memref<512x1xf32, #tpu.memory_space<vmem>>, vector<8x1xf32>
      %broadcast_in_dim3A_36 = vector.shape_cast %get3A_35 : vector<8x1xf32> to vector<8x1xf32>
      %broadcast_in_dim3A_37 = vector.broadcast %broadcast_in_dim3A_36 : vector<8x1xf32> to vector<8x128xf32>
      %add3A_38 = arith.constant 8 : i32
      %add3A_39 = arith.addi %mul3A_5, %add3A_38 : i32
      %get3A_40 = arith.index_cast %add3A_39 : i32 to index
      %get3A_41 = arith.constant 0 : index
      %get3A_42 = vector.load %arg2[%get3A_40, %get3A_41] : memref<512x1xf32, #tpu.memory_space<vmem>>, vector<8x1xf32>
      %broadcast_in_dim3A_43 = vector.shape_cast %get3A_42 : vector<8x1xf32> to vector<8x1xf32>
      %broadcast_in_dim3A_44 = vector.broadcast %broadcast_in_dim3A_43 : vector<8x1xf32> to vector<8x128xf32>
      %add3A_45 = arith.constant 16 : i32
      %add3A_46 = arith.addi %mul3A_5, %add3A_45 : i32
      %get3A_47 = arith.index_cast %add3A_46 : i32 to index
      %get3A_48 = arith.constant 0 : index
      %get3A_49 = vector.load %arg2[%get3A_47, %get3A_48] : memref<512x1xf32, #tpu.memory_space<vmem>>, vector<8x1xf32>
      %broadcast_in_dim3A_50 = vector.shape_cast %get3A_49 : vector<8x1xf32> to vector<8x1xf32>
      %broadcast_in_dim3A_51 = vector.broadcast %broadcast_in_dim3A_50 : vector<8x1xf32> to vector<8x128xf32>
      %add3A_52 = arith.constant 24 : i32
      %add3A_53 = arith.addi %mul3A_5, %add3A_52 : i32
      %get3A_54 = arith.index_cast %add3A_53 : i32 to index
      %get3A_55 = arith.constant 0 : index
      %get3A_56 = vector.load %arg2[%get3A_54, %get3A_55] : memref<512x1xf32, #tpu.memory_space<vmem>>, vector<8x1xf32>
      %broadcast_in_dim3A_57 = vector.shape_cast %get3A_56 : vector<8x1xf32> to vector<8x1xf32>
      %broadcast_in_dim3A_58 = vector.broadcast %broadcast_in_dim3A_57 : vector<8x1xf32> to vector<8x128xf32>
      %broadcast_in_dim3A_59 = arith.constant 0x7F800000 : f32
      %broadcast_in_dim3A_60 = vector.broadcast %broadcast_in_dim3A_59 : f32 to vector<8x128xf32>
      %broadcast_in_dim3A_61 = arith.constant 0 : i32
      %broadcast_in_dim3A_62 = vector.broadcast %broadcast_in_dim3A_61 : i32 to vector<8x128xi32>
      %scan3A_63 = arith.constant 0 : i32
      %scan3A_64 = arith.constant 98 : i32
      %scan3A_65 = arith.addi %scan3A_63, %scan3A_64 : i32
      %scan3A_66 = arith.constant 1 : i32
      %scan3A_67:16 = scf.for %scan3A_153 = %scan3A_63 to %scan3A_65 step %scan3A_66 iter_args(%scan3A_154 = %broadcast_in_dim3A_60, %scan3A_155 = %broadcast_in_dim3A_60, %scan3A_156 = %broadcast_in_dim3A_60, %scan3A_157 = %broadcast_in_dim3A_60, %scan3A_158 = %broadcast_in_dim3A_60, %scan3A_159 = %broadcast_in_dim3A_60, %scan3A_160 = %broadcast_in_dim3A_60, %scan3A_161 = %broadcast_in_dim3A_60, %scan3A_162 = %broadcast_in_dim3A_62, %scan3A_163 = %broadcast_in_dim3A_62, %scan3A_164 = %broadcast_in_dim3A_62, %scan3A_165 = %broadcast_in_dim3A_62, %scan3A_166 = %broadcast_in_dim3A_62, %scan3A_167 = %broadcast_in_dim3A_62, %scan3A_168 = %broadcast_in_dim3A_62, %scan3A_169 = %broadcast_in_dim3A_62) -> (vector<8x128xf32>, vector<8x128xf32>, vector<8x128xf32>, vector<8x128xf32>, vector<8x128xf32>, vector<8x128xf32>, vector<8x128xf32>, vector<8x128xf32>, vector<8x128xi32>, vector<8x128xi32>, vector<8x128xi32>, vector<8x128xi32>, vector<8x128xi32>, vector<8x128xi32>, vector<8x128xi32>, vector<8x128xi32>)  : i32 {
        %mul3A_170 = arith.constant 8 : i32
        %mul3A_171 = arith.muli %scan3A_153, %mul3A_170 : i32
        %add3A_172 = arith.constant 0 : i32
        %add3A_173 = arith.addi %mul3A_171, %add3A_172 : i32
        %mul3A_174 = arith.constant 8 : i32
        %mul3A_175 = arith.muli %mul3A_174, %add3A_173 : i32
        %get3A_176 = arith.index_cast %mul3A_175 : i32 to index
        %get3A_177 = arith.constant 0 : index
        %get3A_178 = vector.load %arg3[%get3A_176, %get3A_177] : memref<6272x128xf32, #tpu.memory_space<vmem>>, vector<8x128xf32>
        %mul3A_179 = arith.constant 8 : i32
        %mul3A_180 = arith.muli %mul3A_179, %add3A_173 : i32
        %get3A_181 = arith.index_cast %mul3A_180 : i32 to index
        %get3A_182 = arith.constant 0 : index
        %get3A_183 = vector.load %arg4[%get3A_181, %get3A_182] : memref<6272x128xf32, #tpu.memory_space<vmem>>, vector<8x128xf32>
        %mul3A_184 = arith.constant 8 : i32
        %mul3A_185 = arith.muli %mul3A_184, %add3A_173 : i32
        %get3A_186 = arith.index_cast %mul3A_185 : i32 to index
        %get3A_187 = arith.constant 0 : index
        %get3A_188 = vector.load %arg5[%get3A_186, %get3A_187] : memref<6272x128xi32, #tpu.memory_space<vmem>>, vector<8x128xi32>
        %sub3A = arith.subf %get3A_178, %broadcast_in_dim3A_9 : vector<8x128xf32>
        %sub3A_189 = arith.subf %get3A_183, %broadcast_in_dim3A_37 : vector<8x128xf32>
        %mul3A_190 = arith.mulf %sub3A, %sub3A : vector<8x128xf32>
        %mul3A_191 = arith.mulf %sub3A_189, %sub3A_189 : vector<8x128xf32>
        %add3A_192 = arith.addf %mul3A_190, %mul3A_191 : vector<8x128xf32>
        %lt3A_193 = arith.cmpf olt, %add3A_192, %scan3A_154 : vector<8x128xf32>
        %select_n3A_194 = arith.select %lt3A_193, %add3A_192, %scan3A_154 : vector<8x128xi1>, vector<8x128xf32>
        %select_n3A_195 = arith.select %lt3A_193, %get3A_188, %scan3A_162 : vector<8x128xi1>, vector<8x128xi32>
        %sub3A_196 = arith.subf %get3A_178, %broadcast_in_dim3A_16 : vector<8x128xf32>
        %sub3A_197 = arith.subf %get3A_183, %broadcast_in_dim3A_44 : vector<8x128xf32>
        %mul3A_198 = arith.mulf %sub3A_196, %sub3A_196 : vector<8x128xf32>
        %mul3A_199 = arith.mulf %sub3A_197, %sub3A_197 : vector<8x128xf32>
        %add3A_200 = arith.addf %mul3A_198, %mul3A_199 : vector<8x128xf32>
        %lt3A_201 = arith.cmpf olt, %add3A_200, %scan3A_155 : vector<8x128xf32>
        %select_n3A_202 = arith.select %lt3A_201, %add3A_200, %scan3A_155 : vector<8x128xi1>, vector<8x128xf32>
        %select_n3A_203 = arith.select %lt3A_201, %get3A_188, %scan3A_163 : vector<8x128xi1>, vector<8x128xi32>
        %sub3A_204 = arith.subf %get3A_178, %broadcast_in_dim3A_23 : vector<8x128xf32>
        %sub3A_205 = arith.subf %get3A_183, %broadcast_in_dim3A_51 : vector<8x128xf32>
        %mul3A_206 = arith.mulf %sub3A_204, %sub3A_204 : vector<8x128xf32>
        %mul3A_207 = arith.mulf %sub3A_205, %sub3A_205 : vector<8x128xf32>
        %add3A_208 = arith.addf %mul3A_206, %mul3A_207 : vector<8x128xf32>
        %lt3A_209 = arith.cmpf olt, %add3A_208, %scan3A_156 : vector<8x128xf32>
        %select_n3A_210 = arith.select %lt3A_209, %add3A_208, %scan3A_156 : vector<8x128xi1>, vector<8x128xf32>
        %select_n3A_211 = arith.select %lt3A_209, %get3A_188, %scan3A_164 : vector<8x128xi1>, vector<8x128xi32>
        %sub3A_212 = arith.subf %get3A_178, %broadcast_in_dim3A_30 : vector<8x128xf32>
        %sub3A_213 = arith.subf %get3A_183, %broadcast_in_dim3A_58 : vector<8x128xf32>
        %mul3A_214 = arith.mulf %sub3A_212, %sub3A_212 : vector<8x128xf32>
        %mul3A_215 = arith.mulf %sub3A_213, %sub3A_213 : vector<8x128xf32>
        %add3A_216 = arith.addf %mul3A_214, %mul3A_215 : vector<8x128xf32>
        %lt3A_217 = arith.cmpf olt, %add3A_216, %scan3A_157 : vector<8x128xf32>
        %select_n3A_218 = arith.select %lt3A_217, %add3A_216, %scan3A_157 : vector<8x128xi1>, vector<8x128xf32>
        %select_n3A_219 = arith.select %lt3A_217, %get3A_188, %scan3A_165 : vector<8x128xi1>, vector<8x128xi32>
        %mul3A_220 = arith.constant 8 : i32
        %mul3A_221 = arith.muli %scan3A_153, %mul3A_220 : i32
        %add3A_222 = arith.constant 1 : i32
        %add3A_223 = arith.addi %mul3A_221, %add3A_222 : i32
        %mul3A_224 = arith.constant 8 : i32
        %mul3A_225 = arith.muli %mul3A_224, %add3A_223 : i32
        %get3A_226 = arith.index_cast %mul3A_225 : i32 to index
        %get3A_227 = arith.constant 0 : index
        %get3A_228 = vector.load %arg3[%get3A_226, %get3A_227] : memref<6272x128xf32, #tpu.memory_space<vmem>>, vector<8x128xf32>
        %mul3A_229 = arith.constant 8 : i32
        %mul3A_230 = arith.muli %mul3A_229, %add3A_223 : i32
        %get3A_231 = arith.index_cast %mul3A_230 : i32 to index
        %get3A_232 = arith.constant 0 : index
        %get3A_233 = vector.load %arg4[%get3A_231, %get3A_232] : memref<6272x128xf32, #tpu.memory_space<vmem>>, vector<8x128xf32>
        %mul3A_234 = arith.constant 8 : i32
        %mul3A_235 = arith.muli %mul3A_234, %add3A_223 : i32
        %get3A_236 = arith.index_cast %mul3A_235 : i32 to index
        %get3A_237 = arith.constant 0 : index
        %get3A_238 = vector.load %arg5[%get3A_236, %get3A_237] : memref<6272x128xi32, #tpu.memory_space<vmem>>, vector<8x128xi32>
        %sub3A_239 = arith.subf %get3A_228, %broadcast_in_dim3A_9 : vector<8x128xf32>
        %sub3A_240 = arith.subf %get3A_233, %broadcast_in_dim3A_37 : vector<8x128xf32>
        %mul3A_241 = arith.mulf %sub3A_239, %sub3A_239 : vector<8x128xf32>
        %mul3A_242 = arith.mulf %sub3A_240, %sub3A_240 : vector<8x128xf32>
        %add3A_243 = arith.addf %mul3A_241, %mul3A_242 : vector<8x128xf32>
        %lt3A_244 = arith.cmpf olt, %add3A_243, %scan3A_158 : vector<8x128xf32>
        %select_n3A_245 = arith.select %lt3A_244, %add3A_243, %scan3A_158 : vector<8x128xi1>, vector<8x128xf32>
        %select_n3A_246 = arith.select %lt3A_244, %get3A_238, %scan3A_166 : vector<8x128xi1>, vector<8x128xi32>
        %sub3A_247 = arith.subf %get3A_228, %broadcast_in_dim3A_16 : vector<8x128xf32>
        %sub3A_248 = arith.subf %get3A_233, %broadcast_in_dim3A_44 : vector<8x128xf32>
        %mul3A_249 = arith.mulf %sub3A_247, %sub3A_247 : vector<8x128xf32>
        %mul3A_250 = arith.mulf %sub3A_248, %sub3A_248 : vector<8x128xf32>
        %add3A_251 = arith.addf %mul3A_249, %mul3A_250 : vector<8x128xf32>
        %lt3A_252 = arith.cmpf olt, %add3A_251, %scan3A_159 : vector<8x128xf32>
        %select_n3A_253 = arith.select %lt3A_252, %add3A_251, %scan3A_159 : vector<8x128xi1>, vector<8x128xf32>
        %select_n3A_254 = arith.select %lt3A_252, %get3A_238, %scan3A_167 : vector<8x128xi1>, vector<8x128xi32>
        %sub3A_255 = arith.subf %get3A_228, %broadcast_in_dim3A_23 : vector<8x128xf32>
        %sub3A_256 = arith.subf %get3A_233, %broadcast_in_dim3A_51 : vector<8x128xf32>
        %mul3A_257 = arith.mulf %sub3A_255, %sub3A_255 : vector<8x128xf32>
        %mul3A_258 = arith.mulf %sub3A_256, %sub3A_256 : vector<8x128xf32>
        %add3A_259 = arith.addf %mul3A_257, %mul3A_258 : vector<8x128xf32>
        %lt3A_260 = arith.cmpf olt, %add3A_259, %scan3A_160 : vector<8x128xf32>
        %select_n3A_261 = arith.select %lt3A_260, %add3A_259, %scan3A_160 : vector<8x128xi1>, vector<8x128xf32>
        %select_n3A_262 = arith.select %lt3A_260, %get3A_238, %scan3A_168 : vector<8x128xi1>, vector<8x128xi32>
        %sub3A_263 = arith.subf %get3A_228, %broadcast_in_dim3A_30 : vector<8x128xf32>
        %sub3A_264 = arith.subf %get3A_233, %broadcast_in_dim3A_58 : vector<8x128xf32>
        %mul3A_265 = arith.mulf %sub3A_263, %sub3A_263 : vector<8x128xf32>
        %mul3A_266 = arith.mulf %sub3A_264, %sub3A_264 : vector<8x128xf32>
        %add3A_267 = arith.addf %mul3A_265, %mul3A_266 : vector<8x128xf32>
        %lt3A_268 = arith.cmpf olt, %add3A_267, %scan3A_161 : vector<8x128xf32>
        %select_n3A_269 = arith.select %lt3A_268, %add3A_267, %scan3A_161 : vector<8x128xi1>, vector<8x128xf32>
        %select_n3A_270 = arith.select %lt3A_268, %get3A_238, %scan3A_169 : vector<8x128xi1>, vector<8x128xi32>
        %mul3A_271 = arith.constant 8 : i32
        %mul3A_272 = arith.muli %scan3A_153, %mul3A_271 : i32
        %add3A_273 = arith.constant 2 : i32
        %add3A_274 = arith.addi %mul3A_272, %add3A_273 : i32
        %mul3A_275 = arith.constant 8 : i32
        %mul3A_276 = arith.muli %mul3A_275, %add3A_274 : i32
        %get3A_277 = arith.index_cast %mul3A_276 : i32 to index
        %get3A_278 = arith.constant 0 : index
        %get3A_279 = vector.load %arg3[%get3A_277, %get3A_278] : memref<6272x128xf32, #tpu.memory_space<vmem>>, vector<8x128xf32>
        %mul3A_280 = arith.constant 8 : i32
        %mul3A_281 = arith.muli %mul3A_280, %add3A_274 : i32
        %get3A_282 = arith.index_cast %mul3A_281 : i32 to index
        %get3A_283 = arith.constant 0 : index
        %get3A_284 = vector.load %arg4[%get3A_282, %get3A_283] : memref<6272x128xf32, #tpu.memory_space<vmem>>, vector<8x128xf32>
        %mul3A_285 = arith.constant 8 : i32
        %mul3A_286 = arith.muli %mul3A_285, %add3A_274 : i32
        %get3A_287 = arith.index_cast %mul3A_286 : i32 to index
        %get3A_288 = arith.constant 0 : index
        %get3A_289 = vector.load %arg5[%get3A_287, %get3A_288] : memref<6272x128xi32, #tpu.memory_space<vmem>>, vector<8x128xi32>
        %sub3A_290 = arith.subf %get3A_279, %broadcast_in_dim3A_9 : vector<8x128xf32>
        %sub3A_291 = arith.subf %get3A_284, %broadcast_in_dim3A_37 : vector<8x128xf32>
        %mul3A_292 = arith.mulf %sub3A_290, %sub3A_290 : vector<8x128xf32>
        %mul3A_293 = arith.mulf %sub3A_291, %sub3A_291 : vector<8x128xf32>
        %add3A_294 = arith.addf %mul3A_292, %mul3A_293 : vector<8x128xf32>
        %lt3A_295 = arith.cmpf olt, %add3A_294, %select_n3A_194 : vector<8x128xf32>
        %select_n3A_296 = arith.select %lt3A_295, %add3A_294, %select_n3A_194 : vector<8x128xi1>, vector<8x128xf32>
        %select_n3A_297 = arith.select %lt3A_295, %get3A_289, %select_n3A_195 : vector<8x128xi1>, vector<8x128xi32>
        %sub3A_298 = arith.subf %get3A_279, %broadcast_in_dim3A_16 : vector<8x128xf32>
        %sub3A_299 = arith.subf %get3A_284, %broadcast_in_dim3A_44 : vector<8x128xf32>
        %mul3A_300 = arith.mulf %sub3A_298, %sub3A_298 : vector<8x128xf32>
        %mul3A_301 = arith.mulf %sub3A_299, %sub3A_299 : vector<8x128xf32>
        %add3A_302 = arith.addf %mul3A_300, %mul3A_301 : vector<8x128xf32>
        %lt3A_303 = arith.cmpf olt, %add3A_302, %select_n3A_202 : vector<8x128xf32>
        %select_n3A_304 = arith.select %lt3A_303, %add3A_302, %select_n3A_202 : vector<8x128xi1>, vector<8x128xf32>
        %select_n3A_305 = arith.select %lt3A_303, %get3A_289, %select_n3A_203 : vector<8x128xi1>, vector<8x128xi32>
        %sub3A_306 = arith.subf %get3A_279, %broadcast_in_dim3A_23 : vector<8x128xf32>
        %sub3A_307 = arith.subf %get3A_284, %broadcast_in_dim3A_51 : vector<8x128xf32>
        %mul3A_308 = arith.mulf %sub3A_306, %sub3A_306 : vector<8x128xf32>
        %mul3A_309 = arith.mulf %sub3A_307, %sub3A_307 : vector<8x128xf32>
        %add3A_310 = arith.addf %mul3A_308, %mul3A_309 : vector<8x128xf32>
        %lt3A_311 = arith.cmpf olt, %add3A_310, %select_n3A_210 : vector<8x128xf32>
        %select_n3A_312 = arith.select %lt3A_311, %add3A_310, %select_n3A_210 : vector<8x128xi1>, vector<8x128xf32>
        %select_n3A_313 = arith.select %lt3A_311, %get3A_289, %select_n3A_211 : vector<8x128xi1>, vector<8x128xi32>
        %sub3A_314 = arith.subf %get3A_279, %broadcast_in_dim3A_30 : vector<8x128xf32>
        %sub3A_315 = arith.subf %get3A_284, %broadcast_in_dim3A_58 : vector<8x128xf32>
        %mul3A_316 = arith.mulf %sub3A_314, %sub3A_314 : vector<8x128xf32>
        %mul3A_317 = arith.mulf %sub3A_315, %sub3A_315 : vector<8x128xf32>
        %add3A_318 = arith.addf %mul3A_316, %mul3A_317 : vector<8x128xf32>
        %lt3A_319 = arith.cmpf olt, %add3A_318, %select_n3A_218 : vector<8x128xf32>
        %select_n3A_320 = arith.select %lt3A_319, %add3A_318, %select_n3A_218 : vector<8x128xi1>, vector<8x128xf32>
        %select_n3A_321 = arith.select %lt3A_319, %get3A_289, %select_n3A_219 : vector<8x128xi1>, vector<8x128xi32>
        %mul3A_322 = arith.constant 8 : i32
        %mul3A_323 = arith.muli %scan3A_153, %mul3A_322 : i32
        %add3A_324 = arith.constant 3 : i32
        %add3A_325 = arith.addi %mul3A_323, %add3A_324 : i32
        %mul3A_326 = arith.constant 8 : i32
        %mul3A_327 = arith.muli %mul3A_326, %add3A_325 : i32
        %get3A_328 = arith.index_cast %mul3A_327 : i32 to index
        %get3A_329 = arith.constant 0 : index
        %get3A_330 = vector.load %arg3[%get3A_328, %get3A_329] : memref<6272x128xf32, #tpu.memory_space<vmem>>, vector<8x128xf32>
        %mul3A_331 = arith.constant 8 : i32
        %mul3A_332 = arith.muli %mul3A_331, %add3A_325 : i32
        %get3A_333 = arith.index_cast %mul3A_332 : i32 to index
        %get3A_334 = arith.constant 0 : index
        %get3A_335 = vector.load %arg4[%get3A_333, %get3A_334] : memref<6272x128xf32, #tpu.memory_space<vmem>>, vector<8x128xf32>
        %mul3A_336 = arith.constant 8 : i32
        %mul3A_337 = arith.muli %mul3A_336, %add3A_325 : i32
        %get3A_338 = arith.index_cast %mul3A_337 : i32 to index
        %get3A_339 = arith.constant 0 : index
        %get3A_340 = vector.load %arg5[%get3A_338, %get3A_339] : memref<6272x128xi32, #tpu.memory_space<vmem>>, vector<8x128xi32>
        %sub3A_341 = arith.subf %get3A_330, %broadcast_in_dim3A_9 : vector<8x128xf32>
        %sub3A_342 = arith.subf %get3A_335, %broadcast_in_dim3A_37 : vector<8x128xf32>
        %mul3A_343 = arith.mulf %sub3A_341, %sub3A_341 : vector<8x128xf32>
        %mul3A_344 = arith.mulf %sub3A_342, %sub3A_342 : vector<8x128xf32>
        %add3A_345 = arith.addf %mul3A_343, %mul3A_344 : vector<8x128xf32>
        %lt3A_346 = arith.cmpf olt, %add3A_345, %select_n3A_245 : vector<8x128xf32>
        %select_n3A_347 = arith.select %lt3A_346, %add3A_345, %select_n3A_245 : vector<8x128xi1>, vector<8x128xf32>
        %select_n3A_348 = arith.select %lt3A_346, %get3A_340, %select_n3A_246 : vector<8x128xi1>, vector<8x128xi32>
        %sub3A_349 = arith.subf %get3A_330, %broadcast_in_dim3A_16 : vector<8x128xf32>
        %sub3A_350 = arith.subf %get3A_335, %broadcast_in_dim3A_44 : vector<8x128xf32>
        %mul3A_351 = arith.mulf %sub3A_349, %sub3A_349 : vector<8x128xf32>
        %mul3A_352 = arith.mulf %sub3A_350, %sub3A_350 : vector<8x128xf32>
        %add3A_353 = arith.addf %mul3A_351, %mul3A_352 : vector<8x128xf32>
        %lt3A_354 = arith.cmpf olt, %add3A_353, %select_n3A_253 : vector<8x128xf32>
        %select_n3A_355 = arith.select %lt3A_354, %add3A_353, %select_n3A_253 : vector<8x128xi1>, vector<8x128xf32>
        %select_n3A_356 = arith.select %lt3A_354, %get3A_340, %select_n3A_254 : vector<8x128xi1>, vector<8x128xi32>
        %sub3A_357 = arith.subf %get3A_330, %broadcast_in_dim3A_23 : vector<8x128xf32>
        %sub3A_358 = arith.subf %get3A_335, %broadcast_in_dim3A_51 : vector<8x128xf32>
        %mul3A_359 = arith.mulf %sub3A_357, %sub3A_357 : vector<8x128xf32>
        %mul3A_360 = arith.mulf %sub3A_358, %sub3A_358 : vector<8x128xf32>
        %add3A_361 = arith.addf %mul3A_359, %mul3A_360 : vector<8x128xf32>
        %lt3A_362 = arith.cmpf olt, %add3A_361, %select_n3A_261 : vector<8x128xf32>
        %select_n3A_363 = arith.select %lt3A_362, %add3A_361, %select_n3A_261 : vector<8x128xi1>, vector<8x128xf32>
        %select_n3A_364 = arith.select %lt3A_362, %get3A_340, %select_n3A_262 : vector<8x128xi1>, vector<8x128xi32>
        %sub3A_365 = arith.subf %get3A_330, %broadcast_in_dim3A_30 : vector<8x128xf32>
        %sub3A_366 = arith.subf %get3A_335, %broadcast_in_dim3A_58 : vector<8x128xf32>
        %mul3A_367 = arith.mulf %sub3A_365, %sub3A_365 : vector<8x128xf32>
        %mul3A_368 = arith.mulf %sub3A_366, %sub3A_366 : vector<8x128xf32>
        %add3A_369 = arith.addf %mul3A_367, %mul3A_368 : vector<8x128xf32>
        %lt3A_370 = arith.cmpf olt, %add3A_369, %select_n3A_269 : vector<8x128xf32>
        %select_n3A_371 = arith.select %lt3A_370, %add3A_369, %select_n3A_269 : vector<8x128xi1>, vector<8x128xf32>
        %select_n3A_372 = arith.select %lt3A_370, %get3A_340, %select_n3A_270 : vector<8x128xi1>, vector<8x128xi32>
        %mul3A_373 = arith.constant 8 : i32
        %mul3A_374 = arith.muli %scan3A_153, %mul3A_373 : i32
        %add3A_375 = arith.constant 4 : i32
        %add3A_376 = arith.addi %mul3A_374, %add3A_375 : i32
        %mul3A_377 = arith.constant 8 : i32
        %mul3A_378 = arith.muli %mul3A_377, %add3A_376 : i32
        %get3A_379 = arith.index_cast %mul3A_378 : i32 to index
        %get3A_380 = arith.constant 0 : index
        %get3A_381 = vector.load %arg3[%get3A_379, %get3A_380] : memref<6272x128xf32, #tpu.memory_space<vmem>>, vector<8x128xf32>
        %mul3A_382 = arith.constant 8 : i32
        %mul3A_383 = arith.muli %mul3A_382, %add3A_376 : i32
        %get3A_384 = arith.index_cast %mul3A_383 : i32 to index
        %get3A_385 = arith.constant 0 : index
        %get3A_386 = vector.load %arg4[%get3A_384, %get3A_385] : memref<6272x128xf32, #tpu.memory_space<vmem>>, vector<8x128xf32>
        %mul3A_387 = arith.constant 8 : i32
        %mul3A_388 = arith.muli %mul3A_387, %add3A_376 : i32
        %get3A_389 = arith.index_cast %mul3A_388 : i32 to index
        %get3A_390 = arith.constant 0 : index
        %get3A_391 = vector.load %arg5[%get3A_389, %get3A_390] : memref<6272x128xi32, #tpu.memory_space<vmem>>, vector<8x128xi32>
        %sub3A_392 = arith.subf %get3A_381, %broadcast_in_dim3A_9 : vector<8x128xf32>
        %sub3A_393 = arith.subf %get3A_386, %broadcast_in_dim3A_37 : vector<8x128xf32>
        %mul3A_394 = arith.mulf %sub3A_392, %sub3A_392 : vector<8x128xf32>
        %mul3A_395 = arith.mulf %sub3A_393, %sub3A_393 : vector<8x128xf32>
        %add3A_396 = arith.addf %mul3A_394, %mul3A_395 : vector<8x128xf32>
        %lt3A_397 = arith.cmpf olt, %add3A_396, %select_n3A_296 : vector<8x128xf32>
        %select_n3A_398 = arith.select %lt3A_397, %add3A_396, %select_n3A_296 : vector<8x128xi1>, vector<8x128xf32>
        %select_n3A_399 = arith.select %lt3A_397, %get3A_391, %select_n3A_297 : vector<8x128xi1>, vector<8x128xi32>
        %sub3A_400 = arith.subf %get3A_381, %broadcast_in_dim3A_16 : vector<8x128xf32>
        %sub3A_401 = arith.subf %get3A_386, %broadcast_in_dim3A_44 : vector<8x128xf32>
        %mul3A_402 = arith.mulf %sub3A_400, %sub3A_400 : vector<8x128xf32>
        %mul3A_403 = arith.mulf %sub3A_401, %sub3A_401 : vector<8x128xf32>
        %add3A_404 = arith.addf %mul3A_402, %mul3A_403 : vector<8x128xf32>
        %lt3A_405 = arith.cmpf olt, %add3A_404, %select_n3A_304 : vector<8x128xf32>
        %select_n3A_406 = arith.select %lt3A_405, %add3A_404, %select_n3A_304 : vector<8x128xi1>, vector<8x128xf32>
        %select_n3A_407 = arith.select %lt3A_405, %get3A_391, %select_n3A_305 : vector<8x128xi1>, vector<8x128xi32>
        %sub3A_408 = arith.subf %get3A_381, %broadcast_in_dim3A_23 : vector<8x128xf32>
        %sub3A_409 = arith.subf %get3A_386, %broadcast_in_dim3A_51 : vector<8x128xf32>
        %mul3A_410 = arith.mulf %sub3A_408, %sub3A_408 : vector<8x128xf32>
        %mul3A_411 = arith.mulf %sub3A_409, %sub3A_409 : vector<8x128xf32>
        %add3A_412 = arith.addf %mul3A_410, %mul3A_411 : vector<8x128xf32>
        %lt3A_413 = arith.cmpf olt, %add3A_412, %select_n3A_312 : vector<8x128xf32>
        %select_n3A_414 = arith.select %lt3A_413, %add3A_412, %select_n3A_312 : vector<8x128xi1>, vector<8x128xf32>
        %select_n3A_415 = arith.select %lt3A_413, %get3A_391, %select_n3A_313 : vector<8x128xi1>, vector<8x128xi32>
        %sub3A_416 = arith.subf %get3A_381, %broadcast_in_dim3A_30 : vector<8x128xf32>
        %sub3A_417 = arith.subf %get3A_386, %broadcast_in_dim3A_58 : vector<8x128xf32>
        %mul3A_418 = arith.mulf %sub3A_416, %sub3A_416 : vector<8x128xf32>
        %mul3A_419 = arith.mulf %sub3A_417, %sub3A_417 : vector<8x128xf32>
        %add3A_420 = arith.addf %mul3A_418, %mul3A_419 : vector<8x128xf32>
        %lt3A_421 = arith.cmpf olt, %add3A_420, %select_n3A_320 : vector<8x128xf32>
        %select_n3A_422 = arith.select %lt3A_421, %add3A_420, %select_n3A_320 : vector<8x128xi1>, vector<8x128xf32>
        %select_n3A_423 = arith.select %lt3A_421, %get3A_391, %select_n3A_321 : vector<8x128xi1>, vector<8x128xi32>
        %mul3A_424 = arith.constant 8 : i32
        %mul3A_425 = arith.muli %scan3A_153, %mul3A_424 : i32
        %add3A_426 = arith.constant 5 : i32
        %add3A_427 = arith.addi %mul3A_425, %add3A_426 : i32
        %mul3A_428 = arith.constant 8 : i32
        %mul3A_429 = arith.muli %mul3A_428, %add3A_427 : i32
        %get3A_430 = arith.index_cast %mul3A_429 : i32 to index
        %get3A_431 = arith.constant 0 : index
        %get3A_432 = vector.load %arg3[%get3A_430, %get3A_431] : memref<6272x128xf32, #tpu.memory_space<vmem>>, vector<8x128xf32>
        %mul3A_433 = arith.constant 8 : i32
        %mul3A_434 = arith.muli %mul3A_433, %add3A_427 : i32
        %get3A_435 = arith.index_cast %mul3A_434 : i32 to index
        %get3A_436 = arith.constant 0 : index
        %get3A_437 = vector.load %arg4[%get3A_435, %get3A_436] : memref<6272x128xf32, #tpu.memory_space<vmem>>, vector<8x128xf32>
        %mul3A_438 = arith.constant 8 : i32
        %mul3A_439 = arith.muli %mul3A_438, %add3A_427 : i32
        %get3A_440 = arith.index_cast %mul3A_439 : i32 to index
        %get3A_441 = arith.constant 0 : index
        %get3A_442 = vector.load %arg5[%get3A_440, %get3A_441] : memref<6272x128xi32, #tpu.memory_space<vmem>>, vector<8x128xi32>
        %sub3A_443 = arith.subf %get3A_432, %broadcast_in_dim3A_9 : vector<8x128xf32>
        %sub3A_444 = arith.subf %get3A_437, %broadcast_in_dim3A_37 : vector<8x128xf32>
        %mul3A_445 = arith.mulf %sub3A_443, %sub3A_443 : vector<8x128xf32>
        %mul3A_446 = arith.mulf %sub3A_444, %sub3A_444 : vector<8x128xf32>
        %add3A_447 = arith.addf %mul3A_445, %mul3A_446 : vector<8x128xf32>
        %lt3A_448 = arith.cmpf olt, %add3A_447, %select_n3A_347 : vector<8x128xf32>
        %select_n3A_449 = arith.select %lt3A_448, %add3A_447, %select_n3A_347 : vector<8x128xi1>, vector<8x128xf32>
        %select_n3A_450 = arith.select %lt3A_448, %get3A_442, %select_n3A_348 : vector<8x128xi1>, vector<8x128xi32>
        %sub3A_451 = arith.subf %get3A_432, %broadcast_in_dim3A_16 : vector<8x128xf32>
        %sub3A_452 = arith.subf %get3A_437, %broadcast_in_dim3A_44 : vector<8x128xf32>
        %mul3A_453 = arith.mulf %sub3A_451, %sub3A_451 : vector<8x128xf32>
        %mul3A_454 = arith.mulf %sub3A_452, %sub3A_452 : vector<8x128xf32>
        %add3A_455 = arith.addf %mul3A_453, %mul3A_454 : vector<8x128xf32>
        %lt3A_456 = arith.cmpf olt, %add3A_455, %select_n3A_355 : vector<8x128xf32>
        %select_n3A_457 = arith.select %lt3A_456, %add3A_455, %select_n3A_355 : vector<8x128xi1>, vector<8x128xf32>
        %select_n3A_458 = arith.select %lt3A_456, %get3A_442, %select_n3A_356 : vector<8x128xi1>, vector<8x128xi32>
        %sub3A_459 = arith.subf %get3A_432, %broadcast_in_dim3A_23 : vector<8x128xf32>
        %sub3A_460 = arith.subf %get3A_437, %broadcast_in_dim3A_51 : vector<8x128xf32>
        %mul3A_461 = arith.mulf %sub3A_459, %sub3A_459 : vector<8x128xf32>
        %mul3A_462 = arith.mulf %sub3A_460, %sub3A_460 : vector<8x128xf32>
        %add3A_463 = arith.addf %mul3A_461, %mul3A_462 : vector<8x128xf32>
        %lt3A_464 = arith.cmpf olt, %add3A_463, %select_n3A_363 : vector<8x128xf32>
        %select_n3A_465 = arith.select %lt3A_464, %add3A_463, %select_n3A_363 : vector<8x128xi1>, vector<8x128xf32>
        %select_n3A_466 = arith.select %lt3A_464, %get3A_442, %select_n3A_364 : vector<8x128xi1>, vector<8x128xi32>
        %sub3A_467 = arith.subf %get3A_432, %broadcast_in_dim3A_30 : vector<8x128xf32>
        %sub3A_468 = arith.subf %get3A_437, %broadcast_in_dim3A_58 : vector<8x128xf32>
        %mul3A_469 = arith.mulf %sub3A_467, %sub3A_467 : vector<8x128xf32>
        %mul3A_470 = arith.mulf %sub3A_468, %sub3A_468 : vector<8x128xf32>
        %add3A_471 = arith.addf %mul3A_469, %mul3A_470 : vector<8x128xf32>
        %lt3A_472 = arith.cmpf olt, %add3A_471, %select_n3A_371 : vector<8x128xf32>
        %select_n3A_473 = arith.select %lt3A_472, %add3A_471, %select_n3A_371 : vector<8x128xi1>, vector<8x128xf32>
        %select_n3A_474 = arith.select %lt3A_472, %get3A_442, %select_n3A_372 : vector<8x128xi1>, vector<8x128xi32>
        %mul3A_475 = arith.constant 8 : i32
        %mul3A_476 = arith.muli %scan3A_153, %mul3A_475 : i32
        %add3A_477 = arith.constant 6 : i32
        %add3A_478 = arith.addi %mul3A_476, %add3A_477 : i32
        %mul3A_479 = arith.constant 8 : i32
        %mul3A_480 = arith.muli %mul3A_479, %add3A_478 : i32
        %get3A_481 = arith.index_cast %mul3A_480 : i32 to index
        %get3A_482 = arith.constant 0 : index
        %get3A_483 = vector.load %arg3[%get3A_481, %get3A_482] : memref<6272x128xf32, #tpu.memory_space<vmem>>, vector<8x128xf32>
        %mul3A_484 = arith.constant 8 : i32
        %mul3A_485 = arith.muli %mul3A_484, %add3A_478 : i32
        %get3A_486 = arith.index_cast %mul3A_485 : i32 to index
        %get3A_487 = arith.constant 0 : index
        %get3A_488 = vector.load %arg4[%get3A_486, %get3A_487] : memref<6272x128xf32, #tpu.memory_space<vmem>>, vector<8x128xf32>
        %mul3A_489 = arith.constant 8 : i32
        %mul3A_490 = arith.muli %mul3A_489, %add3A_478 : i32
        %get3A_491 = arith.index_cast %mul3A_490 : i32 to index
        %get3A_492 = arith.constant 0 : index
        %get3A_493 = vector.load %arg5[%get3A_491, %get3A_492] : memref<6272x128xi32, #tpu.memory_space<vmem>>, vector<8x128xi32>
        %sub3A_494 = arith.subf %get3A_483, %broadcast_in_dim3A_9 : vector<8x128xf32>
        %sub3A_495 = arith.subf %get3A_488, %broadcast_in_dim3A_37 : vector<8x128xf32>
        %mul3A_496 = arith.mulf %sub3A_494, %sub3A_494 : vector<8x128xf32>
        %mul3A_497 = arith.mulf %sub3A_495, %sub3A_495 : vector<8x128xf32>
        %add3A_498 = arith.addf %mul3A_496, %mul3A_497 : vector<8x128xf32>
        %lt3A_499 = arith.cmpf olt, %add3A_498, %select_n3A_398 : vector<8x128xf32>
        %select_n3A_500 = arith.select %lt3A_499, %add3A_498, %select_n3A_398 : vector<8x128xi1>, vector<8x128xf32>
        %select_n3A_501 = arith.select %lt3A_499, %get3A_493, %select_n3A_399 : vector<8x128xi1>, vector<8x128xi32>
        %sub3A_502 = arith.subf %get3A_483, %broadcast_in_dim3A_16 : vector<8x128xf32>
        %sub3A_503 = arith.subf %get3A_488, %broadcast_in_dim3A_44 : vector<8x128xf32>
        %mul3A_504 = arith.mulf %sub3A_502, %sub3A_502 : vector<8x128xf32>
        %mul3A_505 = arith.mulf %sub3A_503, %sub3A_503 : vector<8x128xf32>
        %add3A_506 = arith.addf %mul3A_504, %mul3A_505 : vector<8x128xf32>
        %lt3A_507 = arith.cmpf olt, %add3A_506, %select_n3A_406 : vector<8x128xf32>
        %select_n3A_508 = arith.select %lt3A_507, %add3A_506, %select_n3A_406 : vector<8x128xi1>, vector<8x128xf32>
        %select_n3A_509 = arith.select %lt3A_507, %get3A_493, %select_n3A_407 : vector<8x128xi1>, vector<8x128xi32>
        %sub3A_510 = arith.subf %get3A_483, %broadcast_in_dim3A_23 : vector<8x128xf32>
        %sub3A_511 = arith.subf %get3A_488, %broadcast_in_dim3A_51 : vector<8x128xf32>
        %mul3A_512 = arith.mulf %sub3A_510, %sub3A_510 : vector<8x128xf32>
        %mul3A_513 = arith.mulf %sub3A_511, %sub3A_511 : vector<8x128xf32>
        %add3A_514 = arith.addf %mul3A_512, %mul3A_513 : vector<8x128xf32>
        %lt3A_515 = arith.cmpf olt, %add3A_514, %select_n3A_414 : vector<8x128xf32>
        %select_n3A_516 = arith.select %lt3A_515, %add3A_514, %select_n3A_414 : vector<8x128xi1>, vector<8x128xf32>
        %select_n3A_517 = arith.select %lt3A_515, %get3A_493, %select_n3A_415 : vector<8x128xi1>, vector<8x128xi32>
        %sub3A_518 = arith.subf %get3A_483, %broadcast_in_dim3A_30 : vector<8x128xf32>
        %sub3A_519 = arith.subf %get3A_488, %broadcast_in_dim3A_58 : vector<8x128xf32>
        %mul3A_520 = arith.mulf %sub3A_518, %sub3A_518 : vector<8x128xf32>
        %mul3A_521 = arith.mulf %sub3A_519, %sub3A_519 : vector<8x128xf32>
        %add3A_522 = arith.addf %mul3A_520, %mul3A_521 : vector<8x128xf32>
        %lt3A_523 = arith.cmpf olt, %add3A_522, %select_n3A_422 : vector<8x128xf32>
        %select_n3A_524 = arith.select %lt3A_523, %add3A_522, %select_n3A_422 : vector<8x128xi1>, vector<8x128xf32>
        %select_n3A_525 = arith.select %lt3A_523, %get3A_493, %select_n3A_423 : vector<8x128xi1>, vector<8x128xi32>
        %mul3A_526 = arith.constant 8 : i32
        %mul3A_527 = arith.muli %scan3A_153, %mul3A_526 : i32
        %add3A_528 = arith.constant 7 : i32
        %add3A_529 = arith.addi %mul3A_527, %add3A_528 : i32
        %mul3A_530 = arith.constant 8 : i32
        %mul3A_531 = arith.muli %mul3A_530, %add3A_529 : i32
        %get3A_532 = arith.index_cast %mul3A_531 : i32 to index
        %get3A_533 = arith.constant 0 : index
        %get3A_534 = vector.load %arg3[%get3A_532, %get3A_533] : memref<6272x128xf32, #tpu.memory_space<vmem>>, vector<8x128xf32>
        %mul3A_535 = arith.constant 8 : i32
        %mul3A_536 = arith.muli %mul3A_535, %add3A_529 : i32
        %get3A_537 = arith.index_cast %mul3A_536 : i32 to index
        %get3A_538 = arith.constant 0 : index
        %get3A_539 = vector.load %arg4[%get3A_537, %get3A_538] : memref<6272x128xf32, #tpu.memory_space<vmem>>, vector<8x128xf32>
        %mul3A_540 = arith.constant 8 : i32
        %mul3A_541 = arith.muli %mul3A_540, %add3A_529 : i32
        %get3A_542 = arith.index_cast %mul3A_541 : i32 to index
        %get3A_543 = arith.constant 0 : index
        %get3A_544 = vector.load %arg5[%get3A_542, %get3A_543] : memref<6272x128xi32, #tpu.memory_space<vmem>>, vector<8x128xi32>
        %sub3A_545 = arith.subf %get3A_534, %broadcast_in_dim3A_9 : vector<8x128xf32>
        %sub3A_546 = arith.subf %get3A_539, %broadcast_in_dim3A_37 : vector<8x128xf32>
        %mul3A_547 = arith.mulf %sub3A_545, %sub3A_545 : vector<8x128xf32>
        %mul3A_548 = arith.mulf %sub3A_546, %sub3A_546 : vector<8x128xf32>
        %add3A_549 = arith.addf %mul3A_547, %mul3A_548 : vector<8x128xf32>
        %lt3A_550 = arith.cmpf olt, %add3A_549, %select_n3A_449 : vector<8x128xf32>
        %select_n3A_551 = arith.select %lt3A_550, %add3A_549, %select_n3A_449 : vector<8x128xi1>, vector<8x128xf32>
        %select_n3A_552 = arith.select %lt3A_550, %get3A_544, %select_n3A_450 : vector<8x128xi1>, vector<8x128xi32>
        %sub3A_553 = arith.subf %get3A_534, %broadcast_in_dim3A_16 : vector<8x128xf32>
        %sub3A_554 = arith.subf %get3A_539, %broadcast_in_dim3A_44 : vector<8x128xf32>
        %mul3A_555 = arith.mulf %sub3A_553, %sub3A_553 : vector<8x128xf32>
        %mul3A_556 = arith.mulf %sub3A_554, %sub3A_554 : vector<8x128xf32>
        %add3A_557 = arith.addf %mul3A_555, %mul3A_556 : vector<8x128xf32>
        %lt3A_558 = arith.cmpf olt, %add3A_557, %select_n3A_457 : vector<8x128xf32>
        %select_n3A_559 = arith.select %lt3A_558, %add3A_557, %select_n3A_457 : vector<8x128xi1>, vector<8x128xf32>
        %select_n3A_560 = arith.select %lt3A_558, %get3A_544, %select_n3A_458 : vector<8x128xi1>, vector<8x128xi32>
        %sub3A_561 = arith.subf %get3A_534, %broadcast_in_dim3A_23 : vector<8x128xf32>
        %sub3A_562 = arith.subf %get3A_539, %broadcast_in_dim3A_51 : vector<8x128xf32>
        %mul3A_563 = arith.mulf %sub3A_561, %sub3A_561 : vector<8x128xf32>
        %mul3A_564 = arith.mulf %sub3A_562, %sub3A_562 : vector<8x128xf32>
        %add3A_565 = arith.addf %mul3A_563, %mul3A_564 : vector<8x128xf32>
        %lt3A_566 = arith.cmpf olt, %add3A_565, %select_n3A_465 : vector<8x128xf32>
        %select_n3A_567 = arith.select %lt3A_566, %add3A_565, %select_n3A_465 : vector<8x128xi1>, vector<8x128xf32>
        %select_n3A_568 = arith.select %lt3A_566, %get3A_544, %select_n3A_466 : vector<8x128xi1>, vector<8x128xi32>
        %sub3A_569 = arith.subf %get3A_534, %broadcast_in_dim3A_30 : vector<8x128xf32>
        %sub3A_570 = arith.subf %get3A_539, %broadcast_in_dim3A_58 : vector<8x128xf32>
        %mul3A_571 = arith.mulf %sub3A_569, %sub3A_569 : vector<8x128xf32>
        %mul3A_572 = arith.mulf %sub3A_570, %sub3A_570 : vector<8x128xf32>
        %add3A_573 = arith.addf %mul3A_571, %mul3A_572 : vector<8x128xf32>
        %lt3A_574 = arith.cmpf olt, %add3A_573, %select_n3A_473 : vector<8x128xf32>
        %select_n3A_575 = arith.select %lt3A_574, %add3A_573, %select_n3A_473 : vector<8x128xi1>, vector<8x128xf32>
        %select_n3A_576 = arith.select %lt3A_574, %get3A_544, %select_n3A_474 : vector<8x128xi1>, vector<8x128xi32>
        scf.yield %select_n3A_500, %select_n3A_508, %select_n3A_516, %select_n3A_524, %select_n3A_551, %select_n3A_559, %select_n3A_567, %select_n3A_575, %select_n3A_501, %select_n3A_509, %select_n3A_517, %select_n3A_525, %select_n3A_552, %select_n3A_560, %select_n3A_568, %select_n3A_576 : vector<8x128xf32>, vector<8x128xf32>, vector<8x128xf32>, vector<8x128xf32>, vector<8x128xf32>, vector<8x128xf32>, vector<8x128xf32>, vector<8x128xf32>, vector<8x128xi32>, vector<8x128xi32>, vector<8x128xi32>, vector<8x128xi32>, vector<8x128xi32>, vector<8x128xi32>, vector<8x128xi32>, vector<8x128xi32>
      }
      %scan3A_68 = arith.constant 98 : i32
      %lt3A = arith.cmpf olt, %scan3A_67#4, %scan3A_67#0 : vector<8x128xf32>
      %eq3A = arith.cmpf oeq, %scan3A_67#4, %scan3A_67#0 : vector<8x128xf32>
      %lt3A_69 = arith.cmpi slt, %scan3A_67#12, %scan3A_67#8 : vector<8x128xi32>
      %and3A = arith.andi %eq3A, %lt3A_69 : vector<8x128xi1>
      %or3A = arith.ori %lt3A, %and3A : vector<8x128xi1>
      %select_n3A = arith.select %or3A, %scan3A_67#4, %scan3A_67#0 : vector<8x128xi1>, vector<8x128xf32>
      %select_n3A_70 = arith.select %or3A, %scan3A_67#12, %scan3A_67#8 : vector<8x128xi1>, vector<8x128xi32>
      %reduce_min3A = arith.constant dense<0x7F800000> : vector<8xf32>
      %reduce_min3A_71 = vector.multi_reduction <minimumf>, %select_n3A, %reduce_min3A [1] : vector<8x128xf32> to vector<8xf32>
      %broadcast_in_dim3A_72 = vector.shape_cast %reduce_min3A_71 : vector<8xf32> to vector<8x1xf32>
      %eq3A_73 = vector.broadcast %broadcast_in_dim3A_72 : vector<8x1xf32> to vector<8x128xf32>
      %eq3A_74 = arith.cmpf oeq, %select_n3A, %eq3A_73 : vector<8x128xf32>
      %jit3A = arith.constant 2147483647 : i32
      %broadcast_in_dim3A_75 = vector.broadcast %jit3A : i32 to vector<8x128xi32>
      %select_n3A_76 = arith.select %eq3A_74, %select_n3A_70, %broadcast_in_dim3A_75 : vector<8x128xi1>, vector<8x128xi32>
      %reduce_min3A_77 = arith.constant dense<2147483647> : vector<8xi32>
      %reduce_min3A_78 = vector.multi_reduction <minsi>, %select_n3A_76, %reduce_min3A_77 [1] : vector<8x128xi32> to vector<8xi32>
      %broadcast_in_dim3A_79 = vector.shape_cast %reduce_min3A_78 : vector<8xi32> to vector<8x1xi32>
      %add3A_80 = arith.constant 0 : i32
      %add3A_81 = arith.addi %mul3A_5, %add3A_80 : i32
      %swap3A = arith.index_cast %add3A_81 : i32 to index
      %swap3A_82 = arith.constant 0 : index
      %swap3A_83 = vector.load %arg6[%swap3A, %swap3A_82] : memref<512x1xi32, #tpu.memory_space<vmem>>, vector<8x1xi32>
      tpu.vector_store %arg6[%swap3A, %swap3A_82], %broadcast_in_dim3A_79 {strides = array<i32>} : memref<512x1xi32, #tpu.memory_space<vmem>>, vector<8x1xi32>,
      %lt3A_84 = arith.cmpf olt, %scan3A_67#5, %scan3A_67#1 : vector<8x128xf32>
      %eq3A_85 = arith.cmpf oeq, %scan3A_67#5, %scan3A_67#1 : vector<8x128xf32>
      %lt3A_86 = arith.cmpi slt, %scan3A_67#13, %scan3A_67#9 : vector<8x128xi32>
      %and3A_87 = arith.andi %eq3A_85, %lt3A_86 : vector<8x128xi1>
      %or3A_88 = arith.ori %lt3A_84, %and3A_87 : vector<8x128xi1>
      %select_n3A_89 = arith.select %or3A_88, %scan3A_67#5, %scan3A_67#1 : vector<8x128xi1>, vector<8x128xf32>
      %select_n3A_90 = arith.select %or3A_88, %scan3A_67#13, %scan3A_67#9 : vector<8x128xi1>, vector<8x128xi32>
      %reduce_min3A_91 = arith.constant dense<0x7F800000> : vector<8xf32>
      %reduce_min3A_92 = vector.multi_reduction <minimumf>, %select_n3A_89, %reduce_min3A_91 [1] : vector<8x128xf32> to vector<8xf32>
      %broadcast_in_dim3A_93 = vector.shape_cast %reduce_min3A_92 : vector<8xf32> to vector<8x1xf32>
      %eq3A_94 = vector.broadcast %broadcast_in_dim3A_93 : vector<8x1xf32> to vector<8x128xf32>
      %eq3A_95 = arith.cmpf oeq, %select_n3A_89, %eq3A_94 : vector<8x128xf32>
      %jit3A_96 = arith.constant 2147483647 : i32
      %broadcast_in_dim3A_97 = vector.broadcast %jit3A_96 : i32 to vector<8x128xi32>
      %select_n3A_98 = arith.select %eq3A_95, %select_n3A_90, %broadcast_in_dim3A_97 : vector<8x128xi1>, vector<8x128xi32>
      %reduce_min3A_99 = arith.constant dense<2147483647> : vector<8xi32>
      %reduce_min3A_100 = vector.multi_reduction <minsi>, %select_n3A_98, %reduce_min3A_99 [1] : vector<8x128xi32> to vector<8xi32>
      %broadcast_in_dim3A_101 = vector.shape_cast %reduce_min3A_100 : vector<8xi32> to vector<8x1xi32>
      %add3A_102 = arith.constant 8 : i32
      %add3A_103 = arith.addi %mul3A_5, %add3A_102 : i32
      %swap3A_104 = arith.index_cast %add3A_103 : i32 to index
      %swap3A_105 = arith.constant 0 : index
      %swap3A_106 = vector.load %arg6[%swap3A_104, %swap3A_105] : memref<512x1xi32, #tpu.memory_space<vmem>>, vector<8x1xi32>
      tpu.vector_store %arg6[%swap3A_104, %swap3A_105], %broadcast_in_dim3A_101 {strides = array<i32>} : memref<512x1xi32, #tpu.memory_space<vmem>>, vector<8x1xi32>,
      %lt3A_107 = arith.cmpf olt, %scan3A_67#6, %scan3A_67#2 : vector<8x128xf32>
      %eq3A_108 = arith.cmpf oeq, %scan3A_67#6, %scan3A_67#2 : vector<8x128xf32>
      %lt3A_109 = arith.cmpi slt, %scan3A_67#14, %scan3A_67#10 : vector<8x128xi32>
      %and3A_110 = arith.andi %eq3A_108, %lt3A_109 : vector<8x128xi1>
      %or3A_111 = arith.ori %lt3A_107, %and3A_110 : vector<8x128xi1>
      %select_n3A_112 = arith.select %or3A_111, %scan3A_67#6, %scan3A_67#2 : vector<8x128xi1>, vector<8x128xf32>
      %select_n3A_113 = arith.select %or3A_111, %scan3A_67#14, %scan3A_67#10 : vector<8x128xi1>, vector<8x128xi32>
      %reduce_min3A_114 = arith.constant dense<0x7F800000> : vector<8xf32>
      %reduce_min3A_115 = vector.multi_reduction <minimumf>, %select_n3A_112, %reduce_min3A_114 [1] : vector<8x128xf32> to vector<8xf32>
      %broadcast_in_dim3A_116 = vector.shape_cast %reduce_min3A_115 : vector<8xf32> to vector<8x1xf32>
      %eq3A_117 = vector.broadcast %broadcast_in_dim3A_116 : vector<8x1xf32> to vector<8x128xf32>
      %eq3A_118 = arith.cmpf oeq, %select_n3A_112, %eq3A_117 : vector<8x128xf32>
      %jit3A_119 = arith.constant 2147483647 : i32
      %broadcast_in_dim3A_120 = vector.broadcast %jit3A_119 : i32 to vector<8x128xi32>
      %select_n3A_121 = arith.select %eq3A_118, %select_n3A_113, %broadcast_in_dim3A_120 : vector<8x128xi1>, vector<8x128xi32>
      %reduce_min3A_122 = arith.constant dense<2147483647> : vector<8xi32>
      %reduce_min3A_123 = vector.multi_reduction <minsi>, %select_n3A_121, %reduce_min3A_122 [1] : vector<8x128xi32> to vector<8xi32>
      %broadcast_in_dim3A_124 = vector.shape_cast %reduce_min3A_123 : vector<8xi32> to vector<8x1xi32>
      %add3A_125 = arith.constant 16 : i32
      %add3A_126 = arith.addi %mul3A_5, %add3A_125 : i32
      %swap3A_127 = arith.index_cast %add3A_126 : i32 to index
      %swap3A_128 = arith.constant 0 : index
      %swap3A_129 = vector.load %arg6[%swap3A_127, %swap3A_128] : memref<512x1xi32, #tpu.memory_space<vmem>>, vector<8x1xi32>
      tpu.vector_store %arg6[%swap3A_127, %swap3A_128], %broadcast_in_dim3A_124 {strides = array<i32>} : memref<512x1xi32, #tpu.memory_space<vmem>>, vector<8x1xi32>,
      %lt3A_130 = arith.cmpf olt, %scan3A_67#7, %scan3A_67#3 : vector<8x128xf32>
      %eq3A_131 = arith.cmpf oeq, %scan3A_67#7, %scan3A_67#3 : vector<8x128xf32>
      %lt3A_132 = arith.cmpi slt, %scan3A_67#15, %scan3A_67#11 : vector<8x128xi32>
      %and3A_133 = arith.andi %eq3A_131, %lt3A_132 : vector<8x128xi1>
      %or3A_134 = arith.ori %lt3A_130, %and3A_133 : vector<8x128xi1>
      %select_n3A_135 = arith.select %or3A_134, %scan3A_67#7, %scan3A_67#3 : vector<8x128xi1>, vector<8x128xf32>
      %select_n3A_136 = arith.select %or3A_134, %scan3A_67#15, %scan3A_67#11 : vector<8x128xi1>, vector<8x128xi32>
      %reduce_min3A_137 = arith.constant dense<0x7F800000> : vector<8xf32>
      %reduce_min3A_138 = vector.multi_reduction <minimumf>, %select_n3A_135, %reduce_min3A_137 [1] : vector<8x128xf32> to vector<8xf32>
      %broadcast_in_dim3A_139 = vector.shape_cast %reduce_min3A_138 : vector<8xf32> to vector<8x1xf32>
      %eq3A_140 = vector.broadcast %broadcast_in_dim3A_139 : vector<8x1xf32> to vector<8x128xf32>
      %eq3A_141 = arith.cmpf oeq, %select_n3A_135, %eq3A_140 : vector<8x128xf32>
      %jit3A_142 = arith.constant 2147483647 : i32
      %broadcast_in_dim3A_143 = vector.broadcast %jit3A_142 : i32 to vector<8x128xi32>
      %select_n3A_144 = arith.select %eq3A_141, %select_n3A_136, %broadcast_in_dim3A_143 : vector<8x128xi1>, vector<8x128xi32>
      %reduce_min3A_145 = arith.constant dense<2147483647> : vector<8xi32>
      %reduce_min3A_146 = vector.multi_reduction <minsi>, %select_n3A_144, %reduce_min3A_145 [1] : vector<8x128xi32> to vector<8xi32>
      %broadcast_in_dim3A_147 = vector.shape_cast %reduce_min3A_146 : vector<8xi32> to vector<8x1xi32>
      %add3A_148 = arith.constant 24 : i32
      %add3A_149 = arith.addi %mul3A_5, %add3A_148 : i32
      %swap3A_150 = arith.index_cast %add3A_149 : i32 to index
      %swap3A_151 = arith.constant 0 : index
      %swap3A_152 = vector.load %arg6[%swap3A_150, %swap3A_151] : memref<512x1xi32, #tpu.memory_space<vmem>>, vector<8x1xi32>
      tpu.vector_store %arg6[%swap3A_150, %swap3A_151], %broadcast_in_dim3A_147 {strides = array<i32>} : memref<512x1xi32, #tpu.memory_space<vmem>>, vector<8x1xi32>,
    }
    %scan3A_3 = arith.constant 16 : i32
    return
  }
  func.func @transform_0(%arg0: i32) -> (i32, i32) {
    %c0_i32 = arith.constant 0 : i32
    %c0_i32_0 = arith.constant 0 : i32
    return %arg0, %c0_i32 : i32, i32
  }
  func.func @transform_1(%arg0: i32) -> (i32, i32) {
    %c0_i32 = arith.constant 0 : i32
    %c0_i32_0 = arith.constant 0 : i32
    return %arg0, %c0_i32 : i32, i32
  }
  func.func @transform_2(%arg0: i32) -> (i32, i32) {
    %c0_i32 = arith.constant 0 : i32
    %c0_i32_0 = arith.constant 0 : i32
    %c0_i32_1 = arith.constant 0 : i32
    return %c0_i32, %c0_i32_0 : i32, i32
  }
  func.func @transform_3(%arg0: i32) -> (i32, i32) {
    %c0_i32 = arith.constant 0 : i32
    %c0_i32_0 = arith.constant 0 : i32
    %c0_i32_1 = arith.constant 0 : i32
    return %c0_i32, %c0_i32_0 : i32, i32
  }
  func.func @transform_4(%arg0: i32) -> (i32, i32) {
    %c0_i32 = arith.constant 0 : i32
    %c0_i32_0 = arith.constant 0 : i32
    %c0_i32_1 = arith.constant 0 : i32
    return %c0_i32, %c0_i32_0 : i32, i32
  }
  func.func @transform_5(%arg0: i32) -> (i32, i32) {
    %c0_i32 = arith.constant 0 : i32
    %c0_i32_0 = arith.constant 0 : i32
    return %arg0, %c0_i32 : i32, i32
  }
}

module attributes {stable_mosaic.version = 14 : i64} {
  func.func @_dense_body(%arg0: i32, %arg1: memref<1024x2xf32, #tpu.memory_space<vmem>>, %arg2: memref<1024x2xf32, #tpu.memory_space<vmem>>, %arg3: memref<1024x2xi32, #tpu.memory_space<vmem>>, %arg4: memref<1024x2xf32, #tpu.memory_space<vmem>>, %arg5: memref<1024x128xf32, #tpu.memory_space<vmem>>, %arg6: memref<2x128xf32, #tpu.memory_space<vmem>>, %arg7: memref<1x128xf32, #tpu.memory_space<vmem>>, %arg8: memref<128x256xf32, #tpu.memory_space<vmem>>, %arg9: memref<1x256xf32, #tpu.memory_space<vmem>>, %arg10: memref<4x128xf32, #tpu.memory_space<vmem>>, %arg11: memref<4x128xf32, #tpu.memory_space<vmem>>, %arg12: memref<512x256xf32, #tpu.memory_space<vmem>>, %arg13: memref<1x256xf32, #tpu.memory_space<vmem>>, %arg14: memref<1x128xf32, #tpu.memory_space<vmem>>, %arg15: memref<1x128xf32, #tpu.memory_space<vmem>>, %arg16: memref<128x256xf32, #tpu.memory_space<vmem>>, %arg17: memref<1x256xf32, #tpu.memory_space<vmem>>, %arg18: memref<6x128xf32, #tpu.memory_space<vmem>>, %arg19: memref<1x128xf32, #tpu.memory_space<vmem>>, %arg20: memref<1x128xf32, #tpu.memory_space<vmem>>, %arg21: memref<128x256xf32, #tpu.memory_space<vmem>>, %arg22: memref<1x256xf32, #tpu.memory_space<vmem>>, %arg23: memref<256x768xf32, #tpu.memory_space<vmem>>, %arg24: memref<1x768xf32, #tpu.memory_space<vmem>>, %arg25: memref<256x256xf32, #tpu.memory_space<vmem>>, %arg26: memref<1x256xf32, #tpu.memory_space<vmem>>, %arg27: memref<1x256xf32, #tpu.memory_space<vmem>>, %arg28: memref<1x256xf32, #tpu.memory_space<vmem>>, %arg29: memref<256x256xf32, #tpu.memory_space<vmem>>, %arg30: memref<1x256xf32, #tpu.memory_space<vmem>>, %arg31: memref<256x256xf32, #tpu.memory_space<vmem>>, %arg32: memref<1x256xf32, #tpu.memory_space<vmem>>, %arg33: memref<1x256xf32, #tpu.memory_space<vmem>>, %arg34: memref<1x256xf32, #tpu.memory_space<vmem>>, %arg35: memref<1x128xf32, #tpu.memory_space<vmem>>, %arg36: memref<256x8xf32, #tpu.memory_space<vmem>>, %arg37: memref<8x256xf32, #tpu.memory_space<vmem>>, %arg38: memref<128x256xf32, #tpu.memory_space<vmem>>, %arg39: memref<128x256xf32, #tpu.memory_space<vmem>>, %arg40: memref<1024x256xf32, #tpu.memory_space<vmem>>) attributes {dimension_semantics = [#tpu.dimension_semantics<arbitrary>], iteration_bounds = array<i64: 4>, scalar_prefetch = 0 : i64, scratch_operands = 0 : i64, tpu.core_type = #tpu.core_type<tc>, window_params = [{transform_indices = @transform_0, window_bounds = array<i64: 1024, 2>}, {transform_indices = @transform_1, window_bounds = array<i64: 1024, 2>}, {transform_indices = @transform_2, window_bounds = array<i64: 1024, 2>}, {transform_indices = @transform_3, window_bounds = array<i64: 1024, 2>}, {transform_indices = @transform_4, window_bounds = array<i64: 1024, 128>}, {pipeline_mode = #tpu.pipeline_mode<synchronous>, transform_indices = @transform_5, window_bounds = array<i64: 2, 128>}, {pipeline_mode = #tpu.pipeline_mode<synchronous>, transform_indices = @transform_6, window_bounds = array<i64: 1, 128>}, {pipeline_mode = #tpu.pipeline_mode<synchronous>, transform_indices = @transform_7, window_bounds = array<i64: 128, 256>}, {pipeline_mode = #tpu.pipeline_mode<synchronous>, transform_indices = @transform_8, window_bounds = array<i64: 1, 256>}, {pipeline_mode = #tpu.pipeline_mode<synchronous>, transform_indices = @transform_9, window_bounds = array<i64: 4, 128>}, {pipeline_mode = #tpu.pipeline_mode<synchronous>, transform_indices = @transform_10, window_bounds = array<i64: 4, 128>}, {pipeline_mode = #tpu.pipeline_mode<synchronous>, transform_indices = @transform_11, window_bounds = array<i64: 512, 256>}, {pipeline_mode = #tpu.pipeline_mode<synchronous>, transform_indices = @transform_12, window_bounds = array<i64: 1, 256>}, {pipeline_mode = #tpu.pipeline_mode<synchronous>, transform_indices = @transform_13, window_bounds = array<i64: 1, 128>}, {pipeline_mode = #tpu.pipeline_mode<synchronous>, transform_indices = @transform_14, window_bounds = array<i64: 1, 128>}, {pipeline_mode = #tpu.pipeline_mode<synchronous>, transform_indices = @transform_15, window_bounds = array<i64: 128, 256>}, {pipeline_mode = #tpu.pipeline_mode<synchronous>, transform_indices = @transform_16, window_bounds = array<i64: 1, 256>}, {pipeline_mode = #tpu.pipeline_mode<synchronous>, transform_indices = @transform_17, window_bounds = array<i64: 6, 128>}, {pipeline_mode = #tpu.pipeline_mode<synchronous>, transform_indices = @transform_18, window_bounds = array<i64: 1, 128>}, {pipeline_mode = #tpu.pipeline_mode<synchronous>, transform_indices = @transform_19, window_bounds = array<i64: 1, 128>}, {pipeline_mode = #tpu.pipeline_mode<synchronous>, transform_indices = @transform_20, window_bounds = array<i64: 128, 256>}, {pipeline_mode = #tpu.pipeline_mode<synchronous>, transform_indices = @transform_21, window_bounds = array<i64: 1, 256>}, {pipeline_mode = #tpu.pipeline_mode<synchronous>, transform_indices = @transform_22, window_bounds = array<i64: 256, 768>}, {pipeline_mode = #tpu.pipeline_mode<synchronous>, transform_indices = @transform_23, window_bounds = array<i64: 1, 768>}, {pipeline_mode = #tpu.pipeline_mode<synchronous>, transform_indices = @transform_24, window_bounds = array<i64: 256, 256>}, {pipeline_mode = #tpu.pipeline_mode<synchronous>, transform_indices = @transform_25, window_bounds = array<i64: 1, 256>}, {pipeline_mode = #tpu.pipeline_mode<synchronous>, transform_indices = @transform_26, window_bounds = array<i64: 1, 256>}, {pipeline_mode = #tpu.pipeline_mode<synchronous>, transform_indices = @transform_27, window_bounds = array<i64: 1, 256>}, {pipeline_mode = #tpu.pipeline_mode<synchronous>, transform_indices = @transform_28, window_bounds = array<i64: 256, 256>}, {pipeline_mode = #tpu.pipeline_mode<synchronous>, transform_indices = @transform_29, window_bounds = array<i64: 1, 256>}, {pipeline_mode = #tpu.pipeline_mode<synchronous>, transform_indices = @transform_30, window_bounds = array<i64: 256, 256>}, {pipeline_mode = #tpu.pipeline_mode<synchronous>, transform_indices = @transform_31, window_bounds = array<i64: 1, 256>}, {pipeline_mode = #tpu.pipeline_mode<synchronous>, transform_indices = @transform_32, window_bounds = array<i64: 1, 256>}, {pipeline_mode = #tpu.pipeline_mode<synchronous>, transform_indices = @transform_33, window_bounds = array<i64: 1, 256>}, {pipeline_mode = #tpu.pipeline_mode<synchronous>, transform_indices = @transform_34, window_bounds = array<i64: 1, 128>}, {pipeline_mode = #tpu.pipeline_mode<synchronous>, transform_indices = @transform_35, window_bounds = array<i64: 256, 8>}, {pipeline_mode = #tpu.pipeline_mode<synchronous>, transform_indices = @transform_36, window_bounds = array<i64: 8, 256>}, {pipeline_mode = #tpu.pipeline_mode<synchronous>, transform_indices = @transform_37, window_bounds = array<i64: 128, 256>}, {pipeline_mode = #tpu.pipeline_mode<synchronous>, transform_indices = @transform_38, window_bounds = array<i64: 128, 256>}, {transform_indices = @transform_39, window_bounds = array<i64: 1024, 256>}]} {
    %get3A = arith.constant 0 : index
    %get3A_0 = arith.constant 0 : index
    %get3A_1 = vector.load %arg18[%get3A, %get3A_0] : memref<6x128xf32, #tpu.memory_space<vmem>>, vector<6x128xf32>
    %get3A_2 = arith.constant 0 : index
    %get3A_3 = arith.constant 0 : index
    %get3A_4 = vector.load %arg19[%get3A_2, %get3A_3] : memref<1x128xf32, #tpu.memory_space<vmem>>, vector<1x128xf32>
    %get3A_5 = arith.constant 0 : index
    %get3A_6 = arith.constant 0 : index
    %get3A_7 = vector.load %arg20[%get3A_5, %get3A_6] : memref<1x128xf32, #tpu.memory_space<vmem>>, vector<1x128xf32>
    %reduce_sum3A = arith.constant dense<0.000000e+00> : vector<6xf32>
    %reduce_sum3A_8 = vector.multi_reduction <add>, %get3A_1, %reduce_sum3A [1] : vector<6x128xf32> to vector<6xf32>
    %broadcast_in_dim3A = vector.shape_cast %reduce_sum3A_8 : vector<6xf32> to vector<6x1xf32>
    %div3A = arith.constant 1.280000e+02 : f32
    %div3A_9 = vector.broadcast %div3A : f32 to vector<6x1xf32>
    %div3A_10 = arith.divf %broadcast_in_dim3A, %div3A_9 : vector<6x1xf32>
    %sub3A = vector.broadcast %div3A_10 : vector<6x1xf32> to vector<6x128xf32>
    %sub3A_11 = arith.subf %get3A_1, %sub3A : vector<6x128xf32>
    %sub3A_12 = vector.broadcast %div3A_10 : vector<6x1xf32> to vector<6x128xf32>
    %sub3A_13 = arith.subf %get3A_1, %sub3A_12 : vector<6x128xf32>
    %mul3A = arith.mulf %sub3A_11, %sub3A_13 : vector<6x128xf32>
    %reduce_sum3A_14 = arith.constant dense<0.000000e+00> : vector<6xf32>
    %reduce_sum3A_15 = vector.multi_reduction <add>, %mul3A, %reduce_sum3A_14 [1] : vector<6x128xf32> to vector<6xf32>
    %broadcast_in_dim3A_16 = vector.shape_cast %reduce_sum3A_15 : vector<6xf32> to vector<6x1xf32>
    %div3A_17 = arith.constant 1.280000e+02 : f32
    %div3A_18 = vector.broadcast %div3A_17 : f32 to vector<6x1xf32>
    %div3A_19 = arith.divf %broadcast_in_dim3A_16, %div3A_18 : vector<6x1xf32>
    %sub3A_20 = vector.broadcast %div3A_10 : vector<6x1xf32> to vector<6x128xf32>
    %sub3A_21 = arith.subf %get3A_1, %sub3A_20 : vector<6x128xf32>
    %add3A = arith.constant 9.99999974E-6 : f32
    %add3A_22 = vector.broadcast %add3A : f32 to vector<6x1xf32>
    %add3A_23 = arith.addf %div3A_19, %add3A_22 : vector<6x1xf32>
    %sqrt3A = math.sqrt %add3A_23 : vector<6x1xf32>
    %div3A_24 = vector.broadcast %sqrt3A : vector<6x1xf32> to vector<6x128xf32>
    %div3A_25 = arith.divf %sub3A_21, %div3A_24 : vector<6x128xf32>
    %mul3A_26 = vector.broadcast %get3A_4 : vector<1x128xf32> to vector<6x128xf32>
    %mul3A_27 = arith.mulf %div3A_25, %mul3A_26 : vector<6x128xf32>
    %add3A_28 = vector.broadcast %get3A_7 : vector<1x128xf32> to vector<6x128xf32>
    %add3A_29 = arith.addf %mul3A_27, %add3A_28 : vector<6x128xf32>
    %get3A_30 = arith.constant 0 : index
    %get3A_31 = arith.constant 0 : index
    %get3A_32 = vector.load %arg21[%get3A_30, %get3A_31] : memref<128x256xf32, #tpu.memory_space<vmem>>, vector<128x256xf32>
    %dot_general3A = arith.constant dense<0.000000e+00> : vector<6x256xf32>
    %dot_general3A_33 = tpu.matmul %add3A_29, %get3A_32, %dot_general3A {dimension_numbers = #tpu.dot_dimension_numbers<[1], [0], [0], [1], [0, 0, 1, 1], [], []>, transpose_lhs_hint = false} : vector<6x128xf32>, vector<128x256xf32>, vector<6x256xf32> -> vector<6x256xf32>
    %get3A_34 = arith.constant 0 : index
    %get3A_35 = arith.constant 0 : index
    %get3A_36 = vector.load %arg22[%get3A_34, %get3A_35] : memref<1x256xf32, #tpu.memory_space<vmem>>, vector<1x256xf32>
    %add3A_37 = vector.broadcast %get3A_36 : vector<1x256xf32> to vector<6x256xf32>
    %add3A_38 = arith.addf %dot_general3A_33, %add3A_37 : vector<6x256xf32>
    %get3A_39 = arith.constant 0 : index
    %get3A_40 = arith.constant 0 : index
    %get3A_41 = vector.load %arg3[%get3A_39, %get3A_40] : memref<1024x2xi32, #tpu.memory_space<vmem>>, vector<1024x2xi32>
    %iota3A = tpu.iota {dimensions = array<i32: 1>} : vector<1024x6xi32>
    %slice3A = vector.extract_strided_slice %get3A_41 {offsets = [0, 0], sizes = [1024, 1], strides = [1, 1]} : vector<1024x2xi32> to vector<1024x1xi32>
    %eq3A = vector.broadcast %slice3A : vector<1024x1xi32> to vector<1024x6xi32>
    %eq3A_42 = arith.cmpi eq, %eq3A, %iota3A : vector<1024x6xi32>
    %convert_element_type3A = arith.extui %eq3A_42 : vector<1024x6xi1> to vector<1024x6xi32>
    %convert_element_type3A_43 = arith.sitofp %convert_element_type3A : vector<1024x6xi32> to vector<1024x6xf32>
    %slice3A_44 = vector.extract_strided_slice %get3A_41 {offsets = [0, 1], sizes = [1024, 1], strides = [1, 1]} : vector<1024x2xi32> to vector<1024x1xi32>
    %eq3A_45 = vector.broadcast %slice3A_44 : vector<1024x1xi32> to vector<1024x6xi32>
    %eq3A_46 = arith.cmpi eq, %eq3A_45, %iota3A : vector<1024x6xi32>
    %convert_element_type3A_47 = arith.extui %eq3A_46 : vector<1024x6xi1> to vector<1024x6xi32>
    %convert_element_type3A_48 = arith.sitofp %convert_element_type3A_47 : vector<1024x6xi32> to vector<1024x6xf32>
    %dot_general3A_49 = arith.constant dense<0.000000e+00> : vector<1024x256xf32>
    %dot_general3A_50 = tpu.matmul %convert_element_type3A_43, %add3A_38, %dot_general3A_49 {dimension_numbers = #tpu.dot_dimension_numbers<[1], [0], [0], [1], [0, 0, 1, 1], [], []>, transpose_lhs_hint = false} : vector<1024x6xf32>, vector<6x256xf32>, vector<1024x256xf32> -> vector<1024x256xf32>
    %dot_general3A_51 = arith.constant dense<0.000000e+00> : vector<1024x256xf32>
    %dot_general3A_52 = tpu.matmul %convert_element_type3A_48, %add3A_38, %dot_general3A_51 {dimension_numbers = #tpu.dot_dimension_numbers<[1], [0], [0], [1], [0, 0, 1, 1], [], []>, transpose_lhs_hint = false} : vector<1024x6xf32>, vector<6x256xf32>, vector<1024x256xf32> -> vector<1024x256xf32>
    %get3A_53 = arith.constant 0 : index
    %get3A_54 = arith.constant 0 : index
    %get3A_55 = vector.load %arg1[%get3A_53, %get3A_54] : memref<1024x2xf32, #tpu.memory_space<vmem>>, vector<1024x1xf32>
    %get3A_56 = arith.constant 0 : index
    %get3A_57 = arith.constant 1 : index
    %get3A_58 = vector.load %arg1[%get3A_56, %get3A_57] : memref<1024x2xf32, #tpu.memory_space<vmem>>, vector<1024x1xf32>
    %get3A_59 = arith.constant 0 : index
    %get3A_60 = arith.constant 0 : index
    %get3A_61 = vector.load %arg6[%get3A_59, %get3A_60] : memref<2x128xf32, #tpu.memory_space<vmem>>, vector<1x128xf32>
    %mul3A_62 = vector.broadcast %get3A_55 : vector<1024x1xf32> to vector<1024x128xf32>
    %mul3A_63 = vector.broadcast %get3A_61 : vector<1x128xf32> to vector<1024x128xf32>
    %mul3A_64 = arith.mulf %mul3A_62, %mul3A_63 : vector<1024x128xf32>
    %get3A_65 = arith.constant 1 : index
    %get3A_66 = arith.constant 0 : index
    %get3A_67 = vector.load %arg6[%get3A_65, %get3A_66] : memref<2x128xf32, #tpu.memory_space<vmem>>, vector<1x128xf32>
    %mul3A_68 = vector.broadcast %get3A_58 : vector<1024x1xf32> to vector<1024x128xf32>
    %mul3A_69 = vector.broadcast %get3A_67 : vector<1x128xf32> to vector<1024x128xf32>
    %mul3A_70 = arith.mulf %mul3A_68, %mul3A_69 : vector<1024x128xf32>
    %add3A_71 = arith.addf %mul3A_64, %mul3A_70 : vector<1024x128xf32>
    %get3A_72 = arith.constant 0 : index
    %get3A_73 = arith.constant 0 : index
    %get3A_74 = vector.load %arg7[%get3A_72, %get3A_73] : memref<1x128xf32, #tpu.memory_space<vmem>>, vector<1x128xf32>
    %add3A_75 = vector.broadcast %get3A_74 : vector<1x128xf32> to vector<1024x128xf32>
    %add3A_76 = arith.addf %add3A_71, %add3A_75 : vector<1024x128xf32>
    %ge3A = arith.constant 0.000000e+00 : f32
    %ge3A_77 = vector.broadcast %ge3A : f32 to vector<1024x128xf32>
    %ge3A_78 = arith.cmpf oge, %add3A_76, %ge3A_77 : vector<1024x128xf32>
    %mul3A_79 = arith.constant 0.00999999977 : f32
    %mul3A_80 = vector.broadcast %mul3A_79 : f32 to vector<1024x128xf32>
    %mul3A_81 = arith.mulf %mul3A_80, %add3A_76 : vector<1024x128xf32>
    %select_n3A = arith.select %ge3A_78, %add3A_76, %mul3A_81 : vector<1024x128xi1>, vector<1024x128xf32>
    %get3A_82 = arith.constant 0 : index
    %get3A_83 = arith.constant 0 : index
    %get3A_84 = vector.load %arg8[%get3A_82, %get3A_83] : memref<128x256xf32, #tpu.memory_space<vmem>>, vector<128x256xf32>
    %dot_general3A_85 = arith.constant dense<0.000000e+00> : vector<1024x256xf32>
    %dot_general3A_86 = tpu.matmul %select_n3A, %get3A_84, %dot_general3A_85 {dimension_numbers = #tpu.dot_dimension_numbers<[1], [0], [0], [1], [0, 0, 1, 1], [], []>, transpose_lhs_hint = false} : vector<1024x128xf32>, vector<128x256xf32>, vector<1024x256xf32> -> vector<1024x256xf32>
    %get3A_87 = arith.constant 0 : index
    %get3A_88 = arith.constant 0 : index
    %get3A_89 = vector.load %arg9[%get3A_87, %get3A_88] : memref<1x256xf32, #tpu.memory_space<vmem>>, vector<1x256xf32>
    %add3A_90 = vector.broadcast %get3A_89 : vector<1x256xf32> to vector<1024x256xf32>
    %add3A_91 = arith.addf %dot_general3A_86, %add3A_90 : vector<1024x256xf32>
    %add3A_92 = arith.addf %add3A_91, %dot_general3A_50 : vector<1024x256xf32>
    %get3A_93 = arith.constant 0 : index
    %get3A_94 = arith.constant 0 : index
    %get3A_95 = vector.load %arg2[%get3A_93, %get3A_94] : memref<1024x2xf32, #tpu.memory_space<vmem>>, vector<1024x1xf32>
    %get3A_96 = arith.constant 0 : index
    %get3A_97 = arith.constant 1 : index
    %get3A_98 = vector.load %arg2[%get3A_96, %get3A_97] : memref<1024x2xf32, #tpu.memory_space<vmem>>, vector<1024x1xf32>
    %jit3A = arith.constant 6.048000e+05 : f32
    %rem3A = vector.broadcast %jit3A : f32 to vector<1024x1xf32>
    %rem3A_99 = arith.remf %get3A_95, %rem3A : vector<1024x1xf32>
    %ne3A = arith.constant 0.000000e+00 : f32
    %ne3A_100 = vector.broadcast %ne3A : f32 to vector<1024x1xf32>
    %ne3A_101 = arith.cmpf one, %rem3A_99, %ne3A_100 : vector<1024x1xf32>
    %lt3A = arith.constant 0.000000e+00 : f32
    %lt3A_102 = vector.broadcast %lt3A : f32 to vector<1024x1xf32>
    %lt3A_103 = arith.cmpf olt, %rem3A_99, %lt3A_102 : vector<1024x1xf32>
    %lt3A_104 = arith.constant 0.000000e+00 : f32
    %lt3A_105 = arith.cmpf olt, %jit3A, %lt3A_104 : f32
    %ne3A_106 = vector.broadcast %lt3A_105 : i1 to vector<1024x1xi1>
    %ne3A_107 = vector.broadcast %ne3A_106 : vector<1024x1xi1> to vector<1024x1xi1>
    %ne3A_108 = arith.xori %lt3A_103, %ne3A_107 : vector<1024x1xi1>
    %and3A = arith.andi %ne3A_108, %ne3A_101 : vector<1024x1xi1>
    %add3A_109 = vector.broadcast %jit3A : f32 to vector<1024x1xf32>
    %add3A_110 = arith.addf %rem3A_99, %add3A_109 : vector<1024x1xf32>
    %select_n3A_111 = arith.select %and3A, %add3A_110, %rem3A_99 : vector<1024x1xi1>, vector<1024x1xf32>
    %div3A_112 = arith.constant 8.640000e+04 : f32
    %div3A_113 = vector.broadcast %div3A_112 : f32 to vector<1024x1xf32>
    %div3A_114 = arith.divf %select_n3A_111, %div3A_113 : vector<1024x1xf32>
    %jit3A_115 = arith.constant 8.640000e+04 : f32
    %rem3A_116 = vector.broadcast %jit3A_115 : f32 to vector<1024x1xf32>
    %rem3A_117 = arith.remf %get3A_95, %rem3A_116 : vector<1024x1xf32>
    %ne3A_118 = arith.constant 0.000000e+00 : f32
    %ne3A_119 = vector.broadcast %ne3A_118 : f32 to vector<1024x1xf32>
    %ne3A_120 = arith.cmpf one, %rem3A_117, %ne3A_119 : vector<1024x1xf32>
    %lt3A_121 = arith.constant 0.000000e+00 : f32
    %lt3A_122 = vector.broadcast %lt3A_121 : f32 to vector<1024x1xf32>
    %lt3A_123 = arith.cmpf olt, %rem3A_117, %lt3A_122 : vector<1024x1xf32>
    %lt3A_124 = arith.constant 0.000000e+00 : f32
    %lt3A_125 = arith.cmpf olt, %jit3A_115, %lt3A_124 : f32
    %ne3A_126 = vector.broadcast %lt3A_125 : i1 to vector<1024x1xi1>
    %ne3A_127 = vector.broadcast %ne3A_126 : vector<1024x1xi1> to vector<1024x1xi1>
    %ne3A_128 = arith.xori %lt3A_123, %ne3A_127 : vector<1024x1xi1>
    %and3A_129 = arith.andi %ne3A_128, %ne3A_120 : vector<1024x1xi1>
    %add3A_130 = vector.broadcast %jit3A_115 : f32 to vector<1024x1xf32>
    %add3A_131 = arith.addf %rem3A_117, %add3A_130 : vector<1024x1xf32>
    %select_n3A_132 = arith.select %and3A_129, %add3A_131, %rem3A_117 : vector<1024x1xi1>, vector<1024x1xf32>
    %div3A_133 = arith.constant 3.600000e+03 : f32
    %div3A_134 = vector.broadcast %div3A_133 : f32 to vector<1024x1xf32>
    %div3A_135 = arith.divf %select_n3A_132, %div3A_134 : vector<1024x1xf32>
    %jit3A_136 = arith.constant 3.600000e+03 : f32
    %rem3A_137 = vector.broadcast %jit3A_136 : f32 to vector<1024x1xf32>
    %rem3A_138 = arith.remf %get3A_95, %rem3A_137 : vector<1024x1xf32>
    %ne3A_139 = arith.constant 0.000000e+00 : f32
    %ne3A_140 = vector.broadcast %ne3A_139 : f32 to vector<1024x1xf32>
    %ne3A_141 = arith.cmpf one, %rem3A_138, %ne3A_140 : vector<1024x1xf32>
    %lt3A_142 = arith.constant 0.000000e+00 : f32
    %lt3A_143 = vector.broadcast %lt3A_142 : f32 to vector<1024x1xf32>
    %lt3A_144 = arith.cmpf olt, %rem3A_138, %lt3A_143 : vector<1024x1xf32>
    %lt3A_145 = arith.constant 0.000000e+00 : f32
    %lt3A_146 = arith.cmpf olt, %jit3A_136, %lt3A_145 : f32
    %ne3A_147 = vector.broadcast %lt3A_146 : i1 to vector<1024x1xi1>
    %ne3A_148 = vector.broadcast %ne3A_147 : vector<1024x1xi1> to vector<1024x1xi1>
    %ne3A_149 = arith.xori %lt3A_144, %ne3A_148 : vector<1024x1xi1>
    %and3A_150 = arith.andi %ne3A_149, %ne3A_141 : vector<1024x1xi1>
    %add3A_151 = vector.broadcast %jit3A_136 : f32 to vector<1024x1xf32>
    %add3A_152 = arith.addf %rem3A_138, %add3A_151 : vector<1024x1xf32>
    %select_n3A_153 = arith.select %and3A_150, %add3A_152, %rem3A_138 : vector<1024x1xi1>, vector<1024x1xf32>
    %div3A_154 = arith.constant 6.000000e+01 : f32
    %div3A_155 = vector.broadcast %div3A_154 : f32 to vector<1024x1xf32>
    %div3A_156 = arith.divf %select_n3A_153, %div3A_155 : vector<1024x1xf32>
    %div3A_157 = arith.constant 6.000000e+01 : f32
    %div3A_158 = vector.broadcast %div3A_157 : f32 to vector<1024x1xf32>
    %div3A_159 = arith.divf %get3A_98, %div3A_158 : vector<1024x1xf32>
    %get3A_160 = arith.constant 0 : index
    %get3A_161 = arith.constant 0 : index
    %get3A_162 = vector.load %arg13[%get3A_160, %get3A_161] : memref<1x256xf32, #tpu.memory_space<vmem>>, vector<1x256xf32>
    %add3A_163 = vector.broadcast %get3A_162 : vector<1x256xf32> to vector<1024x256xf32>
    %add3A_164 = arith.addf %add3A_163, %dot_general3A_52 : vector<1024x256xf32>
    %get3A_165 = arith.constant 0 : index
    %get3A_166 = arith.constant 0 : index
    %get3A_167 = vector.load %arg10[%get3A_165, %get3A_166] : memref<4x128xf32, #tpu.memory_space<vmem>>, vector<1x128xf32>
    %mul3A_168 = vector.broadcast %div3A_114 : vector<1024x1xf32> to vector<1024x128xf32>
    %mul3A_169 = vector.broadcast %get3A_167 : vector<1x128xf32> to vector<1024x128xf32>
    %mul3A_170 = arith.mulf %mul3A_168, %mul3A_169 : vector<1024x128xf32>
    %get3A_171 = arith.constant 0 : index
    %get3A_172 = arith.constant 0 : index
    %get3A_173 = vector.load %arg11[%get3A_171, %get3A_172] : memref<4x128xf32, #tpu.memory_space<vmem>>, vector<1x128xf32>
    %add3A_174 = vector.broadcast %get3A_173 : vector<1x128xf32> to vector<1024x128xf32>
    %add3A_175 = arith.addf %mul3A_170, %add3A_174 : vector<1024x128xf32>
    %cos3A = math.cos %add3A_175 : vector<1024x128xf32>
    %ge3A_176 = arith.constant 0.000000e+00 : f32
    %ge3A_177 = vector.broadcast %ge3A_176 : f32 to vector<1024x128xf32>
    %ge3A_178 = arith.cmpf oge, %cos3A, %ge3A_177 : vector<1024x128xf32>
    %mul3A_179 = arith.constant 0.00999999977 : f32
    %mul3A_180 = vector.broadcast %mul3A_179 : f32 to vector<1024x128xf32>
    %mul3A_181 = arith.mulf %mul3A_180, %cos3A : vector<1024x128xf32>
    %select_n3A_182 = arith.select %ge3A_178, %cos3A, %mul3A_181 : vector<1024x128xi1>, vector<1024x128xf32>
    %get3A_183 = arith.constant 0 : index
    %get3A_184 = arith.constant 0 : index
    %get3A_185 = vector.load %arg12[%get3A_183, %get3A_184] : memref<512x256xf32, #tpu.memory_space<vmem>>, vector<128x256xf32>
    %dot_general3A_186 = arith.constant dense<0.000000e+00> : vector<1024x256xf32>
    %dot_general3A_187 = tpu.matmul %select_n3A_182, %get3A_185, %dot_general3A_186 {dimension_numbers = #tpu.dot_dimension_numbers<[1], [0], [0], [1], [0, 0, 1, 1], [], []>, transpose_lhs_hint = false} : vector<1024x128xf32>, vector<128x256xf32>, vector<1024x256xf32> -> vector<1024x256xf32>
    %add3A_188 = arith.addf %add3A_164, %dot_general3A_187 : vector<1024x256xf32>
    %get3A_189 = arith.constant 1 : index
    %get3A_190 = arith.constant 0 : index
    %get3A_191 = vector.load %arg10[%get3A_189, %get3A_190] : memref<4x128xf32, #tpu.memory_space<vmem>>, vector<1x128xf32>
    %mul3A_192 = vector.broadcast %div3A_135 : vector<1024x1xf32> to vector<1024x128xf32>
    %mul3A_193 = vector.broadcast %get3A_191 : vector<1x128xf32> to vector<1024x128xf32>
    %mul3A_194 = arith.mulf %mul3A_192, %mul3A_193 : vector<1024x128xf32>
    %get3A_195 = arith.constant 1 : index
    %get3A_196 = arith.constant 0 : index
    %get3A_197 = vector.load %arg11[%get3A_195, %get3A_196] : memref<4x128xf32, #tpu.memory_space<vmem>>, vector<1x128xf32>
    %add3A_198 = vector.broadcast %get3A_197 : vector<1x128xf32> to vector<1024x128xf32>
    %add3A_199 = arith.addf %mul3A_194, %add3A_198 : vector<1024x128xf32>
    %cos3A_200 = math.cos %add3A_199 : vector<1024x128xf32>
    %ge3A_201 = arith.constant 0.000000e+00 : f32
    %ge3A_202 = vector.broadcast %ge3A_201 : f32 to vector<1024x128xf32>
    %ge3A_203 = arith.cmpf oge, %cos3A_200, %ge3A_202 : vector<1024x128xf32>
    %mul3A_204 = arith.constant 0.00999999977 : f32
    %mul3A_205 = vector.broadcast %mul3A_204 : f32 to vector<1024x128xf32>
    %mul3A_206 = arith.mulf %mul3A_205, %cos3A_200 : vector<1024x128xf32>
    %select_n3A_207 = arith.select %ge3A_203, %cos3A_200, %mul3A_206 : vector<1024x128xi1>, vector<1024x128xf32>
    %get3A_208 = arith.constant 128 : index
    %get3A_209 = arith.constant 0 : index
    %get3A_210 = vector.load %arg12[%get3A_208, %get3A_209] : memref<512x256xf32, #tpu.memory_space<vmem>>, vector<128x256xf32>
    %dot_general3A_211 = arith.constant dense<0.000000e+00> : vector<1024x256xf32>
    %dot_general3A_212 = tpu.matmul %select_n3A_207, %get3A_210, %dot_general3A_211 {dimension_numbers = #tpu.dot_dimension_numbers<[1], [0], [0], [1], [0, 0, 1, 1], [], []>, transpose_lhs_hint = false} : vector<1024x128xf32>, vector<128x256xf32>, vector<1024x256xf32> -> vector<1024x256xf32>
    %add3A_213 = arith.addf %add3A_188, %dot_general3A_212 : vector<1024x256xf32>
    %get3A_214 = arith.constant 2 : index
    %get3A_215 = arith.constant 0 : index
    %get3A_216 = vector.load %arg10[%get3A_214, %get3A_215] : memref<4x128xf32, #tpu.memory_space<vmem>>, vector<1x128xf32>
    %mul3A_217 = vector.broadcast %div3A_156 : vector<1024x1xf32> to vector<1024x128xf32>
    %mul3A_218 = vector.broadcast %get3A_216 : vector<1x128xf32> to vector<1024x128xf32>
    %mul3A_219 = arith.mulf %mul3A_217, %mul3A_218 : vector<1024x128xf32>
    %get3A_220 = arith.constant 2 : index
    %get3A_221 = arith.constant 0 : index
    %get3A_222 = vector.load %arg11[%get3A_220, %get3A_221] : memref<4x128xf32, #tpu.memory_space<vmem>>, vector<1x128xf32>
    %add3A_223 = vector.broadcast %get3A_222 : vector<1x128xf32> to vector<1024x128xf32>
    %add3A_224 = arith.addf %mul3A_219, %add3A_223 : vector<1024x128xf32>
    %cos3A_225 = math.cos %add3A_224 : vector<1024x128xf32>
    %ge3A_226 = arith.constant 0.000000e+00 : f32
    %ge3A_227 = vector.broadcast %ge3A_226 : f32 to vector<1024x128xf32>
    %ge3A_228 = arith.cmpf oge, %cos3A_225, %ge3A_227 : vector<1024x128xf32>
    %mul3A_229 = arith.constant 0.00999999977 : f32
    %mul3A_230 = vector.broadcast %mul3A_229 : f32 to vector<1024x128xf32>
    %mul3A_231 = arith.mulf %mul3A_230, %cos3A_225 : vector<1024x128xf32>
    %select_n3A_232 = arith.select %ge3A_228, %cos3A_225, %mul3A_231 : vector<1024x128xi1>, vector<1024x128xf32>
    %get3A_233 = arith.constant 256 : index
    %get3A_234 = arith.constant 0 : index
    %get3A_235 = vector.load %arg12[%get3A_233, %get3A_234] : memref<512x256xf32, #tpu.memory_space<vmem>>, vector<128x256xf32>
    %dot_general3A_236 = arith.constant dense<0.000000e+00> : vector<1024x256xf32>
    %dot_general3A_237 = tpu.matmul %select_n3A_232, %get3A_235, %dot_general3A_236 {dimension_numbers = #tpu.dot_dimension_numbers<[1], [0], [0], [1], [0, 0, 1, 1], [], []>, transpose_lhs_hint = false} : vector<1024x128xf32>, vector<128x256xf32>, vector<1024x256xf32> -> vector<1024x256xf32>
    %add3A_238 = arith.addf %add3A_213, %dot_general3A_237 : vector<1024x256xf32>
    %get3A_239 = arith.constant 3 : index
    %get3A_240 = arith.constant 0 : index
    %get3A_241 = vector.load %arg10[%get3A_239, %get3A_240] : memref<4x128xf32, #tpu.memory_space<vmem>>, vector<1x128xf32>
    %mul3A_242 = vector.broadcast %div3A_159 : vector<1024x1xf32> to vector<1024x128xf32>
    %mul3A_243 = vector.broadcast %get3A_241 : vector<1x128xf32> to vector<1024x128xf32>
    %mul3A_244 = arith.mulf %mul3A_242, %mul3A_243 : vector<1024x128xf32>
    %get3A_245 = arith.constant 3 : index
    %get3A_246 = arith.constant 0 : index
    %get3A_247 = vector.load %arg11[%get3A_245, %get3A_246] : memref<4x128xf32, #tpu.memory_space<vmem>>, vector<1x128xf32>
    %add3A_248 = vector.broadcast %get3A_247 : vector<1x128xf32> to vector<1024x128xf32>
    %add3A_249 = arith.addf %mul3A_244, %add3A_248 : vector<1024x128xf32>
    %cos3A_250 = math.cos %add3A_249 : vector<1024x128xf32>
    %ge3A_251 = arith.constant 0.000000e+00 : f32
    %ge3A_252 = vector.broadcast %ge3A_251 : f32 to vector<1024x128xf32>
    %ge3A_253 = arith.cmpf oge, %cos3A_250, %ge3A_252 : vector<1024x128xf32>
    %mul3A_254 = arith.constant 0.00999999977 : f32
    %mul3A_255 = vector.broadcast %mul3A_254 : f32 to vector<1024x128xf32>
    %mul3A_256 = arith.mulf %mul3A_255, %cos3A_250 : vector<1024x128xf32>
    %select_n3A_257 = arith.select %ge3A_253, %cos3A_250, %mul3A_256 : vector<1024x128xi1>, vector<1024x128xf32>
    %get3A_258 = arith.constant 384 : index
    %get3A_259 = arith.constant 0 : index
    %get3A_260 = vector.load %arg12[%get3A_258, %get3A_259] : memref<512x256xf32, #tpu.memory_space<vmem>>, vector<128x256xf32>
    %dot_general3A_261 = arith.constant dense<0.000000e+00> : vector<1024x256xf32>
    %dot_general3A_262 = tpu.matmul %select_n3A_257, %get3A_260, %dot_general3A_261 {dimension_numbers = #tpu.dot_dimension_numbers<[1], [0], [0], [1], [0, 0, 1, 1], [], []>, transpose_lhs_hint = false} : vector<1024x128xf32>, vector<128x256xf32>, vector<1024x256xf32> -> vector<1024x256xf32>
    %add3A_263 = arith.addf %add3A_238, %dot_general3A_262 : vector<1024x256xf32>
    %get3A_264 = arith.constant 0 : index
    %get3A_265 = arith.constant 0 : index
    %get3A_266 = vector.load %arg5[%get3A_264, %get3A_265] : memref<1024x128xf32, #tpu.memory_space<vmem>>, vector<1024x128xf32>
    %get3A_267 = arith.constant 0 : index
    %get3A_268 = arith.constant 0 : index
    %get3A_269 = vector.load %arg14[%get3A_267, %get3A_268] : memref<1x128xf32, #tpu.memory_space<vmem>>, vector<1x128xf32>
    %get3A_270 = arith.constant 0 : index
    %get3A_271 = arith.constant 0 : index
    %get3A_272 = vector.load %arg15[%get3A_270, %get3A_271] : memref<1x128xf32, #tpu.memory_space<vmem>>, vector<1x128xf32>
    %reduce_sum3A_273 = arith.constant dense<0.000000e+00> : vector<1024xf32>
    %reduce_sum3A_274 = vector.multi_reduction <add>, %get3A_266, %reduce_sum3A_273 [1] : vector<1024x128xf32> to vector<1024xf32>
    %broadcast_in_dim3A_275 = vector.shape_cast %reduce_sum3A_274 : vector<1024xf32> to vector<1024x1xf32>
    %div3A_276 = arith.constant 1.280000e+02 : f32
    %div3A_277 = vector.broadcast %div3A_276 : f32 to vector<1024x1xf32>
    %div3A_278 = arith.divf %broadcast_in_dim3A_275, %div3A_277 : vector<1024x1xf32>
    %sub3A_279 = vector.broadcast %div3A_278 : vector<1024x1xf32> to vector<1024x128xf32>
    %sub3A_280 = arith.subf %get3A_266, %sub3A_279 : vector<1024x128xf32>
    %sub3A_281 = vector.broadcast %div3A_278 : vector<1024x1xf32> to vector<1024x128xf32>
    %sub3A_282 = arith.subf %get3A_266, %sub3A_281 : vector<1024x128xf32>
    %mul3A_283 = arith.mulf %sub3A_280, %sub3A_282 : vector<1024x128xf32>
    %reduce_sum3A_284 = arith.constant dense<0.000000e+00> : vector<1024xf32>
    %reduce_sum3A_285 = vector.multi_reduction <add>, %mul3A_283, %reduce_sum3A_284 [1] : vector<1024x128xf32> to vector<1024xf32>
    %broadcast_in_dim3A_286 = vector.shape_cast %reduce_sum3A_285 : vector<1024xf32> to vector<1024x1xf32>
    %div3A_287 = arith.constant 1.280000e+02 : f32
    %div3A_288 = vector.broadcast %div3A_287 : f32 to vector<1024x1xf32>
    %div3A_289 = arith.divf %broadcast_in_dim3A_286, %div3A_288 : vector<1024x1xf32>
    %sub3A_290 = vector.broadcast %div3A_278 : vector<1024x1xf32> to vector<1024x128xf32>
    %sub3A_291 = arith.subf %get3A_266, %sub3A_290 : vector<1024x128xf32>
    %add3A_292 = arith.constant 9.99999974E-6 : f32
    %add3A_293 = vector.broadcast %add3A_292 : f32 to vector<1024x1xf32>
    %add3A_294 = arith.addf %div3A_289, %add3A_293 : vector<1024x1xf32>
    %sqrt3A_295 = math.sqrt %add3A_294 : vector<1024x1xf32>
    %div3A_296 = vector.broadcast %sqrt3A_295 : vector<1024x1xf32> to vector<1024x128xf32>
    %div3A_297 = arith.divf %sub3A_291, %div3A_296 : vector<1024x128xf32>
    %mul3A_298 = vector.broadcast %get3A_269 : vector<1x128xf32> to vector<1024x128xf32>
    %mul3A_299 = arith.mulf %div3A_297, %mul3A_298 : vector<1024x128xf32>
    %add3A_300 = vector.broadcast %get3A_272 : vector<1x128xf32> to vector<1024x128xf32>
    %add3A_301 = arith.addf %mul3A_299, %add3A_300 : vector<1024x128xf32>
    %get3A_302 = arith.constant 0 : index
    %get3A_303 = arith.constant 0 : index
    %get3A_304 = vector.load %arg16[%get3A_302, %get3A_303] : memref<128x256xf32, #tpu.memory_space<vmem>>, vector<128x256xf32>
    %dot_general3A_305 = arith.constant dense<0.000000e+00> : vector<1024x256xf32>
    %dot_general3A_306 = tpu.matmul %add3A_301, %get3A_304, %dot_general3A_305 {dimension_numbers = #tpu.dot_dimension_numbers<[1], [0], [0], [1], [0, 0, 1, 1], [], []>, transpose_lhs_hint = false} : vector<1024x128xf32>, vector<128x256xf32>, vector<1024x256xf32> -> vector<1024x256xf32>
    %get3A_307 = arith.constant 0 : index
    %get3A_308 = arith.constant 0 : index
    %get3A_309 = vector.load %arg17[%get3A_307, %get3A_308] : memref<1x256xf32, #tpu.memory_space<vmem>>, vector<1x256xf32>
    %add3A_310 = vector.broadcast %get3A_309 : vector<1x256xf32> to vector<1024x256xf32>
    %add3A_311 = arith.addf %dot_general3A_306, %add3A_310 : vector<1024x256xf32>
    %add3A_312 = arith.addf %add3A_311, %dot_general3A_50 : vector<1024x256xf32>
    %get3A_313 = arith.constant 0 : index
    %get3A_314 = arith.constant 0 : index
    %get3A_315 = vector.load %arg36[%get3A_313, %get3A_314] : memref<256x8xf32, #tpu.memory_space<vmem>>, vector<256x8xf32>
    %get3A_316 = arith.constant 0 : index
    %get3A_317 = arith.constant 0 : index
    %get3A_318 = vector.load %arg37[%get3A_316, %get3A_317] : memref<8x256xf32, #tpu.memory_space<vmem>>, vector<8x256xf32>
    %get3A_319 = arith.constant 0 : index
    %get3A_320 = arith.constant 0 : index
    %get3A_321 = vector.load %arg23[%get3A_319, %get3A_320] : memref<256x768xf32, #tpu.memory_space<vmem>>, vector<256x768xf32>
    %dot_general3A_322 = arith.constant dense<0.000000e+00> : vector<1024x768xf32>
    %dot_general3A_323 = tpu.matmul %add3A_92, %get3A_321, %dot_general3A_322 {dimension_numbers = #tpu.dot_dimension_numbers<[1], [0], [0], [1], [0, 0, 1, 1], [], []>, transpose_lhs_hint = false} : vector<1024x256xf32>, vector<256x768xf32>, vector<1024x768xf32> -> vector<1024x768xf32>
    %get3A_324 = arith.constant 0 : index
    %get3A_325 = arith.constant 0 : index
    %get3A_326 = vector.load %arg24[%get3A_324, %get3A_325] : memref<1x768xf32, #tpu.memory_space<vmem>>, vector<1x768xf32>
    %add3A_327 = vector.broadcast %get3A_326 : vector<1x768xf32> to vector<1024x768xf32>
    %add3A_328 = arith.addf %dot_general3A_323, %add3A_327 : vector<1024x768xf32>
    %get3A_329 = arith.constant 0 : index
    %get3A_330 = arith.constant 0 : index
    %get3A_331 = vector.load %arg23[%get3A_329, %get3A_330] : memref<256x768xf32, #tpu.memory_space<vmem>>, vector<256x768xf32>
    %dot_general3A_332 = arith.constant dense<0.000000e+00> : vector<1024x768xf32>
    %dot_general3A_333 = tpu.matmul %add3A_263, %get3A_331, %dot_general3A_332 {dimension_numbers = #tpu.dot_dimension_numbers<[1], [0], [0], [1], [0, 0, 1, 1], [], []>, transpose_lhs_hint = false} : vector<1024x256xf32>, vector<256x768xf32>, vector<1024x768xf32> -> vector<1024x768xf32>
    %get3A_334 = arith.constant 0 : index
    %get3A_335 = arith.constant 0 : index
    %get3A_336 = vector.load %arg24[%get3A_334, %get3A_335] : memref<1x768xf32, #tpu.memory_space<vmem>>, vector<1x768xf32>
    %add3A_337 = vector.broadcast %get3A_336 : vector<1x768xf32> to vector<1024x768xf32>
    %add3A_338 = arith.addf %dot_general3A_333, %add3A_337 : vector<1024x768xf32>
    %get3A_339 = arith.constant 0 : index
    %get3A_340 = arith.constant 0 : index
    %get3A_341 = vector.load %arg23[%get3A_339, %get3A_340] : memref<256x768xf32, #tpu.memory_space<vmem>>, vector<256x768xf32>
    %dot_general3A_342 = arith.constant dense<0.000000e+00> : vector<1024x768xf32>
    %dot_general3A_343 = tpu.matmul %add3A_312, %get3A_341, %dot_general3A_342 {dimension_numbers = #tpu.dot_dimension_numbers<[1], [0], [0], [1], [0, 0, 1, 1], [], []>, transpose_lhs_hint = false} : vector<1024x256xf32>, vector<256x768xf32>, vector<1024x768xf32> -> vector<1024x768xf32>
    %get3A_344 = arith.constant 0 : index
    %get3A_345 = arith.constant 0 : index
    %get3A_346 = vector.load %arg24[%get3A_344, %get3A_345] : memref<1x768xf32, #tpu.memory_space<vmem>>, vector<1x768xf32>
    %add3A_347 = vector.broadcast %get3A_346 : vector<1x768xf32> to vector<1024x768xf32>
    %add3A_348 = arith.addf %dot_general3A_343, %add3A_347 : vector<1024x768xf32>
    %slice3A_349 = vector.extract_strided_slice %add3A_328 {offsets = [0, 0], sizes = [1024, 256], strides = [1, 1]} : vector<1024x768xf32> to vector<1024x256xf32>
    %slice3A_350 = vector.extract_strided_slice %add3A_338 {offsets = [0, 0], sizes = [1024, 256], strides = [1, 1]} : vector<1024x768xf32> to vector<1024x256xf32>
    %slice3A_351 = vector.extract_strided_slice %add3A_348 {offsets = [0, 0], sizes = [1024, 256], strides = [1, 1]} : vector<1024x768xf32> to vector<1024x256xf32>
    %slice3A_352 = vector.extract_strided_slice %add3A_328 {offsets = [0, 256], sizes = [1024, 256], strides = [1, 1]} : vector<1024x768xf32> to vector<1024x256xf32>
    %slice3A_353 = vector.extract_strided_slice %add3A_338 {offsets = [0, 256], sizes = [1024, 256], strides = [1, 1]} : vector<1024x768xf32> to vector<1024x256xf32>
    %slice3A_354 = vector.extract_strided_slice %add3A_348 {offsets = [0, 256], sizes = [1024, 256], strides = [1, 1]} : vector<1024x768xf32> to vector<1024x256xf32>
    %slice3A_355 = vector.extract_strided_slice %add3A_328 {offsets = [0, 512], sizes = [1024, 256], strides = [1, 1]} : vector<1024x768xf32> to vector<1024x256xf32>
    %slice3A_356 = vector.extract_strided_slice %add3A_338 {offsets = [0, 512], sizes = [1024, 256], strides = [1, 1]} : vector<1024x768xf32> to vector<1024x256xf32>
    %slice3A_357 = vector.extract_strided_slice %add3A_348 {offsets = [0, 512], sizes = [1024, 256], strides = [1, 1]} : vector<1024x768xf32> to vector<1024x256xf32>
    %mul3A_358 = arith.mulf %slice3A_349, %slice3A_352 : vector<1024x256xf32>
    %dot_general3A_359 = arith.constant dense<0.000000e+00> : vector<1024x8xf32>
    %dot_general3A_360 = tpu.matmul %mul3A_358, %get3A_315, %dot_general3A_359 {dimension_numbers = #tpu.dot_dimension_numbers<[1], [0], [0], [1], [0, 0, 1, 1], [], []>, transpose_lhs_hint = false} : vector<1024x256xf32>, vector<256x8xf32>, vector<1024x8xf32> -> vector<1024x8xf32>
    %mul3A_361 = arith.constant 0.176776692 : f32
    %mul3A_362 = vector.broadcast %mul3A_361 : f32 to vector<1024x8xf32>
    %mul3A_363 = arith.mulf %dot_general3A_360, %mul3A_362 : vector<1024x8xf32>
    %mul3A_364 = arith.mulf %slice3A_349, %slice3A_353 : vector<1024x256xf32>
    %dot_general3A_365 = arith.constant dense<0.000000e+00> : vector<1024x8xf32>
    %dot_general3A_366 = tpu.matmul %mul3A_364, %get3A_315, %dot_general3A_365 {dimension_numbers = #tpu.dot_dimension_numbers<[1], [0], [0], [1], [0, 0, 1, 1], [], []>, transpose_lhs_hint = false} : vector<1024x256xf32>, vector<256x8xf32>, vector<1024x8xf32> -> vector<1024x8xf32>
    %mul3A_367 = arith.constant 0.176776692 : f32
    %mul3A_368 = vector.broadcast %mul3A_367 : f32 to vector<1024x8xf32>
    %mul3A_369 = arith.mulf %dot_general3A_366, %mul3A_368 : vector<1024x8xf32>
    %mul3A_370 = arith.mulf %slice3A_349, %slice3A_354 : vector<1024x256xf32>
    %dot_general3A_371 = arith.constant dense<0.000000e+00> : vector<1024x8xf32>
    %dot_general3A_372 = tpu.matmul %mul3A_370, %get3A_315, %dot_general3A_371 {dimension_numbers = #tpu.dot_dimension_numbers<[1], [0], [0], [1], [0, 0, 1, 1], [], []>, transpose_lhs_hint = false} : vector<1024x256xf32>, vector<256x8xf32>, vector<1024x8xf32> -> vector<1024x8xf32>
    %mul3A_373 = arith.constant 0.176776692 : f32
    %mul3A_374 = vector.broadcast %mul3A_373 : f32 to vector<1024x8xf32>
    %mul3A_375 = arith.mulf %dot_general3A_372, %mul3A_374 : vector<1024x8xf32>
    %max3A = arith.maximumf %mul3A_363, %mul3A_369 : vector<1024x8xf32>
    %max3A_376 = arith.maximumf %max3A, %mul3A_375 : vector<1024x8xf32>
    %sub3A_377 = arith.subf %mul3A_363, %max3A_376 : vector<1024x8xf32>
    %exp3A = math.exp %sub3A_377 : vector<1024x8xf32>
    %sub3A_378 = arith.subf %mul3A_369, %max3A_376 : vector<1024x8xf32>
    %exp3A_379 = math.exp %sub3A_378 : vector<1024x8xf32>
    %sub3A_380 = arith.subf %mul3A_375, %max3A_376 : vector<1024x8xf32>
    %exp3A_381 = math.exp %sub3A_380 : vector<1024x8xf32>
    %add3A_382 = arith.addf %exp3A, %exp3A_379 : vector<1024x8xf32>
    %add3A_383 = arith.addf %add3A_382, %exp3A_381 : vector<1024x8xf32>
    %broadcast_in_dim3A_384 = arith.constant 0.000000e+00 : f32
    %broadcast_in_dim3A_385 = vector.broadcast %broadcast_in_dim3A_384 : f32 to vector<1024x256xf32>
    %div3A_386 = arith.divf %exp3A, %add3A_383 : vector<1024x8xf32>
    %dot_general3A_387 = arith.constant dense<0.000000e+00> : vector<1024x256xf32>
    %dot_general3A_388 = tpu.matmul %div3A_386, %get3A_318, %dot_general3A_387 {dimension_numbers = #tpu.dot_dimension_numbers<[1], [0], [0], [1], [0, 0, 1, 1], [], []>, transpose_lhs_hint = false} : vector<1024x8xf32>, vector<8x256xf32>, vector<1024x256xf32> -> vector<1024x256xf32>
    %mul3A_389 = arith.mulf %dot_general3A_388, %slice3A_355 : vector<1024x256xf32>
    %add3A_390 = arith.addf %broadcast_in_dim3A_385, %mul3A_389 : vector<1024x256xf32>
    %div3A_391 = arith.divf %exp3A_379, %add3A_383 : vector<1024x8xf32>
    %dot_general3A_392 = arith.constant dense<0.000000e+00> : vector<1024x256xf32>
    %dot_general3A_393 = tpu.matmul %div3A_391, %get3A_318, %dot_general3A_392 {dimension_numbers = #tpu.dot_dimension_numbers<[1], [0], [0], [1], [0, 0, 1, 1], [], []>, transpose_lhs_hint = false} : vector<1024x8xf32>, vector<8x256xf32>, vector<1024x256xf32> -> vector<1024x256xf32>
    %mul3A_394 = arith.mulf %dot_general3A_393, %slice3A_356 : vector<1024x256xf32>
    %add3A_395 = arith.addf %add3A_390, %mul3A_394 : vector<1024x256xf32>
    %div3A_396 = arith.divf %exp3A_381, %add3A_383 : vector<1024x8xf32>
    %dot_general3A_397 = arith.constant dense<0.000000e+00> : vector<1024x256xf32>
    %dot_general3A_398 = tpu.matmul %div3A_396, %get3A_318, %dot_general3A_397 {dimension_numbers = #tpu.dot_dimension_numbers<[1], [0], [0], [1], [0, 0, 1, 1], [], []>, transpose_lhs_hint = false} : vector<1024x8xf32>, vector<8x256xf32>, vector<1024x256xf32> -> vector<1024x256xf32>
    %mul3A_399 = arith.mulf %dot_general3A_398, %slice3A_357 : vector<1024x256xf32>
    %add3A_400 = arith.addf %add3A_395, %mul3A_399 : vector<1024x256xf32>
    %get3A_401 = arith.constant 0 : index
    %get3A_402 = arith.constant 0 : index
    %get3A_403 = vector.load %arg25[%get3A_401, %get3A_402] : memref<256x256xf32, #tpu.memory_space<vmem>>, vector<256x256xf32>
    %dot_general3A_404 = arith.constant dense<0.000000e+00> : vector<1024x256xf32>
    %dot_general3A_405 = tpu.matmul %add3A_400, %get3A_403, %dot_general3A_404 {dimension_numbers = #tpu.dot_dimension_numbers<[1], [0], [0], [1], [0, 0, 1, 1], [], []>, transpose_lhs_hint = false} : vector<1024x256xf32>, vector<256x256xf32>, vector<1024x256xf32> -> vector<1024x256xf32>
    %get3A_406 = arith.constant 0 : index
    %get3A_407 = arith.constant 0 : index
    %get3A_408 = vector.load %arg26[%get3A_406, %get3A_407] : memref<1x256xf32, #tpu.memory_space<vmem>>, vector<1x256xf32>
    %add3A_409 = vector.broadcast %get3A_408 : vector<1x256xf32> to vector<1024x256xf32>
    %add3A_410 = arith.addf %dot_general3A_405, %add3A_409 : vector<1024x256xf32>
    %mul3A_411 = arith.mulf %slice3A_350, %slice3A_352 : vector<1024x256xf32>
    %dot_general3A_412 = arith.constant dense<0.000000e+00> : vector<1024x8xf32>
    %dot_general3A_413 = tpu.matmul %mul3A_411, %get3A_315, %dot_general3A_412 {dimension_numbers = #tpu.dot_dimension_numbers<[1], [0], [0], [1], [0, 0, 1, 1], [], []>, transpose_lhs_hint = false} : vector<1024x256xf32>, vector<256x8xf32>, vector<1024x8xf32> -> vector<1024x8xf32>
    %mul3A_414 = arith.constant 0.176776692 : f32
    %mul3A_415 = vector.broadcast %mul3A_414 : f32 to vector<1024x8xf32>
    %mul3A_416 = arith.mulf %dot_general3A_413, %mul3A_415 : vector<1024x8xf32>
    %mul3A_417 = arith.mulf %slice3A_350, %slice3A_353 : vector<1024x256xf32>
    %dot_general3A_418 = arith.constant dense<0.000000e+00> : vector<1024x8xf32>
    %dot_general3A_419 = tpu.matmul %mul3A_417, %get3A_315, %dot_general3A_418 {dimension_numbers = #tpu.dot_dimension_numbers<[1], [0], [0], [1], [0, 0, 1, 1], [], []>, transpose_lhs_hint = false} : vector<1024x256xf32>, vector<256x8xf32>, vector<1024x8xf32> -> vector<1024x8xf32>
    %mul3A_420 = arith.constant 0.176776692 : f32
    %mul3A_421 = vector.broadcast %mul3A_420 : f32 to vector<1024x8xf32>
    %mul3A_422 = arith.mulf %dot_general3A_419, %mul3A_421 : vector<1024x8xf32>
    %mul3A_423 = arith.mulf %slice3A_350, %slice3A_354 : vector<1024x256xf32>
    %dot_general3A_424 = arith.constant dense<0.000000e+00> : vector<1024x8xf32>
    %dot_general3A_425 = tpu.matmul %mul3A_423, %get3A_315, %dot_general3A_424 {dimension_numbers = #tpu.dot_dimension_numbers<[1], [0], [0], [1], [0, 0, 1, 1], [], []>, transpose_lhs_hint = false} : vector<1024x256xf32>, vector<256x8xf32>, vector<1024x8xf32> -> vector<1024x8xf32>
    %mul3A_426 = arith.constant 0.176776692 : f32
    %mul3A_427 = vector.broadcast %mul3A_426 : f32 to vector<1024x8xf32>
    %mul3A_428 = arith.mulf %dot_general3A_425, %mul3A_427 : vector<1024x8xf32>
    %max3A_429 = arith.maximumf %mul3A_416, %mul3A_422 : vector<1024x8xf32>
    %max3A_430 = arith.maximumf %max3A_429, %mul3A_428 : vector<1024x8xf32>
    %sub3A_431 = arith.subf %mul3A_416, %max3A_430 : vector<1024x8xf32>
    %exp3A_432 = math.exp %sub3A_431 : vector<1024x8xf32>
    %sub3A_433 = arith.subf %mul3A_422, %max3A_430 : vector<1024x8xf32>
    %exp3A_434 = math.exp %sub3A_433 : vector<1024x8xf32>
    %sub3A_435 = arith.subf %mul3A_428, %max3A_430 : vector<1024x8xf32>
    %exp3A_436 = math.exp %sub3A_435 : vector<1024x8xf32>
    %add3A_437 = arith.addf %exp3A_432, %exp3A_434 : vector<1024x8xf32>
    %add3A_438 = arith.addf %add3A_437, %exp3A_436 : vector<1024x8xf32>
    %broadcast_in_dim3A_439 = arith.constant 0.000000e+00 : f32
    %broadcast_in_dim3A_440 = vector.broadcast %broadcast_in_dim3A_439 : f32 to vector<1024x256xf32>
    %div3A_441 = arith.divf %exp3A_432, %add3A_438 : vector<1024x8xf32>
    %dot_general3A_442 = arith.constant dense<0.000000e+00> : vector<1024x256xf32>
    %dot_general3A_443 = tpu.matmul %div3A_441, %get3A_318, %dot_general3A_442 {dimension_numbers = #tpu.dot_dimension_numbers<[1], [0], [0], [1], [0, 0, 1, 1], [], []>, transpose_lhs_hint = false} : vector<1024x8xf32>, vector<8x256xf32>, vector<1024x256xf32> -> vector<1024x256xf32>
    %mul3A_444 = arith.mulf %dot_general3A_443, %slice3A_355 : vector<1024x256xf32>
    %add3A_445 = arith.addf %broadcast_in_dim3A_440, %mul3A_444 : vector<1024x256xf32>
    %div3A_446 = arith.divf %exp3A_434, %add3A_438 : vector<1024x8xf32>
    %dot_general3A_447 = arith.constant dense<0.000000e+00> : vector<1024x256xf32>
    %dot_general3A_448 = tpu.matmul %div3A_446, %get3A_318, %dot_general3A_447 {dimension_numbers = #tpu.dot_dimension_numbers<[1], [0], [0], [1], [0, 0, 1, 1], [], []>, transpose_lhs_hint = false} : vector<1024x8xf32>, vector<8x256xf32>, vector<1024x256xf32> -> vector<1024x256xf32>
    %mul3A_449 = arith.mulf %dot_general3A_448, %slice3A_356 : vector<1024x256xf32>
    %add3A_450 = arith.addf %add3A_445, %mul3A_449 : vector<1024x256xf32>
    %div3A_451 = arith.divf %exp3A_436, %add3A_438 : vector<1024x8xf32>
    %dot_general3A_452 = arith.constant dense<0.000000e+00> : vector<1024x256xf32>
    %dot_general3A_453 = tpu.matmul %div3A_451, %get3A_318, %dot_general3A_452 {dimension_numbers = #tpu.dot_dimension_numbers<[1], [0], [0], [1], [0, 0, 1, 1], [], []>, transpose_lhs_hint = false} : vector<1024x8xf32>, vector<8x256xf32>, vector<1024x256xf32> -> vector<1024x256xf32>
    %mul3A_454 = arith.mulf %dot_general3A_453, %slice3A_357 : vector<1024x256xf32>
    %add3A_455 = arith.addf %add3A_450, %mul3A_454 : vector<1024x256xf32>
    %get3A_456 = arith.constant 0 : index
    %get3A_457 = arith.constant 0 : index
    %get3A_458 = vector.load %arg25[%get3A_456, %get3A_457] : memref<256x256xf32, #tpu.memory_space<vmem>>, vector<256x256xf32>
    %dot_general3A_459 = arith.constant dense<0.000000e+00> : vector<1024x256xf32>
    %dot_general3A_460 = tpu.matmul %add3A_455, %get3A_458, %dot_general3A_459 {dimension_numbers = #tpu.dot_dimension_numbers<[1], [0], [0], [1], [0, 0, 1, 1], [], []>, transpose_lhs_hint = false} : vector<1024x256xf32>, vector<256x256xf32>, vector<1024x256xf32> -> vector<1024x256xf32>
    %get3A_461 = arith.constant 0 : index
    %get3A_462 = arith.constant 0 : index
    %get3A_463 = vector.load %arg26[%get3A_461, %get3A_462] : memref<1x256xf32, #tpu.memory_space<vmem>>, vector<1x256xf32>
    %add3A_464 = vector.broadcast %get3A_463 : vector<1x256xf32> to vector<1024x256xf32>
    %add3A_465 = arith.addf %dot_general3A_460, %add3A_464 : vector<1024x256xf32>
    %mul3A_466 = arith.mulf %slice3A_351, %slice3A_352 : vector<1024x256xf32>
    %dot_general3A_467 = arith.constant dense<0.000000e+00> : vector<1024x8xf32>
    %dot_general3A_468 = tpu.matmul %mul3A_466, %get3A_315, %dot_general3A_467 {dimension_numbers = #tpu.dot_dimension_numbers<[1], [0], [0], [1], [0, 0, 1, 1], [], []>, transpose_lhs_hint = false} : vector<1024x256xf32>, vector<256x8xf32>, vector<1024x8xf32> -> vector<1024x8xf32>
    %mul3A_469 = arith.constant 0.176776692 : f32
    %mul3A_470 = vector.broadcast %mul3A_469 : f32 to vector<1024x8xf32>
    %mul3A_471 = arith.mulf %dot_general3A_468, %mul3A_470 : vector<1024x8xf32>
    %mul3A_472 = arith.mulf %slice3A_351, %slice3A_353 : vector<1024x256xf32>
    %dot_general3A_473 = arith.constant dense<0.000000e+00> : vector<1024x8xf32>
    %dot_general3A_474 = tpu.matmul %mul3A_472, %get3A_315, %dot_general3A_473 {dimension_numbers = #tpu.dot_dimension_numbers<[1], [0], [0], [1], [0, 0, 1, 1], [], []>, transpose_lhs_hint = false} : vector<1024x256xf32>, vector<256x8xf32>, vector<1024x8xf32> -> vector<1024x8xf32>
    %mul3A_475 = arith.constant 0.176776692 : f32
    %mul3A_476 = vector.broadcast %mul3A_475 : f32 to vector<1024x8xf32>
    %mul3A_477 = arith.mulf %dot_general3A_474, %mul3A_476 : vector<1024x8xf32>
    %mul3A_478 = arith.mulf %slice3A_351, %slice3A_354 : vector<1024x256xf32>
    %dot_general3A_479 = arith.constant dense<0.000000e+00> : vector<1024x8xf32>
    %dot_general3A_480 = tpu.matmul %mul3A_478, %get3A_315, %dot_general3A_479 {dimension_numbers = #tpu.dot_dimension_numbers<[1], [0], [0], [1], [0, 0, 1, 1], [], []>, transpose_lhs_hint = false} : vector<1024x256xf32>, vector<256x8xf32>, vector<1024x8xf32> -> vector<1024x8xf32>
    %mul3A_481 = arith.constant 0.176776692 : f32
    %mul3A_482 = vector.broadcast %mul3A_481 : f32 to vector<1024x8xf32>
    %mul3A_483 = arith.mulf %dot_general3A_480, %mul3A_482 : vector<1024x8xf32>
    %max3A_484 = arith.maximumf %mul3A_471, %mul3A_477 : vector<1024x8xf32>
    %max3A_485 = arith.maximumf %max3A_484, %mul3A_483 : vector<1024x8xf32>
    %sub3A_486 = arith.subf %mul3A_471, %max3A_485 : vector<1024x8xf32>
    %exp3A_487 = math.exp %sub3A_486 : vector<1024x8xf32>
    %sub3A_488 = arith.subf %mul3A_477, %max3A_485 : vector<1024x8xf32>
    %exp3A_489 = math.exp %sub3A_488 : vector<1024x8xf32>
    %sub3A_490 = arith.subf %mul3A_483, %max3A_485 : vector<1024x8xf32>
    %exp3A_491 = math.exp %sub3A_490 : vector<1024x8xf32>
    %add3A_492 = arith.addf %exp3A_487, %exp3A_489 : vector<1024x8xf32>
    %add3A_493 = arith.addf %add3A_492, %exp3A_491 : vector<1024x8xf32>
    %broadcast_in_dim3A_494 = arith.constant 0.000000e+00 : f32
    %broadcast_in_dim3A_495 = vector.broadcast %broadcast_in_dim3A_494 : f32 to vector<1024x256xf32>
    %div3A_496 = arith.divf %exp3A_487, %add3A_493 : vector<1024x8xf32>
    %dot_general3A_497 = arith.constant dense<0.000000e+00> : vector<1024x256xf32>
    %dot_general3A_498 = tpu.matmul %div3A_496, %get3A_318, %dot_general3A_497 {dimension_numbers = #tpu.dot_dimension_numbers<[1], [0], [0], [1], [0, 0, 1, 1], [], []>, transpose_lhs_hint = false} : vector<1024x8xf32>, vector<8x256xf32>, vector<1024x256xf32> -> vector<1024x256xf32>
    %mul3A_499 = arith.mulf %dot_general3A_498, %slice3A_355 : vector<1024x256xf32>
    %add3A_500 = arith.addf %broadcast_in_dim3A_495, %mul3A_499 : vector<1024x256xf32>
    %div3A_501 = arith.divf %exp3A_489, %add3A_493 : vector<1024x8xf32>
    %dot_general3A_502 = arith.constant dense<0.000000e+00> : vector<1024x256xf32>
    %dot_general3A_503 = tpu.matmul %div3A_501, %get3A_318, %dot_general3A_502 {dimension_numbers = #tpu.dot_dimension_numbers<[1], [0], [0], [1], [0, 0, 1, 1], [], []>, transpose_lhs_hint = false} : vector<1024x8xf32>, vector<8x256xf32>, vector<1024x256xf32> -> vector<1024x256xf32>
    %mul3A_504 = arith.mulf %dot_general3A_503, %slice3A_356 : vector<1024x256xf32>
    %add3A_505 = arith.addf %add3A_500, %mul3A_504 : vector<1024x256xf32>
    %div3A_506 = arith.divf %exp3A_491, %add3A_493 : vector<1024x8xf32>
    %dot_general3A_507 = arith.constant dense<0.000000e+00> : vector<1024x256xf32>
    %dot_general3A_508 = tpu.matmul %div3A_506, %get3A_318, %dot_general3A_507 {dimension_numbers = #tpu.dot_dimension_numbers<[1], [0], [0], [1], [0, 0, 1, 1], [], []>, transpose_lhs_hint = false} : vector<1024x8xf32>, vector<8x256xf32>, vector<1024x256xf32> -> vector<1024x256xf32>
    %mul3A_509 = arith.mulf %dot_general3A_508, %slice3A_357 : vector<1024x256xf32>
    %add3A_510 = arith.addf %add3A_505, %mul3A_509 : vector<1024x256xf32>
    %get3A_511 = arith.constant 0 : index
    %get3A_512 = arith.constant 0 : index
    %get3A_513 = vector.load %arg25[%get3A_511, %get3A_512] : memref<256x256xf32, #tpu.memory_space<vmem>>, vector<256x256xf32>
    %dot_general3A_514 = arith.constant dense<0.000000e+00> : vector<1024x256xf32>
    %dot_general3A_515 = tpu.matmul %add3A_510, %get3A_513, %dot_general3A_514 {dimension_numbers = #tpu.dot_dimension_numbers<[1], [0], [0], [1], [0, 0, 1, 1], [], []>, transpose_lhs_hint = false} : vector<1024x256xf32>, vector<256x256xf32>, vector<1024x256xf32> -> vector<1024x256xf32>
    %get3A_516 = arith.constant 0 : index
    %get3A_517 = arith.constant 0 : index
    %get3A_518 = vector.load %arg26[%get3A_516, %get3A_517] : memref<1x256xf32, #tpu.memory_space<vmem>>, vector<1x256xf32>
    %add3A_519 = vector.broadcast %get3A_518 : vector<1x256xf32> to vector<1024x256xf32>
    %add3A_520 = arith.addf %dot_general3A_515, %add3A_519 : vector<1024x256xf32>
    %broadcast_in_dim3A_521 = arith.constant 0.000000e+00 : f32
    %broadcast_in_dim3A_522 = vector.broadcast %broadcast_in_dim3A_521 : f32 to vector<1024x256xf32>
    %add3A_523 = arith.addf %add3A_92, %add3A_410 : vector<1024x256xf32>
    %get3A_524 = arith.constant 0 : index
    %get3A_525 = arith.constant 0 : index
    %get3A_526 = vector.load %arg27[%get3A_524, %get3A_525] : memref<1x256xf32, #tpu.memory_space<vmem>>, vector<1x256xf32>
    %get3A_527 = arith.constant 0 : index
    %get3A_528 = arith.constant 0 : index
    %get3A_529 = vector.load %arg28[%get3A_527, %get3A_528] : memref<1x256xf32, #tpu.memory_space<vmem>>, vector<1x256xf32>
    %reduce_sum3A_530 = arith.constant dense<0.000000e+00> : vector<1024xf32>
    %reduce_sum3A_531 = vector.multi_reduction <add>, %add3A_523, %reduce_sum3A_530 [1] : vector<1024x256xf32> to vector<1024xf32>
    %broadcast_in_dim3A_532 = vector.shape_cast %reduce_sum3A_531 : vector<1024xf32> to vector<1024x1xf32>
    %div3A_533 = arith.constant 2.560000e+02 : f32
    %div3A_534 = vector.broadcast %div3A_533 : f32 to vector<1024x1xf32>
    %div3A_535 = arith.divf %broadcast_in_dim3A_532, %div3A_534 : vector<1024x1xf32>
    %sub3A_536 = vector.broadcast %div3A_535 : vector<1024x1xf32> to vector<1024x256xf32>
    %sub3A_537 = arith.subf %add3A_523, %sub3A_536 : vector<1024x256xf32>
    %sub3A_538 = vector.broadcast %div3A_535 : vector<1024x1xf32> to vector<1024x256xf32>
    %sub3A_539 = arith.subf %add3A_523, %sub3A_538 : vector<1024x256xf32>
    %mul3A_540 = arith.mulf %sub3A_537, %sub3A_539 : vector<1024x256xf32>
    %reduce_sum3A_541 = arith.constant dense<0.000000e+00> : vector<1024xf32>
    %reduce_sum3A_542 = vector.multi_reduction <add>, %mul3A_540, %reduce_sum3A_541 [1] : vector<1024x256xf32> to vector<1024xf32>
    %broadcast_in_dim3A_543 = vector.shape_cast %reduce_sum3A_542 : vector<1024xf32> to vector<1024x1xf32>
    %div3A_544 = arith.constant 2.560000e+02 : f32
    %div3A_545 = vector.broadcast %div3A_544 : f32 to vector<1024x1xf32>
    %div3A_546 = arith.divf %broadcast_in_dim3A_543, %div3A_545 : vector<1024x1xf32>
    %sub3A_547 = vector.broadcast %div3A_535 : vector<1024x1xf32> to vector<1024x256xf32>
    %sub3A_548 = arith.subf %add3A_523, %sub3A_547 : vector<1024x256xf32>
    %add3A_549 = arith.constant 9.99999974E-6 : f32
    %add3A_550 = vector.broadcast %add3A_549 : f32 to vector<1024x1xf32>
    %add3A_551 = arith.addf %div3A_546, %add3A_550 : vector<1024x1xf32>
    %sqrt3A_552 = math.sqrt %add3A_551 : vector<1024x1xf32>
    %div3A_553 = vector.broadcast %sqrt3A_552 : vector<1024x1xf32> to vector<1024x256xf32>
    %div3A_554 = arith.divf %sub3A_548, %div3A_553 : vector<1024x256xf32>
    %mul3A_555 = vector.broadcast %get3A_526 : vector<1x256xf32> to vector<1024x256xf32>
    %mul3A_556 = arith.mulf %div3A_554, %mul3A_555 : vector<1024x256xf32>
    %add3A_557 = vector.broadcast %get3A_529 : vector<1x256xf32> to vector<1024x256xf32>
    %add3A_558 = arith.addf %mul3A_556, %add3A_557 : vector<1024x256xf32>
    %get3A_559 = arith.constant 0 : index
    %get3A_560 = arith.constant 0 : index
    %get3A_561 = vector.load %arg29[%get3A_559, %get3A_560] : memref<256x256xf32, #tpu.memory_space<vmem>>, vector<256x256xf32>
    %dot_general3A_562 = arith.constant dense<0.000000e+00> : vector<1024x256xf32>
    %dot_general3A_563 = tpu.matmul %add3A_558, %get3A_561, %dot_general3A_562 {dimension_numbers = #tpu.dot_dimension_numbers<[1], [0], [0], [1], [0, 0, 1, 1], [], []>, transpose_lhs_hint = false} : vector<1024x256xf32>, vector<256x256xf32>, vector<1024x256xf32> -> vector<1024x256xf32>
    %get3A_564 = arith.constant 0 : index
    %get3A_565 = arith.constant 0 : index
    %get3A_566 = vector.load %arg30[%get3A_564, %get3A_565] : memref<1x256xf32, #tpu.memory_space<vmem>>, vector<1x256xf32>
    %add3A_567 = vector.broadcast %get3A_566 : vector<1x256xf32> to vector<1024x256xf32>
    %add3A_568 = arith.addf %dot_general3A_563, %add3A_567 : vector<1024x256xf32>
    %max3A_569 = arith.constant 0.000000e+00 : f32
    %max3A_570 = vector.broadcast %max3A_569 : f32 to vector<1024x256xf32>
    %max3A_571 = arith.maximumf %add3A_568, %max3A_570 : vector<1024x256xf32>
    %get3A_572 = arith.constant 0 : index
    %get3A_573 = arith.constant 0 : index
    %get3A_574 = vector.load %arg31[%get3A_572, %get3A_573] : memref<256x256xf32, #tpu.memory_space<vmem>>, vector<256x256xf32>
    %dot_general3A_575 = arith.constant dense<0.000000e+00> : vector<1024x256xf32>
    %dot_general3A_576 = tpu.matmul %max3A_571, %get3A_574, %dot_general3A_575 {dimension_numbers = #tpu.dot_dimension_numbers<[1], [0], [0], [1], [0, 0, 1, 1], [], []>, transpose_lhs_hint = false} : vector<1024x256xf32>, vector<256x256xf32>, vector<1024x256xf32> -> vector<1024x256xf32>
    %get3A_577 = arith.constant 0 : index
    %get3A_578 = arith.constant 0 : index
    %get3A_579 = vector.load %arg32[%get3A_577, %get3A_578] : memref<1x256xf32, #tpu.memory_space<vmem>>, vector<1x256xf32>
    %add3A_580 = vector.broadcast %get3A_579 : vector<1x256xf32> to vector<1024x256xf32>
    %add3A_581 = arith.addf %dot_general3A_576, %add3A_580 : vector<1024x256xf32>
    %add3A_582 = arith.addf %add3A_558, %add3A_581 : vector<1024x256xf32>
    %get3A_583 = arith.constant 0 : index
    %get3A_584 = arith.constant 0 : index
    %get3A_585 = vector.load %arg33[%get3A_583, %get3A_584] : memref<1x256xf32, #tpu.memory_space<vmem>>, vector<1x256xf32>
    %get3A_586 = arith.constant 0 : index
    %get3A_587 = arith.constant 0 : index
    %get3A_588 = vector.load %arg34[%get3A_586, %get3A_587] : memref<1x256xf32, #tpu.memory_space<vmem>>, vector<1x256xf32>
    %reduce_sum3A_589 = arith.constant dense<0.000000e+00> : vector<1024xf32>
    %reduce_sum3A_590 = vector.multi_reduction <add>, %add3A_582, %reduce_sum3A_589 [1] : vector<1024x256xf32> to vector<1024xf32>
    %broadcast_in_dim3A_591 = vector.shape_cast %reduce_sum3A_590 : vector<1024xf32> to vector<1024x1xf32>
    %div3A_592 = arith.constant 2.560000e+02 : f32
    %div3A_593 = vector.broadcast %div3A_592 : f32 to vector<1024x1xf32>
    %div3A_594 = arith.divf %broadcast_in_dim3A_591, %div3A_593 : vector<1024x1xf32>
    %sub3A_595 = vector.broadcast %div3A_594 : vector<1024x1xf32> to vector<1024x256xf32>
    %sub3A_596 = arith.subf %add3A_582, %sub3A_595 : vector<1024x256xf32>
    %sub3A_597 = vector.broadcast %div3A_594 : vector<1024x1xf32> to vector<1024x256xf32>
    %sub3A_598 = arith.subf %add3A_582, %sub3A_597 : vector<1024x256xf32>
    %mul3A_599 = arith.mulf %sub3A_596, %sub3A_598 : vector<1024x256xf32>
    %reduce_sum3A_600 = arith.constant dense<0.000000e+00> : vector<1024xf32>
    %reduce_sum3A_601 = vector.multi_reduction <add>, %mul3A_599, %reduce_sum3A_600 [1] : vector<1024x256xf32> to vector<1024xf32>
    %broadcast_in_dim3A_602 = vector.shape_cast %reduce_sum3A_601 : vector<1024xf32> to vector<1024x1xf32>
    %div3A_603 = arith.constant 2.560000e+02 : f32
    %div3A_604 = vector.broadcast %div3A_603 : f32 to vector<1024x1xf32>
    %div3A_605 = arith.divf %broadcast_in_dim3A_602, %div3A_604 : vector<1024x1xf32>
    %sub3A_606 = vector.broadcast %div3A_594 : vector<1024x1xf32> to vector<1024x256xf32>
    %sub3A_607 = arith.subf %add3A_582, %sub3A_606 : vector<1024x256xf32>
    %add3A_608 = arith.constant 9.99999974E-6 : f32
    %add3A_609 = vector.broadcast %add3A_608 : f32 to vector<1024x1xf32>
    %add3A_610 = arith.addf %div3A_605, %add3A_609 : vector<1024x1xf32>
    %sqrt3A_611 = math.sqrt %add3A_610 : vector<1024x1xf32>
    %div3A_612 = vector.broadcast %sqrt3A_611 : vector<1024x1xf32> to vector<1024x256xf32>
    %div3A_613 = arith.divf %sub3A_607, %div3A_612 : vector<1024x256xf32>
    %mul3A_614 = vector.broadcast %get3A_585 : vector<1x256xf32> to vector<1024x256xf32>
    %mul3A_615 = arith.mulf %div3A_613, %mul3A_614 : vector<1024x256xf32>
    %add3A_616 = vector.broadcast %get3A_588 : vector<1x256xf32> to vector<1024x256xf32>
    %add3A_617 = arith.addf %mul3A_615, %add3A_616 : vector<1024x256xf32>
    %add3A_618 = arith.addf %broadcast_in_dim3A_522, %add3A_617 : vector<1024x256xf32>
    %add3A_619 = arith.addf %add3A_263, %add3A_465 : vector<1024x256xf32>
    %get3A_620 = arith.constant 0 : index
    %get3A_621 = arith.constant 0 : index
    %get3A_622 = vector.load %arg27[%get3A_620, %get3A_621] : memref<1x256xf32, #tpu.memory_space<vmem>>, vector<1x256xf32>
    %get3A_623 = arith.constant 0 : index
    %get3A_624 = arith.constant 0 : index
    %get3A_625 = vector.load %arg28[%get3A_623, %get3A_624] : memref<1x256xf32, #tpu.memory_space<vmem>>, vector<1x256xf32>
    %reduce_sum3A_626 = arith.constant dense<0.000000e+00> : vector<1024xf32>
    %reduce_sum3A_627 = vector.multi_reduction <add>, %add3A_619, %reduce_sum3A_626 [1] : vector<1024x256xf32> to vector<1024xf32>
    %broadcast_in_dim3A_628 = vector.shape_cast %reduce_sum3A_627 : vector<1024xf32> to vector<1024x1xf32>
    %div3A_629 = arith.constant 2.560000e+02 : f32
    %div3A_630 = vector.broadcast %div3A_629 : f32 to vector<1024x1xf32>
    %div3A_631 = arith.divf %broadcast_in_dim3A_628, %div3A_630 : vector<1024x1xf32>
    %sub3A_632 = vector.broadcast %div3A_631 : vector<1024x1xf32> to vector<1024x256xf32>
    %sub3A_633 = arith.subf %add3A_619, %sub3A_632 : vector<1024x256xf32>
    %sub3A_634 = vector.broadcast %div3A_631 : vector<1024x1xf32> to vector<1024x256xf32>
    %sub3A_635 = arith.subf %add3A_619, %sub3A_634 : vector<1024x256xf32>
    %mul3A_636 = arith.mulf %sub3A_633, %sub3A_635 : vector<1024x256xf32>
    %reduce_sum3A_637 = arith.constant dense<0.000000e+00> : vector<1024xf32>
    %reduce_sum3A_638 = vector.multi_reduction <add>, %mul3A_636, %reduce_sum3A_637 [1] : vector<1024x256xf32> to vector<1024xf32>
    %broadcast_in_dim3A_639 = vector.shape_cast %reduce_sum3A_638 : vector<1024xf32> to vector<1024x1xf32>
    %div3A_640 = arith.constant 2.560000e+02 : f32
    %div3A_641 = vector.broadcast %div3A_640 : f32 to vector<1024x1xf32>
    %div3A_642 = arith.divf %broadcast_in_dim3A_639, %div3A_641 : vector<1024x1xf32>
    %sub3A_643 = vector.broadcast %div3A_631 : vector<1024x1xf32> to vector<1024x256xf32>
    %sub3A_644 = arith.subf %add3A_619, %sub3A_643 : vector<1024x256xf32>
    %add3A_645 = arith.constant 9.99999974E-6 : f32
    %add3A_646 = vector.broadcast %add3A_645 : f32 to vector<1024x1xf32>
    %add3A_647 = arith.addf %div3A_642, %add3A_646 : vector<1024x1xf32>
    %sqrt3A_648 = math.sqrt %add3A_647 : vector<1024x1xf32>
    %div3A_649 = vector.broadcast %sqrt3A_648 : vector<1024x1xf32> to vector<1024x256xf32>
    %div3A_650 = arith.divf %sub3A_644, %div3A_649 : vector<1024x256xf32>
    %mul3A_651 = vector.broadcast %get3A_622 : vector<1x256xf32> to vector<1024x256xf32>
    %mul3A_652 = arith.mulf %div3A_650, %mul3A_651 : vector<1024x256xf32>
    %add3A_653 = vector.broadcast %get3A_625 : vector<1x256xf32> to vector<1024x256xf32>
    %add3A_654 = arith.addf %mul3A_652, %add3A_653 : vector<1024x256xf32>
    %get3A_655 = arith.constant 0 : index
    %get3A_656 = arith.constant 0 : index
    %get3A_657 = vector.load %arg29[%get3A_655, %get3A_656] : memref<256x256xf32, #tpu.memory_space<vmem>>, vector<256x256xf32>
    %dot_general3A_658 = arith.constant dense<0.000000e+00> : vector<1024x256xf32>
    %dot_general3A_659 = tpu.matmul %add3A_654, %get3A_657, %dot_general3A_658 {dimension_numbers = #tpu.dot_dimension_numbers<[1], [0], [0], [1], [0, 0, 1, 1], [], []>, transpose_lhs_hint = false} : vector<1024x256xf32>, vector<256x256xf32>, vector<1024x256xf32> -> vector<1024x256xf32>
    %get3A_660 = arith.constant 0 : index
    %get3A_661 = arith.constant 0 : index
    %get3A_662 = vector.load %arg30[%get3A_660, %get3A_661] : memref<1x256xf32, #tpu.memory_space<vmem>>, vector<1x256xf32>
    %add3A_663 = vector.broadcast %get3A_662 : vector<1x256xf32> to vector<1024x256xf32>
    %add3A_664 = arith.addf %dot_general3A_659, %add3A_663 : vector<1024x256xf32>
    %max3A_665 = arith.constant 0.000000e+00 : f32
    %max3A_666 = vector.broadcast %max3A_665 : f32 to vector<1024x256xf32>
    %max3A_667 = arith.maximumf %add3A_664, %max3A_666 : vector<1024x256xf32>
    %get3A_668 = arith.constant 0 : index
    %get3A_669 = arith.constant 0 : index
    %get3A_670 = vector.load %arg31[%get3A_668, %get3A_669] : memref<256x256xf32, #tpu.memory_space<vmem>>, vector<256x256xf32>
    %dot_general3A_671 = arith.constant dense<0.000000e+00> : vector<1024x256xf32>
    %dot_general3A_672 = tpu.matmul %max3A_667, %get3A_670, %dot_general3A_671 {dimension_numbers = #tpu.dot_dimension_numbers<[1], [0], [0], [1], [0, 0, 1, 1], [], []>, transpose_lhs_hint = false} : vector<1024x256xf32>, vector<256x256xf32>, vector<1024x256xf32> -> vector<1024x256xf32>
    %get3A_673 = arith.constant 0 : index
    %get3A_674 = arith.constant 0 : index
    %get3A_675 = vector.load %arg32[%get3A_673, %get3A_674] : memref<1x256xf32, #tpu.memory_space<vmem>>, vector<1x256xf32>
    %add3A_676 = vector.broadcast %get3A_675 : vector<1x256xf32> to vector<1024x256xf32>
    %add3A_677 = arith.addf %dot_general3A_672, %add3A_676 : vector<1024x256xf32>
    %add3A_678 = arith.addf %add3A_654, %add3A_677 : vector<1024x256xf32>
    %get3A_679 = arith.constant 0 : index
    %get3A_680 = arith.constant 0 : index
    %get3A_681 = vector.load %arg33[%get3A_679, %get3A_680] : memref<1x256xf32, #tpu.memory_space<vmem>>, vector<1x256xf32>
    %get3A_682 = arith.constant 0 : index
    %get3A_683 = arith.constant 0 : index
    %get3A_684 = vector.load %arg34[%get3A_682, %get3A_683] : memref<1x256xf32, #tpu.memory_space<vmem>>, vector<1x256xf32>
    %reduce_sum3A_685 = arith.constant dense<0.000000e+00> : vector<1024xf32>
    %reduce_sum3A_686 = vector.multi_reduction <add>, %add3A_678, %reduce_sum3A_685 [1] : vector<1024x256xf32> to vector<1024xf32>
    %broadcast_in_dim3A_687 = vector.shape_cast %reduce_sum3A_686 : vector<1024xf32> to vector<1024x1xf32>
    %div3A_688 = arith.constant 2.560000e+02 : f32
    %div3A_689 = vector.broadcast %div3A_688 : f32 to vector<1024x1xf32>
    %div3A_690 = arith.divf %broadcast_in_dim3A_687, %div3A_689 : vector<1024x1xf32>
    %sub3A_691 = vector.broadcast %div3A_690 : vector<1024x1xf32> to vector<1024x256xf32>
    %sub3A_692 = arith.subf %add3A_678, %sub3A_691 : vector<1024x256xf32>
    %sub3A_693 = vector.broadcast %div3A_690 : vector<1024x1xf32> to vector<1024x256xf32>
    %sub3A_694 = arith.subf %add3A_678, %sub3A_693 : vector<1024x256xf32>
    %mul3A_695 = arith.mulf %sub3A_692, %sub3A_694 : vector<1024x256xf32>
    %reduce_sum3A_696 = arith.constant dense<0.000000e+00> : vector<1024xf32>
    %reduce_sum3A_697 = vector.multi_reduction <add>, %mul3A_695, %reduce_sum3A_696 [1] : vector<1024x256xf32> to vector<1024xf32>
    %broadcast_in_dim3A_698 = vector.shape_cast %reduce_sum3A_697 : vector<1024xf32> to vector<1024x1xf32>
    %div3A_699 = arith.constant 2.560000e+02 : f32
    %div3A_700 = vector.broadcast %div3A_699 : f32 to vector<1024x1xf32>
    %div3A_701 = arith.divf %broadcast_in_dim3A_698, %div3A_700 : vector<1024x1xf32>
    %sub3A_702 = vector.broadcast %div3A_690 : vector<1024x1xf32> to vector<1024x256xf32>
    %sub3A_703 = arith.subf %add3A_678, %sub3A_702 : vector<1024x256xf32>
    %add3A_704 = arith.constant 9.99999974E-6 : f32
    %add3A_705 = vector.broadcast %add3A_704 : f32 to vector<1024x1xf32>
    %add3A_706 = arith.addf %div3A_701, %add3A_705 : vector<1024x1xf32>
    %sqrt3A_707 = math.sqrt %add3A_706 : vector<1024x1xf32>
    %div3A_708 = vector.broadcast %sqrt3A_707 : vector<1024x1xf32> to vector<1024x256xf32>
    %div3A_709 = arith.divf %sub3A_703, %div3A_708 : vector<1024x256xf32>
    %mul3A_710 = vector.broadcast %get3A_681 : vector<1x256xf32> to vector<1024x256xf32>
    %mul3A_711 = arith.mulf %div3A_709, %mul3A_710 : vector<1024x256xf32>
    %add3A_712 = vector.broadcast %get3A_684 : vector<1x256xf32> to vector<1024x256xf32>
    %add3A_713 = arith.addf %mul3A_711, %add3A_712 : vector<1024x256xf32>
    %add3A_714 = arith.addf %add3A_618, %add3A_713 : vector<1024x256xf32>
    %add3A_715 = arith.addf %add3A_312, %add3A_520 : vector<1024x256xf32>
    %get3A_716 = arith.constant 0 : index
    %get3A_717 = arith.constant 0 : index
    %get3A_718 = vector.load %arg27[%get3A_716, %get3A_717] : memref<1x256xf32, #tpu.memory_space<vmem>>, vector<1x256xf32>
    %get3A_719 = arith.constant 0 : index
    %get3A_720 = arith.constant 0 : index
    %get3A_721 = vector.load %arg28[%get3A_719, %get3A_720] : memref<1x256xf32, #tpu.memory_space<vmem>>, vector<1x256xf32>
    %reduce_sum3A_722 = arith.constant dense<0.000000e+00> : vector<1024xf32>
    %reduce_sum3A_723 = vector.multi_reduction <add>, %add3A_715, %reduce_sum3A_722 [1] : vector<1024x256xf32> to vector<1024xf32>
    %broadcast_in_dim3A_724 = vector.shape_cast %reduce_sum3A_723 : vector<1024xf32> to vector<1024x1xf32>
    %div3A_725 = arith.constant 2.560000e+02 : f32
    %div3A_726 = vector.broadcast %div3A_725 : f32 to vector<1024x1xf32>
    %div3A_727 = arith.divf %broadcast_in_dim3A_724, %div3A_726 : vector<1024x1xf32>
    %sub3A_728 = vector.broadcast %div3A_727 : vector<1024x1xf32> to vector<1024x256xf32>
    %sub3A_729 = arith.subf %add3A_715, %sub3A_728 : vector<1024x256xf32>
    %sub3A_730 = vector.broadcast %div3A_727 : vector<1024x1xf32> to vector<1024x256xf32>
    %sub3A_731 = arith.subf %add3A_715, %sub3A_730 : vector<1024x256xf32>
    %mul3A_732 = arith.mulf %sub3A_729, %sub3A_731 : vector<1024x256xf32>
    %reduce_sum3A_733 = arith.constant dense<0.000000e+00> : vector<1024xf32>
    %reduce_sum3A_734 = vector.multi_reduction <add>, %mul3A_732, %reduce_sum3A_733 [1] : vector<1024x256xf32> to vector<1024xf32>
    %broadcast_in_dim3A_735 = vector.shape_cast %reduce_sum3A_734 : vector<1024xf32> to vector<1024x1xf32>
    %div3A_736 = arith.constant 2.560000e+02 : f32
    %div3A_737 = vector.broadcast %div3A_736 : f32 to vector<1024x1xf32>
    %div3A_738 = arith.divf %broadcast_in_dim3A_735, %div3A_737 : vector<1024x1xf32>
    %sub3A_739 = vector.broadcast %div3A_727 : vector<1024x1xf32> to vector<1024x256xf32>
    %sub3A_740 = arith.subf %add3A_715, %sub3A_739 : vector<1024x256xf32>
    %add3A_741 = arith.constant 9.99999974E-6 : f32
    %add3A_742 = vector.broadcast %add3A_741 : f32 to vector<1024x1xf32>
    %add3A_743 = arith.addf %div3A_738, %add3A_742 : vector<1024x1xf32>
    %sqrt3A_744 = math.sqrt %add3A_743 : vector<1024x1xf32>
    %div3A_745 = vector.broadcast %sqrt3A_744 : vector<1024x1xf32> to vector<1024x256xf32>
    %div3A_746 = arith.divf %sub3A_740, %div3A_745 : vector<1024x256xf32>
    %mul3A_747 = vector.broadcast %get3A_718 : vector<1x256xf32> to vector<1024x256xf32>
    %mul3A_748 = arith.mulf %div3A_746, %mul3A_747 : vector<1024x256xf32>
    %add3A_749 = vector.broadcast %get3A_721 : vector<1x256xf32> to vector<1024x256xf32>
    %add3A_750 = arith.addf %mul3A_748, %add3A_749 : vector<1024x256xf32>
    %get3A_751 = arith.constant 0 : index
    %get3A_752 = arith.constant 0 : index
    %get3A_753 = vector.load %arg29[%get3A_751, %get3A_752] : memref<256x256xf32, #tpu.memory_space<vmem>>, vector<256x256xf32>
    %dot_general3A_754 = arith.constant dense<0.000000e+00> : vector<1024x256xf32>
    %dot_general3A_755 = tpu.matmul %add3A_750, %get3A_753, %dot_general3A_754 {dimension_numbers = #tpu.dot_dimension_numbers<[1], [0], [0], [1], [0, 0, 1, 1], [], []>, transpose_lhs_hint = false} : vector<1024x256xf32>, vector<256x256xf32>, vector<1024x256xf32> -> vector<1024x256xf32>
    %get3A_756 = arith.constant 0 : index
    %get3A_757 = arith.constant 0 : index
    %get3A_758 = vector.load %arg30[%get3A_756, %get3A_757] : memref<1x256xf32, #tpu.memory_space<vmem>>, vector<1x256xf32>
    %add3A_759 = vector.broadcast %get3A_758 : vector<1x256xf32> to vector<1024x256xf32>
    %add3A_760 = arith.addf %dot_general3A_755, %add3A_759 : vector<1024x256xf32>
    %max3A_761 = arith.constant 0.000000e+00 : f32
    %max3A_762 = vector.broadcast %max3A_761 : f32 to vector<1024x256xf32>
    %max3A_763 = arith.maximumf %add3A_760, %max3A_762 : vector<1024x256xf32>
    %get3A_764 = arith.constant 0 : index
    %get3A_765 = arith.constant 0 : index
    %get3A_766 = vector.load %arg31[%get3A_764, %get3A_765] : memref<256x256xf32, #tpu.memory_space<vmem>>, vector<256x256xf32>
    %dot_general3A_767 = arith.constant dense<0.000000e+00> : vector<1024x256xf32>
    %dot_general3A_768 = tpu.matmul %max3A_763, %get3A_766, %dot_general3A_767 {dimension_numbers = #tpu.dot_dimension_numbers<[1], [0], [0], [1], [0, 0, 1, 1], [], []>, transpose_lhs_hint = false} : vector<1024x256xf32>, vector<256x256xf32>, vector<1024x256xf32> -> vector<1024x256xf32>
    %get3A_769 = arith.constant 0 : index
    %get3A_770 = arith.constant 0 : index
    %get3A_771 = vector.load %arg32[%get3A_769, %get3A_770] : memref<1x256xf32, #tpu.memory_space<vmem>>, vector<1x256xf32>
    %add3A_772 = vector.broadcast %get3A_771 : vector<1x256xf32> to vector<1024x256xf32>
    %add3A_773 = arith.addf %dot_general3A_768, %add3A_772 : vector<1024x256xf32>
    %add3A_774 = arith.addf %add3A_750, %add3A_773 : vector<1024x256xf32>
    %get3A_775 = arith.constant 0 : index
    %get3A_776 = arith.constant 0 : index
    %get3A_777 = vector.load %arg33[%get3A_775, %get3A_776] : memref<1x256xf32, #tpu.memory_space<vmem>>, vector<1x256xf32>
    %get3A_778 = arith.constant 0 : index
    %get3A_779 = arith.constant 0 : index
    %get3A_780 = vector.load %arg34[%get3A_778, %get3A_779] : memref<1x256xf32, #tpu.memory_space<vmem>>, vector<1x256xf32>
    %reduce_sum3A_781 = arith.constant dense<0.000000e+00> : vector<1024xf32>
    %reduce_sum3A_782 = vector.multi_reduction <add>, %add3A_774, %reduce_sum3A_781 [1] : vector<1024x256xf32> to vector<1024xf32>
    %broadcast_in_dim3A_783 = vector.shape_cast %reduce_sum3A_782 : vector<1024xf32> to vector<1024x1xf32>
    %div3A_784 = arith.constant 2.560000e+02 : f32
    %div3A_785 = vector.broadcast %div3A_784 : f32 to vector<1024x1xf32>
    %div3A_786 = arith.divf %broadcast_in_dim3A_783, %div3A_785 : vector<1024x1xf32>
    %sub3A_787 = vector.broadcast %div3A_786 : vector<1024x1xf32> to vector<1024x256xf32>
    %sub3A_788 = arith.subf %add3A_774, %sub3A_787 : vector<1024x256xf32>
    %sub3A_789 = vector.broadcast %div3A_786 : vector<1024x1xf32> to vector<1024x256xf32>
    %sub3A_790 = arith.subf %add3A_774, %sub3A_789 : vector<1024x256xf32>
    %mul3A_791 = arith.mulf %sub3A_788, %sub3A_790 : vector<1024x256xf32>
    %reduce_sum3A_792 = arith.constant dense<0.000000e+00> : vector<1024xf32>
    %reduce_sum3A_793 = vector.multi_reduction <add>, %mul3A_791, %reduce_sum3A_792 [1] : vector<1024x256xf32> to vector<1024xf32>
    %broadcast_in_dim3A_794 = vector.shape_cast %reduce_sum3A_793 : vector<1024xf32> to vector<1024x1xf32>
    %div3A_795 = arith.constant 2.560000e+02 : f32
    %div3A_796 = vector.broadcast %div3A_795 : f32 to vector<1024x1xf32>
    %div3A_797 = arith.divf %broadcast_in_dim3A_794, %div3A_796 : vector<1024x1xf32>
    %sub3A_798 = vector.broadcast %div3A_786 : vector<1024x1xf32> to vector<1024x256xf32>
    %sub3A_799 = arith.subf %add3A_774, %sub3A_798 : vector<1024x256xf32>
    %add3A_800 = arith.constant 9.99999974E-6 : f32
    %add3A_801 = vector.broadcast %add3A_800 : f32 to vector<1024x1xf32>
    %add3A_802 = arith.addf %div3A_797, %add3A_801 : vector<1024x1xf32>
    %sqrt3A_803 = math.sqrt %add3A_802 : vector<1024x1xf32>
    %div3A_804 = vector.broadcast %sqrt3A_803 : vector<1024x1xf32> to vector<1024x256xf32>
    %div3A_805 = arith.divf %sub3A_799, %div3A_804 : vector<1024x256xf32>
    %mul3A_806 = vector.broadcast %get3A_777 : vector<1x256xf32> to vector<1024x256xf32>
    %mul3A_807 = arith.mulf %div3A_805, %mul3A_806 : vector<1024x256xf32>
    %add3A_808 = vector.broadcast %get3A_780 : vector<1x256xf32> to vector<1024x256xf32>
    %add3A_809 = arith.addf %mul3A_807, %add3A_808 : vector<1024x256xf32>
    %add3A_810 = arith.addf %add3A_714, %add3A_809 : vector<1024x256xf32>
    %div3A_811 = arith.constant 3.000000e+00 : f32
    %div3A_812 = vector.broadcast %div3A_811 : f32 to vector<1024x256xf32>
    %div3A_813 = arith.divf %add3A_810, %div3A_812 : vector<1024x256xf32>
    %get3A_814 = arith.constant 0 : index
    %get3A_815 = arith.constant 0 : index
    %get3A_816 = vector.load %arg35[%get3A_814, %get3A_815] : memref<1x128xf32, #tpu.memory_space<vmem>>, vector<1x128xf32>
    %get3A_817 = arith.constant 0 : index
    %get3A_818 = arith.constant 0 : index
    %get3A_819 = vector.load %arg4[%get3A_817, %get3A_818] : memref<1024x2xf32, #tpu.memory_space<vmem>>, vector<1024x1xf32>
    %mul3A_820 = vector.broadcast %get3A_819 : vector<1024x1xf32> to vector<1024x128xf32>
    %mul3A_821 = vector.broadcast %get3A_816 : vector<1x128xf32> to vector<1024x128xf32>
    %mul3A_822 = arith.mulf %mul3A_820, %mul3A_821 : vector<1024x128xf32>
    %get3A_823 = arith.constant 0 : index
    %get3A_824 = arith.constant 1 : index
    %get3A_825 = vector.load %arg4[%get3A_823, %get3A_824] : memref<1024x2xf32, #tpu.memory_space<vmem>>, vector<1024x1xf32>
    %mul3A_826 = vector.broadcast %get3A_825 : vector<1024x1xf32> to vector<1024x128xf32>
    %mul3A_827 = vector.broadcast %get3A_816 : vector<1x128xf32> to vector<1024x128xf32>
    %mul3A_828 = arith.mulf %mul3A_826, %mul3A_827 : vector<1024x128xf32>
    %sin3A = math.sin %mul3A_822 : vector<1024x128xf32>
    %sin3A_829 = math.sin %mul3A_828 : vector<1024x128xf32>
    %add3A_830 = arith.addf %sin3A, %sin3A_829 : vector<1024x128xf32>
    %cos3A_831 = math.cos %mul3A_822 : vector<1024x128xf32>
    %cos3A_832 = math.cos %mul3A_828 : vector<1024x128xf32>
    %add3A_833 = arith.addf %cos3A_831, %cos3A_832 : vector<1024x128xf32>
    %get3A_834 = arith.constant 0 : index
    %get3A_835 = arith.constant 0 : index
    %get3A_836 = vector.load %arg38[%get3A_834, %get3A_835] : memref<128x256xf32, #tpu.memory_space<vmem>>, vector<128x256xf32>
    %dot_general3A_837 = arith.constant dense<0.000000e+00> : vector<1024x256xf32>
    %dot_general3A_838 = tpu.matmul %add3A_830, %get3A_836, %dot_general3A_837 {dimension_numbers = #tpu.dot_dimension_numbers<[1], [0], [0], [1], [0, 0, 1, 1], [], []>, transpose_lhs_hint = false} : vector<1024x128xf32>, vector<128x256xf32>, vector<1024x256xf32> -> vector<1024x256xf32>
    %get3A_839 = arith.constant 0 : index
    %get3A_840 = arith.constant 0 : index
    %get3A_841 = vector.load %arg39[%get3A_839, %get3A_840] : memref<128x256xf32, #tpu.memory_space<vmem>>, vector<128x256xf32>
    %dot_general3A_842 = arith.constant dense<0.000000e+00> : vector<1024x256xf32>
    %dot_general3A_843 = tpu.matmul %add3A_833, %get3A_841, %dot_general3A_842 {dimension_numbers = #tpu.dot_dimension_numbers<[1], [0], [0], [1], [0, 0, 1, 1], [], []>, transpose_lhs_hint = false} : vector<1024x128xf32>, vector<128x256xf32>, vector<1024x256xf32> -> vector<1024x256xf32>
    %add3A_844 = arith.addf %dot_general3A_838, %dot_general3A_843 : vector<1024x256xf32>
    %add3A_845 = arith.addf %div3A_813, %add3A_844 : vector<1024x256xf32>
    %swap3A = arith.constant 0 : index
    %swap3A_846 = arith.constant 0 : index
    %swap3A_847 = vector.load %arg40[%swap3A, %swap3A_846] : memref<1024x256xf32, #tpu.memory_space<vmem>>, vector<1024x256xf32>
    tpu.vector_store %arg40[%swap3A, %swap3A_846], %add3A_845 {strides = array<i32>} : memref<1024x256xf32, #tpu.memory_space<vmem>>, vector<1024x256xf32>,
    return
  }
  func.func @transform_0(%arg0: i32) -> (i32, i32) {
    %c0_i32 = arith.constant 0 : i32
    %c0_i32_0 = arith.constant 0 : i32
    return %arg0, %c0_i32 : i32, i32
  }
  func.func @transform_1(%arg0: i32) -> (i32, i32) {
    %c0_i32 = arith.constant 0 : i32
    %c0_i32_0 = arith.constant 0 : i32
    return %arg0, %c0_i32 : i32, i32
  }
  func.func @transform_2(%arg0: i32) -> (i32, i32) {
    %c0_i32 = arith.constant 0 : i32
    %c0_i32_0 = arith.constant 0 : i32
    return %arg0, %c0_i32 : i32, i32
  }
  func.func @transform_3(%arg0: i32) -> (i32, i32) {
    %c0_i32 = arith.constant 0 : i32
    %c0_i32_0 = arith.constant 0 : i32
    return %arg0, %c0_i32 : i32, i32
  }
  func.func @transform_4(%arg0: i32) -> (i32, i32) {
    %c0_i32 = arith.constant 0 : i32
    %c0_i32_0 = arith.constant 0 : i32
    return %arg0, %c0_i32 : i32, i32
  }
  func.func @transform_5(%arg0: i32) -> (i32, i32) {
    %c0_i32 = arith.constant 0 : i32
    %c0_i32_0 = arith.constant 0 : i32
    %c0_i32_1 = arith.constant 0 : i32
    return %c0_i32, %c0_i32_0 : i32, i32
  }
  func.func @transform_6(%arg0: i32) -> (i32, i32) {
    %c0_i32 = arith.constant 0 : i32
    %c0_i32_0 = arith.constant 0 : i32
    %c0_i32_1 = arith.constant 0 : i32
    return %c0_i32, %c0_i32_0 : i32, i32
  }
  func.func @transform_7(%arg0: i32) -> (i32, i32) {
    %c0_i32 = arith.constant 0 : i32
    %c0_i32_0 = arith.constant 0 : i32
    %c0_i32_1 = arith.constant 0 : i32
    return %c0_i32, %c0_i32_0 : i32, i32
  }
  func.func @transform_8(%arg0: i32) -> (i32, i32) {
    %c0_i32 = arith.constant 0 : i32
    %c0_i32_0 = arith.constant 0 : i32
    %c0_i32_1 = arith.constant 0 : i32
    return %c0_i32, %c0_i32_0 : i32, i32
  }
  func.func @transform_9(%arg0: i32) -> (i32, i32) {
    %c0_i32 = arith.constant 0 : i32
    %c0_i32_0 = arith.constant 0 : i32
    %c0_i32_1 = arith.constant 0 : i32
    return %c0_i32, %c0_i32_0 : i32, i32
  }
  func.func @transform_10(%arg0: i32) -> (i32, i32) {
    %c0_i32 = arith.constant 0 : i32
    %c0_i32_0 = arith.constant 0 : i32
    %c0_i32_1 = arith.constant 0 : i32
    return %c0_i32, %c0_i32_0 : i32, i32
  }
  func.func @transform_11(%arg0: i32) -> (i32, i32) {
    %c0_i32 = arith.constant 0 : i32
    %c0_i32_0 = arith.constant 0 : i32
    %c0_i32_1 = arith.constant 0 : i32
    return %c0_i32, %c0_i32_0 : i32, i32
  }
  func.func @transform_12(%arg0: i32) -> (i32, i32) {
    %c0_i32 = arith.constant 0 : i32
    %c0_i32_0 = arith.constant 0 : i32
    %c0_i32_1 = arith.constant 0 : i32
    return %c0_i32, %c0_i32_0 : i32, i32
  }
  func.func @transform_13(%arg0: i32) -> (i32, i32) {
    %c0_i32 = arith.constant 0 : i32
    %c0_i32_0 = arith.constant 0 : i32
    %c0_i32_1 = arith.constant 0 : i32
    return %c0_i32, %c0_i32_0 : i32, i32
  }
  func.func @transform_14(%arg0: i32) -> (i32, i32) {
    %c0_i32 = arith.constant 0 : i32
    %c0_i32_0 = arith.constant 0 : i32
    %c0_i32_1 = arith.constant 0 : i32
    return %c0_i32, %c0_i32_0 : i32, i32
  }
  func.func @transform_15(%arg0: i32) -> (i32, i32) {
    %c0_i32 = arith.constant 0 : i32
    %c0_i32_0 = arith.constant 0 : i32
    %c0_i32_1 = arith.constant 0 : i32
    return %c0_i32, %c0_i32_0 : i32, i32
  }
  func.func @transform_16(%arg0: i32) -> (i32, i32) {
    %c0_i32 = arith.constant 0 : i32
    %c0_i32_0 = arith.constant 0 : i32
    %c0_i32_1 = arith.constant 0 : i32
    return %c0_i32, %c0_i32_0 : i32, i32
  }
  func.func @transform_17(%arg0: i32) -> (i32, i32) {
    %c0_i32 = arith.constant 0 : i32
    %c0_i32_0 = arith.constant 0 : i32
    %c0_i32_1 = arith.constant 0 : i32
    return %c0_i32, %c0_i32_0 : i32, i32
  }
  func.func @transform_18(%arg0: i32) -> (i32, i32) {
    %c0_i32 = arith.constant 0 : i32
    %c0_i32_0 = arith.constant 0 : i32
    %c0_i32_1 = arith.constant 0 : i32
    return %c0_i32, %c0_i32_0 : i32, i32
  }
  func.func @transform_19(%arg0: i32) -> (i32, i32) {
    %c0_i32 = arith.constant 0 : i32
    %c0_i32_0 = arith.constant 0 : i32
    %c0_i32_1 = arith.constant 0 : i32
    return %c0_i32, %c0_i32_0 : i32, i32
  }
  func.func @transform_20(%arg0: i32) -> (i32, i32) {
    %c0_i32 = arith.constant 0 : i32
    %c0_i32_0 = arith.constant 0 : i32
    %c0_i32_1 = arith.constant 0 : i32
    return %c0_i32, %c0_i32_0 : i32, i32
  }
  func.func @transform_21(%arg0: i32) -> (i32, i32) {
    %c0_i32 = arith.constant 0 : i32
    %c0_i32_0 = arith.constant 0 : i32
    %c0_i32_1 = arith.constant 0 : i32
    return %c0_i32, %c0_i32_0 : i32, i32
  }
  func.func @transform_22(%arg0: i32) -> (i32, i32) {
    %c0_i32 = arith.constant 0 : i32
    %c0_i32_0 = arith.constant 0 : i32
    %c0_i32_1 = arith.constant 0 : i32
    return %c0_i32, %c0_i32_0 : i32, i32
  }
  func.func @transform_23(%arg0: i32) -> (i32, i32) {
    %c0_i32 = arith.constant 0 : i32
    %c0_i32_0 = arith.constant 0 : i32
    %c0_i32_1 = arith.constant 0 : i32
    return %c0_i32, %c0_i32_0 : i32, i32
  }
  func.func @transform_24(%arg0: i32) -> (i32, i32) {
    %c0_i32 = arith.constant 0 : i32
    %c0_i32_0 = arith.constant 0 : i32
    %c0_i32_1 = arith.constant 0 : i32
    return %c0_i32, %c0_i32_0 : i32, i32
  }
  func.func @transform_25(%arg0: i32) -> (i32, i32) {
    %c0_i32 = arith.constant 0 : i32
    %c0_i32_0 = arith.constant 0 : i32
    %c0_i32_1 = arith.constant 0 : i32
    return %c0_i32, %c0_i32_0 : i32, i32
  }
  func.func @transform_26(%arg0: i32) -> (i32, i32) {
    %c0_i32 = arith.constant 0 : i32
    %c0_i32_0 = arith.constant 0 : i32
    %c0_i32_1 = arith.constant 0 : i32
    return %c0_i32, %c0_i32_0 : i32, i32
  }
  func.func @transform_27(%arg0: i32) -> (i32, i32) {
    %c0_i32 = arith.constant 0 : i32
    %c0_i32_0 = arith.constant 0 : i32
    %c0_i32_1 = arith.constant 0 : i32
    return %c0_i32, %c0_i32_0 : i32, i32
  }
  func.func @transform_28(%arg0: i32) -> (i32, i32) {
    %c0_i32 = arith.constant 0 : i32
    %c0_i32_0 = arith.constant 0 : i32
    %c0_i32_1 = arith.constant 0 : i32
    return %c0_i32, %c0_i32_0 : i32, i32
  }
  func.func @transform_29(%arg0: i32) -> (i32, i32) {
    %c0_i32 = arith.constant 0 : i32
    %c0_i32_0 = arith.constant 0 : i32
    %c0_i32_1 = arith.constant 0 : i32
    return %c0_i32, %c0_i32_0 : i32, i32
  }
  func.func @transform_30(%arg0: i32) -> (i32, i32) {
    %c0_i32 = arith.constant 0 : i32
    %c0_i32_0 = arith.constant 0 : i32
    %c0_i32_1 = arith.constant 0 : i32
    return %c0_i32, %c0_i32_0 : i32, i32
  }
  func.func @transform_31(%arg0: i32) -> (i32, i32) {
    %c0_i32 = arith.constant 0 : i32
    %c0_i32_0 = arith.constant 0 : i32
    %c0_i32_1 = arith.constant 0 : i32
    return %c0_i32, %c0_i32_0 : i32, i32
  }
  func.func @transform_32(%arg0: i32) -> (i32, i32) {
    %c0_i32 = arith.constant 0 : i32
    %c0_i32_0 = arith.constant 0 : i32
    %c0_i32_1 = arith.constant 0 : i32
    return %c0_i32, %c0_i32_0 : i32, i32
  }
  func.func @transform_33(%arg0: i32) -> (i32, i32) {
    %c0_i32 = arith.constant 0 : i32
    %c0_i32_0 = arith.constant 0 : i32
    %c0_i32_1 = arith.constant 0 : i32
    return %c0_i32, %c0_i32_0 : i32, i32
  }
  func.func @transform_34(%arg0: i32) -> (i32, i32) {
    %c0_i32 = arith.constant 0 : i32
    %c0_i32_0 = arith.constant 0 : i32
    %c0_i32_1 = arith.constant 0 : i32
    return %c0_i32, %c0_i32_0 : i32, i32
  }
  func.func @transform_35(%arg0: i32) -> (i32, i32) {
    %c0_i32 = arith.constant 0 : i32
    %c0_i32_0 = arith.constant 0 : i32
    %c0_i32_1 = arith.constant 0 : i32
    return %c0_i32, %c0_i32_0 : i32, i32
  }
  func.func @transform_36(%arg0: i32) -> (i32, i32) {
    %c0_i32 = arith.constant 0 : i32
    %c0_i32_0 = arith.constant 0 : i32
    %c0_i32_1 = arith.constant 0 : i32
    return %c0_i32, %c0_i32_0 : i32, i32
  }
  func.func @transform_37(%arg0: i32) -> (i32, i32) {
    %c0_i32 = arith.constant 0 : i32
    %c0_i32_0 = arith.constant 0 : i32
    %c0_i32_1 = arith.constant 0 : i32
    return %c0_i32, %c0_i32_0 : i32, i32
  }
  func.func @transform_38(%arg0: i32) -> (i32, i32) {
    %c0_i32 = arith.constant 0 : i32
    %c0_i32_0 = arith.constant 0 : i32
    %c0_i32_1 = arith.constant 0 : i32
    return %c0_i32, %c0_i32_0 : i32, i32
  }
  func.func @transform_39(%arg0: i32) -> (i32, i32) {
    %c0_i32 = arith.constant 0 : i32
    %c0_i32_0 = arith.constant 0 : i32
    return %arg0, %c0_i32 : i32, i32
  }
}

</mosaic_0001>

<sc_bundles>
// kernel: gather_offload_async_start.1
scs
__scs_entry_jumppad:
0x0: {  	(pc) =	sbr.rel $0x88, $3  }
0x1: {  	(tag) =	ssettag $0x0;
	lr =	simm.s32 $0x1  }
0x2: {  	[smem:$0x3F80] =	sst lr;
	_ =	strace $0xD0000000  }
0x3: {  	_ = 	snop  }
0x4: {  	_ = 	snop  }
0x5: {  	_ = 	snop  }
0x6: {  	_ = 	snop  }
0x7: {  	_ = 	snop  }
__scs_overlays_trampoline_lowered:
0x8: {  	[smem:$0x3F8F] =	sst s0  }
0x9: {  	[smem:$0x3F90] =	sst s1  }
0xa: {  	[smem:$0x3F91] =	sst s2  }
0xb: {  	[smem:$0x3F92] =	sst s3  }
0xc: {  	[smem:$0x3F93] =	sst s4  }
0xd: {  	[smem:$0x3F94] =	sst s5  }
0xe: {  	[smem:$0x3F95] =	sst s6  }
0xf: {  	[smem:$0x3F96] =	sst s7  }
0x10: {  	[smem:$0x3F97] =	sst s8  }
0x11: {  	[smem:$0x3F98] =	sst s9;
	s0 =	simm.s32 @!p0 $0x0  }
0x12: {  	s1 =	sld [smem:$0x3F7E];
	s0 =	simm.s32 @p0 $0x1  }
0x13: {  	[smem:$0x3F99] =	sst s0;
	s0 =	simm.s32 @!p1 $0x0  }
0x14: {  	s2 =	sld [smem:$0x3F7D];
	s0 =	simm.s32 @p1 $0x1  }
0x15: {  	[smem:$0x3F9A] =	sst s0;
	s0 =	simm.s32 @!p2 $0x0  }
0x16: {  	s3 =	sld [smem:$0x3FDB];
	s0 =	simm.s32 @p2 $0x1  }
0x17: {  	s4 =	simm.s32 $0x1BF5;
	[smem:$0x3F9C] =	sst s0  }
0x18: {  	s0 =	sld [smem:$0x3F7F];
	_ =	swait.ge [sflag:s4], $0x0  }
0x19: {  	s7 =	sld [smem:$0x3F80]  }
0x1a: {  	s8 =	sadd.s32 $0xFFFFE003, lr  }
0x1b: {  	s9 =	sadd.s32 $0xFFFFFEF7, lr;
	s5 =	simm.s32 $0xFFFFFFFF;
	p2 =	slt.u32 s8, $0xFFFFF086  }
0x1c: {  	p1 =	slt.u32 s9, $0xF7A;
	s5 =	simm.s32 @!p2 $0x0  }
0x1d: {  	s5 =	simm.s32 @p1 $0x1;
	p0 =	seq.s32 s7, s2  }
0x1e: {  	s7 =	smul.u32 @!p0 $0xF7A, s2;
	p2 =	seq.s32 @!p0 s5, $0x0  }
0x1f: {  	s9 =	smul.u32 $0xF7A, s1;
	s8 =	simm.s32 @!p0 $0x1BF5;
	p2 =	por !p2, p0  }
0x20: {  	[sflag:s8] =	ssyncset.s32 @!p0 $0xFFFFF086;
	s6 =	sadd.s32 @!p0 s3, s7;
	s7 =	simm.s32 @!p0 $0x108  }
0x21: {  	s3 =	sadd.s32 s3, s9;
	s6 =	sadd.s32 @!p0 $0x88, s6;
	s7 =	simm.s32 @p2 $0x1082  }
0x22: {  	[simem:s7], [sflag:s8] =	dma.local @!p0 [hbm:s6], $0xF7A  }
0x23: {  	s9 =	sor.u32 $0xD0000000, s2;
	s6 =	simm.s32 $0x108;
	_ =	swait.ge @!p0 [sflag:s8], $0x0  }
0x24: {  	s3 =	sadd.s32 $0x88, s3;
	s6 =	simm.s32 @!p1 $0x1082;
	[sflag:s4] =	ssyncset.s32 $0xFFFFF086  }
0x25: {  	[simem:s6], [sflag:s4] =	dma.local [hbm:s3], $0xF7A  }
0x26: {  	[smem:$0x3F80] =	sst s1;
	(tag) =	ssettag s2;
	_ =	strace s9  }
0x27: {  	s1 =	sld [smem:$0x3F90]  }
0x28: {  	s2 =	sld [smem:$0x3F91]  }
0x29: {  	s4 =	sld [smem:$0x3F93]  }
0x2a: {  	p0 =	seq.s32 s5, $0x0;
	s5 =	sld [smem:$0x3F94]  }
0x2b: {  	s6 =	sld [smem:$0x3F95]  }
0x2c: {  	s7 =	sld [smem:$0x3F96]  }
0x2d: {  	s3 =	simm.s32 $0x108;
	s8 =	sld [smem:$0x3F97]  }
0x2e: {  	s3 =	simm.s32 @!p0 $0x1082;
	s9 =	sld [smem:$0x3F98]  }
0x2f: {  	lr =	sadd.s32 s0, s3;
	s0 =	sld [smem:$0x3F8F]  }
0x30: {  	s3 =	sld [smem:$0x3F92]  }
0x31: {  	[smem:$0x3F9B] =	sst s10  }
0x32: {  	s10 =	sld [smem:$0x3F99];
	_ =	sdelay $0x3  }
0x33: {  	p0 =	seq.s32 s10, $0x1;
	s10 =	sld [smem:$0x3F9B];
	_ =	sdelay $0x3  }
0x34: {  	[smem:$0x3F9B] =	sst s10  }
0x35: {  	s10 =	sld [smem:$0x3F9A];
	_ =	sdelay $0x3  }
0x36: {  	p1 =	seq.s32 s10, $0x1;
	s10 =	sld [smem:$0x3F9B];
	_ =	sdelay $0x3  }
0x37: {  	[smem:$0x3F9B] =	sst s10  }
0x38: {  	s10 =	sld [smem:$0x3F9C]  }
0x39: {  	_ = 	snop;
	(pc) =	sbr.ind lr, $3  }
0x3a: {  	_ = 	snop  }
0x3b: {  	_ = 	snop  }
0x3c: {  	p2 =	seq.s32 s10, $0x1;
	s10 =	sld [smem:$0x3F9B]  }
0x3d: {  	_ =	shalt  }
0x3e: {  	_ =	shalt  }
0x3f: {  	_ =	shalt  }
0x40: {  	_ =	shalt  }
0x41: {  	_ =	shalt  }
0x42: {  	_ =	shalt  }
0x43: {  	_ =	shalt  }
0x44: {  	_ =	shalt  }
0x45: {  	_ =	shalt  }
0x46: {  	_ =	shalt  }
0x47: {  	_ =	shalt  }
0x48: {  	_ =	shalt  }
0x49: {  	_ =	shalt  }
0x4a: {  	_ =	shalt  }
0x4b: {  	_ =	shalt  }
0x4c: {  	_ =	shalt  }
0x4d: {  	_ =	shalt  }
0x4e: {  	_ =	shalt  }
0x4f: {  	_ =	shalt  }
0x50: {  	_ =	shalt  }
0x51: {  	_ =	shalt  }
0x52: {  	_ =	shalt  }
0x53: {  	_ =	shalt  }
0x54: {  	_ =	shalt  }
0x55: {  	_ =	shalt  }
0x56: {  	_ =	shalt  }
0x57: {  	_ =	shalt  }
0x58: {  	_ =	shalt  }
0x59: {  	_ =	shalt  }
0x5a: {  	_ =	shalt  }
0x5b: {  	_ =	shalt  }
0x5c: {  	_ =	shalt  }
0x5d: {  	_ =	shalt  }
0x5e: {  	_ =	shalt  }
0x5f: {  	_ =	shalt  }
0x60: {  	_ =	shalt  }
0x61: {  	_ =	shalt  }
0x62: {  	_ =	shalt  }
0x63: {  	_ =	shalt  }
0x64: {  	_ =	shalt  }
0x65: {  	_ =	shalt  }
0x66: {  	_ =	shalt  }
0x67: {  	_ =	shalt  }
0x68: {  	_ =	shalt  }
0x69: {  	_ =	shalt  }
0x6a: {  	_ =	shalt  }
0x6b: {  	_ =	shalt  }
0x6c: {  	_ =	shalt  }
0x6d: {  	_ =	shalt  }
0x6e: {  	_ =	shalt  }
0x6f: {  	_ =	shalt  }
0x70: {  	_ =	shalt  }
0x71: {  	_ =	shalt  }
0x72: {  	_ =	shalt  }
0x73: {  	_ =	shalt  }
0x74: {  	_ =	shalt  }
0x75: {  	_ =	shalt  }
0x76: {  	_ =	shalt  }
0x77: {  	_ =	shalt  }
0x78: {  	_ =	shalt  }
0x79: {  	_ =	shalt  }
0x7a: {  	_ =	shalt  }
0x7b: {  	_ =	shalt  }
0x7c: {  	_ =	shalt  }
0x7d: {  	_ =	shalt  }
0x7e: {  	_ =	shalt  }
0x7f: {  	_ =	shalt  }
0x80: {  	_ =	shalt  }
0x81: {  	_ =	shalt  }
0x82: {  	_ =	shalt  }
0x83: {  	_ =	shalt  }
0x84: {  	_ =	shalt  }
0x85: {  	_ =	shalt  }
0x86: {  	_ =	shalt  }
0x87: {  	_ =	shalt  }
.Lfunc_end0:
.L_simem_size_0:
called_computation.1_lowered:
.L_overlay_start_0:
0x88: {  	s2 =	sld [smem:$0x3FD9]  }
0x89: {  	s3 =	sld [smem:$0x3FFE];
	_ =	sdelay $0x1  }
0x8a: {  	s1 =	srdreg.scid  }
0x8b: {  	s0 =	sand.u32 $0x1, s1  }
0x8c: {  	s16 =	sshll.u32 s0, $0xA;
	s2 =	sadd.s32 s3, s2  }
0x8d: {  	s2 =	sadd.s32 s2, s16  }
0x8e: {  	[smem:$0x3FA7] =	sst s2  }
0x8f: {  	_ = 	snop  }
0x90: {  	(tm) =	ssettm $0x1  }
0x91: {  	s17 =	sld [smem:$0x3FFB];
	_ =	sdelay $0x3  }
0x92: {  	_ =	strace s17  }
0x93: {  	s2 =	sld [smem:$0x3FFC];
	_ =	sdelay $0x3  }
0x94: {  	_ =	strace s2  }
0x95: {  	s2 =	sld [smem:$0x3FFD];
	_ =	sdelay $0x3  }
0x96: {  	_ =	strace s2  }
0x97: {  	_ =	strace $0x8FFFFFFF  }
0x98: {  	s18 =	sld [smem:$0x3FDB];
	_ =	sdelay $0x1  }
0x99: {  	s19 =	simm.s32 $_scs_section_size  }
0x9a: {  	s4 =	simm.s32 $_size__tile_overlayer_lowered;
	s5 =	simm.s32 $_tile_overlayer_lowered  }
0x9b: {  	s22 =	simm.s32 $0x1BFF;
	s21 =	sshll.u32 s5, $0x1;
	s2 =	sadd.s32 s19, s18  }
0x9c: {  	s6 =	simm.s32 $0x0;
	s20 =	sshll.u32 s4, $0x1;
	s4 =	sadd.s32 s21, s2  }
0x9d: {  	[timem:s6], [sflag:s22] =	dma.local [hbm:s4], s20  }
0x9e: {  	_ =	swait.ge [sflag:s22], s20  }
0x9f: {  	s3 =	ssub.s32 $0x0, s20;
	[sflag:s22] =	ssyncset.done $0x0  }
0xa0: {  	[sflag:s22] =	ssyncadd.s32 s3;
	_ =	sdelay $0x1  }
0xa1: {  	s23 =	simm.s32 $0x1B8B  }
0xa2: {  	_ =	swait.ge [sflag:s23], $0x1  }
0xa3: {  	[sflag:s23] =	ssyncset.done $0x0  }
0xa4: {  	s25 =	simm.s32 $0x1B8E;
	s24 =	sld [smem:$0x3FFE];
	[sflag:s23] =	ssyncadd.s32 $0xFFFFFFFF  }
0xa5: {  	s26 =	simm.s32 $execute0_lowered;
	[smem:$0x3FD2] =	sst s25  }
0xa6: {  	s4 =	sshll.u32 s26, $0x1;
	_ =	strace $0x8000004C;
	[dreg:$0x1] =	wrdreg $0xFFFFFFFF  }
0xa7: {  	s28 =	simm.s32 $_size_execute0_lowered;
	s2 =	sadd.s32 s2, s4;
	[dreg:$0x0] =	wrdreg $0x0  }
0xa8: {  	s4 =	sshll.u32 s28, $0x1;
	[dreg:$0x2] =	wrdreg s2  }
0xa9: {  	[dreg:$0x3] =	wrdreg s4  }
0xaa: {  	[dreg:$0x4] =	wrdreg $0xC0  }
0xab: {  	_ =	task [dreg:s6], $0x5FFFF  }
0xac: {  	[dreg:$0x1] =	wrdreg $0xFFFFFFFF  }
0xad: {  	[dreg:$0x0] =	wrdreg $0x60  }
0xae: {  	[dreg:$0x2] =	wrdreg s24  }
0xaf: {  	[dreg:$0x3] =	wrdreg $0xA  }
0xb0: {  	_ =	task.clear_ibuf [dreg:s6], $0x4FFFF;
	_ =	strace $0x9000004C  }
0xb1: {  	s29 =	simm.s32 $0xA;
	_ =	strace $0x8000004E  }
0xb2: {  	_ =	swait.ge [sflag:s29], $0x1  }
0xb3: {  	[sflag:s29] =	ssyncadd.s32 $0xFFFFFFFF  }
0xb4: {  	_ =	strace $0x9000004E  }
0xb5: {  	_ =	sfence  }
0xb6: {  	s30 =	sld [smem:$0x0];
	_ =	sdelay $0x2  }
0xb7: {  	s31 =	sshll.u32 s1, $0xD;
	s1 =	sshrl.u32 s1, $0x2  }
0xb8: {  	s3 =	sand.u32 $0x4000, s31;
	s1 =	sadd.s32 s1, s30  }
0xb9: {  	s0 =	sor.u32 s3, s0;
	s1 =	sshll.u32 s1, $0x11  }
0xba: {  	s0 =	sor.u32 s1, s0  }
0xbb: {  	s0 =	sadd.s32 $0x8F2B, s0  }
0xbc: {  	[sflag:s0] =	ssyncadd.remote.s32 $0x1  }
0xbd: {  	_ =	sfence.sel $0xFFFF  }
0xbe: {  	[dreg:$0x0] =	wrdreg $0xFFFFFFFF;
	(pc) =	sbr.abs _section_cstart, $3  }
0xbf: {  	[dreg:$0x1] =	wrdreg $0xFFFFFFFF  }
0xc0: {  	_ =	task.clear_ibuf [dreg:s6], $0x2FFFF;
	_ =	strace $0x9FFFFFFF  }
0xc1: {  	(tm) =	ssettm $0x7FFFFFFF  }
tec
execute0_lowered:
.L_overlay_start_1:
0x0: {  	(tag) =	ssettag $0x1  }
0x1: {  	s8 =	rddreg [dreg:$0x0]  }
0x2: {  	s0 =	rddreg [dreg:$0x1];
	_ =	strace $0x8000004D;
	s1 =	stileid.u32  }
0x3: {  	s3 =	srdreg.scid;
	s4 =	simm.s32 $0x1;
	s7 =	simm.s32 $0x1  }
0x4: {  	s9 =	simm.s32 $0x1;
	s10 =	simm.s32 $0x3;
	s13 =	simm.s32 $0x0  }
0x5: {  	s12 =	simm.s32 $0x0;
	s5 =	sand.u32 $0x1, s3;
	s6 =	sshll.u32 s1, $0x1  }
0x6: {  	s2 =	sadd.s32 $0xB200, s8;
	s3 =	sadd.s32 $0x4E00, s8;
	s5 =	sor.u32 s6, s5  }
.Ltmp0:
0x7: {  	[sflag:s4] =	ssyncpa.u1 $0x0;
	p0 =	slt.u32 s5, $0x19;
	(pc) =	sbr.rel .LBB2_1-.Ltmp0, $4  }
0x8: {  	s6 =	simm.s32 $0x2;
	s7 =	simm.s32 @!p0 $0x0;
	p0 =	sne.s32 s5, $0x18  }
0x9: {  	[sflag:s6] =	ssyncpa.u1 $0x0;
	s5 =	smul.u32 $0x700, s5;
	s9 =	simm.s32 @!p0 $0x0  }
0xa: {  	s8 =	sadd.s32 $0x31800, s8;
	[sflag:s10] =	ssyncpa.u1 $0x0;
	s7 =	sadd.s32 s9, s7  }
0xb: {  	vm0 =	vmmov $0xffff;
	s10 =	simm.s32 $0x0;
	s11 =	smov.u32 s5;
	s9 =	sadd.s32 $0x1, s7  }
.LBB2_4:
0xc: {  	vm2 =	veq.s32 v2, $0x80000000;
	v4 =	vand.u32 $0x1, v4;
	v5 =	vor.u32 v6, v5  }
0xd: {  	v1 =	vand.u32 $0x1FFFF, v1;
	v7 =	vshrl.u32 v2, $0x11;
	v56 =	vand.u32 $0x1FFFF, v2  }
0xe: {  	v4 =	vsel vm1, $0xFFFFFFFF, v4;
	v3 =	vor.u32 v3, v5;
	v1 =	vsel vm1, $0xFFFFFFFF, v1  }
0xf: {  	vm1 =	vmmov vm2;
	v7 =	vand.u32 $0x1, v7;
	v54 =	vshrl.u32 v4, $0x1  }
0x10: {  	v4 =	vshll.u32 v4, $0x7;
	v55 =	vshll.u32 v1, $0x1;
	v57 =	vsel vm1, $0xFFFFFFFF, v7  }
0x11: {  	v2 =	vsel vm1, $0xFFFFFFFF, v56;
	v1 =	vand.u32 $0x7F, v1;
	v5 =	vmul.u32 $0x31000, v54  }
0x12: {  	v6 =	vand.u32 $0xFFFFFF00, v55;
	v4 =	vand.u32 $0x80, v4;
	v7 =	vshrl.u32 v57, $0x1  }
0x13: {  	v59 =	vshll.u32 v2, $0x1;
	v58 =	vmul.u32 $0x31000, v7;
	v5 =	vadd.s32 v6, v5  }
0x14: {  	v7 =	vand.u32 $0xFFFFFF00, v59;
	v6 =	vshll.u32 v57, $0x7;
	v4 =	vor.u32 v4, v5  }
0x15: {  	v60 =	vadd.s32 v7, v58;
	v61 =	vand.u32 $0x80, v6;
	v1 =	vor.u32 v1, v4  }
0x16: {  	[tilespmem:s16], [sflag:$0x1] =	stream.indirect_vreg.gather [hbm4b:s2+s10], $0x1, v0, vm0, $0x4038;
	v62 =	vand.u32 $0x7F, v2;
	v63 =	vor.u32 v61, v60;
	[tilespmem:$0x1C00] =	vst v63  }
0x17: {  	(ifvalue) =	ssetifvalue $0x7FFFFFFF;
	v0 =	vor.u32 v62, v63  }
0x18: {  	[tilespmem:s15], [sflag:$0x1] =	stream.indirect_vreg.gather [hbm4b:s2+s10], $0x1, v3, vm0, $0x4038;
	[tilespmem:$0x1C00] =	vst v63  }
0x19: {  	s29 =	sadd.s32 $0x10, s15;
	(ifvalue) =	ssetifvalue $0x7FFFFFFF  }
0x1a: {  	[tilespmem:s29], [sflag:$0x1] =	stream.indirect_vreg.gather [hbm4b:s2+s10], $0x1, v1, vm0, $0x4038;
	[tilespmem:$0x1C00] =	vst v63  }
0x1b: {  	s15 =	sadd.s32 $0x10, s29;
	(ifvalue) =	ssetifvalue $0x7FFFFFFF  }
0x1c: {  	[tilespmem:s15], [sflag:$0x1] =	stream.indirect_vreg.gather [hbm4b:s2+s10], $0x1, v0, vm0, $0x4038;
	[tilespmem:$0x1C00] =	vst v63  }
0x1d: {  	_ =	swait.ge [sflag:s4], $0x700  }
0x1e: {  	s30 =	sshrl.u32 s13, $0x3;
	[sflag:s4] =	ssyncset.done $0x0  }
0x1f: {  	s31 =	sand.u32 $0x7, s13;
	s15 =	sadd.s32 s8, s30;
	[sflag:s4] =	ssyncadd.s32 $0xFFFFF900  }
0x20: {  	[hbm4b:s15+s31] =	stream.linear.scatter [tilespmem:s14], [sflag:$0x3], $0x700, $0x38;
	[tilespmem:$0x1C00] =	vst v63  }
.LBB2_5:
0x21: {  	s15 =	sadd.s32 $0xE000, s11  }
0x22: {  	p1 =	sgt.s32 s15, $0x187FF  }
0x23: {  	s15 =	smov.u32 @p1 s5;
	p1 =	sne.s32 s12, s9  }
.Ltmp1:
0x24: {  	p0 =	slt.u32 s12, $0x2;
	(pc) =	sbr.rel @!p1 .LBB2_6-.Ltmp1, $4  }
0x25: {  	s14 =	simm.s32 @!p0 $0x3  }
0x26: {  	_ =	swait.ge @!p0 [sflag:s14], $0x700  }
0x27: {  	s16 =	sadd.s32 $0x1, s12;
	s13 =	smov.u32 s11;
	[sflag:s14] =	ssyncset.done @!p0 $0x0  }
0x28: {  	s12 =	smov.u32 s16;
	s11 =	smov.u32 s15;
	[sflag:s14] =	ssyncadd.s32 @!p0 $0xFFFFF900  }
.LBB2_1:
0x29: {  	p0 =	sge.u32 s12, s7  }
0x2a: {  	s14 =	sxor.u32 @!p0 $0x1, s12  }
0x2b: {  	s14 =	smul.u32 @!p0 $0x1C00, s14  }
0x2c: {  	s31 =	sadd.s32 $0xFFFFFFFF, s12;
	s15 =	sshrl.u32 @!p0 s11, $0x3  }
0x2d: {  	s16 =	sand.u32 @!p0 $0x7, s11;
	s15 =	sadd.s32 @!p0 s3, s15;
	s14 =	sshra.s32 @!p0 s14, $0x2  }
0x2e: {  	[tilespmem:s14], [sflag:$0x2] =	stream.linear.gather @!p0 [hbm4b:s15+s16], $0x700, $0x38;
	[tilespmem:$0x1C00] =	vst v63  }
0x2f: {  	p0 =	sge.u32 s31, s7  }
.Ltmp2:
0x30: {  	_ = 	snop;
	(pc) =	sbr.rel @p0 .LBB2_5-.Ltmp2, $1  }
0x31: {  	_ =	sdelay $0x3  }
0x32: {  	s14 =	sand.u32 $0x1, s12  }
0x33: {  	_ =	swait.ge [sflag:s6], $0x700;
	p0 =	seq.s32 s14, $0x1;
	s14 =	simm.s32 $0x700  }
0x34: {  	[sflag:s6] =	ssyncset.done $0x0;
	s14 =	simm.s32 @!p0 $0x0  }
0x35: {  	[sflag:s6] =	ssyncadd.s32 $0xFFFFF900;
	(ifvalue) =	ssetifvalue $0x7FFFFFFF;
	v0 =	vld.msk [tilespmem:s14+$0x0 ss:$0x1], $0xffff;
	_ =	sdelay $0x2  }
0x36: {  	s15 =	sadd.s32 $0x10, s14  }
0x37: {  	v2 =	vld.msk [tilespmem:s15+$0x0 ss:$0x1], $0xffff  }
0x38: {  	vm1 =	veq.s32 v0, $0x80000000;
	v1 =	vshrl.u32 v0, $0x11  }
0x39: {  	vm1 =	vmmov vm1;
	v3 =	vand.u32 $0x1, v1  }
0x3a: {  	v0 =	vand.u32 $0x1FFFF, v0;
	v3 =	vsel vm1, $0xFFFFFFFF, v3  }
0x3b: {  	s15 =	sadd.s32 $0x10, s15;
	v0 =	vsel vm1, $0xFFFFFFFF, v0;
	v4 =	vshrl.u32 v3, $0x1  }
0x3c: {  	v1 =	vld.msk [tilespmem:s15+$0x0 ss:$0x1], $0xffff;
	v6 =	vshrl.u32 v2, $0x11;
	v5 =	vshll.u32 v0, $0x1;
	v4 =	vmul.u32 $0x31000, v4  }
0x3d: {  	vm1 =	veq.s32 v2, $0x80000000;
	v3 =	vshll.u32 v3, $0x7;
	v5 =	vand.u32 $0xFFFFFF00, v5  }
0x3e: {  	v0 =	vand.u32 $0x7F, v0;
	v3 =	vand.u32 $0x80, v3;
	v4 =	vadd.s32 v5, v4  }
0x3f: {  	vm1 =	vmmov vm1;
	v5 =	vand.u32 $0x1, v6;
	v3 =	vor.u32 v3, v4  }
0x40: {  	v2 =	vand.u32 $0x1FFFF, v2;
	v4 =	vsel vm1, $0xFFFFFFFF, v5;
	v0 =	vor.u32 v0, v3  }
0x41: {  	s15 =	sadd.s32 $0x10, s15;
	vm2 =	veq.s32 v1, $0x80000000;
	v3 =	vsel vm1, $0xFFFFFFFF, v2;
	v2 =	vshrl.u32 v4, $0x1  }
0x42: {  	s14 =	sadd.s32 $0xE00, s14;
	v6 =	vshll.u32 v4, $0x7;
	v5 =	vmul.u32 $0x31000, v2;
	v4 =	vshll.u32 v3, $0x1;
	v2 =	vld.msk [tilespmem:s15+$0x0 ss:$0x1], $0xffff  }
0x43: {  	s17 =	simm.s32 $0x30;
	s16 =	smov.u32 s14;
	vm1 =	vmmov vm2;
	v3 =	vand.u32 $0x7F, v3;
	v7 =	vand.u32 $0xFFFFFF00, v4  }
0x44: {  	s18 =	sadd.s32 $0x10, s15;
	v6 =	vand.u32 $0x80, v6;
	(ifvalue) =	ssetifvalue $0x7FFFFFFF;
	s15 =	sadd.s32 $0x10, s14;
	v4 =	vshrl.u32 v1, $0x11;
	v5 =	vadd.s32 v7, v5  }
.LBB2_3:
0x45: {  	[tilespmem:s16], [sflag:$0x1] =	stream.indirect_vreg.gather [hbm4b:s2+s10], $0x1, v0, vm0, $0x4038;
	[tilespmem:$0x1C00] =	vst v63  }
0x46: {  	s17 =	sadd.s32 $0x10, s17  }
0x47: {  	vm2 =	veq.s32 v2, $0x80000000;
	v4 =	vand.u32 $0x1, v4;
	v5 =	vor.u32 v6, v5;
	v6 =	vmovc v2;
	v2 =	vld.msk [tilespmem:s18+$0x0 ss:$0x1], $0xffff;
	p0 =	slt.u32 s17, $0x6F0  }
.Ltmp3:
0x48: {  	v7 =	vand.u32 $0x1FFFF, v1;
	s16 =	smov.u32 s15;
	v4 =	vsel vm1, $0xFFFFFFFF, v4;
	v0 =	vor.u32 v3, v5;
	v1 =	vmovc v6;
	(pc) =	sbr.rel @p0 .LBB2_3-.Ltmp3, $4  }
0x49: {  	v5 =	vsel vm1, $0xFFFFFFFF, v7;
	v6 =	vshrl.u32 v4, $0x1;
	v7 =	vshll.u32 v4, $0x7  }
0x4a: {  	v3 =	vand.u32 $0x7F, v5;
	v4 =	vshll.u32 v5, $0x1;
	v6 =	vmul.u32 $0x31000, v6  }
0x4b: {  	vm1 =	vmmov vm2;
	v5 =	vand.u32 $0xFFFFFF00, v4  }
0x4c: {  	s18 =	sadd.s32 $0x10, s18;
	s15 =	sadd.s32 $0x10, s15;
	v4 =	vshrl.u32 v1, $0x11;
	v5 =	vadd.s32 v5, v6;
	v6 =	vand.u32 $0x80, v7;
	(ifvalue) =	ssetifvalue $0x7FFFFFFF  }
.Ltmp4:
0x4d: {  	_ = 	snop;
	(pc) =	sbr.rel .LBB2_4-.Ltmp4, $1  }
0x4e: {  	_ =	sdelay $0x3  }
.LBB2_6:
0x4f: {  	_ =	sfence.sel $0x180000  }
0x50: {  	s2 =	simm.s32 $0x2;
	[bflag:$0x0] =	sbarrier.arrive $0xFFFF  }
0x51: {  	s30 =	simm.s32 $0x3;
	[sflag:s2] =	ssyncpa.u1 $0x1  }
0x52: {  	s31 =	simm.s32 $0x1;
	[sflag:s30] =	ssyncpa.u1 $0x1  }
0x53: {  	[sflag:s31] =	ssyncpa.u1 $0x1  }
0x54: {  	p0 =	sne.s32 s1, $0x0;
	_ =	strace $0x9000004D  }
0x55: {  	s0 =	sadd.s32 @!p0 $0x100000, s0;
	[bflag:$0x2] =	sbarrier.arrive $0xFFFF  }
0x56: {  	[sflag:s0] =	ssyncadd.tile.s32 @!p0 $0x1;
	_ =	shalt  }
.Lfunc_end2:
_tile_overlayer_lowered:
.L_overlay_start_2:
0x57: {  	(tag) =	ssettag $0x2  }
0x58: {  	s0 =	rddreg [dreg:$0x0];
	s2 =	stileid.u32  }
0x59: {  	s1 =	rddreg [dreg:$0x1];
	p0 =	sne.s32 s2, $0x0  }
0x5a: {  	s3 =	rddreg [dreg:$0x2];
	[bflag:$0x3] =	sbarrier.arrive $0xFFFF;
	s2 =	simm.s32 @!p0 $0x1C01  }
0x5b: {  	[timem:s3], [sflag:s2] =	dma.local @!p0 [hbm:s0], s1  }
0x5c: {  	s0 =	simm.s32 @!p0 $0x1  }
0x5d: {  	_ =	swait.ge @!p0 [sflag:s0], s1  }
0x5e: {  	s1 =	ssub.s32 @!p0 $0x0, s1;
	[sflag:s0] =	ssyncset.done @!p0 $0x0  }
0x5f: {  	[sflag:s0] =	ssyncadd.s32 @!p0 s1  }
0x60: {  	[bflag:$0x3] =	sbarrier.arrive $0xFFFF  }
0x61: {  	_ =	shalt  }

// kernel: gather_offload_async_start.2
scs
__scs_entry_jumppad:
0x0: {  	(pc) =	sbr.rel $0x88, $3  }
0x1: {  	(tag) =	ssettag $0x0;
	lr =	simm.s32 $0x1  }
0x2: {  	[smem:$0x3F80] =	sst lr;
	_ =	strace $0xD0000000  }
0x3: {  	_ = 	snop  }
0x4: {  	_ = 	snop  }
0x5: {  	_ = 	snop  }
0x6: {  	_ = 	snop  }
0x7: {  	_ = 	snop  }
__scs_overlays_trampoline_lowered:
0x8: {  	[smem:$0x3F8F] =	sst s0  }
0x9: {  	[smem:$0x3F90] =	sst s1  }
0xa: {  	[smem:$0x3F91] =	sst s2  }
0xb: {  	[smem:$0x3F92] =	sst s3  }
0xc: {  	[smem:$0x3F93] =	sst s4  }
0xd: {  	[smem:$0x3F94] =	sst s5  }
0xe: {  	[smem:$0x3F95] =	sst s6  }
0xf: {  	[smem:$0x3F96] =	sst s7  }
0x10: {  	[smem:$0x3F97] =	sst s8  }
0x11: {  	[smem:$0x3F98] =	sst s9;
	s0 =	simm.s32 @!p0 $0x0  }
0x12: {  	s1 =	sld [smem:$0x3F7E];
	s0 =	simm.s32 @p0 $0x1  }
0x13: {  	[smem:$0x3F99] =	sst s0;
	s0 =	simm.s32 @!p1 $0x0  }
0x14: {  	s2 =	sld [smem:$0x3F7D];
	s0 =	simm.s32 @p1 $0x1  }
0x15: {  	[smem:$0x3F9A] =	sst s0;
	s0 =	simm.s32 @!p2 $0x0  }
0x16: {  	s3 =	sld [smem:$0x3FDB];
	s0 =	simm.s32 @p2 $0x1  }
0x17: {  	s4 =	simm.s32 $0x1BF5;
	[smem:$0x3F9C] =	sst s0  }
0x18: {  	s0 =	sld [smem:$0x3F7F];
	_ =	swait.ge [sflag:s4], $0x0  }
0x19: {  	s7 =	sld [smem:$0x3F80]  }
0x1a: {  	s8 =	sadd.s32 $0xFFFFE003, lr  }
0x1b: {  	s9 =	sadd.s32 $0xFFFFFEF7, lr;
	s5 =	simm.s32 $0xFFFFFFFF;
	p2 =	slt.u32 s8, $0xFFFFF086  }
0x1c: {  	p1 =	slt.u32 s9, $0xF7A;
	s5 =	simm.s32 @!p2 $0x0  }
0x1d: {  	s5 =	simm.s32 @p1 $0x1;
	p0 =	seq.s32 s7, s2  }
0x1e: {  	s7 =	smul.u32 @!p0 $0xF7A, s2;
	p2 =	seq.s32 @!p0 s5, $0x0  }
0x1f: {  	s9 =	smul.u32 $0xF7A, s1;
	s8 =	simm.s32 @!p0 $0x1BF5;
	p2 =	por !p2, p0  }
0x20: {  	[sflag:s8] =	ssyncset.s32 @!p0 $0xFFFFF086;
	s6 =	sadd.s32 @!p0 s3, s7;
	s7 =	simm.s32 @!p0 $0x108  }
0x21: {  	s3 =	sadd.s32 s3, s9;
	s6 =	sadd.s32 @!p0 $0x88, s6;
	s7 =	simm.s32 @p2 $0x1082  }
0x22: {  	[simem:s7], [sflag:s8] =	dma.local @!p0 [hbm:s6], $0xF7A  }
0x23: {  	s9 =	sor.u32 $0xD0000000, s2;
	s6 =	simm.s32 $0x108;
	_ =	swait.ge @!p0 [sflag:s8], $0x0  }
0x24: {  	s3 =	sadd.s32 $0x88, s3;
	s6 =	simm.s32 @!p1 $0x1082;
	[sflag:s4] =	ssyncset.s32 $0xFFFFF086  }
0x25: {  	[simem:s6], [sflag:s4] =	dma.local [hbm:s3], $0xF7A  }
0x26: {  	[smem:$0x3F80] =	sst s1;
	(tag) =	ssettag s2;
	_ =	strace s9  }
0x27: {  	s1 =	sld [smem:$0x3F90]  }
0x28: {  	s2 =	sld [smem:$0x3F91]  }
0x29: {  	s4 =	sld [smem:$0x3F93]  }
0x2a: {  	p0 =	seq.s32 s5, $0x0;
	s5 =	sld [smem:$0x3F94]  }
0x2b: {  	s6 =	sld [smem:$0x3F95]  }
0x2c: {  	s7 =	sld [smem:$0x3F96]  }
0x2d: {  	s3 =	simm.s32 $0x108;
	s8 =	sld [smem:$0x3F97]  }
0x2e: {  	s3 =	simm.s32 @!p0 $0x1082;
	s9 =	sld [smem:$0x3F98]  }
0x2f: {  	lr =	sadd.s32 s0, s3;
	s0 =	sld [smem:$0x3F8F]  }
0x30: {  	s3 =	sld [smem:$0x3F92]  }
0x31: {  	[smem:$0x3F9B] =	sst s10  }
0x32: {  	s10 =	sld [smem:$0x3F99];
	_ =	sdelay $0x3  }
0x33: {  	p0 =	seq.s32 s10, $0x1;
	s10 =	sld [smem:$0x3F9B];
	_ =	sdelay $0x3  }
0x34: {  	[smem:$0x3F9B] =	sst s10  }
0x35: {  	s10 =	sld [smem:$0x3F9A];
	_ =	sdelay $0x3  }
0x36: {  	p1 =	seq.s32 s10, $0x1;
	s10 =	sld [smem:$0x3F9B];
	_ =	sdelay $0x3  }
0x37: {  	[smem:$0x3F9B] =	sst s10  }
0x38: {  	s10 =	sld [smem:$0x3F9C]  }
0x39: {  	_ = 	snop;
	(pc) =	sbr.ind lr, $3  }
0x3a: {  	_ = 	snop  }
0x3b: {  	_ = 	snop  }
0x3c: {  	p2 =	seq.s32 s10, $0x1;
	s10 =	sld [smem:$0x3F9B]  }
0x3d: {  	_ =	shalt  }
0x3e: {  	_ =	shalt  }
0x3f: {  	_ =	shalt  }
0x40: {  	_ =	shalt  }
0x41: {  	_ =	shalt  }
0x42: {  	_ =	shalt  }
0x43: {  	_ =	shalt  }
0x44: {  	_ =	shalt  }
0x45: {  	_ =	shalt  }
0x46: {  	_ =	shalt  }
0x47: {  	_ =	shalt  }
0x48: {  	_ =	shalt  }
0x49: {  	_ =	shalt  }
0x4a: {  	_ =	shalt  }
0x4b: {  	_ =	shalt  }
0x4c: {  	_ =	shalt  }
0x4d: {  	_ =	shalt  }
0x4e: {  	_ =	shalt  }
0x4f: {  	_ =	shalt  }
0x50: {  	_ =	shalt  }
0x51: {  	_ =	shalt  }
0x52: {  	_ =	shalt  }
0x53: {  	_ =	shalt  }
0x54: {  	_ =	shalt  }
0x55: {  	_ =	shalt  }
0x56: {  	_ =	shalt  }
0x57: {  	_ =	shalt  }
0x58: {  	_ =	shalt  }
0x59: {  	_ =	shalt  }
0x5a: {  	_ =	shalt  }
0x5b: {  	_ =	shalt  }
0x5c: {  	_ =	shalt  }
0x5d: {  	_ =	shalt  }
0x5e: {  	_ =	shalt  }
0x5f: {  	_ =	shalt  }
0x60: {  	_ =	shalt  }
0x61: {  	_ =	shalt  }
0x62: {  	_ =	shalt  }
0x63: {  	_ =	shalt  }
0x64: {  	_ =	shalt  }
0x65: {  	_ =	shalt  }
0x66: {  	_ =	shalt  }
0x67: {  	_ =	shalt  }
0x68: {  	_ =	shalt  }
0x69: {  	_ =	shalt  }
0x6a: {  	_ =	shalt  }
0x6b: {  	_ =	shalt  }
0x6c: {  	_ =	shalt  }
0x6d: {  	_ =	shalt  }
0x6e: {  	_ =	shalt  }
0x6f: {  	_ =	shalt  }
0x70: {  	_ =	shalt  }
0x71: {  	_ =	shalt  }
0x72: {  	_ =	shalt  }
0x73: {  	_ =	shalt  }
0x74: {  	_ =	shalt  }
0x75: {  	_ =	shalt  }
0x76: {  	_ =	shalt  }
0x77: {  	_ =	shalt  }
0x78: {  	_ =	shalt  }
0x79: {  	_ =	shalt  }
0x7a: {  	_ =	shalt  }
0x7b: {  	_ =	shalt  }
0x7c: {  	_ =	shalt  }
0x7d: {  	_ =	shalt  }
0x7e: {  	_ =	shalt  }
0x7f: {  	_ =	shalt  }
0x80: {  	_ =	shalt  }
0x81: {  	_ =	shalt  }
0x82: {  	_ =	shalt  }
0x83: {  	_ =	shalt  }
0x84: {  	_ =	shalt  }
0x85: {  	_ =	shalt  }
0x86: {  	_ =	shalt  }
0x87: {  	_ =	shalt  }
.Lfunc_end0:
.L_simem_size_0:
called_computation.2_lowered:
.L_overlay_start_0:
0x88: {  	s2 =	sld [smem:$0x3FD9]  }
0x89: {  	s3 =	sld [smem:$0x3FFE];
	_ =	sdelay $0x1  }
0x8a: {  	s1 =	srdreg.scid  }
0x8b: {  	s0 =	sand.u32 $0x1, s1  }
0x8c: {  	s14 =	sshll.u32 s0, $0xA;
	s2 =	sadd.s32 s3, s2  }
0x8d: {  	s2 =	sadd.s32 s2, s14  }
0x8e: {  	[smem:$0x3FA7] =	sst s2  }
0x8f: {  	_ = 	snop  }
0x90: {  	s2 =	sld [smem:$0x3FD0];
	_ =	sdelay $0x2  }
0x91: {  	s15 =	simm.s32 $0xB;
	s4 =	simm.s32 $0x10  }
0x92: {  	[smem:s4], [sflag:s15] =	dma.local [hbm:s2], $0x1  }
0x93: {  	_ =	swait.eq [sflag:s15], $0x1  }
0x94: {  	[sflag:s15] =	ssyncset.done $0x0  }
0x95: {  	[sflag:s15] =	ssyncadd.s32 $0xFFFFFFFF  }
0x96: {  	s16 =	sld [smem:$0x10];
	(tm) =	ssettm $0x1  }
0x97: {  	s17 =	sld [smem:$0x3FFB];
	_ =	sdelay $0x3  }
0x98: {  	_ =	strace s17  }
0x99: {  	s3 =	sld [smem:$0x3FFC];
	_ =	sdelay $0x3  }
0x9a: {  	_ =	strace s3  }
0x9b: {  	s3 =	sld [smem:$0x3FFD];
	_ =	sdelay $0x3  }
0x9c: {  	_ =	strace s3  }
0x9d: {  	_ =	strace $0x8FFFFFFF  }
0x9e: {  	s18 =	sld [smem:$0x3FDB];
	_ =	sdelay $0x1  }
0x9f: {  	s19 =	simm.s32 $_scs_section_size  }
0xa0: {  	s5 =	simm.s32 $_size__tile_overlayer_lowered;
	s6 =	simm.s32 $_tile_overlayer_lowered  }
0xa1: {  	s22 =	simm.s32 $0x1BFF;
	s21 =	sshll.u32 s6, $0x1;
	s3 =	sadd.s32 s19, s18  }
0xa2: {  	s7 =	simm.s32 $0x0;
	s20 =	sshll.u32 s5, $0x1;
	s5 =	sadd.s32 s21, s3  }
0xa3: {  	[timem:s7], [sflag:s22] =	dma.local [hbm:s5], s20  }
0xa4: {  	_ =	swait.ge [sflag:s22], s20  }
0xa5: {  	s4 =	ssub.s32 $0x0, s20;
	[sflag:s22] =	ssyncset.done $0x0  }
0xa6: {  	[sflag:s22] =	ssyncadd.s32 s4;
	_ =	sdelay $0x1  }
0xa7: {  	s23 =	simm.s32 $0x1B8B  }
0xa8: {  	_ =	swait.ge [sflag:s23], $0x1  }
0xa9: {  	[sflag:s23] =	ssyncset.done $0x0  }
0xaa: {  	s25 =	simm.s32 $0x1B8E;
	s24 =	sld [smem:$0x3FFE];
	[sflag:s23] =	ssyncadd.s32 $0xFFFFFFFF  }
0xab: {  	s26 =	simm.s32 $execute0_lowered;
	[smem:$0x3FD2] =	sst s25  }
0xac: {  	s5 =	sshll.u32 s26, $0x1;
	_ =	strace $0x80000046;
	[dreg:$0x1] =	wrdreg $0xFFFFFFFF  }
0xad: {  	s28 =	simm.s32 $_size_execute0_lowered;
	s3 =	sadd.s32 s3, s5;
	[dreg:$0x0] =	wrdreg $0x0  }
0xae: {  	s5 =	sshll.u32 s28, $0x1;
	[dreg:$0x2] =	wrdreg s3  }
0xaf: {  	[dreg:$0x3] =	wrdreg s5  }
0xb0: {  	[dreg:$0x4] =	wrdreg $0xC0  }
0xb1: {  	_ =	task [dreg:s7], $0x5FFFF  }
0xb2: {  	[dreg:$0x1] =	wrdreg $0xFFFFFFFF  }
0xb3: {  	[dreg:$0x0] =	wrdreg $0x60  }
0xb4: {  	[dreg:$0x2] =	wrdreg s16  }
0xb5: {  	[dreg:$0x3] =	wrdreg s24  }
0xb6: {  	[dreg:$0x4] =	wrdreg $0x9  }
0xb7: {  	_ =	task.clear_ibuf [dreg:s7], $0x5FFFF;
	_ =	strace $0x90000046  }
0xb8: {  	s29 =	simm.s32 $0x9;
	_ =	strace $0x80000048  }
0xb9: {  	_ =	swait.ge [sflag:s29], $0x1  }
0xba: {  	[sflag:s29] =	ssyncadd.s32 $0xFFFFFFFF  }
0xbb: {  	_ =	strace $0x90000048  }
0xbc: {  	_ =	sfence  }
0xbd: {  	s30 =	sld [smem:$0x0];
	_ =	sdelay $0x2  }
0xbe: {  	s31 =	sshll.u32 s1, $0xD;
	s1 =	sshrl.u32 s1, $0x2  }
0xbf: {  	s3 =	sand.u32 $0x4000, s31;
	s1 =	sadd.s32 s1, s30  }
0xc0: {  	s0 =	sor.u32 s3, s0;
	s1 =	sshll.u32 s1, $0x11  }
0xc1: {  	s0 =	sor.u32 s1, s0  }
0xc2: {  	s0 =	sadd.s32 $0x8F2B, s0  }
0xc3: {  	[sflag:s0] =	ssyncadd.remote.s32 $0x1  }
0xc4: {  	_ =	sfence.sel $0xFFFF  }
0xc5: {  	[dreg:$0x0] =	wrdreg $0xFFFFFFFF;
	(pc) =	sbr.abs _section_cstart, $3  }
0xc6: {  	[dreg:$0x1] =	wrdreg $0xFFFFFFFF  }
0xc7: {  	_ =	task.clear_ibuf [dreg:s7], $0x2FFFF;
	_ =	strace $0x9FFFFFFF  }
0xc8: {  	(tm) =	ssettm $0x7FFFFFFF  }
0xc9: {  	_ =	shalt  }
tec
execute0_lowered:
.L_overlay_start_1:
0x0: {  	(tag) =	ssettag $0x1  }
0x1: {  	s1 =	srdreg.scid;
	s2 =	rddreg [dreg:$0x0]  }
0x2: {  	s0 =	stileid.u32;
	s5 =	rddreg [dreg:$0x1];
	s6 =	simm.s32 $0x1  }
0x3: {  	s9 =	simm.s32 $0x1;
	s10 =	simm.s32 $0x3;
	s1 =	sshll.u32 s1, $0x6  }
0x4: {  	s13 =	simm.s32 $0x0;
	s3 =	sshll.u32 s0, $0x7;
	s4 =	sand.u32 $0x40, s1  }
0x5: {  	s12 =	simm.s32 $0x0;
	s1 =	rddreg [dreg:$0x2];
	s3 =	sor.u32 s3, s4  }
0x6: {  	_ =	strace $0x80000047;
	s4 =	sadd.s32 $0x4600, s5;
	s8 =	ssub.s32 $0x1000, s3  }
.Ltmp0:
0x7: {  	s5 =	sadd.s32 $0x11400, s5;
	s7 =	sand.u32 $0x7C0, s8;
	(pc) =	sbr.rel .LBB2_1-.Ltmp0, $4  }
0x8: {  	[sflag:s6] =	ssyncpa.u1 $0x0;
	s11 =	smov.u32 s3;
	p0 =	sne.s32 s7, $0x0  }
0x9: {  	s8 =	sshrl.u32 s8, $0xB;
	s7 =	simm.s32 $0x2;
	s9 =	simm.s32 @!p0 $0x0  }
0xa: {  	[sflag:s7] =	ssyncpa.u1 $0x0;
	p0 =	por $0x0, $0x0;
	s8 =	sadd.s32 s9, s8  }
0xb: {  	vm0 =	vmmov $0xffff;
	[sflag:s10] =	ssyncpa.u1 $0x0;
	s10 =	simm.s32 $0x0;
	s9 =	sadd.s32 $0x1, s8  }
.LBB2_4:
0xc: {  	v5 =	vshrl.u32 v1, $0xC;
	v6 =	vshll.u32 v1, $0x7  }
0xd: {  	vm1 =	veq.s32 v1, $0x80000000;
	v58 =	vand.u32 $0x1, v5;
	v59 =	vand.u32 $0x7FF80, v6  }
0xe: {  	v1 =	vsel vm1, $0xFFFFFFFF, v58;
	v5 =	vsel vm1, $0xFFFFFF80, v59  }
0xf: {  	v3 =	vor.u32 v4, v3;
	v60 =	vand.u32 $0xFFFFFC00, v5;
	v61 =	vand.u32 $0xFFFFFC00, v1  }
0x10: {  	v2 =	vor.u32 v2, v3;
	v63 =	vand.u32 $0x380, v5;
	v62 =	vadd.s32 v61, v60  }
0x11: {  	v1 =	vand.u32 $0x7F, v1;
	v3 =	vor.u32 v63, v62  }
0x12: {  	v1 =	vor.u32 v1, v3  }
0x13: {  	[tilespmem:s15], [sflag:$0x1] =	stream.indirect_vreg.gather [hbm4b:s2+s10], $0x1, v0, vm0, $0x4038;
	[tilespmem:$0x100] =	vst v63  }
0x14: {  	(ifvalue) =	ssetifvalue $0x7FFFFFFF  }
0x15: {  	[tilespmem:s16], [sflag:$0x1] =	stream.indirect_vreg.gather [hbm4b:s2+s10], $0x1, v2, vm0, $0x4038;
	[tilespmem:$0x100] =	vst v63  }
0x16: {  	s29 =	sadd.s32 $0x10, s16;
	(ifvalue) =	ssetifvalue $0x7FFFFFFF  }
0x17: {  	[tilespmem:s29], [sflag:$0x1] =	stream.indirect_vreg.gather [hbm4b:s2+s10], $0x1, v1, vm0, $0x4038;
	[tilespmem:$0x100] =	vst v63  }
0x18: {  	_ =	swait.ge [sflag:s6], $0x40  }
0x19: {  	s30 =	sshrl.u32 s13, $0x3;
	[sflag:s6] =	ssyncset.done $0x0  }
0x1a: {  	s31 =	sand.u32 $0x7, s13;
	s15 =	sadd.s32 s5, s30;
	[sflag:s6] =	ssyncadd.s32 $0xFFFFFFC0  }
0x1b: {  	[hbm4b:s15+s31] =	stream.linear.scatter [tilespmem:s14], [sflag:$0x3], $0x40, $0x38;
	[tilespmem:$0x100] =	vst v63  }
.LBB2_5:
0x1c: {  	s15 =	sadd.s32 $0x800, s11  }
0x1d: {  	p2 =	sgt.s32 s15, $0xFFF  }
0x1e: {  	s15 =	smov.u32 @p2 s3;
	p2 =	sne.s32 s12, s9  }
.Ltmp1:
0x1f: {  	p1 =	slt.u32 s12, $0x2;
	(pc) =	sbr.rel @!p2 .LBB2_6-.Ltmp1, $4  }
0x20: {  	s14 =	simm.s32 @!p1 $0x3  }
0x21: {  	s16 =	sadd.s32 $0x1, s12;
	_ =	swait.ge @!p1 [sflag:s14], $0x40  }
0x22: {  	s13 =	smov.u32 s11;
	p0 =	por !p0, !p0;
	[sflag:s14] =	ssyncset.done @!p1 $0x0  }
0x23: {  	s12 =	smov.u32 s16;
	s11 =	smov.u32 s15;
	[sflag:s14] =	ssyncadd.s32 @!p1 $0xFFFFFFC0  }
.LBB2_1:
0x24: {  	p1 =	sge.u32 s12, s8  }
0x25: {  	s14 =	sxor.u32 @!p1 $0xFFFFFFFF, s12  }
0x26: {  	s31 =	sadd.s32 $0xFFFFFFFF, s12;
	s15 =	sshrl.u32 @!p1 s11, $0x3;
	s14 =	sshll.u32 @!p1 s14, $0x6  }
0x27: {  	s16 =	sand.u32 @!p1 $0x7, s11;
	s15 =	sadd.s32 @!p1 s4, s15;
	s14 =	sand.u32 @!p1 $0x40, s14  }
0x28: {  	[tilespmem:s14], [sflag:$0x2] =	stream.linear.gather @!p1 [hbm4b:s15+s16], $0x40, $0x38;
	[tilespmem:$0x100] =	vst v63  }
0x29: {  	p1 =	sge.u32 s31, s8  }
.Ltmp2:
0x2a: {  	_ = 	snop;
	(pc) =	sbr.rel @p1 .LBB2_5-.Ltmp2, $1  }
0x2b: {  	_ =	sdelay $0x3  }
0x2c: {  	s14 =	simm.s32 $0x1  }
0x2d: {  	_ =	swait.ge [sflag:s7], $0x40;
	s14 =	simm.s32 @!p0 $0x0  }
0x2e: {  	[sflag:s7] =	ssyncset.done $0x0;
	s14 =	sshll.u32 s14, $0x6  }
0x2f: {  	[sflag:s7] =	ssyncadd.s32 $0xFFFFFFC0;
	(ifvalue) =	ssetifvalue $0x7FFFFFFF;
	v0 =	vld.msk [tilespmem:s14+$0x0 ss:$0x1], $0xffff;
	_ =	sdelay $0x4  }
0x30: {  	s15 =	sadd.s32 $0x10, s14;
	v2 =	vshrl.u32 v0, $0xC;
	v3 =	vshll.u32 v0, $0x7  }
0x31: {  	v1 =	vld.msk [tilespmem:s15+$0x0 ss:$0x1], $0xffff;
	vm1 =	veq.s32 v0, $0x80000000;
	v0 =	vand.u32 $0x1, v2;
	v2 =	vand.u32 $0x7FF80, v3  }
0x32: {  	v0 =	vsel vm1, $0xFFFFFFFF, v0;
	v2 =	vsel vm1, $0xFFFFFF80, v2  }
0x33: {  	v3 =	vand.u32 $0xFFFFFC00, v2;
	v4 =	vand.u32 $0xFFFFFC00, v0  }
0x34: {  	v2 =	vand.u32 $0x380, v2;
	v3 =	vadd.s32 v4, v3  }
0x35: {  	v0 =	vand.u32 $0x7F, v0;
	v2 =	vor.u32 v2, v3  }
0x36: {  	v5 =	vshll.u32 v1, $0x7;
	v4 =	vshrl.u32 v1, $0xC;
	v0 =	vor.u32 v0, v2  }
0x37: {  	s16 =	sshll.u32 s12, $0x6;
	vm1 =	veq.s32 v1, $0x80000000;
	v1 =	vand.u32 $0x1, v4;
	v4 =	vand.u32 $0x7FF80, v5  }
0x38: {  	s16 =	sand.u32 $0x40, s16;
	s18 =	sadd.s32 $0x10, s15;
	v3 =	vsel vm1, $0xFFFFFFFF, v1;
	v4 =	vsel vm1, $0xFFFFFF80, v4  }
0x39: {  	s17 =	simm.s32 $0x20;
	s15 =	sor.u32 $0x80, s14;
	s14 =	sor.u32 $0x80, s16;
	v1 =	vld.msk [tilespmem:s18+$0x0 ss:$0x1], $0xffff;
	v5 =	vand.u32 $0xFFFFFC00, v4;
	v6 =	vand.u32 $0xFFFFFC00, v3  }
0x3a: {  	s16 =	sadd.s32 $0x10, s15;
	s18 =	sadd.s32 $0x10, s18;
	(ifvalue) =	ssetifvalue $0x7FFFFFFF;
	v2 =	vand.u32 $0x7F, v3;
	v4 =	vand.u32 $0x380, v4;
	v3 =	vadd.s32 v6, v5  }
.LBB2_3:
0x3b: {  	[tilespmem:s15], [sflag:$0x1] =	stream.indirect_vreg.gather [hbm4b:s2+s10], $0x1, v0, vm0, $0x4038;
	[tilespmem:$0x100] =	vst v63  }
0x3c: {  	s17 =	sadd.s32 $0x10, s17  }
0x3d: {  	v3 =	vor.u32 v4, v3;
	p1 =	slt.u32 s17, $0x30  }
.Ltmp3:
0x3e: {  	v4 =	vshrl.u32 v1, $0xC;
	v5 =	vshll.u32 v1, $0x7;
	s15 =	smov.u32 s16;
	v0 =	vor.u32 v2, v3;
	v2 =	vmovc v1;
	v1 =	vld.msk [tilespmem:s18+$0x0 ss:$0x1], $0xffff;
	(pc) =	sbr.rel @p1 .LBB2_3-.Ltmp3, $4  }
0x3f: {  	v3 =	vand.u32 $0x7FF80, v5;
	vm1 =	veq.s32 v2, $0x80000000;
	v2 =	vand.u32 $0x1, v4  }
0x40: {  	v4 =	vsel vm1, $0xFFFFFFFF, v2;
	v5 =	vsel vm1, $0xFFFFFF80, v3  }
0x41: {  	v2 =	vand.u32 $0x7F, v4;
	v3 =	vand.u32 $0xFFFFFC00, v5;
	v4 =	vand.u32 $0xFFFFFC00, v4  }
0x42: {  	s16 =	sadd.s32 $0x10, s16;
	s18 =	sadd.s32 $0x10, s18;
	v3 =	vadd.s32 v4, v3;
	v4 =	vand.u32 $0x380, v5;
	(ifvalue) =	ssetifvalue $0x7FFFFFFF  }
.Ltmp4:
0x43: {  	_ = 	snop;
	(pc) =	sbr.rel .LBB2_4-.Ltmp4, $1  }
0x44: {  	_ =	sdelay $0x3  }
.LBB2_6:
0x45: {  	_ =	sfence.sel $0x180000  }
0x46: {  	s2 =	simm.s32 $0x2;
	[bflag:$0x0] =	sbarrier.arrive $0xFFFF  }
0x47: {  	s30 =	simm.s32 $0x3;
	[sflag:s2] =	ssyncpa.u1 $0x1  }
0x48: {  	s31 =	simm.s32 $0x1;
	[sflag:s30] =	ssyncpa.u1 $0x1  }
0x49: {  	[sflag:s31] =	ssyncpa.u1 $0x1  }
0x4a: {  	p0 =	sne.s32 s0, $0x0;
	_ =	strace $0x90000047  }
0x4b: {  	s0 =	sadd.s32 @!p0 $0x100000, s1;
	[bflag:$0x2] =	sbarrier.arrive $0xFFFF  }
0x4c: {  	[sflag:s0] =	ssyncadd.tile.s32 @!p0 $0x1;
	_ =	shalt  }
.Lfunc_end2:
_tile_overlayer_lowered:
.L_overlay_start_2:
0x4d: {  	(tag) =	ssettag $0x2  }
0x4e: {  	s0 =	rddreg [dreg:$0x0];
	s2 =	stileid.u32  }
0x4f: {  	s1 =	rddreg [dreg:$0x1];
	p0 =	sne.s32 s2, $0x0  }
0x50: {  	s3 =	rddreg [dreg:$0x2];
	[bflag:$0x3] =	sbarrier.arrive $0xFFFF;
	s2 =	simm.s32 @!p0 $0x1C01  }
0x51: {  	[timem:s3], [sflag:s2] =	dma.local @!p0 [hbm:s0], s1  }
0x52: {  	s0 =	simm.s32 @!p0 $0x1  }
0x53: {  	_ =	swait.ge @!p0 [sflag:s0], s1  }
0x54: {  	s1 =	ssub.s32 @!p0 $0x0, s1;
	[sflag:s0] =	ssyncset.done @!p0 $0x0  }
0x55: {  	[sflag:s0] =	ssyncadd.s32 @!p0 s1  }
0x56: {  	[bflag:$0x3] =	sbarrier.arrive $0xFFFF  }
0x57: {  	_ =	shalt  }

// kernel: gather_offload_async_start.3
scs
__scs_entry_jumppad:
0x0: {  	(pc) =	sbr.rel $0x88, $3  }
0x1: {  	(tag) =	ssettag $0x0;
	lr =	simm.s32 $0x1  }
0x2: {  	[smem:$0x3F80] =	sst lr;
	_ =	strace $0xD0000000  }
0x3: {  	_ = 	snop  }
0x4: {  	_ = 	snop  }
0x5: {  	_ = 	snop  }
0x6: {  	_ = 	snop  }
0x7: {  	_ = 	snop  }
__scs_overlays_trampoline_lowered:
0x8: {  	[smem:$0x3F8F] =	sst s0  }
0x9: {  	[smem:$0x3F90] =	sst s1  }
0xa: {  	[smem:$0x3F91] =	sst s2  }
0xb: {  	[smem:$0x3F92] =	sst s3  }
0xc: {  	[smem:$0x3F93] =	sst s4  }
0xd: {  	[smem:$0x3F94] =	sst s5  }
0xe: {  	[smem:$0x3F95] =	sst s6  }
0xf: {  	[smem:$0x3F96] =	sst s7  }
0x10: {  	[smem:$0x3F97] =	sst s8  }
0x11: {  	[smem:$0x3F98] =	sst s9;
	s0 =	simm.s32 @!p0 $0x0  }
0x12: {  	s1 =	sld [smem:$0x3F7E];
	s0 =	simm.s32 @p0 $0x1  }
0x13: {  	[smem:$0x3F99] =	sst s0;
	s0 =	simm.s32 @!p1 $0x0  }
0x14: {  	s2 =	sld [smem:$0x3F7D];
	s0 =	simm.s32 @p1 $0x1  }
0x15: {  	[smem:$0x3F9A] =	sst s0;
	s0 =	simm.s32 @!p2 $0x0  }
0x16: {  	s3 =	sld [smem:$0x3FDB];
	s0 =	simm.s32 @p2 $0x1  }
0x17: {  	s4 =	simm.s32 $0x1BF5;
	[smem:$0x3F9C] =	sst s0  }
0x18: {  	s0 =	sld [smem:$0x3F7F];
	_ =	swait.ge [sflag:s4], $0x0  }
0x19: {  	s7 =	sld [smem:$0x3F80]  }
0x1a: {  	s8 =	sadd.s32 $0xFFFFE003, lr  }
0x1b: {  	s9 =	sadd.s32 $0xFFFFFEF7, lr;
	s5 =	simm.s32 $0xFFFFFFFF;
	p2 =	slt.u32 s8, $0xFFFFF086  }
0x1c: {  	p1 =	slt.u32 s9, $0xF7A;
	s5 =	simm.s32 @!p2 $0x0  }
0x1d: {  	s5 =	simm.s32 @p1 $0x1;
	p0 =	seq.s32 s7, s2  }
0x1e: {  	s7 =	smul.u32 @!p0 $0xF7A, s2;
	p2 =	seq.s32 @!p0 s5, $0x0  }
0x1f: {  	s9 =	smul.u32 $0xF7A, s1;
	s8 =	simm.s32 @!p0 $0x1BF5;
	p2 =	por !p2, p0  }
0x20: {  	[sflag:s8] =	ssyncset.s32 @!p0 $0xFFFFF086;
	s6 =	sadd.s32 @!p0 s3, s7;
	s7 =	simm.s32 @!p0 $0x108  }
0x21: {  	s3 =	sadd.s32 s3, s9;
	s6 =	sadd.s32 @!p0 $0x88, s6;
	s7 =	simm.s32 @p2 $0x1082  }
0x22: {  	[simem:s7], [sflag:s8] =	dma.local @!p0 [hbm:s6], $0xF7A  }
0x23: {  	s9 =	sor.u32 $0xD0000000, s2;
	s6 =	simm.s32 $0x108;
	_ =	swait.ge @!p0 [sflag:s8], $0x0  }
0x24: {  	s3 =	sadd.s32 $0x88, s3;
	s6 =	simm.s32 @!p1 $0x1082;
	[sflag:s4] =	ssyncset.s32 $0xFFFFF086  }
0x25: {  	[simem:s6], [sflag:s4] =	dma.local [hbm:s3], $0xF7A  }
0x26: {  	[smem:$0x3F80] =	sst s1;
	(tag) =	ssettag s2;
	_ =	strace s9  }
0x27: {  	s1 =	sld [smem:$0x3F90]  }
0x28: {  	s2 =	sld [smem:$0x3F91]  }
0x29: {  	s4 =	sld [smem:$0x3F93]  }
0x2a: {  	p0 =	seq.s32 s5, $0x0;
	s5 =	sld [smem:$0x3F94]  }
0x2b: {  	s6 =	sld [smem:$0x3F95]  }
0x2c: {  	s7 =	sld [smem:$0x3F96]  }
0x2d: {  	s3 =	simm.s32 $0x108;
	s8 =	sld [smem:$0x3F97]  }
0x2e: {  	s3 =	simm.s32 @!p0 $0x1082;
	s9 =	sld [smem:$0x3F98]  }
0x2f: {  	lr =	sadd.s32 s0, s3;
	s0 =	sld [smem:$0x3F8F]  }
0x30: {  	s3 =	sld [smem:$0x3F92]  }
0x31: {  	[smem:$0x3F9B] =	sst s10  }
0x32: {  	s10 =	sld [smem:$0x3F99];
	_ =	sdelay $0x3  }
0x33: {  	p0 =	seq.s32 s10, $0x1;
	s10 =	sld [smem:$0x3F9B];
	_ =	sdelay $0x3  }
0x34: {  	[smem:$0x3F9B] =	sst s10  }
0x35: {  	s10 =	sld [smem:$0x3F9A];
	_ =	sdelay $0x3  }
0x36: {  	p1 =	seq.s32 s10, $0x1;
	s10 =	sld [smem:$0x3F9B];
	_ =	sdelay $0x3  }
0x37: {  	[smem:$0x3F9B] =	sst s10  }
0x38: {  	s10 =	sld [smem:$0x3F9C]  }
0x39: {  	_ = 	snop;
	(pc) =	sbr.ind lr, $3  }
0x3a: {  	_ = 	snop  }
0x3b: {  	_ = 	snop  }
0x3c: {  	p2 =	seq.s32 s10, $0x1;
	s10 =	sld [smem:$0x3F9B]  }
0x3d: {  	_ =	shalt  }
0x3e: {  	_ =	shalt  }
0x3f: {  	_ =	shalt  }
0x40: {  	_ =	shalt  }
0x41: {  	_ =	shalt  }
0x42: {  	_ =	shalt  }
0x43: {  	_ =	shalt  }
0x44: {  	_ =	shalt  }
0x45: {  	_ =	shalt  }
0x46: {  	_ =	shalt  }
0x47: {  	_ =	shalt  }
0x48: {  	_ =	shalt  }
0x49: {  	_ =	shalt  }
0x4a: {  	_ =	shalt  }
0x4b: {  	_ =	shalt  }
0x4c: {  	_ =	shalt  }
0x4d: {  	_ =	shalt  }
0x4e: {  	_ =	shalt  }
0x4f: {  	_ =	shalt  }
0x50: {  	_ =	shalt  }
0x51: {  	_ =	shalt  }
0x52: {  	_ =	shalt  }
0x53: {  	_ =	shalt  }
0x54: {  	_ =	shalt  }
0x55: {  	_ =	shalt  }
0x56: {  	_ =	shalt  }
0x57: {  	_ =	shalt  }
0x58: {  	_ =	shalt  }
0x59: {  	_ =	shalt  }
0x5a: {  	_ =	shalt  }
0x5b: {  	_ =	shalt  }
0x5c: {  	_ =	shalt  }
0x5d: {  	_ =	shalt  }
0x5e: {  	_ =	shalt  }
0x5f: {  	_ =	shalt  }
0x60: {  	_ =	shalt  }
0x61: {  	_ =	shalt  }
0x62: {  	_ =	shalt  }
0x63: {  	_ =	shalt  }
0x64: {  	_ =	shalt  }
0x65: {  	_ =	shalt  }
0x66: {  	_ =	shalt  }
0x67: {  	_ =	shalt  }
0x68: {  	_ =	shalt  }
0x69: {  	_ =	shalt  }
0x6a: {  	_ =	shalt  }
0x6b: {  	_ =	shalt  }
0x6c: {  	_ =	shalt  }
0x6d: {  	_ =	shalt  }
0x6e: {  	_ =	shalt  }
0x6f: {  	_ =	shalt  }
0x70: {  	_ =	shalt  }
0x71: {  	_ =	shalt  }
0x72: {  	_ =	shalt  }
0x73: {  	_ =	shalt  }
0x74: {  	_ =	shalt  }
0x75: {  	_ =	shalt  }
0x76: {  	_ =	shalt  }
0x77: {  	_ =	shalt  }
0x78: {  	_ =	shalt  }
0x79: {  	_ =	shalt  }
0x7a: {  	_ =	shalt  }
0x7b: {  	_ =	shalt  }
0x7c: {  	_ =	shalt  }
0x7d: {  	_ =	shalt  }
0x7e: {  	_ =	shalt  }
0x7f: {  	_ =	shalt  }
0x80: {  	_ =	shalt  }
0x81: {  	_ =	shalt  }
0x82: {  	_ =	shalt  }
0x83: {  	_ =	shalt  }
0x84: {  	_ =	shalt  }
0x85: {  	_ =	shalt  }
0x86: {  	_ =	shalt  }
0x87: {  	_ =	shalt  }
.Lfunc_end0:
.L_simem_size_0:
called_computation.3_lowered:
.L_overlay_start_0:
0x88: {  	s2 =	sld [smem:$0x3FD9]  }
0x89: {  	s3 =	sld [smem:$0x3FFE];
	_ =	sdelay $0x1  }
0x8a: {  	s1 =	srdreg.scid  }
0x8b: {  	s0 =	sand.u32 $0x1, s1  }
0x8c: {  	s14 =	sshll.u32 s0, $0xA;
	s2 =	sadd.s32 s3, s2  }
0x8d: {  	s2 =	sadd.s32 s2, s14  }
0x8e: {  	[smem:$0x3FA7] =	sst s2  }
0x8f: {  	_ = 	snop  }
0x90: {  	s2 =	sld [smem:$0x3FD0];
	_ =	sdelay $0x2  }
0x91: {  	s15 =	simm.s32 $0xB;
	s4 =	simm.s32 $0x10  }
0x92: {  	[smem:s4], [sflag:s15] =	dma.local [hbm:s2], $0x1  }
0x93: {  	_ =	swait.eq [sflag:s15], $0x1  }
0x94: {  	[sflag:s15] =	ssyncset.done $0x0  }
0x95: {  	[sflag:s15] =	ssyncadd.s32 $0xFFFFFFFF  }
0x96: {  	s16 =	sld [smem:$0x10];
	(tm) =	ssettm $0x1  }
0x97: {  	s17 =	sld [smem:$0x3FFB];
	_ =	sdelay $0x3  }
0x98: {  	_ =	strace s17  }
0x99: {  	s3 =	sld [smem:$0x3FFC];
	_ =	sdelay $0x3  }
0x9a: {  	_ =	strace s3  }
0x9b: {  	s3 =	sld [smem:$0x3FFD];
	_ =	sdelay $0x3  }
0x9c: {  	_ =	strace s3  }
0x9d: {  	_ =	strace $0x8FFFFFFF  }
0x9e: {  	s18 =	sld [smem:$0x3FDB];
	_ =	sdelay $0x1  }
0x9f: {  	s19 =	simm.s32 $_scs_section_size  }
0xa0: {  	s5 =	simm.s32 $_size__tile_overlayer_lowered;
	s6 =	simm.s32 $_tile_overlayer_lowered  }
0xa1: {  	s22 =	simm.s32 $0x1BFF;
	s21 =	sshll.u32 s6, $0x1;
	s3 =	sadd.s32 s19, s18  }
0xa2: {  	s7 =	simm.s32 $0x0;
	s20 =	sshll.u32 s5, $0x1;
	s5 =	sadd.s32 s21, s3  }
0xa3: {  	[timem:s7], [sflag:s22] =	dma.local [hbm:s5], s20  }
0xa4: {  	_ =	swait.ge [sflag:s22], s20  }
0xa5: {  	s4 =	ssub.s32 $0x0, s20;
	[sflag:s22] =	ssyncset.done $0x0  }
0xa6: {  	[sflag:s22] =	ssyncadd.s32 s4;
	_ =	sdelay $0x1  }
0xa7: {  	s23 =	simm.s32 $0x1B8B  }
0xa8: {  	_ =	swait.ge [sflag:s23], $0x1  }
0xa9: {  	[sflag:s23] =	ssyncset.done $0x0  }
0xaa: {  	s25 =	simm.s32 $0x1B8E;
	s24 =	sld [smem:$0x3FFE];
	[sflag:s23] =	ssyncadd.s32 $0xFFFFFFFF  }
0xab: {  	s26 =	simm.s32 $execute0_lowered;
	[smem:$0x3FD2] =	sst s25  }
0xac: {  	s5 =	sshll.u32 s26, $0x1;
	_ =	strace $0x80000049;
	[dreg:$0x1] =	wrdreg $0xFFFFFFFF  }
0xad: {  	s28 =	simm.s32 $_size_execute0_lowered;
	s3 =	sadd.s32 s3, s5;
	[dreg:$0x0] =	wrdreg $0x0  }
0xae: {  	s5 =	sshll.u32 s28, $0x1;
	[dreg:$0x2] =	wrdreg s3  }
0xaf: {  	[dreg:$0x3] =	wrdreg s5  }
0xb0: {  	[dreg:$0x4] =	wrdreg $0xC0  }
0xb1: {  	_ =	task [dreg:s7], $0x5FFFF  }
0xb2: {  	[dreg:$0x1] =	wrdreg $0xFFFFFFFF  }
0xb3: {  	[dreg:$0x0] =	wrdreg $0x60  }
0xb4: {  	[dreg:$0x2] =	wrdreg s16  }
0xb5: {  	[dreg:$0x3] =	wrdreg s24  }
0xb6: {  	[dreg:$0x4] =	wrdreg $0x9  }
0xb7: {  	_ =	task.clear_ibuf [dreg:s7], $0x5FFFF;
	_ =	strace $0x90000049  }
0xb8: {  	s29 =	simm.s32 $0x9;
	_ =	strace $0x8000004B  }
0xb9: {  	_ =	swait.ge [sflag:s29], $0x1  }
0xba: {  	[sflag:s29] =	ssyncadd.s32 $0xFFFFFFFF  }
0xbb: {  	_ =	strace $0x9000004B  }
0xbc: {  	_ =	sfence  }
0xbd: {  	s30 =	sld [smem:$0x0];
	_ =	sdelay $0x2  }
0xbe: {  	s31 =	sshll.u32 s1, $0xD;
	s1 =	sshrl.u32 s1, $0x2  }
0xbf: {  	s3 =	sand.u32 $0x4000, s31;
	s1 =	sadd.s32 s1, s30  }
0xc0: {  	s0 =	sor.u32 s3, s0;
	s1 =	sshll.u32 s1, $0x11  }
0xc1: {  	s0 =	sor.u32 s1, s0  }
0xc2: {  	s0 =	sadd.s32 $0x8F2B, s0  }
0xc3: {  	[sflag:s0] =	ssyncadd.remote.s32 $0x1  }
0xc4: {  	_ =	sfence.sel $0xFFFF  }
0xc5: {  	[dreg:$0x0] =	wrdreg $0xFFFFFFFF;
	(pc) =	sbr.abs _section_cstart, $3  }
0xc6: {  	[dreg:$0x1] =	wrdreg $0xFFFFFFFF  }
0xc7: {  	_ =	task.clear_ibuf [dreg:s7], $0x2FFFF;
	_ =	strace $0x9FFFFFFF  }
0xc8: {  	(tm) =	ssettm $0x7FFFFFFF  }
0xc9: {  	_ =	shalt  }
tec
execute0_lowered:
.L_overlay_start_1:
0x0: {  	(tag) =	ssettag $0x1  }
0x1: {  	s1 =	srdreg.scid;
	s2 =	rddreg [dreg:$0x0]  }
0x2: {  	s0 =	stileid.u32;
	s5 =	rddreg [dreg:$0x1];
	s6 =	simm.s32 $0x1  }
0x3: {  	s9 =	simm.s32 $0x1;
	s10 =	simm.s32 $0x3;
	s1 =	sshll.u32 s1, $0x6  }
0x4: {  	s13 =	simm.s32 $0x0;
	s3 =	sshll.u32 s0, $0x7;
	s4 =	sand.u32 $0x40, s1  }
0x5: {  	s12 =	simm.s32 $0x0;
	s1 =	rddreg [dreg:$0x2];
	s3 =	sor.u32 s3, s4  }
0x6: {  	_ =	strace $0x8000004A;
	s4 =	sadd.s32 $0x4800, s5;
	s8 =	ssub.s32 $0x1000, s3  }
.Ltmp0:
0x7: {  	s5 =	sadd.s32 $0x4600, s5;
	s7 =	sand.u32 $0x7C0, s8;
	(pc) =	sbr.rel .LBB2_1-.Ltmp0, $4  }
0x8: {  	[sflag:s6] =	ssyncpa.u1 $0x0;
	s11 =	smov.u32 s3;
	p0 =	sne.s32 s7, $0x0  }
0x9: {  	s8 =	sshrl.u32 s8, $0xB;
	s7 =	simm.s32 $0x2;
	s9 =	simm.s32 @!p0 $0x0  }
0xa: {  	[sflag:s7] =	ssyncpa.u1 $0x0;
	p0 =	por $0x0, $0x0;
	s8 =	sadd.s32 s9, s8  }
0xb: {  	vm0 =	vmmov $0xffff;
	[sflag:s10] =	ssyncpa.u1 $0x0;
	s10 =	simm.s32 $0x0;
	s9 =	sadd.s32 $0x1, s8  }
.LBB2_4:
0xc: {  	v5 =	vshrl.u32 v1, $0xC;
	v6 =	vshll.u32 v1, $0x7  }
0xd: {  	vm1 =	veq.s32 v1, $0x80000000;
	v58 =	vand.u32 $0x1, v5;
	v59 =	vand.u32 $0x7FF80, v6  }
0xe: {  	v1 =	vsel vm1, $0xFFFFFFFF, v58;
	v5 =	vsel vm1, $0xFFFFFF80, v59  }
0xf: {  	v3 =	vor.u32 v4, v3;
	v60 =	vand.u32 $0xFFFFFC00, v5;
	v61 =	vand.u32 $0xFFFFFC00, v1  }
0x10: {  	v2 =	vor.u32 v2, v3;
	v63 =	vand.u32 $0x380, v5;
	v62 =	vadd.s32 v61, v60  }
0x11: {  	v1 =	vand.u32 $0x7F, v1;
	v3 =	vor.u32 v63, v62  }
0x12: {  	v1 =	vor.u32 v1, v3  }
0x13: {  	[tilespmem:s15], [sflag:$0x1] =	stream.indirect_vreg.gather [hbm4b:s2+s10], $0x1, v0, vm0, $0x4038;
	[tilespmem:$0x100] =	vst v63  }
0x14: {  	(ifvalue) =	ssetifvalue $0x7FFFFFFF  }
0x15: {  	[tilespmem:s16], [sflag:$0x1] =	stream.indirect_vreg.gather [hbm4b:s2+s10], $0x1, v2, vm0, $0x4038;
	[tilespmem:$0x100] =	vst v63  }
0x16: {  	s29 =	sadd.s32 $0x10, s16;
	(ifvalue) =	ssetifvalue $0x7FFFFFFF  }
0x17: {  	[tilespmem:s29], [sflag:$0x1] =	stream.indirect_vreg.gather [hbm4b:s2+s10], $0x1, v1, vm0, $0x4038;
	[tilespmem:$0x100] =	vst v63  }
0x18: {  	_ =	swait.ge [sflag:s6], $0x40  }
0x19: {  	s30 =	sshrl.u32 s13, $0x3;
	[sflag:s6] =	ssyncset.done $0x0  }
0x1a: {  	s31 =	sand.u32 $0x7, s13;
	s15 =	sadd.s32 s5, s30;
	[sflag:s6] =	ssyncadd.s32 $0xFFFFFFC0  }
0x1b: {  	[hbm4b:s15+s31] =	stream.linear.scatter [tilespmem:s14], [sflag:$0x3], $0x40, $0x38;
	[tilespmem:$0x100] =	vst v63  }
.LBB2_5:
0x1c: {  	s15 =	sadd.s32 $0x800, s11  }
0x1d: {  	p2 =	sgt.s32 s15, $0xFFF  }
0x1e: {  	s15 =	smov.u32 @p2 s3;
	p2 =	sne.s32 s12, s9  }
.Ltmp1:
0x1f: {  	p1 =	slt.u32 s12, $0x2;
	(pc) =	sbr.rel @!p2 .LBB2_6-.Ltmp1, $4  }
0x20: {  	s14 =	simm.s32 @!p1 $0x3  }
0x21: {  	s16 =	sadd.s32 $0x1, s12;
	_ =	swait.ge @!p1 [sflag:s14], $0x40  }
0x22: {  	s13 =	smov.u32 s11;
	p0 =	por !p0, !p0;
	[sflag:s14] =	ssyncset.done @!p1 $0x0  }
0x23: {  	s12 =	smov.u32 s16;
	s11 =	smov.u32 s15;
	[sflag:s14] =	ssyncadd.s32 @!p1 $0xFFFFFFC0  }
.LBB2_1:
0x24: {  	p1 =	sge.u32 s12, s8  }
0x25: {  	s14 =	sxor.u32 @!p1 $0xFFFFFFFF, s12  }
0x26: {  	s31 =	sadd.s32 $0xFFFFFFFF, s12;
	s15 =	sshrl.u32 @!p1 s11, $0x3;
	s14 =	sshll.u32 @!p1 s14, $0x6  }
0x27: {  	s16 =	sand.u32 @!p1 $0x7, s11;
	s15 =	sadd.s32 @!p1 s4, s15;
	s14 =	sand.u32 @!p1 $0x40, s14  }
0x28: {  	[tilespmem:s14], [sflag:$0x2] =	stream.linear.gather @!p1 [hbm4b:s15+s16], $0x40, $0x38;
	[tilespmem:$0x100] =	vst v63  }
0x29: {  	p1 =	sge.u32 s31, s8  }
.Ltmp2:
0x2a: {  	_ = 	snop;
	(pc) =	sbr.rel @p1 .LBB2_5-.Ltmp2, $1  }
0x2b: {  	_ =	sdelay $0x3  }
0x2c: {  	s14 =	simm.s32 $0x1  }
0x2d: {  	_ =	swait.ge [sflag:s7], $0x40;
	s14 =	simm.s32 @!p0 $0x0  }
0x2e: {  	[sflag:s7] =	ssyncset.done $0x0;
	s14 =	sshll.u32 s14, $0x6  }
0x2f: {  	[sflag:s7] =	ssyncadd.s32 $0xFFFFFFC0;
	(ifvalue) =	ssetifvalue $0x7FFFFFFF;
	v0 =	vld.msk [tilespmem:s14+$0x0 ss:$0x1], $0xffff;
	_ =	sdelay $0x4  }
0x30: {  	s15 =	sadd.s32 $0x10, s14;
	v2 =	vshrl.u32 v0, $0xC;
	v3 =	vshll.u32 v0, $0x7  }
0x31: {  	v1 =	vld.msk [tilespmem:s15+$0x0 ss:$0x1], $0xffff;
	vm1 =	veq.s32 v0, $0x80000000;
	v0 =	vand.u32 $0x1, v2;
	v2 =	vand.u32 $0x7FF80, v3  }
0x32: {  	v0 =	vsel vm1, $0xFFFFFFFF, v0;
	v2 =	vsel vm1, $0xFFFFFF80, v2  }
0x33: {  	v3 =	vand.u32 $0xFFFFFC00, v2;
	v4 =	vand.u32 $0xFFFFFC00, v0  }
0x34: {  	v2 =	vand.u32 $0x380, v2;
	v3 =	vadd.s32 v4, v3  }
0x35: {  	v0 =	vand.u32 $0x7F, v0;
	v2 =	vor.u32 v2, v3  }
0x36: {  	v5 =	vshll.u32 v1, $0x7;
	v4 =	vshrl.u32 v1, $0xC;
	v0 =	vor.u32 v0, v2  }
0x37: {  	s16 =	sshll.u32 s12, $0x6;
	vm1 =	veq.s32 v1, $0x80000000;
	v1 =	vand.u32 $0x1, v4;
	v4 =	vand.u32 $0x7FF80, v5  }
0x38: {  	s16 =	sand.u32 $0x40, s16;
	s18 =	sadd.s32 $0x10, s15;
	v3 =	vsel vm1, $0xFFFFFFFF, v1;
	v4 =	vsel vm1, $0xFFFFFF80, v4  }
0x39: {  	s17 =	simm.s32 $0x20;
	s15 =	sor.u32 $0x80, s14;
	s14 =	sor.u32 $0x80, s16;
	v1 =	vld.msk [tilespmem:s18+$0x0 ss:$0x1], $0xffff;
	v5 =	vand.u32 $0xFFFFFC00, v4;
	v6 =	vand.u32 $0xFFFFFC00, v3  }
0x3a: {  	s16 =	sadd.s32 $0x10, s15;
	s18 =	sadd.s32 $0x10, s18;
	(ifvalue) =	ssetifvalue $0x7FFFFFFF;
	v2 =	vand.u32 $0x7F, v3;
	v4 =	vand.u32 $0x380, v4;
	v3 =	vadd.s32 v6, v5  }
.LBB2_3:
0x3b: {  	[tilespmem:s15], [sflag:$0x1] =	stream.indirect_vreg.gather [hbm4b:s2+s10], $0x1, v0, vm0, $0x4038;
	[tilespmem:$0x100] =	vst v63  }
0x3c: {  	s17 =	sadd.s32 $0x10, s17  }
0x3d: {  	v3 =	vor.u32 v4, v3;
	p1 =	slt.u32 s17, $0x30  }
.Ltmp3:
0x3e: {  	v4 =	vshrl.u32 v1, $0xC;
	v5 =	vshll.u32 v1, $0x7;
	s15 =	smov.u32 s16;
	v0 =	vor.u32 v2, v3;
	v2 =	vmovc v1;
	v1 =	vld.msk [tilespmem:s18+$0x0 ss:$0x1], $0xffff;
	(pc) =	sbr.rel @p1 .LBB2_3-.Ltmp3, $4  }
0x3f: {  	v3 =	vand.u32 $0x7FF80, v5;
	vm1 =	veq.s32 v2, $0x80000000;
	v2 =	vand.u32 $0x1, v4  }
0x40: {  	v4 =	vsel vm1, $0xFFFFFFFF, v2;
	v5 =	vsel vm1, $0xFFFFFF80, v3  }
0x41: {  	v2 =	vand.u32 $0x7F, v4;
	v3 =	vand.u32 $0xFFFFFC00, v5;
	v4 =	vand.u32 $0xFFFFFC00, v4  }
0x42: {  	s16 =	sadd.s32 $0x10, s16;
	s18 =	sadd.s32 $0x10, s18;
	v3 =	vadd.s32 v4, v3;
	v4 =	vand.u32 $0x380, v5;
	(ifvalue) =	ssetifvalue $0x7FFFFFFF  }
.Ltmp4:
0x43: {  	_ = 	snop;
	(pc) =	sbr.rel .LBB2_4-.Ltmp4, $1  }
0x44: {  	_ =	sdelay $0x3  }
.LBB2_6:
0x45: {  	_ =	sfence.sel $0x180000  }
0x46: {  	s2 =	simm.s32 $0x2;
	[bflag:$0x0] =	sbarrier.arrive $0xFFFF  }
0x47: {  	s30 =	simm.s32 $0x3;
	[sflag:s2] =	ssyncpa.u1 $0x1  }
0x48: {  	s31 =	simm.s32 $0x1;
	[sflag:s30] =	ssyncpa.u1 $0x1  }
0x49: {  	[sflag:s31] =	ssyncpa.u1 $0x1  }
0x4a: {  	p0 =	sne.s32 s0, $0x0;
	_ =	strace $0x9000004A  }
0x4b: {  	s0 =	sadd.s32 @!p0 $0x100000, s1;
	[bflag:$0x2] =	sbarrier.arrive $0xFFFF  }
0x4c: {  	[sflag:s0] =	ssyncadd.tile.s32 @!p0 $0x1;
	_ =	shalt  }
.Lfunc_end2:
_tile_overlayer_lowered:
.L_overlay_start_2:
0x4d: {  	(tag) =	ssettag $0x2  }
0x4e: {  	s0 =	rddreg [dreg:$0x0];
	s2 =	stileid.u32  }
0x4f: {  	s1 =	rddreg [dreg:$0x1];
	p0 =	sne.s32 s2, $0x0  }
0x50: {  	s3 =	rddreg [dreg:$0x2];
	[bflag:$0x3] =	sbarrier.arrive $0xFFFF;
	s2 =	simm.s32 @!p0 $0x1C01  }
0x51: {  	[timem:s3], [sflag:s2] =	dma.local @!p0 [hbm:s0], s1  }
0x52: {  	s0 =	simm.s32 @!p0 $0x1  }
0x53: {  	_ =	swait.ge @!p0 [sflag:s0], s1  }
0x54: {  	s1 =	ssub.s32 @!p0 $0x0, s1;
	[sflag:s0] =	ssyncset.done @!p0 $0x0  }
0x55: {  	[sflag:s0] =	ssyncadd.s32 @!p0 s1  }
0x56: {  	[bflag:$0x3] =	sbarrier.arrive $0xFFFF  }
0x57: {  	_ =	shalt  }

// kernel: gather_offload_async_start
scs
__scs_entry_jumppad:
0x0: {  	(pc) =	sbr.rel $0x88, $3  }
0x1: {  	(tag) =	ssettag $0x0;
	lr =	simm.s32 $0x1  }
0x2: {  	[smem:$0x3F80] =	sst lr;
	_ =	strace $0xD0000000  }
0x3: {  	_ = 	snop  }
0x4: {  	_ = 	snop  }
0x5: {  	_ = 	snop  }
0x6: {  	_ = 	snop  }
0x7: {  	_ = 	snop  }
__scs_overlays_trampoline_lowered:
0x8: {  	[smem:$0x3F8F] =	sst s0  }
0x9: {  	[smem:$0x3F90] =	sst s1  }
0xa: {  	[smem:$0x3F91] =	sst s2  }
0xb: {  	[smem:$0x3F92] =	sst s3  }
0xc: {  	[smem:$0x3F93] =	sst s4  }
0xd: {  	[smem:$0x3F94] =	sst s5  }
0xe: {  	[smem:$0x3F95] =	sst s6  }
0xf: {  	[smem:$0x3F96] =	sst s7  }
0x10: {  	[smem:$0x3F97] =	sst s8  }
0x11: {  	[smem:$0x3F98] =	sst s9;
	s0 =	simm.s32 @!p0 $0x0  }
0x12: {  	s1 =	sld [smem:$0x3F7E];
	s0 =	simm.s32 @p0 $0x1  }
0x13: {  	[smem:$0x3F99] =	sst s0;
	s0 =	simm.s32 @!p1 $0x0  }
0x14: {  	s2 =	sld [smem:$0x3F7D];
	s0 =	simm.s32 @p1 $0x1  }
0x15: {  	[smem:$0x3F9A] =	sst s0;
	s0 =	simm.s32 @!p2 $0x0  }
0x16: {  	s3 =	sld [smem:$0x3FDB];
	s0 =	simm.s32 @p2 $0x1  }
0x17: {  	s4 =	simm.s32 $0x1BF5;
	[smem:$0x3F9C] =	sst s0  }
0x18: {  	s0 =	sld [smem:$0x3F7F];
	_ =	swait.ge [sflag:s4], $0x0  }
0x19: {  	s7 =	sld [smem:$0x3F80]  }
0x1a: {  	s8 =	sadd.s32 $0xFFFFE003, lr  }
0x1b: {  	s9 =	sadd.s32 $0xFFFFFEF7, lr;
	s5 =	simm.s32 $0xFFFFFFFF;
	p2 =	slt.u32 s8, $0xFFFFF086  }
0x1c: {  	p1 =	slt.u32 s9, $0xF7A;
	s5 =	simm.s32 @!p2 $0x0  }
0x1d: {  	s5 =	simm.s32 @p1 $0x1;
	p0 =	seq.s32 s7, s2  }
0x1e: {  	s7 =	smul.u32 @!p0 $0xF7A, s2;
	p2 =	seq.s32 @!p0 s5, $0x0  }
0x1f: {  	s9 =	smul.u32 $0xF7A, s1;
	s8 =	simm.s32 @!p0 $0x1BF5;
	p2 =	por !p2, p0  }
0x20: {  	[sflag:s8] =	ssyncset.s32 @!p0 $0xFFFFF086;
	s6 =	sadd.s32 @!p0 s3, s7;
	s7 =	simm.s32 @!p0 $0x108  }
0x21: {  	s3 =	sadd.s32 s3, s9;
	s6 =	sadd.s32 @!p0 $0x88, s6;
	s7 =	simm.s32 @p2 $0x1082  }
0x22: {  	[simem:s7], [sflag:s8] =	dma.local @!p0 [hbm:s6], $0xF7A  }
0x23: {  	s9 =	sor.u32 $0xD0000000, s2;
	s6 =	simm.s32 $0x108;
	_ =	swait.ge @!p0 [sflag:s8], $0x0  }
0x24: {  	s3 =	sadd.s32 $0x88, s3;
	s6 =	simm.s32 @!p1 $0x1082;
	[sflag:s4] =	ssyncset.s32 $0xFFFFF086  }
0x25: {  	[simem:s6], [sflag:s4] =	dma.local [hbm:s3], $0xF7A  }
0x26: {  	[smem:$0x3F80] =	sst s1;
	(tag) =	ssettag s2;
	_ =	strace s9  }
0x27: {  	s1 =	sld [smem:$0x3F90]  }
0x28: {  	s2 =	sld [smem:$0x3F91]  }
0x29: {  	s4 =	sld [smem:$0x3F93]  }
0x2a: {  	p0 =	seq.s32 s5, $0x0;
	s5 =	sld [smem:$0x3F94]  }
0x2b: {  	s6 =	sld [smem:$0x3F95]  }
0x2c: {  	s7 =	sld [smem:$0x3F96]  }
0x2d: {  	s3 =	simm.s32 $0x108;
	s8 =	sld [smem:$0x3F97]  }
0x2e: {  	s3 =	simm.s32 @!p0 $0x1082;
	s9 =	sld [smem:$0x3F98]  }
0x2f: {  	lr =	sadd.s32 s0, s3;
	s0 =	sld [smem:$0x3F8F]  }
0x30: {  	s3 =	sld [smem:$0x3F92]  }
0x31: {  	[smem:$0x3F9B] =	sst s10  }
0x32: {  	s10 =	sld [smem:$0x3F99];
	_ =	sdelay $0x3  }
0x33: {  	p0 =	seq.s32 s10, $0x1;
	s10 =	sld [smem:$0x3F9B];
	_ =	sdelay $0x3  }
0x34: {  	[smem:$0x3F9B] =	sst s10  }
0x35: {  	s10 =	sld [smem:$0x3F9A];
	_ =	sdelay $0x3  }
0x36: {  	p1 =	seq.s32 s10, $0x1;
	s10 =	sld [smem:$0x3F9B];
	_ =	sdelay $0x3  }
0x37: {  	[smem:$0x3F9B] =	sst s10  }
0x38: {  	s10 =	sld [smem:$0x3F9C]  }
0x39: {  	_ = 	snop;
	(pc) =	sbr.ind lr, $3  }
0x3a: {  	_ = 	snop  }
0x3b: {  	_ = 	snop  }
0x3c: {  	p2 =	seq.s32 s10, $0x1;
	s10 =	sld [smem:$0x3F9B]  }
0x3d: {  	_ =	shalt  }
0x3e: {  	_ =	shalt  }
0x3f: {  	_ =	shalt  }
0x40: {  	_ =	shalt  }
0x41: {  	_ =	shalt  }
0x42: {  	_ =	shalt  }
0x43: {  	_ =	shalt  }
0x44: {  	_ =	shalt  }
0x45: {  	_ =	shalt  }
0x46: {  	_ =	shalt  }
0x47: {  	_ =	shalt  }
0x48: {  	_ =	shalt  }
0x49: {  	_ =	shalt  }
0x4a: {  	_ =	shalt  }
0x4b: {  	_ =	shalt  }
0x4c: {  	_ =	shalt  }
0x4d: {  	_ =	shalt  }
0x4e: {  	_ =	shalt  }
0x4f: {  	_ =	shalt  }
0x50: {  	_ =	shalt  }
0x51: {  	_ =	shalt  }
0x52: {  	_ =	shalt  }
0x53: {  	_ =	shalt  }
0x54: {  	_ =	shalt  }
0x55: {  	_ =	shalt  }
0x56: {  	_ =	shalt  }
0x57: {  	_ =	shalt  }
0x58: {  	_ =	shalt  }
0x59: {  	_ =	shalt  }
0x5a: {  	_ =	shalt  }
0x5b: {  	_ =	shalt  }
0x5c: {  	_ =	shalt  }
0x5d: {  	_ =	shalt  }
0x5e: {  	_ =	shalt  }
0x5f: {  	_ =	shalt  }
0x60: {  	_ =	shalt  }
0x61: {  	_ =	shalt  }
0x62: {  	_ =	shalt  }
0x63: {  	_ =	shalt  }
0x64: {  	_ =	shalt  }
0x65: {  	_ =	shalt  }
0x66: {  	_ =	shalt  }
0x67: {  	_ =	shalt  }
0x68: {  	_ =	shalt  }
0x69: {  	_ =	shalt  }
0x6a: {  	_ =	shalt  }
0x6b: {  	_ =	shalt  }
0x6c: {  	_ =	shalt  }
0x6d: {  	_ =	shalt  }
0x6e: {  	_ =	shalt  }
0x6f: {  	_ =	shalt  }
0x70: {  	_ =	shalt  }
0x71: {  	_ =	shalt  }
0x72: {  	_ =	shalt  }
0x73: {  	_ =	shalt  }
0x74: {  	_ =	shalt  }
0x75: {  	_ =	shalt  }
0x76: {  	_ =	shalt  }
0x77: {  	_ =	shalt  }
0x78: {  	_ =	shalt  }
0x79: {  	_ =	shalt  }
0x7a: {  	_ =	shalt  }
0x7b: {  	_ =	shalt  }
0x7c: {  	_ =	shalt  }
0x7d: {  	_ =	shalt  }
0x7e: {  	_ =	shalt  }
0x7f: {  	_ =	shalt  }
0x80: {  	_ =	shalt  }
0x81: {  	_ =	shalt  }
0x82: {  	_ =	shalt  }
0x83: {  	_ =	shalt  }
0x84: {  	_ =	shalt  }
0x85: {  	_ =	shalt  }
0x86: {  	_ =	shalt  }
0x87: {  	_ =	shalt  }
.Lfunc_end0:
.L_simem_size_0:
called_computation_lowered:
.L_overlay_start_0:
0x88: {  	s2 =	sld [smem:$0x3FD9]  }
0x89: {  	s3 =	sld [smem:$0x3FFE];
	_ =	sdelay $0x1  }
0x8a: {  	s1 =	srdreg.scid  }
0x8b: {  	s0 =	sand.u32 $0x1, s1  }
0x8c: {  	s17 =	sshll.u32 s0, $0xA;
	s2 =	sadd.s32 s3, s2  }
0x8d: {  	s2 =	sadd.s32 s2, s17  }
0x8e: {  	[smem:$0x3FA7] =	sst s2  }
0x8f: {  	_ = 	snop  }
0x90: {  	(tm) =	ssettm $0x1  }
0x91: {  	s18 =	sld [smem:$0x3FFB];
	_ =	sdelay $0x3  }
0x92: {  	_ =	strace s18  }
0x93: {  	s2 =	sld [smem:$0x3FFC];
	_ =	sdelay $0x3  }
0x94: {  	_ =	strace s2  }
0x95: {  	s2 =	sld [smem:$0x3FFD];
	_ =	sdelay $0x3  }
0x96: {  	_ =	strace s2  }
0x97: {  	_ =	strace $0x8FFFFFFF  }
0x98: {  	s19 =	sld [smem:$0x3FDB];
	_ =	sdelay $0x1  }
0x99: {  	s20 =	simm.s32 $_scs_section_size  }
0x9a: {  	s4 =	simm.s32 $_size__tile_overlayer_lowered;
	s5 =	simm.s32 $_tile_overlayer_lowered  }
0x9b: {  	s6 =	simm.s32 $0x1BFF;
	s21 =	sshll.u32 s5, $0x1;
	s3 =	sadd.s32 s20, s19  }
0x9c: {  	s22 =	simm.s32 $0x0;
	s4 =	sshll.u32 s4, $0x1;
	s5 =	sadd.s32 s21, s3  }
0x9d: {  	[timem:s22], [sflag:s6] =	dma.local [hbm:s5], s4  }
0x9e: {  	_ =	swait.ge [sflag:s6], s4  }
0x9f: {  	s4 =	ssub.s32 $0x0, s4;
	[sflag:s6] =	ssyncset.done $0x0  }
0xa0: {  	[sflag:s6] =	ssyncadd.s32 s4;
	_ =	sdelay $0x1  }
0xa1: {  	s23 =	simm.s32 $0x1B8B  }
0xa2: {  	_ =	swait.ge [sflag:s23], $0x1  }
0xa3: {  	[sflag:s23] =	ssyncset.done $0x0  }
0xa4: {  	[sflag:s23] =	ssyncadd.s32 $0xFFFFFFFF  }
0xa5: {  	s4 =	sld [smem:$0x0]  }
0xa6: {  	s5 =	sand.u32 $0xFFFFFFFE, s1  }
0xa7: {  	p0 =	sne.s32 s1, s5  }
0xa8: {  	s5 =	sshll.u32 @p0 s5, $0xE  }
0xa9: {  	s5 =	sadd.s32 @p0 $0x11B8D, s5;
	s6 =	sshll.u32 @p0 s4, $0x11  }
0xaa: {  	s5 =	sor.u32 @p0 s6, s5  }
0xab: {  	[sflag:s5] =	ssyncadd.remote.s32 @p0 $0x1;
	_ =	sdelay $0x1  }
0xac: {  	s5 =	simm.s32 @p0 $0x1B8D  }
0xad: {  	_ =	swait.eq @p0 [sflag:s5], $0x1  }
0xae: {  	[sflag:s5] =	ssyncadd.s32 @p0 $0xFFFFFFFF  }
0xaf: {  	s6 =	sshll.u32 @!p0 s1, $0xE  }
0xb0: {  	s6 =	sor.u32 @!p0 $0x4000, s6;
	s5 =	simm.s32 @!p0 $0x1B8D  }
0xb1: {  	s4 =	sshll.u32 @!p0 s4, $0x11;
	s6 =	sadd.s32 @!p0 $0x11B8D, s6;
	_ =	swait.eq @!p0 [sflag:s5], $0x1  }
0xb2: {  	s4 =	sor.u32 @!p0 s4, s6;
	[sflag:s5] =	ssyncadd.s32 @!p0 $0xFFFFFFFF  }
0xb3: {  	s25 =	simm.s32 $0x1B8E;
	s24 =	sld [smem:$0x3FFE];
	[sflag:s4] =	ssyncadd.remote.s32 @!p0 $0x1  }
0xb4: {  	s26 =	simm.s32 $execute0_lowered;
	[smem:$0x3FD2] =	sst s25  }
0xb5: {  	s5 =	sshll.u32 s26, $0x1;
	_ =	strace $0x8000004F;
	[dreg:$0x1] =	wrdreg $0xFFFFFFFF  }
0xb6: {  	s28 =	simm.s32 $_size_execute0_lowered;
	s3 =	sadd.s32 s3, s5;
	[dreg:$0x0] =	wrdreg $0x0  }
0xb7: {  	s5 =	sshll.u32 s28, $0x1;
	[dreg:$0x2] =	wrdreg s3  }
0xb8: {  	[dreg:$0x3] =	wrdreg s5  }
0xb9: {  	[dreg:$0x4] =	wrdreg $0xC0  }
0xba: {  	_ =	task [dreg:s22], $0x5FFFF  }
0xbb: {  	[dreg:$0x1] =	wrdreg $0xFFFFFFFF  }
0xbc: {  	[dreg:$0x0] =	wrdreg $0x60  }
0xbd: {  	[dreg:$0x2] =	wrdreg s24  }
0xbe: {  	[dreg:$0x3] =	wrdreg $0x9  }
0xbf: {  	_ =	task.clear_ibuf [dreg:s22], $0x4FFFF;
	_ =	strace $0x9000004F  }
0xc0: {  	s29 =	simm.s32 $0x9;
	_ =	strace $0x80000051  }
0xc1: {  	_ =	swait.ge [sflag:s29], $0x1  }
0xc2: {  	[sflag:s29] =	ssyncadd.s32 $0xFFFFFFFF  }
0xc3: {  	_ =	strace $0x90000051  }
0xc4: {  	_ =	sfence  }
0xc5: {  	s30 =	sld [smem:$0x0];
	_ =	sdelay $0x2  }
0xc6: {  	s31 =	sshll.u32 s1, $0xD;
	s1 =	sshrl.u32 s1, $0x2  }
0xc7: {  	s4 =	sand.u32 $0x4000, s31;
	s1 =	sadd.s32 s1, s30  }
0xc8: {  	s0 =	sor.u32 s4, s0;
	s1 =	sshll.u32 s1, $0x11  }
0xc9: {  	s0 =	sor.u32 s1, s0  }
0xca: {  	s0 =	sadd.s32 $0x8F2B, s0  }
0xcb: {  	[sflag:s0] =	ssyncadd.remote.s32 $0x1  }
0xcc: {  	_ =	sfence.sel $0xFFFF  }
0xcd: {  	[dreg:$0x0] =	wrdreg $0xFFFFFFFF;
	(pc) =	sbr.abs _section_cstart, $3  }
0xce: {  	[dreg:$0x1] =	wrdreg $0xFFFFFFFF  }
0xcf: {  	_ =	task.clear_ibuf [dreg:s22], $0x2FFFF;
	_ =	strace $0x9FFFFFFF  }
0xd0: {  	(tm) =	ssettm $0x7FFFFFFF  }
0xd1: {  	_ =	shalt  }
tec
execute0_lowered:
.L_overlay_start_1:
0x0: {  	(tag) =	ssettag $0x1  }
0x1: {  	s8 =	rddreg [dreg:$0x0]  }
0x2: {  	s0 =	rddreg [dreg:$0x1];
	_ =	strace $0x80000050;
	s1 =	stileid.u32  }
0x3: {  	s3 =	srdreg.scid;
	s4 =	simm.s32 $0x1;
	s7 =	simm.s32 $0x1  }
0x4: {  	s9 =	simm.s32 $0x1;
	s10 =	simm.s32 $0x3;
	s13 =	simm.s32 $0x0  }
0x5: {  	s12 =	simm.s32 $0x0;
	s5 =	sand.u32 $0x1, s3;
	s6 =	sshll.u32 s1, $0x1  }
0x6: {  	s2 =	sadd.s32 $0xB200, s8;
	s3 =	sadd.s32 $0x8000, s8;
	s5 =	sor.u32 s6, s5  }
.Ltmp0:
0x7: {  	[sflag:s4] =	ssyncpa.u1 $0x0;
	p0 =	slt.u32 s5, $0x19;
	(pc) =	sbr.rel .LBB2_1-.Ltmp0, $4  }
0x8: {  	s6 =	simm.s32 $0x2;
	s7 =	simm.s32 @!p0 $0x0;
	p0 =	sne.s32 s5, $0x18  }
0x9: {  	[sflag:s6] =	ssyncpa.u1 $0x0;
	s5 =	smul.u32 $0x700, s5;
	s9 =	simm.s32 @!p0 $0x0  }
0xa: {  	s8 =	sadd.s32 $0x34A00, s8;
	[sflag:s10] =	ssyncpa.u1 $0x0;
	s7 =	sadd.s32 s9, s7  }
0xb: {  	vm0 =	vmmov $0xffff;
	s10 =	simm.s32 $0x0;
	s11 =	smov.u32 s5;
	s9 =	sadd.s32 $0x1, s7  }
.LBB2_4:
0xc: {  	vm2 =	veq.s32 v2, $0x80000000;
	v4 =	vand.u32 $0x1, v4;
	v5 =	vor.u32 v6, v5  }
0xd: {  	v1 =	vand.u32 $0x1FFFF, v1;
	v7 =	vshrl.u32 v2, $0x11;
	v56 =	vand.u32 $0x1FFFF, v2  }
0xe: {  	v4 =	vsel vm1, $0xFFFFFFFF, v4;
	v3 =	vor.u32 v3, v5;
	v1 =	vsel vm1, $0xFFFFFFFF, v1  }
0xf: {  	vm1 =	vmmov vm2;
	v7 =	vand.u32 $0x1, v7;
	v54 =	vshrl.u32 v4, $0x1  }
0x10: {  	v4 =	vshll.u32 v4, $0x7;
	v55 =	vshll.u32 v1, $0x1;
	v57 =	vsel vm1, $0xFFFFFFFF, v7  }
0x11: {  	v2 =	vsel vm1, $0xFFFFFFFF, v56;
	v1 =	vand.u32 $0x7F, v1;
	v5 =	vmul.u32 $0x31000, v54  }
0x12: {  	v6 =	vand.u32 $0xFFFFFF00, v55;
	v4 =	vand.u32 $0x80, v4;
	v7 =	vshrl.u32 v57, $0x1  }
0x13: {  	v59 =	vshll.u32 v2, $0x1;
	v58 =	vmul.u32 $0x31000, v7;
	v5 =	vadd.s32 v6, v5  }
0x14: {  	v7 =	vand.u32 $0xFFFFFF00, v59;
	v6 =	vshll.u32 v57, $0x7;
	v4 =	vor.u32 v4, v5  }
0x15: {  	v60 =	vadd.s32 v7, v58;
	v61 =	vand.u32 $0x80, v6;
	v1 =	vor.u32 v1, v4  }
0x16: {  	[tilespmem:s16], [sflag:$0x1] =	stream.indirect_vreg.gather [hbm4b:s2+s10], $0x1, v0, vm0, $0x4038;
	v62 =	vand.u32 $0x7F, v2;
	v63 =	vor.u32 v61, v60;
	[tilespmem:$0x1C00] =	vst v63  }
0x17: {  	(ifvalue) =	ssetifvalue $0x7FFFFFFF;
	v0 =	vor.u32 v62, v63  }
0x18: {  	[tilespmem:s15], [sflag:$0x1] =	stream.indirect_vreg.gather [hbm4b:s2+s10], $0x1, v3, vm0, $0x4038;
	[tilespmem:$0x1C00] =	vst v63  }
0x19: {  	s29 =	sadd.s32 $0x10, s15;
	(ifvalue) =	ssetifvalue $0x7FFFFFFF  }
0x1a: {  	[tilespmem:s29], [sflag:$0x1] =	stream.indirect_vreg.gather [hbm4b:s2+s10], $0x1, v1, vm0, $0x4038;
	[tilespmem:$0x1C00] =	vst v63  }
0x1b: {  	s15 =	sadd.s32 $0x10, s29;
	(ifvalue) =	ssetifvalue $0x7FFFFFFF  }
0x1c: {  	[tilespmem:s15], [sflag:$0x1] =	stream.indirect_vreg.gather [hbm4b:s2+s10], $0x1, v0, vm0, $0x4038;
	[tilespmem:$0x1C00] =	vst v63  }
0x1d: {  	_ =	swait.ge [sflag:s4], $0x700  }
0x1e: {  	s30 =	sshrl.u32 s13, $0x3;
	[sflag:s4] =	ssyncset.done $0x0  }
0x1f: {  	s31 =	sand.u32 $0x7, s13;
	s15 =	sadd.s32 s8, s30;
	[sflag:s4] =	ssyncadd.s32 $0xFFFFF900  }
0x20: {  	[hbm4b:s15+s31] =	stream.linear.scatter [tilespmem:s14], [sflag:$0x3], $0x700, $0x38;
	[tilespmem:$0x1C00] =	vst v63  }
.LBB2_5:
0x21: {  	s15 =	sadd.s32 $0xE000, s11  }
0x22: {  	p1 =	sgt.s32 s15, $0x187FF  }
0x23: {  	s15 =	smov.u32 @p1 s5;
	p1 =	sne.s32 s12, s9  }
.Ltmp1:
0x24: {  	p0 =	slt.u32 s12, $0x2;
	(pc) =	sbr.rel @!p1 .LBB2_6-.Ltmp1, $4  }
0x25: {  	s14 =	simm.s32 @!p0 $0x3  }
0x26: {  	_ =	swait.ge @!p0 [sflag:s14], $0x700  }
0x27: {  	s16 =	sadd.s32 $0x1, s12;
	s13 =	smov.u32 s11;
	[sflag:s14] =	ssyncset.done @!p0 $0x0  }
0x28: {  	s12 =	smov.u32 s16;
	s11 =	smov.u32 s15;
	[sflag:s14] =	ssyncadd.s32 @!p0 $0xFFFFF900  }
.LBB2_1:
0x29: {  	p0 =	sge.u32 s12, s7  }
0x2a: {  	s14 =	sxor.u32 @!p0 $0x1, s12  }
0x2b: {  	s14 =	smul.u32 @!p0 $0x1C00, s14  }
0x2c: {  	s31 =	sadd.s32 $0xFFFFFFFF, s12;
	s15 =	sshrl.u32 @!p0 s11, $0x3  }
0x2d: {  	s16 =	sand.u32 @!p0 $0x7, s11;
	s15 =	sadd.s32 @!p0 s3, s15;
	s14 =	sshra.s32 @!p0 s14, $0x2  }
0x2e: {  	[tilespmem:s14], [sflag:$0x2] =	stream.linear.gather @!p0 [hbm4b:s15+s16], $0x700, $0x38;
	[tilespmem:$0x1C00] =	vst v63  }
0x2f: {  	p0 =	sge.u32 s31, s7  }
.Ltmp2:
0x30: {  	_ = 	snop;
	(pc) =	sbr.rel @p0 .LBB2_5-.Ltmp2, $1  }
0x31: {  	_ =	sdelay $0x3  }
0x32: {  	s14 =	sand.u32 $0x1, s12  }
0x33: {  	_ =	swait.ge [sflag:s6], $0x700;
	p0 =	seq.s32 s14, $0x1;
	s14 =	simm.s32 $0x700  }
0x34: {  	[sflag:s6] =	ssyncset.done $0x0;
	s14 =	simm.s32 @!p0 $0x0  }
0x35: {  	[sflag:s6] =	ssyncadd.s32 $0xFFFFF900;
	(ifvalue) =	ssetifvalue $0x7FFFFFFF;
	v0 =	vld.msk [tilespmem:s14+$0x0 ss:$0x1], $0xffff;
	_ =	sdelay $0x2  }
0x36: {  	s15 =	sadd.s32 $0x10, s14  }
0x37: {  	v2 =	vld.msk [tilespmem:s15+$0x0 ss:$0x1], $0xffff  }
0x38: {  	vm1 =	veq.s32 v0, $0x80000000;
	v1 =	vshrl.u32 v0, $0x11  }
0x39: {  	vm1 =	vmmov vm1;
	v3 =	vand.u32 $0x1, v1  }
0x3a: {  	v0 =	vand.u32 $0x1FFFF, v0;
	v3 =	vsel vm1, $0xFFFFFFFF, v3  }
0x3b: {  	s15 =	sadd.s32 $0x10, s15;
	v0 =	vsel vm1, $0xFFFFFFFF, v0;
	v4 =	vshrl.u32 v3, $0x1  }
0x3c: {  	v1 =	vld.msk [tilespmem:s15+$0x0 ss:$0x1], $0xffff;
	v6 =	vshrl.u32 v2, $0x11;
	v5 =	vshll.u32 v0, $0x1;
	v4 =	vmul.u32 $0x31000, v4  }
0x3d: {  	vm1 =	veq.s32 v2, $0x80000000;
	v3 =	vshll.u32 v3, $0x7;
	v5 =	vand.u32 $0xFFFFFF00, v5  }
0x3e: {  	v0 =	vand.u32 $0x7F, v0;
	v3 =	vand.u32 $0x80, v3;
	v4 =	vadd.s32 v5, v4  }
0x3f: {  	vm1 =	vmmov vm1;
	v5 =	vand.u32 $0x1, v6;
	v3 =	vor.u32 v3, v4  }
0x40: {  	v2 =	vand.u32 $0x1FFFF, v2;
	v4 =	vsel vm1, $0xFFFFFFFF, v5;
	v0 =	vor.u32 v0, v3  }
0x41: {  	s15 =	sadd.s32 $0x10, s15;
	vm2 =	veq.s32 v1, $0x80000000;
	v3 =	vsel vm1, $0xFFFFFFFF, v2;
	v2 =	vshrl.u32 v4, $0x1  }
0x42: {  	s14 =	sadd.s32 $0xE00, s14;
	v6 =	vshll.u32 v4, $0x7;
	v5 =	vmul.u32 $0x31000, v2;
	v4 =	vshll.u32 v3, $0x1;
	v2 =	vld.msk [tilespmem:s15+$0x0 ss:$0x1], $0xffff  }
0x43: {  	s17 =	simm.s32 $0x30;
	s16 =	smov.u32 s14;
	vm1 =	vmmov vm2;
	v3 =	vand.u32 $0x7F, v3;
	v7 =	vand.u32 $0xFFFFFF00, v4  }
0x44: {  	s18 =	sadd.s32 $0x10, s15;
	v6 =	vand.u32 $0x80, v6;
	(ifvalue) =	ssetifvalue $0x7FFFFFFF;
	s15 =	sadd.s32 $0x10, s14;
	v4 =	vshrl.u32 v1, $0x11;
	v5 =	vadd.s32 v7, v5  }
.LBB2_3:
0x45: {  	[tilespmem:s16], [sflag:$0x1] =	stream.indirect_vreg.gather [hbm4b:s2+s10], $0x1, v0, vm0, $0x4038;
	[tilespmem:$0x1C00] =	vst v63  }
0x46: {  	s17 =	sadd.s32 $0x10, s17  }
0x47: {  	vm2 =	veq.s32 v2, $0x80000000;
	v4 =	vand.u32 $0x1, v4;
	v5 =	vor.u32 v6, v5;
	v6 =	vmovc v2;
	v2 =	vld.msk [tilespmem:s18+$0x0 ss:$0x1], $0xffff;
	p0 =	slt.u32 s17, $0x6F0  }
.Ltmp3:
0x48: {  	v7 =	vand.u32 $0x1FFFF, v1;
	s16 =	smov.u32 s15;
	v4 =	vsel vm1, $0xFFFFFFFF, v4;
	v0 =	vor.u32 v3, v5;
	v1 =	vmovc v6;
	(pc) =	sbr.rel @p0 .LBB2_3-.Ltmp3, $4  }
0x49: {  	v5 =	vsel vm1, $0xFFFFFFFF, v7;
	v6 =	vshrl.u32 v4, $0x1;
	v7 =	vshll.u32 v4, $0x7  }
0x4a: {  	v3 =	vand.u32 $0x7F, v5;
	v4 =	vshll.u32 v5, $0x1;
	v6 =	vmul.u32 $0x31000, v6  }
0x4b: {  	vm1 =	vmmov vm2;
	v5 =	vand.u32 $0xFFFFFF00, v4  }
0x4c: {  	s18 =	sadd.s32 $0x10, s18;
	s15 =	sadd.s32 $0x10, s15;
	v4 =	vshrl.u32 v1, $0x11;
	v5 =	vadd.s32 v5, v6;
	v6 =	vand.u32 $0x80, v7;
	(ifvalue) =	ssetifvalue $0x7FFFFFFF  }
.Ltmp4:
0x4d: {  	_ = 	snop;
	(pc) =	sbr.rel .LBB2_4-.Ltmp4, $1  }
0x4e: {  	_ =	sdelay $0x3  }
.LBB2_6:
0x4f: {  	_ =	sfence.sel $0x180000  }
0x50: {  	s2 =	simm.s32 $0x2;
	[bflag:$0x0] =	sbarrier.arrive $0xFFFF  }
0x51: {  	s30 =	simm.s32 $0x3;
	[sflag:s2] =	ssyncpa.u1 $0x1  }
0x52: {  	s31 =	simm.s32 $0x1;
	[sflag:s30] =	ssyncpa.u1 $0x1  }
0x53: {  	[sflag:s31] =	ssyncpa.u1 $0x1  }
0x54: {  	p0 =	sne.s32 s1, $0x0;
	_ =	strace $0x90000050  }
0x55: {  	s0 =	sadd.s32 @!p0 $0x100000, s0;
	[bflag:$0x2] =	sbarrier.arrive $0xFFFF  }
0x56: {  	[sflag:s0] =	ssyncadd.tile.s32 @!p0 $0x1;
	_ =	shalt  }
.Lfunc_end2:
_tile_overlayer_lowered:
.L_overlay_start_2:
0x57: {  	(tag) =	ssettag $0x2  }
0x58: {  	s0 =	rddreg [dreg:$0x0];
	s2 =	stileid.u32  }
0x59: {  	s1 =	rddreg [dreg:$0x1];
	p0 =	sne.s32 s2, $0x0  }
0x5a: {  	s3 =	rddreg [dreg:$0x2];
	[bflag:$0x3] =	sbarrier.arrive $0xFFFF;
	s2 =	simm.s32 @!p0 $0x1C01  }
0x5b: {  	[timem:s3], [sflag:s2] =	dma.local @!p0 [hbm:s0], s1  }
0x5c: {  	s0 =	simm.s32 @!p0 $0x1  }
0x5d: {  	_ =	swait.ge @!p0 [sflag:s0], s1  }
0x5e: {  	s1 =	ssub.s32 @!p0 $0x0, s1;
	[sflag:s0] =	ssyncset.done @!p0 $0x0  }
0x5f: {  	[sflag:s0] =	ssyncadd.s32 @!p0 s1  }
0x60: {  	[bflag:$0x3] =	sbarrier.arrive $0xFFFF  }
0x61: {  	_ =	shalt  }

// kernel: kernel.5.cloned.1.call-start
scs
__scs_entry_jumppad:
0x0: {  	(pc) =	sbr.rel $0x88, $3  }
0x1: {  	(tag) =	ssettag $0x0;
	lr =	simm.s32 $0x1  }
0x2: {  	[smem:$0x3F80] =	sst lr;
	_ =	strace $0xD0000000  }
0x3: {  	_ = 	snop  }
0x4: {  	_ = 	snop  }
0x5: {  	_ = 	snop  }
0x6: {  	_ = 	snop  }
0x7: {  	_ = 	snop  }
__scs_overlays_trampoline_lowered:
0x8: {  	[smem:$0x3F8F] =	sst s0  }
0x9: {  	[smem:$0x3F90] =	sst s1  }
0xa: {  	[smem:$0x3F91] =	sst s2  }
0xb: {  	[smem:$0x3F92] =	sst s3  }
0xc: {  	[smem:$0x3F93] =	sst s4  }
0xd: {  	[smem:$0x3F94] =	sst s5  }
0xe: {  	[smem:$0x3F95] =	sst s6  }
0xf: {  	[smem:$0x3F96] =	sst s7  }
0x10: {  	[smem:$0x3F97] =	sst s8  }
0x11: {  	[smem:$0x3F98] =	sst s9;
	s0 =	simm.s32 @!p0 $0x0  }
0x12: {  	s1 =	sld [smem:$0x3F7E];
	s0 =	simm.s32 @p0 $0x1  }
0x13: {  	[smem:$0x3F99] =	sst s0;
	s0 =	simm.s32 @!p1 $0x0  }
0x14: {  	s2 =	sld [smem:$0x3F7D];
	s0 =	simm.s32 @p1 $0x1  }
0x15: {  	[smem:$0x3F9A] =	sst s0;
	s0 =	simm.s32 @!p2 $0x0  }
0x16: {  	s3 =	sld [smem:$0x3FDB];
	s0 =	simm.s32 @p2 $0x1  }
0x17: {  	s4 =	simm.s32 $0x1BF5;
	[smem:$0x3F9C] =	sst s0  }
0x18: {  	s0 =	sld [smem:$0x3F7F];
	_ =	swait.ge [sflag:s4], $0x0  }
0x19: {  	s7 =	sld [smem:$0x3F80]  }
0x1a: {  	s8 =	sadd.s32 $0xFFFFE003, lr  }
0x1b: {  	s9 =	sadd.s32 $0xFFFFFEF7, lr;
	s5 =	simm.s32 $0xFFFFFFFF;
	p2 =	slt.u32 s8, $0xFFFFF086  }
0x1c: {  	p1 =	slt.u32 s9, $0xF7A;
	s5 =	simm.s32 @!p2 $0x0  }
0x1d: {  	s5 =	simm.s32 @p1 $0x1;
	p0 =	seq.s32 s7, s2  }
0x1e: {  	s7 =	smul.u32 @!p0 $0xF7A, s2;
	p2 =	seq.s32 @!p0 s5, $0x0  }
0x1f: {  	s9 =	smul.u32 $0xF7A, s1;
	s8 =	simm.s32 @!p0 $0x1BF5;
	p2 =	por !p2, p0  }
0x20: {  	[sflag:s8] =	ssyncset.s32 @!p0 $0xFFFFF086;
	s6 =	sadd.s32 @!p0 s3, s7;
	s7 =	simm.s32 @!p0 $0x108  }
0x21: {  	s3 =	sadd.s32 s3, s9;
	s6 =	sadd.s32 @!p0 $0x88, s6;
	s7 =	simm.s32 @p2 $0x1082  }
0x22: {  	[simem:s7], [sflag:s8] =	dma.local @!p0 [hbm:s6], $0xF7A  }
0x23: {  	s9 =	sor.u32 $0xD0000000, s2;
	s6 =	simm.s32 $0x108;
	_ =	swait.ge @!p0 [sflag:s8], $0x0  }
0x24: {  	s3 =	sadd.s32 $0x88, s3;
	s6 =	simm.s32 @!p1 $0x1082;
	[sflag:s4] =	ssyncset.s32 $0xFFFFF086  }
0x25: {  	[simem:s6], [sflag:s4] =	dma.local [hbm:s3], $0xF7A  }
0x26: {  	[smem:$0x3F80] =	sst s1;
	(tag) =	ssettag s2;
	_ =	strace s9  }
0x27: {  	s1 =	sld [smem:$0x3F90]  }
0x28: {  	s2 =	sld [smem:$0x3F91]  }
0x29: {  	s4 =	sld [smem:$0x3F93]  }
0x2a: {  	p0 =	seq.s32 s5, $0x0;
	s5 =	sld [smem:$0x3F94]  }
0x2b: {  	s6 =	sld [smem:$0x3F95]  }
0x2c: {  	s7 =	sld [smem:$0x3F96]  }
0x2d: {  	s3 =	simm.s32 $0x108;
	s8 =	sld [smem:$0x3F97]  }
0x2e: {  	s3 =	simm.s32 @!p0 $0x1082;
	s9 =	sld [smem:$0x3F98]  }
0x2f: {  	lr =	sadd.s32 s0, s3;
	s0 =	sld [smem:$0x3F8F]  }
0x30: {  	s3 =	sld [smem:$0x3F92]  }
0x31: {  	[smem:$0x3F9B] =	sst s10  }
0x32: {  	s10 =	sld [smem:$0x3F99];
	_ =	sdelay $0x3  }
0x33: {  	p0 =	seq.s32 s10, $0x1;
	s10 =	sld [smem:$0x3F9B];
	_ =	sdelay $0x3  }
0x34: {  	[smem:$0x3F9B] =	sst s10  }
0x35: {  	s10 =	sld [smem:$0x3F9A];
	_ =	sdelay $0x3  }
0x36: {  	p1 =	seq.s32 s10, $0x1;
	s10 =	sld [smem:$0x3F9B];
	_ =	sdelay $0x3  }
0x37: {  	[smem:$0x3F9B] =	sst s10  }
0x38: {  	s10 =	sld [smem:$0x3F9C]  }
0x39: {  	_ = 	snop;
	(pc) =	sbr.ind lr, $3  }
0x3a: {  	_ = 	snop  }
0x3b: {  	_ = 	snop  }
0x3c: {  	p2 =	seq.s32 s10, $0x1;
	s10 =	sld [smem:$0x3F9B]  }
0x3d: {  	_ =	shalt  }
0x3e: {  	_ =	shalt  }
0x3f: {  	_ =	shalt  }
0x40: {  	_ =	shalt  }
0x41: {  	_ =	shalt  }
0x42: {  	_ =	shalt  }
0x43: {  	_ =	shalt  }
0x44: {  	_ =	shalt  }
0x45: {  	_ =	shalt  }
0x46: {  	_ =	shalt  }
0x47: {  	_ =	shalt  }
0x48: {  	_ =	shalt  }
0x49: {  	_ =	shalt  }
0x4a: {  	_ =	shalt  }
0x4b: {  	_ =	shalt  }
0x4c: {  	_ =	shalt  }
0x4d: {  	_ =	shalt  }
0x4e: {  	_ =	shalt  }
0x4f: {  	_ =	shalt  }
0x50: {  	_ =	shalt  }
0x51: {  	_ =	shalt  }
0x52: {  	_ =	shalt  }
0x53: {  	_ =	shalt  }
0x54: {  	_ =	shalt  }
0x55: {  	_ =	shalt  }
0x56: {  	_ =	shalt  }
0x57: {  	_ =	shalt  }
0x58: {  	_ =	shalt  }
0x59: {  	_ =	shalt  }
0x5a: {  	_ =	shalt  }
0x5b: {  	_ =	shalt  }
0x5c: {  	_ =	shalt  }
0x5d: {  	_ =	shalt  }
0x5e: {  	_ =	shalt  }
0x5f: {  	_ =	shalt  }
0x60: {  	_ =	shalt  }
0x61: {  	_ =	shalt  }
0x62: {  	_ =	shalt  }
0x63: {  	_ =	shalt  }
0x64: {  	_ =	shalt  }
0x65: {  	_ =	shalt  }
0x66: {  	_ =	shalt  }
0x67: {  	_ =	shalt  }
0x68: {  	_ =	shalt  }
0x69: {  	_ =	shalt  }
0x6a: {  	_ =	shalt  }
0x6b: {  	_ =	shalt  }
0x6c: {  	_ =	shalt  }
0x6d: {  	_ =	shalt  }
0x6e: {  	_ =	shalt  }
0x6f: {  	_ =	shalt  }
0x70: {  	_ =	shalt  }
0x71: {  	_ =	shalt  }
0x72: {  	_ =	shalt  }
0x73: {  	_ =	shalt  }
0x74: {  	_ =	shalt  }
0x75: {  	_ =	shalt  }
0x76: {  	_ =	shalt  }
0x77: {  	_ =	shalt  }
0x78: {  	_ =	shalt  }
0x79: {  	_ =	shalt  }
0x7a: {  	_ =	shalt  }
0x7b: {  	_ =	shalt  }
0x7c: {  	_ =	shalt  }
0x7d: {  	_ =	shalt  }
0x7e: {  	_ =	shalt  }
0x7f: {  	_ =	shalt  }
0x80: {  	_ =	shalt  }
0x81: {  	_ =	shalt  }
0x82: {  	_ =	shalt  }
0x83: {  	_ =	shalt  }
0x84: {  	_ =	shalt  }
0x85: {  	_ =	shalt  }
0x86: {  	_ =	shalt  }
0x87: {  	_ =	shalt  }
.Lfunc_end0:
.L_simem_size_0:
called_computation.4_lowered:
.L_overlay_start_0:
0x88: {  	s2 =	sld [smem:$0x3FD9]  }
0x89: {  	s3 =	sld [smem:$0x3FFE];
	_ =	sdelay $0x1  }
0x8a: {  	s1 =	srdreg.scid  }
0x8b: {  	s0 =	sand.u32 $0x1, s1  }
0x8c: {  	s14 =	sshll.u32 s0, $0xA;
	s2 =	sadd.s32 s3, s2  }
0x8d: {  	s2 =	sadd.s32 s2, s14  }
0x8e: {  	[smem:$0x3FA7] =	sst s2  }
0x8f: {  	_ = 	snop  }
0x90: {  	s2 =	sld [smem:$0x3FD0];
	_ =	sdelay $0x2  }
0x91: {  	s4 =	simm.s32 $0xB;
	s5 =	simm.s32 $0x10;
	s15 =	sld [smem:$0x3FBF]  }
0x92: {  	[smem:s5], [sflag:s4] =	dma.local [hbm:s2], $0x1  }
0x93: {  	_ =	swait.eq [sflag:s4], $0x1  }
0x94: {  	[sflag:s4] =	ssyncset.done $0x0  }
0x95: {  	[sflag:s4] =	ssyncadd.s32 $0xFFFFFFFF  }
0x96: {  	s16 =	sld [smem:$0x11];
	(tm) =	ssettm $0x1  }
0x97: {  	s17 =	sld [smem:$0x3FFB];
	_ =	sdelay $0x3  }
0x98: {  	_ =	strace s17  }
0x99: {  	s4 =	sld [smem:$0x3FFC];
	_ =	sdelay $0x3  }
0x9a: {  	_ =	strace s4  }
0x9b: {  	s4 =	sld [smem:$0x3FFD];
	_ =	sdelay $0x3  }
0x9c: {  	_ =	strace s4  }
0x9d: {  	_ =	strace $0x8FFFFFFF  }
0x9e: {  	s18 =	sld [smem:$0x3FDB];
	_ =	sdelay $0x1  }
0x9f: {  	s19 =	simm.s32 $_scs_section_size  }
0xa0: {  	s6 =	simm.s32 $_size__tile_overlayer_lowered;
	s7 =	simm.s32 $_tile_overlayer_lowered  }
0xa1: {  	s22 =	simm.s32 $0x1BFF;
	s21 =	sshll.u32 s7, $0x1;
	s4 =	sadd.s32 s19, s18  }
0xa2: {  	s8 =	simm.s32 $0x0;
	s20 =	sshll.u32 s6, $0x1;
	s6 =	sadd.s32 s21, s4  }
0xa3: {  	[timem:s8], [sflag:s22] =	dma.local [hbm:s6], s20  }
0xa4: {  	_ =	swait.ge [sflag:s22], s20  }
0xa5: {  	s5 =	ssub.s32 $0x0, s20;
	[sflag:s22] =	ssyncset.done $0x0  }
0xa6: {  	[sflag:s22] =	ssyncadd.s32 s5;
	_ =	sdelay $0x1  }
0xa7: {  	s23 =	simm.s32 $0x1B8B  }
0xa8: {  	_ =	swait.ge [sflag:s23], $0x1  }
0xa9: {  	[sflag:s23] =	ssyncset.done $0x0  }
0xaa: {  	s25 =	simm.s32 $0x1B8E;
	s24 =	sld [smem:$0x3FFE];
	[sflag:s23] =	ssyncadd.s32 $0xFFFFFFFF  }
0xab: {  	s26 =	simm.s32 $execute0_lowered;
	[smem:$0x3FD2] =	sst s25  }
0xac: {  	s6 =	sshll.u32 s26, $0x1;
	_ =	strace $0x80000052;
	[dreg:$0x1] =	wrdreg $0xFFFFFFFF  }
0xad: {  	s28 =	simm.s32 $_size_execute0_lowered;
	s4 =	sadd.s32 s4, s6;
	[dreg:$0x0] =	wrdreg $0x0  }
0xae: {  	s6 =	sshll.u32 s28, $0x1;
	[dreg:$0x2] =	wrdreg s4  }
0xaf: {  	[dreg:$0x3] =	wrdreg s6  }
0xb0: {  	[dreg:$0x4] =	wrdreg $0xC0  }
0xb1: {  	_ =	task [dreg:s8], $0x5FFFF  }
0xb2: {  	[dreg:$0x1] =	wrdreg $0xFFFFFFFF  }
0xb3: {  	[dreg:$0x0] =	wrdreg $0x60  }
0xb4: {  	[dreg:$0x2] =	wrdreg s15  }
0xb5: {  	[dreg:$0x3] =	wrdreg s24  }
0xb6: {  	[dreg:$0x4] =	wrdreg s16  }
0xb7: {  	[dreg:$0x5] =	wrdreg $0x9  }
0xb8: {  	_ =	task.clear_ibuf [dreg:s8], $0x6FFFF;
	_ =	strace $0x90000052  }
0xb9: {  	s29 =	simm.s32 $0x9;
	_ =	strace $0x80000054  }
0xba: {  	_ =	swait.ge [sflag:s29], $0x1  }
0xbb: {  	[sflag:s29] =	ssyncadd.s32 $0xFFFFFFFF  }
0xbc: {  	_ =	strace $0x90000054  }
0xbd: {  	_ =	sfence  }
0xbe: {  	s30 =	sld [smem:$0x0];
	_ =	sdelay $0x2  }
0xbf: {  	s31 =	sshll.u32 s1, $0xD;
	s1 =	sshrl.u32 s1, $0x2  }
0xc0: {  	s3 =	sand.u32 $0x4000, s31;
	s1 =	sadd.s32 s1, s30  }
0xc1: {  	s0 =	sor.u32 s3, s0;
	s1 =	sshll.u32 s1, $0x11  }
0xc2: {  	s0 =	sor.u32 s1, s0  }
0xc3: {  	s0 =	sadd.s32 $0x8F2B, s0  }
0xc4: {  	[sflag:s0] =	ssyncadd.remote.s32 $0x1  }
0xc5: {  	_ =	sfence.sel $0xFFFF  }
0xc6: {  	[dreg:$0x0] =	wrdreg $0xFFFFFFFF;
	(pc) =	sbr.abs _section_cstart, $3  }
0xc7: {  	[dreg:$0x1] =	wrdreg $0xFFFFFFFF  }
0xc8: {  	_ =	task.clear_ibuf [dreg:s8], $0x2FFFF;
	_ =	strace $0x9FFFFFFF  }
0xc9: {  	(tm) =	ssettm $0x7FFFFFFF  }
tec
execute0_lowered:
.L_overlay_start_1:
0x0: {  	(tag) =	ssettag $0x1  }
0x1: {  	s2 =	srdreg.scid  }
0x2: {  	s1 =	rddreg [dreg:$0x0];
	s0 =	stileid.u32;
	s6 =	sand.u32 $0x1, s2  }
0x3: {  	s4 =	rddreg [dreg:$0x1];
	s30 =	sshll.u32 s0, $0x8;
	s3 =	sshll.u32 s6, $0x7  }
0x4: {  	s8 =	rddreg [dreg:$0x2];
	s9 =	sor.u32 s3, s30  }
0x5: {  	s2 =	rddreg [dreg:$0x3];
	s3 =	simm.s32 $0x0;
	s5 =	sshrl.u32 s9, $0x3  }
0x6: {  	s10 =	ssub.s32 $0x2, s6;
	[smem:$0x7FF] =	sst s3;
	s4 =	sadd.s32 s5, s4  }
0x7: {  	_ =	strace $0x80000053;
	s5 =	sadd.s32 $0x4600, s4;
	s4 =	simm.s32 $0x2  }
0x8: {  	[tilespmem:s3], [sflag:$0x2] =	stream.linear.gather [hbm4b:s5+s3], $0x80, $0x38;
	[tilespmem:$0x4080] =	vst v63  }
0x9: {  	s11 =	sshrl.u32 s10, $0x1;
	_ =	swait.ge [sflag:s4], $0x80  }
0xa: {  	s7 =	simm.s32 $0x1;
	s10 =	ssub.s32 s10, s11;
	[sflag:s4] =	ssyncset.done $0x0  }
0xb: {  	s6 =	simm.s32 $0x80;
	s31 =	smax.u32 s10, $0x1;
	[sflag:s4] =	ssyncadd.s32 $0xFFFFFF80  }
0xc: {  	[tilespmem:s6], [sflag:$0x1] =	stream.indirect.gather [hbm4b:s1+s6], $0x80, s3, s6, $0xb8;
	[tilespmem:$0x4080] =	vst v63  }
0xd: {  	p0 =	sne.s32 s31, $0x1;
	_ =	swait.ge [sflag:s7], $0x4000  }
.Ltmp0:
0xe: {  	s9 =	sshll.u32 s9, $0x4;
	[sflag:s7] =	ssyncset.done $0x0;
	(pc) =	sbr.rel @!p0 .LBB2_2-.Ltmp0, $4  }
0xf: {  	s8 =	sadd.s32 s8, s9;
	[sflag:s7] =	ssyncadd.s32 $0xFFFFC000  }
0x10: {  	[hbm4b:s8+s3] =	stream.linear.scatter [tilespmem:s6], [sflag:$0x2], $0x4000, $0x38;
	[tilespmem:$0x4080] =	vst v63  }
0x11: {  	_ =	swait.ge [sflag:s4], $0x4000  }
0x12: {  	s9 =	sadd.s32 $0xFFFFFFFF, s31;
	[sflag:s4] =	ssyncset.done $0x0  }
.LBB2_1:
0x13: {  	p0 =	sne.s32 s9, $0x1;
	s9 =	sadd.s32 $0xFFFFFFFF, s9;
	[sflag:s4] =	ssyncadd.s32 $0xFFFFC000  }
0x14: {  	[tilespmem:s3], [sflag:$0x2] =	stream.linear.gather [hbm4b:s5+s3], $0x80, $0x38;
	[tilespmem:$0x4080] =	vst v63  }
0x15: {  	_ =	swait.ge [sflag:s4], $0x80  }
0x16: {  	[sflag:s4] =	ssyncset.done $0x0  }
0x17: {  	[sflag:s4] =	ssyncadd.s32 $0xFFFFFF80  }
0x18: {  	[tilespmem:s6], [sflag:$0x1] =	stream.indirect.gather [hbm4b:s1+s6], $0x80, s3, s6, $0xb8;
	[tilespmem:$0x4080] =	vst v63  }
0x19: {  	_ =	swait.ge [sflag:s7], $0x4000  }
.Ltmp1:
0x1a: {  	[sflag:s7] =	ssyncset.done $0x0;
	(pc) =	sbr.rel @p0 .LBB2_1-.Ltmp1, $4  }
0x1b: {  	[sflag:s7] =	ssyncadd.s32 $0xFFFFC000  }
0x1c: {  	[hbm4b:s8+s3] =	stream.linear.scatter [tilespmem:s6], [sflag:$0x2], $0x4000, $0x38;
	[tilespmem:$0x4080] =	vst v63  }
0x1d: {  	_ =	swait.ge [sflag:s4], $0x4000  }
0x1e: {  	[sflag:s4] =	ssyncset.done $0x0  }
.LBB2_2:
0x1f: {  	[sflag:s4] =	ssyncadd.s32 $0xFFFFC000  }
0x20: {  	_ =	sfence.sel $0x180000  }
0x21: {  	[bflag:$0x0] =	sbarrier.arrive $0xFFFF  }
0x22: {  	p0 =	sne.s32 s0, $0x0;
	_ =	strace $0x90000053  }
0x23: {  	s0 =	sadd.s32 @!p0 $0x100000, s2;
	[bflag:$0x2] =	sbarrier.arrive $0xFFFF  }
0x24: {  	[sflag:s0] =	ssyncadd.tile.s32 @!p0 $0x1;
	_ =	shalt  }
.Lfunc_end2:
_tile_overlayer_lowered:
.L_overlay_start_2:
0x25: {  	(tag) =	ssettag $0x2  }
0x26: {  	s0 =	rddreg [dreg:$0x0];
	s2 =	stileid.u32  }
0x27: {  	s1 =	rddreg [dreg:$0x1];
	p0 =	sne.s32 s2, $0x0  }
0x28: {  	s3 =	rddreg [dreg:$0x2];
	[bflag:$0x3] =	sbarrier.arrive $0xFFFF;
	s2 =	simm.s32 @!p0 $0x1C02  }
0x29: {  	[timem:s3], [sflag:s2] =	dma.local @!p0 [hbm:s0], s1  }
0x2a: {  	s0 =	simm.s32 @!p0 $0x2  }
0x2b: {  	_ =	swait.ge @!p0 [sflag:s0], s1  }
0x2c: {  	s1 =	ssub.s32 @!p0 $0x0, s1;
	[sflag:s0] =	ssyncset.done @!p0 $0x0  }
0x2d: {  	[sflag:s0] =	ssyncadd.s32 @!p0 s1  }
0x2e: {  	[bflag:$0x3] =	sbarrier.arrive $0xFFFF  }
0x2f: {  	_ =	shalt  }

</sc_bundles>
